<compile_context>
chip_gen: v7x
topology: tpu7x:2x2x1
jax: 0.10.2.dev20260603
libtpu: 0.0.44.dev20260713+nightly
codegen_flags: <defaults>
</compile_context>

<pallas_src>
import functools

import jax
import jax.numpy as jnp
from jax import lax
from jax.experimental import pallas as pl
from jax.experimental.pallas import tpu as pltpu
from jax.experimental.pallas import tpu_sc as plsc

NUM_CLASSES = 100000
FEAT_DIM = 512
BATCH = 16384

NC = 2
NS = 16
LANES = 16
NW = NC * NS
BPW = BATCH // NW
ROW_CHUNK = 32
NCHUNK = BPW // ROW_CHUNK
NBUF = 2
NVEC = FEAT_DIM // LANES
OUT_ROWS = BATCH // 8


def _sc_partials(x, labels_i32, centers):
  mesh = plsc.VectorSubcoreMesh(
      core_axis_name="c", subcore_axis_name="s", num_cores=NC,
      num_subcores=NS)

  out_t = jax.ShapeDtypeStruct((OUT_ROWS, 128), jnp.float32)

  @functools.partial(
      pl.kernel,
      out_type=[out_t, out_t, out_t],
      mesh=mesh,
      compiler_params=pltpu.CompilerParams(use_tc_tiling_on_sc=True),
      scratch_types=[
          pltpu.VMEM((BPW,), jnp.int32),
          pltpu.VMEM((NBUF, ROW_CHUNK, FEAT_DIM), jnp.float32),
          pltpu.VMEM((NBUF, ROW_CHUNK, FEAT_DIM), jnp.float32),
          pltpu.VMEM((BPW // 8, 128), jnp.float32),
          pltpu.VMEM((BPW // 8, 128), jnp.float32),
          pltpu.VMEM((BPW // 8, 128), jnp.float32),
          pltpu.SemaphoreType.DMA,
          pltpu.SemaphoreType.DMA,
          pltpu.SemaphoreType.DMA,
          pltpu.SemaphoreType.DMA,
          pltpu.SemaphoreType.DMA,
          pltpu.SemaphoreType.DMA,
      ],
  )
  def sc_kernel(x_hbm, lab_hbm, cen_hbm, outd, outc, outx,
                idx_v, x_bufs, c_bufs, ad_v, ac_v, ax_v, *sems):
    semx = sems[:NBUF]
    semc = sems[NBUF:]
    wid = lax.axis_index("s") * NC + lax.axis_index("c")
    base = pl.multiple_of(wid * BPW, BPW)
    pltpu.sync_copy(lab_hbm.at[pl.ds(base, BPW)], idx_v)

    def start(k, b):
      off = pl.multiple_of(base + k * ROW_CHUNK, ROW_CHUNK)
      pltpu.async_copy(
          x_hbm.at[pl.ds(off, ROW_CHUNK)], x_bufs.at[b], semx[b])
      ioff = pl.multiple_of(k * ROW_CHUNK, ROW_CHUNK)
      pltpu.async_copy(
          cen_hbm.at[idx_v.at[pl.ds(ioff, ROW_CHUNK)]],
          c_bufs.at[b], semc[b])

    def wait(b):
      pltpu.make_async_copy(
          x_hbm.at[pl.ds(0, ROW_CHUNK)], x_bufs.at[b], semx[b]).wait()
      pltpu.make_async_copy(
          cen_hbm.at[pl.ds(0, ROW_CHUNK)], c_bufs.at[b], semc[b]).wait()

    for b in range(NBUF):
      start(b, b)

    def outer(g, _):
      for b in range(NBUF):
        k = g * NBUF + b
        wait(b)
        x_v = x_bufs.at[b]
        c_v = c_bufs.at[b]

        @plsc.parallel_loop(0, ROW_CHUNK, unroll=8)
        def row_body(r):
          zero = jnp.zeros((LANES,), jnp.float32)
          pd = [zero, zero]
          pc = [zero, zero]
          px = [zero, zero]
          for v in range(NVEC):
            xv = x_v[r, pl.ds(v * LANES, LANES)]
            cv = c_v[r, pl.ds(v * LANES, LANES)]
            j = v % 2
            pd[j] = pd[j] + xv * cv
            pc[j] = pc[j] + cv * cv
            px[j] = px[j] + xv * xv
          q = k * (ROW_CHUNK // 8) + r // 8
          s = (r % 8) * LANES
          ad_v[q, pl.ds(s, LANES)] = pd[0] + pd[1]
          ac_v[q, pl.ds(s, LANES)] = pc[0] + pc[1]
          ax_v[q, pl.ds(s, LANES)] = px[0] + px[1]

        start(jnp.minimum(k + NBUF, NCHUNK - 1), b)
      return 0

    lax.fori_loop(0, NCHUNK // NBUF, outer, 0, unroll=False)
    for b in range(NBUF):
      wait(b)

    orow = pl.multiple_of(base // 8, 8)
    pltpu.sync_copy(ad_v, outd.at[pl.ds(orow, BPW // 8)])
    pltpu.sync_copy(ac_v, outc.at[pl.ds(orow, BPW // 8)])
    pltpu.sync_copy(ax_v, outx.at[pl.ds(orow, BPW // 8)])

  return sc_kernel(x, labels_i32, centers)


def _tc_finish(dp, cp, xp, sel):

  def body(d_ref, c_ref, x_ref, sel_ref, o_ref):
    sel_m = sel_ref[...]
    dot = lax.dot_general(d_ref[...], sel_m, (((1,), (0,)), ((), ())),
                          preferred_element_type=jnp.float32)
    c2 = lax.dot_general(c_ref[...], sel_m, (((1,), (0,)), ((), ())),
                         preferred_element_type=jnp.float32)
    x2 = lax.dot_general(x_ref[...], sel_m, (((1,), (0,)), ((), ())),
                         preferred_element_type=jnp.float32)
    cos = dot / jnp.maximum(jnp.sqrt(x2) * jnp.sqrt(c2), 1e-8)
    dist = jnp.exp(-3.5 * (cos - 1.0))
    o_ref[0, 0] = jnp.sum(dist) * (1.0 / BATCH)

  out = pl.pallas_call(
      body,
      in_specs=[pl.BlockSpec((OUT_ROWS, 128), lambda: (0, 0))] * 3
      + [pl.BlockSpec((128, 8), lambda: (0, 0))],
      out_specs=pl.BlockSpec(memory_space=pltpu.SMEM),
      out_shape=jax.ShapeDtypeStruct((1, 1), jnp.float32),
  )(dp, cp, xp, sel)
  return out[0, 0]


@jax.jit
def kernel(x, labels, centers):
  labels_i32 = labels.astype(jnp.int32)
  dp, cp, xp = _sc_partials(x, labels_i32, centers)
  sel = (jnp.arange(128, dtype=jnp.int32)[:, None] // LANES
         == jnp.arange(8, dtype=jnp.int32)[None, :]).astype(jnp.float32)
  return _tc_finish(dp, cp, xp, sel)

# --- scband reference (transcript-rebuilt; emitter-appended) ---
"""Pipeline reference for scband-center-cos-loss-29575144800920 (READ-ONLY COPY).

The authoritative reference and input builder live on the scoring server;
editing this copy changes nothing except your own understanding.
"""

import jax, jax.numpy as jnp
import numpy as np

NUM_CLASSES = 100000
FEAT_DIM = 512
BATCH = 16384


def setup_inputs(seed: int = 0) -> dict:
    key = jax.random.key(seed)
    k1, k2, k3 = jax.random.split(key, 3)
    x = jax.random.normal(k1, (BATCH, FEAT_DIM), dtype=jnp.float32)
    labels = jax.random.randint(k2, (BATCH,), 0, NUM_CLASSES, dtype=jnp.int64)
    # learned parameter: class centers [num_classes, feat_dim]
    centers = jax.random.normal(k3, (NUM_CLASSES, FEAT_DIM), dtype=jnp.float32)
    return {"x": x, "labels": labels, "centers": centers}


def reference(x, labels, centers):
    # alpha == 0.0 -> the center renormalization branch is skipped (falsy in torch)
    batch_size = x.shape[0]
    # centers.index_select(0, labels) -> gather
    classes = jnp.take(centers, labels, axis=0)
    # torch.cosine_similarity(x, classes, dim=1, eps=1e-8)
    dot = jnp.sum(x * classes, axis=1)
    nx = jnp.sqrt(jnp.sum(x * x, axis=1))
    nc = jnp.sqrt(jnp.sum(classes * classes, axis=1))
    all_cos = dot / jnp.maximum(nx * nc, 1e-8)
    dist = jnp.exp(-3.5 * (all_cos - 1.0))
    loss = jnp.sum(dist) / batch_size
    return loss

if __name__ == "__main__":
    import jax
    _d = setup_inputs()
    print(jax.jit(kernel)(*tuple(_d.values())))

</pallas_src>

<mosaic_0001>
#map = affine_map<(d0, d1) -> (0, 0)>
#map1 = affine_map<(d0, d1) -> (0)>
module attributes {stable_mosaic.version = 14 : i64} {
  func.func @sc_kernel(%arg0: i32, %arg1: i32, %arg2: memref<16384x512xf32, #tpu.memory_space<hbm>>, %arg3: memref<16384xi32, #tpu.memory_space<hbm>>, %arg4: memref<100000x512xf32, #tpu.memory_space<hbm>>, %arg5: memref<2048x128xf32, #tpu.memory_space<hbm>>, %arg6: memref<2048x128xf32, #tpu.memory_space<hbm>>, %arg7: memref<2048x128xf32, #tpu.memory_space<hbm>>, %arg8: memref<512xi32, #tpu.memory_space<vmem>>, %arg9: memref<2x32x512xf32, #tpu.memory_space<vmem>>, %arg10: memref<2x32x512xf32, #tpu.memory_space<vmem>>, %arg11: memref<64x128xf32, #tpu.memory_space<vmem>>, %arg12: memref<64x128xf32, #tpu.memory_space<vmem>>, %arg13: memref<64x128xf32, #tpu.memory_space<vmem>>, %arg14: memref<!tpu.dma_semaphore, #tpu.memory_space<semaphore_mem>>, %arg15: memref<!tpu.dma_semaphore, #tpu.memory_space<semaphore_mem>>, %arg16: memref<!tpu.dma_semaphore, #tpu.memory_space<semaphore_mem>>, %arg17: memref<!tpu.dma_semaphore, #tpu.memory_space<semaphore_mem>>, %arg18: memref<!tpu.dma_semaphore, #tpu.memory_space<semaphore_mem>>, %arg19: memref<!tpu.dma_semaphore, #tpu.memory_space<semaphore_mem>>) attributes {dimension_semantics = [#tpu.dimension_semantics<core_parallel>, #tpu.dimension_semantics<subcore_parallel>], iteration_bounds = array<i64: 2, 16>, scalar_prefetch = 0 : i64, scratch_operands = 12 : i64, tpu.core_type = #tpu.core_type<sc_vector_subcore>, window_params = [{transform_indices = #map}, {transform_indices = #map1}, {transform_indices = #map}, {transform_indices = #map}, {transform_indices = #map}, {transform_indices = #map}]} {
    %mul3A = arith.constant 2 : i32
    %mul3A_0 = arith.muli %arg1, %mul3A : i32
    %add3A = arith.addi %mul3A_0, %arg0 : i32
    %mul3A_1 = arith.constant 512 : i32
    %mul3A_2 = arith.muli %add3A, %mul3A_1 : i32
    %multiple_of3A = tpu.assume_multiple %mul3A_2, 512 : i32
    "tpu.region"() ({
      %run_scoped3A = tpu.sem_alloc : memref<!tpu.dma_semaphore, #tpu.memory_space<semaphore_mem>>
      %dma_start3A_138 = tpu.memref_slice %arg3[%multiple_of3A] : memref<16384xi32, #tpu.memory_space<hbm>> -> memref<512xi32, #tpu.memory_space<hbm>>
      %dma_start3A_139 = tpu.memref_slice %arg3[%multiple_of3A] : memref<16384xi32, #tpu.memory_space<hbm>> -> memref<512xi32, #tpu.memory_space<hbm>>
      tpu.enqueue_dma source(%dma_start3A_139 : memref<512xi32, #tpu.memory_space<hbm>>) target(%arg8 : memref<512xi32, #tpu.memory_space<vmem>>) target_semaphore(%run_scoped3A : memref<!tpu.dma_semaphore, #tpu.memory_space<semaphore_mem>>)
      %dma_wait3A_140 = tpu.memref_slice %arg3[%multiple_of3A] : memref<16384xi32, #tpu.memory_space<hbm>> -> memref<512xi32, #tpu.memory_space<hbm>>
      %dma_wait3A_141 = tpu.memref_slice %arg3[%multiple_of3A] : memref<16384xi32, #tpu.memory_space<hbm>> -> memref<512xi32, #tpu.memory_space<hbm>>
      tpu.wait_dma2 semaphore(%run_scoped3A : memref<!tpu.dma_semaphore, #tpu.memory_space<semaphore_mem>>) src(%dma_wait3A_141 : memref<512xi32, #tpu.memory_space<hbm>>) dst(%arg8 : memref<512xi32, #tpu.memory_space<vmem>>)
      tpu.yield
    }) : () -> ()
    %add3A_3 = arith.constant 0 : i32
    %add3A_4 = arith.addi %multiple_of3A, %add3A_3 : i32
    %multiple_of3A_5 = tpu.assume_multiple %add3A_4, 32 : i32
    %dma_start3A = arith.constant 0 : i32
    %dma_start3A_6 = arith.constant 0 : i32
    %dma_start3A_7 = arith.constant 0 : i32
    %dma_start3A_8 = tpu.memref_slice %arg9[%dma_start3A, %dma_start3A_6, %dma_start3A_7] : memref<2x32x512xf32, #tpu.memory_space<vmem>> -> memref<1x32x512xf32, #tpu.memory_space<vmem>>
    %dma_start3A_9 = tpu.memref_squeeze %dma_start3A_8 : memref<1x32x512xf32, #tpu.memory_space<vmem>> -> memref<32x512xf32, #tpu.memory_space<vmem>>
    %dma_start3A_10 = arith.constant 0 : i32
    %dma_start3A_11 = tpu.memref_slice %arg2[%multiple_of3A_5, %dma_start3A_10] : memref<16384x512xf32, #tpu.memory_space<hbm>> -> memref<32x512xf32, #tpu.memory_space<hbm>>
    %dma_start3A_12 = arith.constant 0 : i32
    %dma_start3A_13 = arith.constant 0 : i32
    %dma_start3A_14 = tpu.memref_slice %arg9[%dma_start3A, %dma_start3A_12, %dma_start3A_13] : memref<2x32x512xf32, #tpu.memory_space<vmem>> -> memref<1x32x512xf32, #tpu.memory_space<vmem>>
    %dma_start3A_15 = tpu.memref_squeeze %dma_start3A_14 : memref<1x32x512xf32, #tpu.memory_space<vmem>> -> memref<32x512xf32, #tpu.memory_space<vmem>>
    %dma_start3A_16 = arith.constant 0 : i32
    %dma_start3A_17 = tpu.memref_slice %arg2[%multiple_of3A_5, %dma_start3A_16] : memref<16384x512xf32, #tpu.memory_space<hbm>> -> memref<32x512xf32, #tpu.memory_space<hbm>>
    tpu.enqueue_dma source(%dma_start3A_17 : memref<32x512xf32, #tpu.memory_space<hbm>>) target(%dma_start3A_15 : memref<32x512xf32, #tpu.memory_space<vmem>>) target_semaphore(%arg14 : memref<!tpu.dma_semaphore, #tpu.memory_space<semaphore_mem>>)
    %multiple_of3A_18 = arith.constant 0 : i32
    %multiple_of3A_19 = tpu.assume_multiple %multiple_of3A_18, 32 : i32
    %dma_start3A_20 = arith.constant 0 : i32
    %dma_start3A_21 = arith.constant 0 : i32
    %dma_start3A_22 = arith.constant 0 : i32
    %dma_start3A_23 = tpu.memref_slice %arg10[%dma_start3A_20, %dma_start3A_21, %dma_start3A_22] : memref<2x32x512xf32, #tpu.memory_space<vmem>> -> memref<1x32x512xf32, #tpu.memory_space<vmem>>
    %dma_start3A_24 = tpu.memref_squeeze %dma_start3A_23 : memref<1x32x512xf32, #tpu.memory_space<vmem>> -> memref<32x512xf32, #tpu.memory_space<vmem>>
    %dma_start3A_25 = tpu.memref_slice %arg8[%multiple_of3A_19] : memref<512xi32, #tpu.memory_space<vmem>> -> memref<32xi32, #tpu.memory_space<vmem>>
    %dma_start3A_26 = arith.constant 0 : i32
    %dma_start3A_27 = arith.constant 0 : i32
    %dma_start3A_28 = tpu.memref_slice %arg4[%dma_start3A_26, %dma_start3A_27] : memref<100000x512xf32, #tpu.memory_space<hbm>> -> memref<100000x512xf32, #tpu.memory_space<hbm>>
    tpu.enqueue_indirect_dma source(%dma_start3A_28 : memref<100000x512xf32, #tpu.memory_space<hbm>>) target(%dma_start3A_24 : memref<32x512xf32, #tpu.memory_space<vmem>>) offsets(%dma_start3A_25 : memref<32xi32, #tpu.memory_space<vmem>>) semaphore(%arg16 : memref<!tpu.dma_semaphore, #tpu.memory_space<semaphore_mem>>)
    %add3A_29 = arith.constant 32 : i32
    %add3A_30 = arith.addi %multiple_of3A, %add3A_29 : i32
    %multiple_of3A_31 = tpu.assume_multiple %add3A_30, 32 : i32
    %dma_start3A_32 = arith.constant 1 : i32
    %dma_start3A_33 = arith.constant 0 : i32
    %dma_start3A_34 = arith.constant 0 : i32
    %dma_start3A_35 = tpu.memref_slice %arg9[%dma_start3A_32, %dma_start3A_33, %dma_start3A_34] : memref<2x32x512xf32, #tpu.memory_space<vmem>> -> memref<1x32x512xf32, #tpu.memory_space<vmem>>
    %dma_start3A_36 = tpu.memref_squeeze %dma_start3A_35 : memref<1x32x512xf32, #tpu.memory_space<vmem>> -> memref<32x512xf32, #tpu.memory_space<vmem>>
    %dma_start3A_37 = arith.constant 0 : i32
    %dma_start3A_38 = tpu.memref_slice %arg2[%multiple_of3A_31, %dma_start3A_37] : memref<16384x512xf32, #tpu.memory_space<hbm>> -> memref<32x512xf32, #tpu.memory_space<hbm>>
    %dma_start3A_39 = arith.constant 0 : i32
    %dma_start3A_40 = arith.constant 0 : i32
    %dma_start3A_41 = tpu.memref_slice %arg9[%dma_start3A_32, %dma_start3A_39, %dma_start3A_40] : memref<2x32x512xf32, #tpu.memory_space<vmem>> -> memref<1x32x512xf32, #tpu.memory_space<vmem>>
    %dma_start3A_42 = tpu.memref_squeeze %dma_start3A_41 : memref<1x32x512xf32, #tpu.memory_space<vmem>> -> memref<32x512xf32, #tpu.memory_space<vmem>>
    %dma_start3A_43 = arith.constant 0 : i32
    %dma_start3A_44 = tpu.memref_slice %arg2[%multiple_of3A_31, %dma_start3A_43] : memref<16384x512xf32, #tpu.memory_space<hbm>> -> memref<32x512xf32, #tpu.memory_space<hbm>>
    tpu.enqueue_dma source(%dma_start3A_44 : memref<32x512xf32, #tpu.memory_space<hbm>>) target(%dma_start3A_42 : memref<32x512xf32, #tpu.memory_space<vmem>>) target_semaphore(%arg15 : memref<!tpu.dma_semaphore, #tpu.memory_space<semaphore_mem>>)
    %multiple_of3A_45 = arith.constant 32 : i32
    %multiple_of3A_46 = tpu.assume_multiple %multiple_of3A_45, 32 : i32
    %dma_start3A_47 = arith.constant 1 : i32
    %dma_start3A_48 = arith.constant 0 : i32
    %dma_start3A_49 = arith.constant 0 : i32
    %dma_start3A_50 = tpu.memref_slice %arg10[%dma_start3A_47, %dma_start3A_48, %dma_start3A_49] : memref<2x32x512xf32, #tpu.memory_space<vmem>> -> memref<1x32x512xf32, #tpu.memory_space<vmem>>
    %dma_start3A_51 = tpu.memref_squeeze %dma_start3A_50 : memref<1x32x512xf32, #tpu.memory_space<vmem>> -> memref<32x512xf32, #tpu.memory_space<vmem>>
    %dma_start3A_52 = tpu.memref_slice %arg8[%multiple_of3A_46] : memref<512xi32, #tpu.memory_space<vmem>> -> memref<32xi32, #tpu.memory_space<vmem>>
    %dma_start3A_53 = arith.constant 0 : i32
    %dma_start3A_54 = arith.constant 0 : i32
    %dma_start3A_55 = tpu.memref_slice %arg4[%dma_start3A_53, %dma_start3A_54] : memref<100000x512xf32, #tpu.memory_space<hbm>> -> memref<100000x512xf32, #tpu.memory_space<hbm>>
    tpu.enqueue_indirect_dma source(%dma_start3A_55 : memref<100000x512xf32, #tpu.memory_space<hbm>>) target(%dma_start3A_51 : memref<32x512xf32, #tpu.memory_space<vmem>>) offsets(%dma_start3A_52 : memref<32xi32, #tpu.memory_space<vmem>>) semaphore(%arg17 : memref<!tpu.dma_semaphore, #tpu.memory_space<semaphore_mem>>)
    %scan3A = arith.constant 0 : i32
    %scan3A_56 = arith.constant 0 : i32
    %scan3A_57 = arith.constant 8 : i32
    %scan3A_58 = arith.addi %scan3A_56, %scan3A_57 : i32
    %scan3A_59 = arith.constant 1 : i32
    %scan3A_60 = scf.for %scan3A_138 = %scan3A_56 to %scan3A_58 step %scan3A_59 iter_args(%scan3A_139 = %scan3A) -> (i32)  : i32 {
      %mul3A_140 = arith.constant 2 : i32
      %mul3A_141 = arith.muli %scan3A_138, %mul3A_140 : i32
      %add3A_142 = arith.constant 0 : i32
      %add3A_143 = arith.addi %mul3A_141, %add3A_142 : i32
      %dma_wait3A_144 = arith.constant 0 : i32
      %dma_wait3A_145 = arith.constant 0 : i32
      %dma_wait3A_146 = arith.constant 0 : i32
      %dma_wait3A_147 = tpu.memref_slice %arg9[%dma_wait3A_144, %dma_wait3A_145, %dma_wait3A_146] : memref<2x32x512xf32, #tpu.memory_space<vmem>> -> memref<1x32x512xf32, #tpu.memory_space<vmem>>
      %dma_wait3A_148 = tpu.memref_squeeze %dma_wait3A_147 : memref<1x32x512xf32, #tpu.memory_space<vmem>> -> memref<32x512xf32, #tpu.memory_space<vmem>>
      %dma_wait3A_149 = arith.constant 0 : i32
      %dma_wait3A_150 = arith.constant 0 : i32
      %dma_wait3A_151 = tpu.memref_slice %arg2[%dma_wait3A_149, %dma_wait3A_150] : memref<16384x512xf32, #tpu.memory_space<hbm>> -> memref<32x512xf32, #tpu.memory_space<hbm>>
      %dma_wait3A_152 = arith.constant 0 : i32
      %dma_wait3A_153 = arith.constant 0 : i32
      %dma_wait3A_154 = tpu.memref_slice %arg9[%dma_wait3A_144, %dma_wait3A_152, %dma_wait3A_153] : memref<2x32x512xf32, #tpu.memory_space<vmem>> -> memref<1x32x512xf32, #tpu.memory_space<vmem>>
      %dma_wait3A_155 = tpu.memref_squeeze %dma_wait3A_154 : memref<1x32x512xf32, #tpu.memory_space<vmem>> -> memref<32x512xf32, #tpu.memory_space<vmem>>
      %dma_wait3A_156 = arith.constant 0 : i32
      %dma_wait3A_157 = arith.constant 0 : i32
      %dma_wait3A_158 = tpu.memref_slice %arg2[%dma_wait3A_156, %dma_wait3A_157] : memref<16384x512xf32, #tpu.memory_space<hbm>> -> memref<32x512xf32, #tpu.memory_space<hbm>>
      tpu.wait_dma2 semaphore(%arg14 : memref<!tpu.dma_semaphore, #tpu.memory_space<semaphore_mem>>) src(%dma_wait3A_158 : memref<32x512xf32, #tpu.memory_space<hbm>>) dst(%dma_wait3A_155 : memref<32x512xf32, #tpu.memory_space<vmem>>)
      %dma_wait3A_159 = arith.constant 0 : i32
      %dma_wait3A_160 = arith.constant 0 : i32
      %dma_wait3A_161 = arith.constant 0 : i32
      %dma_wait3A_162 = tpu.memref_slice %arg10[%dma_wait3A_159, %dma_wait3A_160, %dma_wait3A_161] : memref<2x32x512xf32, #tpu.memory_space<vmem>> -> memref<1x32x512xf32, #tpu.memory_space<vmem>>
      %dma_wait3A_163 = tpu.memref_squeeze %dma_wait3A_162 : memref<1x32x512xf32, #tpu.memory_space<vmem>> -> memref<32x512xf32, #tpu.memory_space<vmem>>
      %dma_wait3A_164 = arith.constant 0 : i32
      %dma_wait3A_165 = arith.constant 0 : i32
      %dma_wait3A_166 = tpu.memref_slice %arg4[%dma_wait3A_164, %dma_wait3A_165] : memref<100000x512xf32, #tpu.memory_space<hbm>> -> memref<32x512xf32, #tpu.memory_space<hbm>>
      %dma_wait3A_167 = arith.constant 0 : i32
      %dma_wait3A_168 = arith.constant 0 : i32
      %dma_wait3A_169 = tpu.memref_slice %arg10[%dma_wait3A_159, %dma_wait3A_167, %dma_wait3A_168] : memref<2x32x512xf32, #tpu.memory_space<vmem>> -> memref<1x32x512xf32, #tpu.memory_space<vmem>>
      %dma_wait3A_170 = tpu.memref_squeeze %dma_wait3A_169 : memref<1x32x512xf32, #tpu.memory_space<vmem>> -> memref<32x512xf32, #tpu.memory_space<vmem>>
      %dma_wait3A_171 = arith.constant 0 : i32
      %dma_wait3A_172 = arith.constant 0 : i32
      %dma_wait3A_173 = tpu.memref_slice %arg4[%dma_wait3A_171, %dma_wait3A_172] : memref<100000x512xf32, #tpu.memory_space<hbm>> -> memref<32x512xf32, #tpu.memory_space<hbm>>
      tpu.wait_dma2 semaphore(%arg16 : memref<!tpu.dma_semaphore, #tpu.memory_space<semaphore_mem>>) src(%dma_wait3A_173 : memref<32x512xf32, #tpu.memory_space<hbm>>) dst(%dma_wait3A_170 : memref<32x512xf32, #tpu.memory_space<vmem>>)
      %parallel_loop3A = arith.constant 0 : i32
      %parallel_loop3A_174 = arith.constant 32 : i32
      %parallel_loop3A_175 = arith.constant 1 : i32
      %parallel_loop3A_176 = arith.constant 0 : i32
      %parallel_loop3A_177 = arith.constant 0 : i32
      scf.for %parallel_loop3A_283 = %parallel_loop3A to %parallel_loop3A_174 step %parallel_loop3A_175  : i32 {
        %parallel_loop3A_284 = arith.constant 0.000000e+00 : f32
        %parallel_loop3A_285 = vector.broadcast %parallel_loop3A_284 : f32 to vector<16xf32>
        %parallel_loop3A_286 = arith.constant 0 : i32
        %parallel_loop3A_287 = arith.constant 0 : i32
        %parallel_loop3A_288 = tpu.memref_slice %arg9[%parallel_loop3A_176, %parallel_loop3A_286, %parallel_loop3A_287] : memref<2x32x512xf32, #tpu.memory_space<vmem>> -> memref<1x32x512xf32, #tpu.memory_space<vmem>>
        %parallel_loop3A_289 = tpu.memref_squeeze %parallel_loop3A_288 : memref<1x32x512xf32, #tpu.memory_space<vmem>> -> memref<32x512xf32, #tpu.memory_space<vmem>>
        %parallel_loop3A_290 = arith.index_cast %parallel_loop3A_283 : i32 to index
        %parallel_loop3A_291 = arith.constant 0 : index
        %parallel_loop3A_292 = tpu.vector_load %parallel_loop3A_289[%parallel_loop3A_290, %parallel_loop3A_291] {strides = array<i32>} : memref<32x512xf32, #tpu.memory_space<vmem>>, vector<1x16xf32>,
        %parallel_loop3A_293 = vector.shape_cast %parallel_loop3A_292 : vector<1x16xf32> to vector<16xf32>
        %parallel_loop3A_294 = arith.constant 0 : i32
        %parallel_loop3A_295 = arith.constant 0 : i32
        %parallel_loop3A_296 = tpu.memref_slice %arg10[%parallel_loop3A_177, %parallel_loop3A_294, %parallel_loop3A_295] : memref<2x32x512xf32, #tpu.memory_space<vmem>> -> memref<1x32x512xf32, #tpu.memory_space<vmem>>
        %parallel_loop3A_297 = tpu.memref_squeeze %parallel_loop3A_296 : memref<1x32x512xf32, #tpu.memory_space<vmem>> -> memref<32x512xf32, #tpu.memory_space<vmem>>
        %parallel_loop3A_298 = arith.index_cast %parallel_loop3A_283 : i32 to index
        %parallel_loop3A_299 = arith.constant 0 : index
        %parallel_loop3A_300 = tpu.vector_load %parallel_loop3A_297[%parallel_loop3A_298, %parallel_loop3A_299] {strides = array<i32>} : memref<32x512xf32, #tpu.memory_space<vmem>>, vector<1x16xf32>,
        %parallel_loop3A_301 = vector.shape_cast %parallel_loop3A_300 : vector<1x16xf32> to vector<16xf32>
        %parallel_loop3A_302 = arith.mulf %parallel_loop3A_293, %parallel_loop3A_301 : vector<16xf32>
        %parallel_loop3A_303 = arith.addf %parallel_loop3A_285, %parallel_loop3A_302 : vector<16xf32>
        %parallel_loop3A_304 = arith.mulf %parallel_loop3A_301, %parallel_loop3A_301 : vector<16xf32>
        %parallel_loop3A_305 = arith.addf %parallel_loop3A_285, %parallel_loop3A_304 : vector<16xf32>
        %parallel_loop3A_306 = arith.mulf %parallel_loop3A_293, %parallel_loop3A_293 : vector<16xf32>
        %parallel_loop3A_307 = arith.addf %parallel_loop3A_285, %parallel_loop3A_306 : vector<16xf32>
        %parallel_loop3A_308 = arith.constant 0 : i32
        %parallel_loop3A_309 = arith.constant 0 : i32
        %parallel_loop3A_310 = tpu.memref_slice %arg9[%parallel_loop3A_176, %parallel_loop3A_308, %parallel_loop3A_309] : memref<2x32x512xf32, #tpu.memory_space<vmem>> -> memref<1x32x512xf32, #tpu.memory_space<vmem>>
        %parallel_loop3A_311 = tpu.memref_squeeze %parallel_loop3A_310 : memref<1x32x512xf32, #tpu.memory_space<vmem>> -> memref<32x512xf32, #tpu.memory_space<vmem>>
        %parallel_loop3A_312 = arith.index_cast %parallel_loop3A_283 : i32 to index
        %parallel_loop3A_313 = arith.constant 16 : index
        %parallel_loop3A_314 = tpu.vector_load %parallel_loop3A_311[%parallel_loop3A_312, %parallel_loop3A_313] {strides = array<i32>} : memref<32x512xf32, #tpu.memory_space<vmem>>, vector<1x16xf32>,
        %parallel_loop3A_315 = vector.shape_cast %parallel_loop3A_314 : vector<1x16xf32> to vector<16xf32>
        %parallel_loop3A_316 = arith.constant 0 : i32
        %parallel_loop3A_317 = arith.constant 0 : i32
        %parallel_loop3A_318 = tpu.memref_slice %arg10[%parallel_loop3A_177, %parallel_loop3A_316, %parallel_loop3A_317] : memref<2x32x512xf32, #tpu.memory_space<vmem>> -> memref<1x32x512xf32, #tpu.memory_space<vmem>>
        %parallel_loop3A_319 = tpu.memref_squeeze %parallel_loop3A_318 : memref<1x32x512xf32, #tpu.memory_space<vmem>> -> memref<32x512xf32, #tpu.memory_space<vmem>>
        %parallel_loop3A_320 = arith.index_cast %parallel_loop3A_283 : i32 to index
        %parallel_loop3A_321 = arith.constant 16 : index
        %parallel_loop3A_322 = tpu.vector_load %parallel_loop3A_319[%parallel_loop3A_320, %parallel_loop3A_321] {strides = array<i32>} : memref<32x512xf32, #tpu.memory_space<vmem>>, vector<1x16xf32>,
        %parallel_loop3A_323 = vector.shape_cast %parallel_loop3A_322 : vector<1x16xf32> to vector<16xf32>
        %parallel_loop3A_324 = arith.mulf %parallel_loop3A_315, %parallel_loop3A_323 : vector<16xf32>
        %parallel_loop3A_325 = arith.addf %parallel_loop3A_285, %parallel_loop3A_324 : vector<16xf32>
        %parallel_loop3A_326 = arith.mulf %parallel_loop3A_323, %parallel_loop3A_323 : vector<16xf32>
        %parallel_loop3A_327 = arith.addf %parallel_loop3A_285, %parallel_loop3A_326 : vector<16xf32>
        %parallel_loop3A_328 = arith.mulf %parallel_loop3A_315, %parallel_loop3A_315 : vector<16xf32>
        %parallel_loop3A_329 = arith.addf %parallel_loop3A_285, %parallel_loop3A_328 : vector<16xf32>
        %parallel_loop3A_330 = arith.constant 0 : i32
        %parallel_loop3A_331 = arith.constant 0 : i32
        %parallel_loop3A_332 = tpu.memref_slice %arg9[%parallel_loop3A_176, %parallel_loop3A_330, %parallel_loop3A_331] : memref<2x32x512xf32, #tpu.memory_space<vmem>> -> memref<1x32x512xf32, #tpu.memory_space<vmem>>
        %parallel_loop3A_333 = tpu.memref_squeeze %parallel_loop3A_332 : memref<1x32x512xf32, #tpu.memory_space<vmem>> -> memref<32x512xf32, #tpu.memory_space<vmem>>
        %parallel_loop3A_334 = arith.index_cast %parallel_loop3A_283 : i32 to index
        %parallel_loop3A_335 = arith.constant 32 : index
        %parallel_loop3A_336 = tpu.vector_load %parallel_loop3A_333[%parallel_loop3A_334, %parallel_loop3A_335] {strides = array<i32>} : memref<32x512xf32, #tpu.memory_space<vmem>>, vector<1x16xf32>,
        %parallel_loop3A_337 = vector.shape_cast %parallel_loop3A_336 : vector<1x16xf32> to vector<16xf32>
        %parallel_loop3A_338 = arith.constant 0 : i32
        %parallel_loop3A_339 = arith.constant 0 : i32
        %parallel_loop3A_340 = tpu.memref_slice %arg10[%parallel_loop3A_177, %parallel_loop3A_338, %parallel_loop3A_339] : memref<2x32x512xf32, #tpu.memory_space<vmem>> -> memref<1x32x512xf32, #tpu.memory_space<vmem>>
        %parallel_loop3A_341 = tpu.memref_squeeze %parallel_loop3A_340 : memref<1x32x512xf32, #tpu.memory_space<vmem>> -> memref<32x512xf32, #tpu.memory_space<vmem>>
        %parallel_loop3A_342 = arith.index_cast %parallel_loop3A_283 : i32 to index
        %parallel_loop3A_343 = arith.constant 32 : index
        %parallel_loop3A_344 = tpu.vector_load %parallel_loop3A_341[%parallel_loop3A_342, %parallel_loop3A_343] {strides = array<i32>} : memref<32x512xf32, #tpu.memory_space<vmem>>, vector<1x16xf32>,
        %parallel_loop3A_345 = vector.shape_cast %parallel_loop3A_344 : vector<1x16xf32> to vector<16xf32>
        %parallel_loop3A_346 = arith.mulf %parallel_loop3A_337, %parallel_loop3A_345 : vector<16xf32>
        %parallel_loop3A_347 = arith.addf %parallel_loop3A_303, %parallel_loop3A_346 : vector<16xf32>
        %parallel_loop3A_348 = arith.mulf %parallel_loop3A_345, %parallel_loop3A_345 : vector<16xf32>
        %parallel_loop3A_349 = arith.addf %parallel_loop3A_305, %parallel_loop3A_348 : vector<16xf32>
        %parallel_loop3A_350 = arith.mulf %parallel_loop3A_337, %parallel_loop3A_337 : vector<16xf32>
        %parallel_loop3A_351 = arith.addf %parallel_loop3A_307, %parallel_loop3A_350 : vector<16xf32>
        %parallel_loop3A_352 = arith.constant 0 : i32
        %parallel_loop3A_353 = arith.constant 0 : i32
        %parallel_loop3A_354 = tpu.memref_slice %arg9[%parallel_loop3A_176, %parallel_loop3A_352, %parallel_loop3A_353] : memref<2x32x512xf32, #tpu.memory_space<vmem>> -> memref<1x32x512xf32, #tpu.memory_space<vmem>>
        %parallel_loop3A_355 = tpu.memref_squeeze %parallel_loop3A_354 : memref<1x32x512xf32, #tpu.memory_space<vmem>> -> memref<32x512xf32, #tpu.memory_space<vmem>>
        %parallel_loop3A_356 = arith.index_cast %parallel_loop3A_283 : i32 to index
        %parallel_loop3A_357 = arith.constant 48 : index
        %parallel_loop3A_358 = tpu.vector_load %parallel_loop3A_355[%parallel_loop3A_356, %parallel_loop3A_357] {strides = array<i32>} : memref<32x512xf32, #tpu.memory_space<vmem>>, vector<1x16xf32>,
        %parallel_loop3A_359 = vector.shape_cast %parallel_loop3A_358 : vector<1x16xf32> to vector<16xf32>
        %parallel_loop3A_360 = arith.constant 0 : i32
        %parallel_loop3A_361 = arith.constant 0 : i32
        %parallel_loop3A_362 = tpu.memref_slice %arg10[%parallel_loop3A_177, %parallel_loop3A_360, %parallel_loop3A_361] : memref<2x32x512xf32, #tpu.memory_space<vmem>> -> memref<1x32x512xf32, #tpu.memory_space<vmem>>
        %parallel_loop3A_363 = tpu.memref_squeeze %parallel_loop3A_362 : memref<1x32x512xf32, #tpu.memory_space<vmem>> -> memref<32x512xf32, #tpu.memory_space<vmem>>
        %parallel_loop3A_364 = arith.index_cast %parallel_loop3A_283 : i32 to index
        %parallel_loop3A_365 = arith.constant 48 : index
        %parallel_loop3A_366 = tpu.vector_load %parallel_loop3A_363[%parallel_loop3A_364, %parallel_loop3A_365] {strides = array<i32>} : memref<32x512xf32, #tpu.memory_space<vmem>>, vector<1x16xf32>,
        %parallel_loop3A_367 = vector.shape_cast %parallel_loop3A_366 : vector<1x16xf32> to vector<16xf32>
        %parallel_loop3A_368 = arith.mulf %parallel_loop3A_359, %parallel_loop3A_367 : vector<16xf32>
        %parallel_loop3A_369 = arith.addf %parallel_loop3A_325, %parallel_loop3A_368 : vector<16xf32>
        %parallel_loop3A_370 = arith.mulf %parallel_loop3A_367, %parallel_loop3A_367 : vector<16xf32>
        %parallel_loop3A_371 = arith.addf %parallel_loop3A_327, %parallel_loop3A_370 : vector<16xf32>
        %parallel_loop3A_372 = arith.mulf %parallel_loop3A_359, %parallel_loop3A_359 : vector<16xf32>
        %parallel_loop3A_373 = arith.addf %parallel_loop3A_329, %parallel_loop3A_372 : vector<16xf32>
        %parallel_loop3A_374 = arith.constant 0 : i32
        %parallel_loop3A_375 = arith.constant 0 : i32
        %parallel_loop3A_376 = tpu.memref_slice %arg9[%parallel_loop3A_176, %parallel_loop3A_374, %parallel_loop3A_375] : memref<2x32x512xf32, #tpu.memory_space<vmem>> -> memref<1x32x512xf32, #tpu.memory_space<vmem>>
        %parallel_loop3A_377 = tpu.memref_squeeze %parallel_loop3A_376 : memref<1x32x512xf32, #tpu.memory_space<vmem>> -> memref<32x512xf32, #tpu.memory_space<vmem>>
        %parallel_loop3A_378 = arith.index_cast %parallel_loop3A_283 : i32 to index
        %parallel_loop3A_379 = arith.constant 64 : index
        %parallel_loop3A_380 = tpu.vector_load %parallel_loop3A_377[%parallel_loop3A_378, %parallel_loop3A_379] {strides = array<i32>} : memref<32x512xf32, #tpu.memory_space<vmem>>, vector<1x16xf32>,
        %parallel_loop3A_381 = vector.shape_cast %parallel_loop3A_380 : vector<1x16xf32> to vector<16xf32>
        %parallel_loop3A_382 = arith.constant 0 : i32
        %parallel_loop3A_383 = arith.constant 0 : i32
        %parallel_loop3A_384 = tpu.memref_slice %arg10[%parallel_loop3A_177, %parallel_loop3A_382, %parallel_loop3A_383] : memref<2x32x512xf32, #tpu.memory_space<vmem>> -> memref<1x32x512xf32, #tpu.memory_space<vmem>>
        %parallel_loop3A_385 = tpu.memref_squeeze %parallel_loop3A_384 : memref<1x32x512xf32, #tpu.memory_space<vmem>> -> memref<32x512xf32, #tpu.memory_space<vmem>>
        %parallel_loop3A_386 = arith.index_cast %parallel_loop3A_283 : i32 to index
        %parallel_loop3A_387 = arith.constant 64 : index
        %parallel_loop3A_388 = tpu.vector_load %parallel_loop3A_385[%parallel_loop3A_386, %parallel_loop3A_387] {strides = array<i32>} : memref<32x512xf32, #tpu.memory_space<vmem>>, vector<1x16xf32>,
        %parallel_loop3A_389 = vector.shape_cast %parallel_loop3A_388 : vector<1x16xf32> to vector<16xf32>
        %parallel_loop3A_390 = arith.mulf %parallel_loop3A_381, %parallel_loop3A_389 : vector<16xf32>
        %parallel_loop3A_391 = arith.addf %parallel_loop3A_347, %parallel_loop3A_390 : vector<16xf32>
        %parallel_loop3A_392 = arith.mulf %parallel_loop3A_389, %parallel_loop3A_389 : vector<16xf32>
        %parallel_loop3A_393 = arith.addf %parallel_loop3A_349, %parallel_loop3A_392 : vector<16xf32>
        %parallel_loop3A_394 = arith.mulf %parallel_loop3A_381, %parallel_loop3A_381 : vector<16xf32>
        %parallel_loop3A_395 = arith.addf %parallel_loop3A_351, %parallel_loop3A_394 : vector<16xf32>
        %parallel_loop3A_396 = arith.constant 0 : i32
        %parallel_loop3A_397 = arith.constant 0 : i32
        %parallel_loop3A_398 = tpu.memref_slice %arg9[%parallel_loop3A_176, %parallel_loop3A_396, %parallel_loop3A_397] : memref<2x32x512xf32, #tpu.memory_space<vmem>> -> memref<1x32x512xf32, #tpu.memory_space<vmem>>
        %parallel_loop3A_399 = tpu.memref_squeeze %parallel_loop3A_398 : memref<1x32x512xf32, #tpu.memory_space<vmem>> -> memref<32x512xf32, #tpu.memory_space<vmem>>
        %parallel_loop3A_400 = arith.index_cast %parallel_loop3A_283 : i32 to index
        %parallel_loop3A_401 = arith.constant 80 : index
        %parallel_loop3A_402 = tpu.vector_load %parallel_loop3A_399[%parallel_loop3A_400, %parallel_loop3A_401] {strides = array<i32>} : memref<32x512xf32, #tpu.memory_space<vmem>>, vector<1x16xf32>,
        %parallel_loop3A_403 = vector.shape_cast %parallel_loop3A_402 : vector<1x16xf32> to vector<16xf32>
        %parallel_loop3A_404 = arith.constant 0 : i32
        %parallel_loop3A_405 = arith.constant 0 : i32
        %parallel_loop3A_406 = tpu.memref_slice %arg10[%parallel_loop3A_177, %parallel_loop3A_404, %parallel_loop3A_405] : memref<2x32x512xf32, #tpu.memory_space<vmem>> -> memref<1x32x512xf32, #tpu.memory_space<vmem>>
        %parallel_loop3A_407 = tpu.memref_squeeze %parallel_loop3A_406 : memref<1x32x512xf32, #tpu.memory_space<vmem>> -> memref<32x512xf32, #tpu.memory_space<vmem>>
        %parallel_loop3A_408 = arith.index_cast %parallel_loop3A_283 : i32 to index
        %parallel_loop3A_409 = arith.constant 80 : index
        %parallel_loop3A_410 = tpu.vector_load %parallel_loop3A_407[%parallel_loop3A_408, %parallel_loop3A_409] {strides = array<i32>} : memref<32x512xf32, #tpu.memory_space<vmem>>, vector<1x16xf32>,
        %parallel_loop3A_411 = vector.shape_cast %parallel_loop3A_410 : vector<1x16xf32> to vector<16xf32>
        %parallel_loop3A_412 = arith.mulf %parallel_loop3A_403, %parallel_loop3A_411 : vector<16xf32>
        %parallel_loop3A_413 = arith.addf %parallel_loop3A_369, %parallel_loop3A_412 : vector<16xf32>
        %parallel_loop3A_414 = arith.mulf %parallel_loop3A_411, %parallel_loop3A_411 : vector<16xf32>
        %parallel_loop3A_415 = arith.addf %parallel_loop3A_371, %parallel_loop3A_414 : vector<16xf32>
        %parallel_loop3A_416 = arith.mulf %parallel_loop3A_403, %parallel_loop3A_403 : vector<16xf32>
        %parallel_loop3A_417 = arith.addf %parallel_loop3A_373, %parallel_loop3A_416 : vector<16xf32>
        %parallel_loop3A_418 = arith.constant 0 : i32
        %parallel_loop3A_419 = arith.constant 0 : i32
        %parallel_loop3A_420 = tpu.memref_slice %arg9[%parallel_loop3A_176, %parallel_loop3A_418, %parallel_loop3A_419] : memref<2x32x512xf32, #tpu.memory_space<vmem>> -> memref<1x32x512xf32, #tpu.memory_space<vmem>>
        %parallel_loop3A_421 = tpu.memref_squeeze %parallel_loop3A_420 : memref<1x32x512xf32, #tpu.memory_space<vmem>> -> memref<32x512xf32, #tpu.memory_space<vmem>>
        %parallel_loop3A_422 = arith.index_cast %parallel_loop3A_283 : i32 to index
        %parallel_loop3A_423 = arith.constant 96 : index
        %parallel_loop3A_424 = tpu.vector_load %parallel_loop3A_421[%parallel_loop3A_422, %parallel_loop3A_423] {strides = array<i32>} : memref<32x512xf32, #tpu.memory_space<vmem>>, vector<1x16xf32>,
        %parallel_loop3A_425 = vector.shape_cast %parallel_loop3A_424 : vector<1x16xf32> to vector<16xf32>
        %parallel_loop3A_426 = arith.constant 0 : i32
        %parallel_loop3A_427 = arith.constant 0 : i32
        %parallel_loop3A_428 = tpu.memref_slice %arg10[%parallel_loop3A_177, %parallel_loop3A_426, %parallel_loop3A_427] : memref<2x32x512xf32, #tpu.memory_space<vmem>> -> memref<1x32x512xf32, #tpu.memory_space<vmem>>
        %parallel_loop3A_429 = tpu.memref_squeeze %parallel_loop3A_428 : memref<1x32x512xf32, #tpu.memory_space<vmem>> -> memref<32x512xf32, #tpu.memory_space<vmem>>
        %parallel_loop3A_430 = arith.index_cast %parallel_loop3A_283 : i32 to index
        %parallel_loop3A_431 = arith.constant 96 : index
        %parallel_loop3A_432 = tpu.vector_load %parallel_loop3A_429[%parallel_loop3A_430, %parallel_loop3A_431] {strides = array<i32>} : memref<32x512xf32, #tpu.memory_space<vmem>>, vector<1x16xf32>,
        %parallel_loop3A_433 = vector.shape_cast %parallel_loop3A_432 : vector<1x16xf32> to vector<16xf32>
        %parallel_loop3A_434 = arith.mulf %parallel_loop3A_425, %parallel_loop3A_433 : vector<16xf32>
        %parallel_loop3A_435 = arith.addf %parallel_loop3A_391, %parallel_loop3A_434 : vector<16xf32>
        %parallel_loop3A_436 = arith.mulf %parallel_loop3A_433, %parallel_loop3A_433 : vector<16xf32>
        %parallel_loop3A_437 = arith.addf %parallel_loop3A_393, %parallel_loop3A_436 : vector<16xf32>
        %parallel_loop3A_438 = arith.mulf %parallel_loop3A_425, %parallel_loop3A_425 : vector<16xf32>
        %parallel_loop3A_439 = arith.addf %parallel_loop3A_395, %parallel_loop3A_438 : vector<16xf32>
        %parallel_loop3A_440 = arith.constant 0 : i32
        %parallel_loop3A_441 = arith.constant 0 : i32
        %parallel_loop3A_442 = tpu.memref_slice %arg9[%parallel_loop3A_176, %parallel_loop3A_440, %parallel_loop3A_441] : memref<2x32x512xf32, #tpu.memory_space<vmem>> -> memref<1x32x512xf32, #tpu.memory_space<vmem>>
        %parallel_loop3A_443 = tpu.memref_squeeze %parallel_loop3A_442 : memref<1x32x512xf32, #tpu.memory_space<vmem>> -> memref<32x512xf32, #tpu.memory_space<vmem>>
        %parallel_loop3A_444 = arith.index_cast %parallel_loop3A_283 : i32 to index
        %parallel_loop3A_445 = arith.constant 112 : index
        %parallel_loop3A_446 = tpu.vector_load %parallel_loop3A_443[%parallel_loop3A_444, %parallel_loop3A_445] {strides = array<i32>} : memref<32x512xf32, #tpu.memory_space<vmem>>, vector<1x16xf32>,
        %parallel_loop3A_447 = vector.shape_cast %parallel_loop3A_446 : vector<1x16xf32> to vector<16xf32>
        %parallel_loop3A_448 = arith.constant 0 : i32
        %parallel_loop3A_449 = arith.constant 0 : i32
        %parallel_loop3A_450 = tpu.memref_slice %arg10[%parallel_loop3A_177, %parallel_loop3A_448, %parallel_loop3A_449] : memref<2x32x512xf32, #tpu.memory_space<vmem>> -> memref<1x32x512xf32, #tpu.memory_space<vmem>>
        %parallel_loop3A_451 = tpu.memref_squeeze %parallel_loop3A_450 : memref<1x32x512xf32, #tpu.memory_space<vmem>> -> memref<32x512xf32, #tpu.memory_space<vmem>>
        %parallel_loop3A_452 = arith.index_cast %parallel_loop3A_283 : i32 to index
        %parallel_loop3A_453 = arith.constant 112 : index
        %parallel_loop3A_454 = tpu.vector_load %parallel_loop3A_451[%parallel_loop3A_452, %parallel_loop3A_453] {strides = array<i32>} : memref<32x512xf32, #tpu.memory_space<vmem>>, vector<1x16xf32>,
        %parallel_loop3A_455 = vector.shape_cast %parallel_loop3A_454 : vector<1x16xf32> to vector<16xf32>
        %parallel_loop3A_456 = arith.mulf %parallel_loop3A_447, %parallel_loop3A_455 : vector<16xf32>
        %parallel_loop3A_457 = arith.addf %parallel_loop3A_413, %parallel_loop3A_456 : vector<16xf32>
        %parallel_loop3A_458 = arith.mulf %parallel_loop3A_455, %parallel_loop3A_455 : vector<16xf32>
        %parallel_loop3A_459 = arith.addf %parallel_loop3A_415, %parallel_loop3A_458 : vector<16xf32>
        %parallel_loop3A_460 = arith.mulf %parallel_loop3A_447, %parallel_loop3A_447 : vector<16xf32>
        %parallel_loop3A_461 = arith.addf %parallel_loop3A_417, %parallel_loop3A_460 : vector<16xf32>
        %parallel_loop3A_462 = arith.constant 0 : i32
        %parallel_loop3A_463 = arith.constant 0 : i32
        %parallel_loop3A_464 = tpu.memref_slice %arg9[%parallel_loop3A_176, %parallel_loop3A_462, %parallel_loop3A_463] : memref<2x32x512xf32, #tpu.memory_space<vmem>> -> memref<1x32x512xf32, #tpu.memory_space<vmem>>
        %parallel_loop3A_465 = tpu.memref_squeeze %parallel_loop3A_464 : memref<1x32x512xf32, #tpu.memory_space<vmem>> -> memref<32x512xf32, #tpu.memory_space<vmem>>
        %parallel_loop3A_466 = arith.index_cast %parallel_loop3A_283 : i32 to index
        %parallel_loop3A_467 = arith.constant 128 : index
        %parallel_loop3A_468 = tpu.vector_load %parallel_loop3A_465[%parallel_loop3A_466, %parallel_loop3A_467] {strides = array<i32>} : memref<32x512xf32, #tpu.memory_space<vmem>>, vector<1x16xf32>,
        %parallel_loop3A_469 = vector.shape_cast %parallel_loop3A_468 : vector<1x16xf32> to vector<16xf32>
        %parallel_loop3A_470 = arith.constant 0 : i32
        %parallel_loop3A_471 = arith.constant 0 : i32
        %parallel_loop3A_472 = tpu.memref_slice %arg10[%parallel_loop3A_177, %parallel_loop3A_470, %parallel_loop3A_471] : memref<2x32x512xf32, #tpu.memory_space<vmem>> -> memref<1x32x512xf32, #tpu.memory_space<vmem>>
        %parallel_loop3A_473 = tpu.memref_squeeze %parallel_loop3A_472 : memref<1x32x512xf32, #tpu.memory_space<vmem>> -> memref<32x512xf32, #tpu.memory_space<vmem>>
        %parallel_loop3A_474 = arith.index_cast %parallel_loop3A_283 : i32 to index
        %parallel_loop3A_475 = arith.constant 128 : index
        %parallel_loop3A_476 = tpu.vector_load %parallel_loop3A_473[%parallel_loop3A_474, %parallel_loop3A_475] {strides = array<i32>} : memref<32x512xf32, #tpu.memory_space<vmem>>, vector<1x16xf32>,
        %parallel_loop3A_477 = vector.shape_cast %parallel_loop3A_476 : vector<1x16xf32> to vector<16xf32>
        %parallel_loop3A_478 = arith.mulf %parallel_loop3A_469, %parallel_loop3A_477 : vector<16xf32>
        %parallel_loop3A_479 = arith.addf %parallel_loop3A_435, %parallel_loop3A_478 : vector<16xf32>
        %parallel_loop3A_480 = arith.mulf %parallel_loop3A_477, %parallel_loop3A_477 : vector<16xf32>
        %parallel_loop3A_481 = arith.addf %parallel_loop3A_437, %parallel_loop3A_480 : vector<16xf32>
        %parallel_loop3A_482 = arith.mulf %parallel_loop3A_469, %parallel_loop3A_469 : vector<16xf32>
        %parallel_loop3A_483 = arith.addf %parallel_loop3A_439, %parallel_loop3A_482 : vector<16xf32>
        %parallel_loop3A_484 = arith.constant 0 : i32
        %parallel_loop3A_485 = arith.constant 0 : i32
        %parallel_loop3A_486 = tpu.memref_slice %arg9[%parallel_loop3A_176, %parallel_loop3A_484, %parallel_loop3A_485] : memref<2x32x512xf32, #tpu.memory_space<vmem>> -> memref<1x32x512xf32, #tpu.memory_space<vmem>>
        %parallel_loop3A_487 = tpu.memref_squeeze %parallel_loop3A_486 : memref<1x32x512xf32, #tpu.memory_space<vmem>> -> memref<32x512xf32, #tpu.memory_space<vmem>>
        %parallel_loop3A_488 = arith.index_cast %parallel_loop3A_283 : i32 to index
        %parallel_loop3A_489 = arith.constant 144 : index
        %parallel_loop3A_490 = tpu.vector_load %parallel_loop3A_487[%parallel_loop3A_488, %parallel_loop3A_489] {strides = array<i32>} : memref<32x512xf32, #tpu.memory_space<vmem>>, vector<1x16xf32>,
        %parallel_loop3A_491 = vector.shape_cast %parallel_loop3A_490 : vector<1x16xf32> to vector<16xf32>
        %parallel_loop3A_492 = arith.constant 0 : i32
        %parallel_loop3A_493 = arith.constant 0 : i32
        %parallel_loop3A_494 = tpu.memref_slice %arg10[%parallel_loop3A_177, %parallel_loop3A_492, %parallel_loop3A_493] : memref<2x32x512xf32, #tpu.memory_space<vmem>> -> memref<1x32x512xf32, #tpu.memory_space<vmem>>
        %parallel_loop3A_495 = tpu.memref_squeeze %parallel_loop3A_494 : memref<1x32x512xf32, #tpu.memory_space<vmem>> -> memref<32x512xf32, #tpu.memory_space<vmem>>
        %parallel_loop3A_496 = arith.index_cast %parallel_loop3A_283 : i32 to index
        %parallel_loop3A_497 = arith.constant 144 : index
        %parallel_loop3A_498 = tpu.vector_load %parallel_loop3A_495[%parallel_loop3A_496, %parallel_loop3A_497] {strides = array<i32>} : memref<32x512xf32, #tpu.memory_space<vmem>>, vector<1x16xf32>,
        %parallel_loop3A_499 = vector.shape_cast %parallel_loop3A_498 : vector<1x16xf32> to vector<16xf32>
        %parallel_loop3A_500 = arith.mulf %parallel_loop3A_491, %parallel_loop3A_499 : vector<16xf32>
        %parallel_loop3A_501 = arith.addf %parallel_loop3A_457, %parallel_loop3A_500 : vector<16xf32>
        %parallel_loop3A_502 = arith.mulf %parallel_loop3A_499, %parallel_loop3A_499 : vector<16xf32>
        %parallel_loop3A_503 = arith.addf %parallel_loop3A_459, %parallel_loop3A_502 : vector<16xf32>
        %parallel_loop3A_504 = arith.mulf %parallel_loop3A_491, %parallel_loop3A_491 : vector<16xf32>
        %parallel_loop3A_505 = arith.addf %parallel_loop3A_461, %parallel_loop3A_504 : vector<16xf32>
        %parallel_loop3A_506 = arith.constant 0 : i32
        %parallel_loop3A_507 = arith.constant 0 : i32
        %parallel_loop3A_508 = tpu.memref_slice %arg9[%parallel_loop3A_176, %parallel_loop3A_506, %parallel_loop3A_507] : memref<2x32x512xf32, #tpu.memory_space<vmem>> -> memref<1x32x512xf32, #tpu.memory_space<vmem>>
        %parallel_loop3A_509 = tpu.memref_squeeze %parallel_loop3A_508 : memref<1x32x512xf32, #tpu.memory_space<vmem>> -> memref<32x512xf32, #tpu.memory_space<vmem>>
        %parallel_loop3A_510 = arith.index_cast %parallel_loop3A_283 : i32 to index
        %parallel_loop3A_511 = arith.constant 160 : index
        %parallel_loop3A_512 = tpu.vector_load %parallel_loop3A_509[%parallel_loop3A_510, %parallel_loop3A_511] {strides = array<i32>} : memref<32x512xf32, #tpu.memory_space<vmem>>, vector<1x16xf32>,
        %parallel_loop3A_513 = vector.shape_cast %parallel_loop3A_512 : vector<1x16xf32> to vector<16xf32>
        %parallel_loop3A_514 = arith.constant 0 : i32
        %parallel_loop3A_515 = arith.constant 0 : i32
        %parallel_loop3A_516 = tpu.memref_slice %arg10[%parallel_loop3A_177, %parallel_loop3A_514, %parallel_loop3A_515] : memref<2x32x512xf32, #tpu.memory_space<vmem>> -> memref<1x32x512xf32, #tpu.memory_space<vmem>>
        %parallel_loop3A_517 = tpu.memref_squeeze %parallel_loop3A_516 : memref<1x32x512xf32, #tpu.memory_space<vmem>> -> memref<32x512xf32, #tpu.memory_space<vmem>>
        %parallel_loop3A_518 = arith.index_cast %parallel_loop3A_283 : i32 to index
        %parallel_loop3A_519 = arith.constant 160 : index
        %parallel_loop3A_520 = tpu.vector_load %parallel_loop3A_517[%parallel_loop3A_518, %parallel_loop3A_519] {strides = array<i32>} : memref<32x512xf32, #tpu.memory_space<vmem>>, vector<1x16xf32>,
        %parallel_loop3A_521 = vector.shape_cast %parallel_loop3A_520 : vector<1x16xf32> to vector<16xf32>
        %parallel_loop3A_522 = arith.mulf %parallel_loop3A_513, %parallel_loop3A_521 : vector<16xf32>
        %parallel_loop3A_523 = arith.addf %parallel_loop3A_479, %parallel_loop3A_522 : vector<16xf32>
        %parallel_loop3A_524 = arith.mulf %parallel_loop3A_521, %parallel_loop3A_521 : vector<16xf32>
        %parallel_loop3A_525 = arith.addf %parallel_loop3A_481, %parallel_loop3A_524 : vector<16xf32>
        %parallel_loop3A_526 = arith.mulf %parallel_loop3A_513, %parallel_loop3A_513 : vector<16xf32>
        %parallel_loop3A_527 = arith.addf %parallel_loop3A_483, %parallel_loop3A_526 : vector<16xf32>
        %parallel_loop3A_528 = arith.constant 0 : i32
        %parallel_loop3A_529 = arith.constant 0 : i32
        %parallel_loop3A_530 = tpu.memref_slice %arg9[%parallel_loop3A_176, %parallel_loop3A_528, %parallel_loop3A_529] : memref<2x32x512xf32, #tpu.memory_space<vmem>> -> memref<1x32x512xf32, #tpu.memory_space<vmem>>
        %parallel_loop3A_531 = tpu.memref_squeeze %parallel_loop3A_530 : memref<1x32x512xf32, #tpu.memory_space<vmem>> -> memref<32x512xf32, #tpu.memory_space<vmem>>
        %parallel_loop3A_532 = arith.index_cast %parallel_loop3A_283 : i32 to index
        %parallel_loop3A_533 = arith.constant 176 : index
        %parallel_loop3A_534 = tpu.vector_load %parallel_loop3A_531[%parallel_loop3A_532, %parallel_loop3A_533] {strides = array<i32>} : memref<32x512xf32, #tpu.memory_space<vmem>>, vector<1x16xf32>,
        %parallel_loop3A_535 = vector.shape_cast %parallel_loop3A_534 : vector<1x16xf32> to vector<16xf32>
        %parallel_loop3A_536 = arith.constant 0 : i32
        %parallel_loop3A_537 = arith.constant 0 : i32
        %parallel_loop3A_538 = tpu.memref_slice %arg10[%parallel_loop3A_177, %parallel_loop3A_536, %parallel_loop3A_537] : memref<2x32x512xf32, #tpu.memory_space<vmem>> -> memref<1x32x512xf32, #tpu.memory_space<vmem>>
        %parallel_loop3A_539 = tpu.memref_squeeze %parallel_loop3A_538 : memref<1x32x512xf32, #tpu.memory_space<vmem>> -> memref<32x512xf32, #tpu.memory_space<vmem>>
        %parallel_loop3A_540 = arith.index_cast %parallel_loop3A_283 : i32 to index
        %parallel_loop3A_541 = arith.constant 176 : index
        %parallel_loop3A_542 = tpu.vector_load %parallel_loop3A_539[%parallel_loop3A_540, %parallel_loop3A_541] {strides = array<i32>} : memref<32x512xf32, #tpu.memory_space<vmem>>, vector<1x16xf32>,
        %parallel_loop3A_543 = vector.shape_cast %parallel_loop3A_542 : vector<1x16xf32> to vector<16xf32>
        %parallel_loop3A_544 = arith.mulf %parallel_loop3A_535, %parallel_loop3A_543 : vector<16xf32>
        %parallel_loop3A_545 = arith.addf %parallel_loop3A_501, %parallel_loop3A_544 : vector<16xf32>
        %parallel_loop3A_546 = arith.mulf %parallel_loop3A_543, %parallel_loop3A_543 : vector<16xf32>
        %parallel_loop3A_547 = arith.addf %parallel_loop3A_503, %parallel_loop3A_546 : vector<16xf32>
        %parallel_loop3A_548 = arith.mulf %parallel_loop3A_535, %parallel_loop3A_535 : vector<16xf32>
        %parallel_loop3A_549 = arith.addf %parallel_loop3A_505, %parallel_loop3A_548 : vector<16xf32>
        %parallel_loop3A_550 = arith.constant 0 : i32
        %parallel_loop3A_551 = arith.constant 0 : i32
        %parallel_loop3A_552 = tpu.memref_slice %arg9[%parallel_loop3A_176, %parallel_loop3A_550, %parallel_loop3A_551] : memref<2x32x512xf32, #tpu.memory_space<vmem>> -> memref<1x32x512xf32, #tpu.memory_space<vmem>>
        %parallel_loop3A_553 = tpu.memref_squeeze %parallel_loop3A_552 : memref<1x32x512xf32, #tpu.memory_space<vmem>> -> memref<32x512xf32, #tpu.memory_space<vmem>>
        %parallel_loop3A_554 = arith.index_cast %parallel_loop3A_283 : i32 to index
        %parallel_loop3A_555 = arith.constant 192 : index
        %parallel_loop3A_556 = tpu.vector_load %parallel_loop3A_553[%parallel_loop3A_554, %parallel_loop3A_555] {strides = array<i32>} : memref<32x512xf32, #tpu.memory_space<vmem>>, vector<1x16xf32>,
        %parallel_loop3A_557 = vector.shape_cast %parallel_loop3A_556 : vector<1x16xf32> to vector<16xf32>
        %parallel_loop3A_558 = arith.constant 0 : i32
        %parallel_loop3A_559 = arith.constant 0 : i32
        %parallel_loop3A_560 = tpu.memref_slice %arg10[%parallel_loop3A_177, %parallel_loop3A_558, %parallel_loop3A_559] : memref<2x32x512xf32, #tpu.memory_space<vmem>> -> memref<1x32x512xf32, #tpu.memory_space<vmem>>
        %parallel_loop3A_561 = tpu.memref_squeeze %parallel_loop3A_560 : memref<1x32x512xf32, #tpu.memory_space<vmem>> -> memref<32x512xf32, #tpu.memory_space<vmem>>
        %parallel_loop3A_562 = arith.index_cast %parallel_loop3A_283 : i32 to index
        %parallel_loop3A_563 = arith.constant 192 : index
        %parallel_loop3A_564 = tpu.vector_load %parallel_loop3A_561[%parallel_loop3A_562, %parallel_loop3A_563] {strides = array<i32>} : memref<32x512xf32, #tpu.memory_space<vmem>>, vector<1x16xf32>,
        %parallel_loop3A_565 = vector.shape_cast %parallel_loop3A_564 : vector<1x16xf32> to vector<16xf32>
        %parallel_loop3A_566 = arith.mulf %parallel_loop3A_557, %parallel_loop3A_565 : vector<16xf32>
        %parallel_loop3A_567 = arith.addf %parallel_loop3A_523, %parallel_loop3A_566 : vector<16xf32>
        %parallel_loop3A_568 = arith.mulf %parallel_loop3A_565, %parallel_loop3A_565 : vector<16xf32>
        %parallel_loop3A_569 = arith.addf %parallel_loop3A_525, %parallel_loop3A_568 : vector<16xf32>
        %parallel_loop3A_570 = arith.mulf %parallel_loop3A_557, %parallel_loop3A_557 : vector<16xf32>
        %parallel_loop3A_571 = arith.addf %parallel_loop3A_527, %parallel_loop3A_570 : vector<16xf32>
        %parallel_loop3A_572 = arith.constant 0 : i32
        %parallel_loop3A_573 = arith.constant 0 : i32
        %parallel_loop3A_574 = tpu.memref_slice %arg9[%parallel_loop3A_176, %parallel_loop3A_572, %parallel_loop3A_573] : memref<2x32x512xf32, #tpu.memory_space<vmem>> -> memref<1x32x512xf32, #tpu.memory_space<vmem>>
        %parallel_loop3A_575 = tpu.memref_squeeze %parallel_loop3A_574 : memref<1x32x512xf32, #tpu.memory_space<vmem>> -> memref<32x512xf32, #tpu.memory_space<vmem>>
        %parallel_loop3A_576 = arith.index_cast %parallel_loop3A_283 : i32 to index
        %parallel_loop3A_577 = arith.constant 208 : index
        %parallel_loop3A_578 = tpu.vector_load %parallel_loop3A_575[%parallel_loop3A_576, %parallel_loop3A_577] {strides = array<i32>} : memref<32x512xf32, #tpu.memory_space<vmem>>, vector<1x16xf32>,
        %parallel_loop3A_579 = vector.shape_cast %parallel_loop3A_578 : vector<1x16xf32> to vector<16xf32>
        %parallel_loop3A_580 = arith.constant 0 : i32
        %parallel_loop3A_581 = arith.constant 0 : i32
        %parallel_loop3A_582 = tpu.memref_slice %arg10[%parallel_loop3A_177, %parallel_loop3A_580, %parallel_loop3A_581] : memref<2x32x512xf32, #tpu.memory_space<vmem>> -> memref<1x32x512xf32, #tpu.memory_space<vmem>>
        %parallel_loop3A_583 = tpu.memref_squeeze %parallel_loop3A_582 : memref<1x32x512xf32, #tpu.memory_space<vmem>> -> memref<32x512xf32, #tpu.memory_space<vmem>>
        %parallel_loop3A_584 = arith.index_cast %parallel_loop3A_283 : i32 to index
        %parallel_loop3A_585 = arith.constant 208 : index
        %parallel_loop3A_586 = tpu.vector_load %parallel_loop3A_583[%parallel_loop3A_584, %parallel_loop3A_585] {strides = array<i32>} : memref<32x512xf32, #tpu.memory_space<vmem>>, vector<1x16xf32>,
        %parallel_loop3A_587 = vector.shape_cast %parallel_loop3A_586 : vector<1x16xf32> to vector<16xf32>
        %parallel_loop3A_588 = arith.mulf %parallel_loop3A_579, %parallel_loop3A_587 : vector<16xf32>
        %parallel_loop3A_589 = arith.addf %parallel_loop3A_545, %parallel_loop3A_588 : vector<16xf32>
        %parallel_loop3A_590 = arith.mulf %parallel_loop3A_587, %parallel_loop3A_587 : vector<16xf32>
        %parallel_loop3A_591 = arith.addf %parallel_loop3A_547, %parallel_loop3A_590 : vector<16xf32>
        %parallel_loop3A_592 = arith.mulf %parallel_loop3A_579, %parallel_loop3A_579 : vector<16xf32>
        %parallel_loop3A_593 = arith.addf %parallel_loop3A_549, %parallel_loop3A_592 : vector<16xf32>
        %parallel_loop3A_594 = arith.constant 0 : i32
        %parallel_loop3A_595 = arith.constant 0 : i32
        %parallel_loop3A_596 = tpu.memref_slice %arg9[%parallel_loop3A_176, %parallel_loop3A_594, %parallel_loop3A_595] : memref<2x32x512xf32, #tpu.memory_space<vmem>> -> memref<1x32x512xf32, #tpu.memory_space<vmem>>
        %parallel_loop3A_597 = tpu.memref_squeeze %parallel_loop3A_596 : memref<1x32x512xf32, #tpu.memory_space<vmem>> -> memref<32x512xf32, #tpu.memory_space<vmem>>
        %parallel_loop3A_598 = arith.index_cast %parallel_loop3A_283 : i32 to index
        %parallel_loop3A_599 = arith.constant 224 : index
        %parallel_loop3A_600 = tpu.vector_load %parallel_loop3A_597[%parallel_loop3A_598, %parallel_loop3A_599] {strides = array<i32>} : memref<32x512xf32, #tpu.memory_space<vmem>>, vector<1x16xf32>,
        %parallel_loop3A_601 = vector.shape_cast %parallel_loop3A_600 : vector<1x16xf32> to vector<16xf32>
        %parallel_loop3A_602 = arith.constant 0 : i32
        %parallel_loop3A_603 = arith.constant 0 : i32
        %parallel_loop3A_604 = tpu.memref_slice %arg10[%parallel_loop3A_177, %parallel_loop3A_602, %parallel_loop3A_603] : memref<2x32x512xf32, #tpu.memory_space<vmem>> -> memref<1x32x512xf32, #tpu.memory_space<vmem>>
        %parallel_loop3A_605 = tpu.memref_squeeze %parallel_loop3A_604 : memref<1x32x512xf32, #tpu.memory_space<vmem>> -> memref<32x512xf32, #tpu.memory_space<vmem>>
        %parallel_loop3A_606 = arith.index_cast %parallel_loop3A_283 : i32 to index
        %parallel_loop3A_607 = arith.constant 224 : index
        %parallel_loop3A_608 = tpu.vector_load %parallel_loop3A_605[%parallel_loop3A_606, %parallel_loop3A_607] {strides = array<i32>} : memref<32x512xf32, #tpu.memory_space<vmem>>, vector<1x16xf32>,
        %parallel_loop3A_609 = vector.shape_cast %parallel_loop3A_608 : vector<1x16xf32> to vector<16xf32>
        %parallel_loop3A_610 = arith.mulf %parallel_loop3A_601, %parallel_loop3A_609 : vector<16xf32>
        %parallel_loop3A_611 = arith.addf %parallel_loop3A_567, %parallel_loop3A_610 : vector<16xf32>
        %parallel_loop3A_612 = arith.mulf %parallel_loop3A_609, %parallel_loop3A_609 : vector<16xf32>
        %parallel_loop3A_613 = arith.addf %parallel_loop3A_569, %parallel_loop3A_612 : vector<16xf32>
        %parallel_loop3A_614 = arith.mulf %parallel_loop3A_601, %parallel_loop3A_601 : vector<16xf32>
        %parallel_loop3A_615 = arith.addf %parallel_loop3A_571, %parallel_loop3A_614 : vector<16xf32>
        %parallel_loop3A_616 = arith.constant 0 : i32
        %parallel_loop3A_617 = arith.constant 0 : i32
        %parallel_loop3A_618 = tpu.memref_slice %arg9[%parallel_loop3A_176, %parallel_loop3A_616, %parallel_loop3A_617] : memref<2x32x512xf32, #tpu.memory_space<vmem>> -> memref<1x32x512xf32, #tpu.memory_space<vmem>>
        %parallel_loop3A_619 = tpu.memref_squeeze %parallel_loop3A_618 : memref<1x32x512xf32, #tpu.memory_space<vmem>> -> memref<32x512xf32, #tpu.memory_space<vmem>>
        %parallel_loop3A_620 = arith.index_cast %parallel_loop3A_283 : i32 to index
        %parallel_loop3A_621 = arith.constant 240 : index
        %parallel_loop3A_622 = tpu.vector_load %parallel_loop3A_619[%parallel_loop3A_620, %parallel_loop3A_621] {strides = array<i32>} : memref<32x512xf32, #tpu.memory_space<vmem>>, vector<1x16xf32>,
        %parallel_loop3A_623 = vector.shape_cast %parallel_loop3A_622 : vector<1x16xf32> to vector<16xf32>
        %parallel_loop3A_624 = arith.constant 0 : i32
        %parallel_loop3A_625 = arith.constant 0 : i32
        %parallel_loop3A_626 = tpu.memref_slice %arg10[%parallel_loop3A_177, %parallel_loop3A_624, %parallel_loop3A_625] : memref<2x32x512xf32, #tpu.memory_space<vmem>> -> memref<1x32x512xf32, #tpu.memory_space<vmem>>
        %parallel_loop3A_627 = tpu.memref_squeeze %parallel_loop3A_626 : memref<1x32x512xf32, #tpu.memory_space<vmem>> -> memref<32x512xf32, #tpu.memory_space<vmem>>
        %parallel_loop3A_628 = arith.index_cast %parallel_loop3A_283 : i32 to index
        %parallel_loop3A_629 = arith.constant 240 : index
        %parallel_loop3A_630 = tpu.vector_load %parallel_loop3A_627[%parallel_loop3A_628, %parallel_loop3A_629] {strides = array<i32>} : memref<32x512xf32, #tpu.memory_space<vmem>>, vector<1x16xf32>,
        %parallel_loop3A_631 = vector.shape_cast %parallel_loop3A_630 : vector<1x16xf32> to vector<16xf32>
        %parallel_loop3A_632 = arith.mulf %parallel_loop3A_623, %parallel_loop3A_631 : vector<16xf32>
        %parallel_loop3A_633 = arith.addf %parallel_loop3A_589, %parallel_loop3A_632 : vector<16xf32>
        %parallel_loop3A_634 = arith.mulf %parallel_loop3A_631, %parallel_loop3A_631 : vector<16xf32>
        %parallel_loop3A_635 = arith.addf %parallel_loop3A_591, %parallel_loop3A_634 : vector<16xf32>
        %parallel_loop3A_636 = arith.mulf %parallel_loop3A_623, %parallel_loop3A_623 : vector<16xf32>
        %parallel_loop3A_637 = arith.addf %parallel_loop3A_593, %parallel_loop3A_636 : vector<16xf32>
        %parallel_loop3A_638 = arith.constant 0 : i32
        %parallel_loop3A_639 = arith.constant 0 : i32
        %parallel_loop3A_640 = tpu.memref_slice %arg9[%parallel_loop3A_176, %parallel_loop3A_638, %parallel_loop3A_639] : memref<2x32x512xf32, #tpu.memory_space<vmem>> -> memref<1x32x512xf32, #tpu.memory_space<vmem>>
        %parallel_loop3A_641 = tpu.memref_squeeze %parallel_loop3A_640 : memref<1x32x512xf32, #tpu.memory_space<vmem>> -> memref<32x512xf32, #tpu.memory_space<vmem>>
        %parallel_loop3A_642 = arith.index_cast %parallel_loop3A_283 : i32 to index
        %parallel_loop3A_643 = arith.constant 256 : index
        %parallel_loop3A_644 = tpu.vector_load %parallel_loop3A_641[%parallel_loop3A_642, %parallel_loop3A_643] {strides = array<i32>} : memref<32x512xf32, #tpu.memory_space<vmem>>, vector<1x16xf32>,
        %parallel_loop3A_645 = vector.shape_cast %parallel_loop3A_644 : vector<1x16xf32> to vector<16xf32>
        %parallel_loop3A_646 = arith.constant 0 : i32
        %parallel_loop3A_647 = arith.constant 0 : i32
        %parallel_loop3A_648 = tpu.memref_slice %arg10[%parallel_loop3A_177, %parallel_loop3A_646, %parallel_loop3A_647] : memref<2x32x512xf32, #tpu.memory_space<vmem>> -> memref<1x32x512xf32, #tpu.memory_space<vmem>>
        %parallel_loop3A_649 = tpu.memref_squeeze %parallel_loop3A_648 : memref<1x32x512xf32, #tpu.memory_space<vmem>> -> memref<32x512xf32, #tpu.memory_space<vmem>>
        %parallel_loop3A_650 = arith.index_cast %parallel_loop3A_283 : i32 to index
        %parallel_loop3A_651 = arith.constant 256 : index
        %parallel_loop3A_652 = tpu.vector_load %parallel_loop3A_649[%parallel_loop3A_650, %parallel_loop3A_651] {strides = array<i32>} : memref<32x512xf32, #tpu.memory_space<vmem>>, vector<1x16xf32>,
        %parallel_loop3A_653 = vector.shape_cast %parallel_loop3A_652 : vector<1x16xf32> to vector<16xf32>
        %parallel_loop3A_654 = arith.mulf %parallel_loop3A_645, %parallel_loop3A_653 : vector<16xf32>
        %parallel_loop3A_655 = arith.addf %parallel_loop3A_611, %parallel_loop3A_654 : vector<16xf32>
        %parallel_loop3A_656 = arith.mulf %parallel_loop3A_653, %parallel_loop3A_653 : vector<16xf32>
        %parallel_loop3A_657 = arith.addf %parallel_loop3A_613, %parallel_loop3A_656 : vector<16xf32>
        %parallel_loop3A_658 = arith.mulf %parallel_loop3A_645, %parallel_loop3A_645 : vector<16xf32>
        %parallel_loop3A_659 = arith.addf %parallel_loop3A_615, %parallel_loop3A_658 : vector<16xf32>
        %parallel_loop3A_660 = arith.constant 0 : i32
        %parallel_loop3A_661 = arith.constant 0 : i32
        %parallel_loop3A_662 = tpu.memref_slice %arg9[%parallel_loop3A_176, %parallel_loop3A_660, %parallel_loop3A_661] : memref<2x32x512xf32, #tpu.memory_space<vmem>> -> memref<1x32x512xf32, #tpu.memory_space<vmem>>
        %parallel_loop3A_663 = tpu.memref_squeeze %parallel_loop3A_662 : memref<1x32x512xf32, #tpu.memory_space<vmem>> -> memref<32x512xf32, #tpu.memory_space<vmem>>
        %parallel_loop3A_664 = arith.index_cast %parallel_loop3A_283 : i32 to index
        %parallel_loop3A_665 = arith.constant 272 : index
        %parallel_loop3A_666 = tpu.vector_load %parallel_loop3A_663[%parallel_loop3A_664, %parallel_loop3A_665] {strides = array<i32>} : memref<32x512xf32, #tpu.memory_space<vmem>>, vector<1x16xf32>,
        %parallel_loop3A_667 = vector.shape_cast %parallel_loop3A_666 : vector<1x16xf32> to vector<16xf32>
        %parallel_loop3A_668 = arith.constant 0 : i32
        %parallel_loop3A_669 = arith.constant 0 : i32
        %parallel_loop3A_670 = tpu.memref_slice %arg10[%parallel_loop3A_177, %parallel_loop3A_668, %parallel_loop3A_669] : memref<2x32x512xf32, #tpu.memory_space<vmem>> -> memref<1x32x512xf32, #tpu.memory_space<vmem>>
        %parallel_loop3A_671 = tpu.memref_squeeze %parallel_loop3A_670 : memref<1x32x512xf32, #tpu.memory_space<vmem>> -> memref<32x512xf32, #tpu.memory_space<vmem>>
        %parallel_loop3A_672 = arith.index_cast %parallel_loop3A_283 : i32 to index
        %parallel_loop3A_673 = arith.constant 272 : index
        %parallel_loop3A_674 = tpu.vector_load %parallel_loop3A_671[%parallel_loop3A_672, %parallel_loop3A_673] {strides = array<i32>} : memref<32x512xf32, #tpu.memory_space<vmem>>, vector<1x16xf32>,
        %parallel_loop3A_675 = vector.shape_cast %parallel_loop3A_674 : vector<1x16xf32> to vector<16xf32>
        %parallel_loop3A_676 = arith.mulf %parallel_loop3A_667, %parallel_loop3A_675 : vector<16xf32>
        %parallel_loop3A_677 = arith.addf %parallel_loop3A_633, %parallel_loop3A_676 : vector<16xf32>
        %parallel_loop3A_678 = arith.mulf %parallel_loop3A_675, %parallel_loop3A_675 : vector<16xf32>
        %parallel_loop3A_679 = arith.addf %parallel_loop3A_635, %parallel_loop3A_678 : vector<16xf32>
        %parallel_loop3A_680 = arith.mulf %parallel_loop3A_667, %parallel_loop3A_667 : vector<16xf32>
        %parallel_loop3A_681 = arith.addf %parallel_loop3A_637, %parallel_loop3A_680 : vector<16xf32>
        %parallel_loop3A_682 = arith.constant 0 : i32
        %parallel_loop3A_683 = arith.constant 0 : i32
        %parallel_loop3A_684 = tpu.memref_slice %arg9[%parallel_loop3A_176, %parallel_loop3A_682, %parallel_loop3A_683] : memref<2x32x512xf32, #tpu.memory_space<vmem>> -> memref<1x32x512xf32, #tpu.memory_space<vmem>>
        %parallel_loop3A_685 = tpu.memref_squeeze %parallel_loop3A_684 : memref<1x32x512xf32, #tpu.memory_space<vmem>> -> memref<32x512xf32, #tpu.memory_space<vmem>>
        %parallel_loop3A_686 = arith.index_cast %parallel_loop3A_283 : i32 to index
        %parallel_loop3A_687 = arith.constant 288 : index
        %parallel_loop3A_688 = tpu.vector_load %parallel_loop3A_685[%parallel_loop3A_686, %parallel_loop3A_687] {strides = array<i32>} : memref<32x512xf32, #tpu.memory_space<vmem>>, vector<1x16xf32>,
        %parallel_loop3A_689 = vector.shape_cast %parallel_loop3A_688 : vector<1x16xf32> to vector<16xf32>
        %parallel_loop3A_690 = arith.constant 0 : i32
        %parallel_loop3A_691 = arith.constant 0 : i32
        %parallel_loop3A_692 = tpu.memref_slice %arg10[%parallel_loop3A_177, %parallel_loop3A_690, %parallel_loop3A_691] : memref<2x32x512xf32, #tpu.memory_space<vmem>> -> memref<1x32x512xf32, #tpu.memory_space<vmem>>
        %parallel_loop3A_693 = tpu.memref_squeeze %parallel_loop3A_692 : memref<1x32x512xf32, #tpu.memory_space<vmem>> -> memref<32x512xf32, #tpu.memory_space<vmem>>
        %parallel_loop3A_694 = arith.index_cast %parallel_loop3A_283 : i32 to index
        %parallel_loop3A_695 = arith.constant 288 : index
        %parallel_loop3A_696 = tpu.vector_load %parallel_loop3A_693[%parallel_loop3A_694, %parallel_loop3A_695] {strides = array<i32>} : memref<32x512xf32, #tpu.memory_space<vmem>>, vector<1x16xf32>,
        %parallel_loop3A_697 = vector.shape_cast %parallel_loop3A_696 : vector<1x16xf32> to vector<16xf32>
        %parallel_loop3A_698 = arith.mulf %parallel_loop3A_689, %parallel_loop3A_697 : vector<16xf32>
        %parallel_loop3A_699 = arith.addf %parallel_loop3A_655, %parallel_loop3A_698 : vector<16xf32>
        %parallel_loop3A_700 = arith.mulf %parallel_loop3A_697, %parallel_loop3A_697 : vector<16xf32>
        %parallel_loop3A_701 = arith.addf %parallel_loop3A_657, %parallel_loop3A_700 : vector<16xf32>
        %parallel_loop3A_702 = arith.mulf %parallel_loop3A_689, %parallel_loop3A_689 : vector<16xf32>
        %parallel_loop3A_703 = arith.addf %parallel_loop3A_659, %parallel_loop3A_702 : vector<16xf32>
        %parallel_loop3A_704 = arith.constant 0 : i32
        %parallel_loop3A_705 = arith.constant 0 : i32
        %parallel_loop3A_706 = tpu.memref_slice %arg9[%parallel_loop3A_176, %parallel_loop3A_704, %parallel_loop3A_705] : memref<2x32x512xf32, #tpu.memory_space<vmem>> -> memref<1x32x512xf32, #tpu.memory_space<vmem>>
        %parallel_loop3A_707 = tpu.memref_squeeze %parallel_loop3A_706 : memref<1x32x512xf32, #tpu.memory_space<vmem>> -> memref<32x512xf32, #tpu.memory_space<vmem>>
        %parallel_loop3A_708 = arith.index_cast %parallel_loop3A_283 : i32 to index
        %parallel_loop3A_709 = arith.constant 304 : index
        %parallel_loop3A_710 = tpu.vector_load %parallel_loop3A_707[%parallel_loop3A_708, %parallel_loop3A_709] {strides = array<i32>} : memref<32x512xf32, #tpu.memory_space<vmem>>, vector<1x16xf32>,
        %parallel_loop3A_711 = vector.shape_cast %parallel_loop3A_710 : vector<1x16xf32> to vector<16xf32>
        %parallel_loop3A_712 = arith.constant 0 : i32
        %parallel_loop3A_713 = arith.constant 0 : i32
        %parallel_loop3A_714 = tpu.memref_slice %arg10[%parallel_loop3A_177, %parallel_loop3A_712, %parallel_loop3A_713] : memref<2x32x512xf32, #tpu.memory_space<vmem>> -> memref<1x32x512xf32, #tpu.memory_space<vmem>>
        %parallel_loop3A_715 = tpu.memref_squeeze %parallel_loop3A_714 : memref<1x32x512xf32, #tpu.memory_space<vmem>> -> memref<32x512xf32, #tpu.memory_space<vmem>>
        %parallel_loop3A_716 = arith.index_cast %parallel_loop3A_283 : i32 to index
        %parallel_loop3A_717 = arith.constant 304 : index
        %parallel_loop3A_718 = tpu.vector_load %parallel_loop3A_715[%parallel_loop3A_716, %parallel_loop3A_717] {strides = array<i32>} : memref<32x512xf32, #tpu.memory_space<vmem>>, vector<1x16xf32>,
        %parallel_loop3A_719 = vector.shape_cast %parallel_loop3A_718 : vector<1x16xf32> to vector<16xf32>
        %parallel_loop3A_720 = arith.mulf %parallel_loop3A_711, %parallel_loop3A_719 : vector<16xf32>
        %parallel_loop3A_721 = arith.addf %parallel_loop3A_677, %parallel_loop3A_720 : vector<16xf32>
        %parallel_loop3A_722 = arith.mulf %parallel_loop3A_719, %parallel_loop3A_719 : vector<16xf32>
        %parallel_loop3A_723 = arith.addf %parallel_loop3A_679, %parallel_loop3A_722 : vector<16xf32>
        %parallel_loop3A_724 = arith.mulf %parallel_loop3A_711, %parallel_loop3A_711 : vector<16xf32>
        %parallel_loop3A_725 = arith.addf %parallel_loop3A_681, %parallel_loop3A_724 : vector<16xf32>
        %parallel_loop3A_726 = arith.constant 0 : i32
        %parallel_loop3A_727 = arith.constant 0 : i32
        %parallel_loop3A_728 = tpu.memref_slice %arg9[%parallel_loop3A_176, %parallel_loop3A_726, %parallel_loop3A_727] : memref<2x32x512xf32, #tpu.memory_space<vmem>> -> memref<1x32x512xf32, #tpu.memory_space<vmem>>
        %parallel_loop3A_729 = tpu.memref_squeeze %parallel_loop3A_728 : memref<1x32x512xf32, #tpu.memory_space<vmem>> -> memref<32x512xf32, #tpu.memory_space<vmem>>
        %parallel_loop3A_730 = arith.index_cast %parallel_loop3A_283 : i32 to index
        %parallel_loop3A_731 = arith.constant 320 : index
        %parallel_loop3A_732 = tpu.vector_load %parallel_loop3A_729[%parallel_loop3A_730, %parallel_loop3A_731] {strides = array<i32>} : memref<32x512xf32, #tpu.memory_space<vmem>>, vector<1x16xf32>,
        %parallel_loop3A_733 = vector.shape_cast %parallel_loop3A_732 : vector<1x16xf32> to vector<16xf32>
        %parallel_loop3A_734 = arith.constant 0 : i32
        %parallel_loop3A_735 = arith.constant 0 : i32
        %parallel_loop3A_736 = tpu.memref_slice %arg10[%parallel_loop3A_177, %parallel_loop3A_734, %parallel_loop3A_735] : memref<2x32x512xf32, #tpu.memory_space<vmem>> -> memref<1x32x512xf32, #tpu.memory_space<vmem>>
        %parallel_loop3A_737 = tpu.memref_squeeze %parallel_loop3A_736 : memref<1x32x512xf32, #tpu.memory_space<vmem>> -> memref<32x512xf32, #tpu.memory_space<vmem>>
        %parallel_loop3A_738 = arith.index_cast %parallel_loop3A_283 : i32 to index
        %parallel_loop3A_739 = arith.constant 320 : index
        %parallel_loop3A_740 = tpu.vector_load %parallel_loop3A_737[%parallel_loop3A_738, %parallel_loop3A_739] {strides = array<i32>} : memref<32x512xf32, #tpu.memory_space<vmem>>, vector<1x16xf32>,
        %parallel_loop3A_741 = vector.shape_cast %parallel_loop3A_740 : vector<1x16xf32> to vector<16xf32>
        %parallel_loop3A_742 = arith.mulf %parallel_loop3A_733, %parallel_loop3A_741 : vector<16xf32>
        %parallel_loop3A_743 = arith.addf %parallel_loop3A_699, %parallel_loop3A_742 : vector<16xf32>
        %parallel_loop3A_744 = arith.mulf %parallel_loop3A_741, %parallel_loop3A_741 : vector<16xf32>
        %parallel_loop3A_745 = arith.addf %parallel_loop3A_701, %parallel_loop3A_744 : vector<16xf32>
        %parallel_loop3A_746 = arith.mulf %parallel_loop3A_733, %parallel_loop3A_733 : vector<16xf32>
        %parallel_loop3A_747 = arith.addf %parallel_loop3A_703, %parallel_loop3A_746 : vector<16xf32>
        %parallel_loop3A_748 = arith.constant 0 : i32
        %parallel_loop3A_749 = arith.constant 0 : i32
        %parallel_loop3A_750 = tpu.memref_slice %arg9[%parallel_loop3A_176, %parallel_loop3A_748, %parallel_loop3A_749] : memref<2x32x512xf32, #tpu.memory_space<vmem>> -> memref<1x32x512xf32, #tpu.memory_space<vmem>>
        %parallel_loop3A_751 = tpu.memref_squeeze %parallel_loop3A_750 : memref<1x32x512xf32, #tpu.memory_space<vmem>> -> memref<32x512xf32, #tpu.memory_space<vmem>>
        %parallel_loop3A_752 = arith.index_cast %parallel_loop3A_283 : i32 to index
        %parallel_loop3A_753 = arith.constant 336 : index
        %parallel_loop3A_754 = tpu.vector_load %parallel_loop3A_751[%parallel_loop3A_752, %parallel_loop3A_753] {strides = array<i32>} : memref<32x512xf32, #tpu.memory_space<vmem>>, vector<1x16xf32>,
        %parallel_loop3A_755 = vector.shape_cast %parallel_loop3A_754 : vector<1x16xf32> to vector<16xf32>
        %parallel_loop3A_756 = arith.constant 0 : i32
        %parallel_loop3A_757 = arith.constant 0 : i32
        %parallel_loop3A_758 = tpu.memref_slice %arg10[%parallel_loop3A_177, %parallel_loop3A_756, %parallel_loop3A_757] : memref<2x32x512xf32, #tpu.memory_space<vmem>> -> memref<1x32x512xf32, #tpu.memory_space<vmem>>
        %parallel_loop3A_759 = tpu.memref_squeeze %parallel_loop3A_758 : memref<1x32x512xf32, #tpu.memory_space<vmem>> -> memref<32x512xf32, #tpu.memory_space<vmem>>
        %parallel_loop3A_760 = arith.index_cast %parallel_loop3A_283 : i32 to index
        %parallel_loop3A_761 = arith.constant 336 : index
        %parallel_loop3A_762 = tpu.vector_load %parallel_loop3A_759[%parallel_loop3A_760, %parallel_loop3A_761] {strides = array<i32>} : memref<32x512xf32, #tpu.memory_space<vmem>>, vector<1x16xf32>,
        %parallel_loop3A_763 = vector.shape_cast %parallel_loop3A_762 : vector<1x16xf32> to vector<16xf32>
        %parallel_loop3A_764 = arith.mulf %parallel_loop3A_755, %parallel_loop3A_763 : vector<16xf32>
        %parallel_loop3A_765 = arith.addf %parallel_loop3A_721, %parallel_loop3A_764 : vector<16xf32>
        %parallel_loop3A_766 = arith.mulf %parallel_loop3A_763, %parallel_loop3A_763 : vector<16xf32>
        %parallel_loop3A_767 = arith.addf %parallel_loop3A_723, %parallel_loop3A_766 : vector<16xf32>
        %parallel_loop3A_768 = arith.mulf %parallel_loop3A_755, %parallel_loop3A_755 : vector<16xf32>
        %parallel_loop3A_769 = arith.addf %parallel_loop3A_725, %parallel_loop3A_768 : vector<16xf32>
        %parallel_loop3A_770 = arith.constant 0 : i32
        %parallel_loop3A_771 = arith.constant 0 : i32
        %parallel_loop3A_772 = tpu.memref_slice %arg9[%parallel_loop3A_176, %parallel_loop3A_770, %parallel_loop3A_771] : memref<2x32x512xf32, #tpu.memory_space<vmem>> -> memref<1x32x512xf32, #tpu.memory_space<vmem>>
        %parallel_loop3A_773 = tpu.memref_squeeze %parallel_loop3A_772 : memref<1x32x512xf32, #tpu.memory_space<vmem>> -> memref<32x512xf32, #tpu.memory_space<vmem>>
        %parallel_loop3A_774 = arith.index_cast %parallel_loop3A_283 : i32 to index
        %parallel_loop3A_775 = arith.constant 352 : index
        %parallel_loop3A_776 = tpu.vector_load %parallel_loop3A_773[%parallel_loop3A_774, %parallel_loop3A_775] {strides = array<i32>} : memref<32x512xf32, #tpu.memory_space<vmem>>, vector<1x16xf32>,
        %parallel_loop3A_777 = vector.shape_cast %parallel_loop3A_776 : vector<1x16xf32> to vector<16xf32>
        %parallel_loop3A_778 = arith.constant 0 : i32
        %parallel_loop3A_779 = arith.constant 0 : i32
        %parallel_loop3A_780 = tpu.memref_slice %arg10[%parallel_loop3A_177, %parallel_loop3A_778, %parallel_loop3A_779] : memref<2x32x512xf32, #tpu.memory_space<vmem>> -> memref<1x32x512xf32, #tpu.memory_space<vmem>>
        %parallel_loop3A_781 = tpu.memref_squeeze %parallel_loop3A_780 : memref<1x32x512xf32, #tpu.memory_space<vmem>> -> memref<32x512xf32, #tpu.memory_space<vmem>>
        %parallel_loop3A_782 = arith.index_cast %parallel_loop3A_283 : i32 to index
        %parallel_loop3A_783 = arith.constant 352 : index
        %parallel_loop3A_784 = tpu.vector_load %parallel_loop3A_781[%parallel_loop3A_782, %parallel_loop3A_783] {strides = array<i32>} : memref<32x512xf32, #tpu.memory_space<vmem>>, vector<1x16xf32>,
        %parallel_loop3A_785 = vector.shape_cast %parallel_loop3A_784 : vector<1x16xf32> to vector<16xf32>
        %parallel_loop3A_786 = arith.mulf %parallel_loop3A_777, %parallel_loop3A_785 : vector<16xf32>
        %parallel_loop3A_787 = arith.addf %parallel_loop3A_743, %parallel_loop3A_786 : vector<16xf32>
        %parallel_loop3A_788 = arith.mulf %parallel_loop3A_785, %parallel_loop3A_785 : vector<16xf32>
        %parallel_loop3A_789 = arith.addf %parallel_loop3A_745, %parallel_loop3A_788 : vector<16xf32>
        %parallel_loop3A_790 = arith.mulf %parallel_loop3A_777, %parallel_loop3A_777 : vector<16xf32>
        %parallel_loop3A_791 = arith.addf %parallel_loop3A_747, %parallel_loop3A_790 : vector<16xf32>
        %parallel_loop3A_792 = arith.constant 0 : i32
        %parallel_loop3A_793 = arith.constant 0 : i32
        %parallel_loop3A_794 = tpu.memref_slice %arg9[%parallel_loop3A_176, %parallel_loop3A_792, %parallel_loop3A_793] : memref<2x32x512xf32, #tpu.memory_space<vmem>> -> memref<1x32x512xf32, #tpu.memory_space<vmem>>
        %parallel_loop3A_795 = tpu.memref_squeeze %parallel_loop3A_794 : memref<1x32x512xf32, #tpu.memory_space<vmem>> -> memref<32x512xf32, #tpu.memory_space<vmem>>
        %parallel_loop3A_796 = arith.index_cast %parallel_loop3A_283 : i32 to index
        %parallel_loop3A_797 = arith.constant 368 : index
        %parallel_loop3A_798 = tpu.vector_load %parallel_loop3A_795[%parallel_loop3A_796, %parallel_loop3A_797] {strides = array<i32>} : memref<32x512xf32, #tpu.memory_space<vmem>>, vector<1x16xf32>,
        %parallel_loop3A_799 = vector.shape_cast %parallel_loop3A_798 : vector<1x16xf32> to vector<16xf32>
        %parallel_loop3A_800 = arith.constant 0 : i32
        %parallel_loop3A_801 = arith.constant 0 : i32
        %parallel_loop3A_802 = tpu.memref_slice %arg10[%parallel_loop3A_177, %parallel_loop3A_800, %parallel_loop3A_801] : memref<2x32x512xf32, #tpu.memory_space<vmem>> -> memref<1x32x512xf32, #tpu.memory_space<vmem>>
        %parallel_loop3A_803 = tpu.memref_squeeze %parallel_loop3A_802 : memref<1x32x512xf32, #tpu.memory_space<vmem>> -> memref<32x512xf32, #tpu.memory_space<vmem>>
        %parallel_loop3A_804 = arith.index_cast %parallel_loop3A_283 : i32 to index
        %parallel_loop3A_805 = arith.constant 368 : index
        %parallel_loop3A_806 = tpu.vector_load %parallel_loop3A_803[%parallel_loop3A_804, %parallel_loop3A_805] {strides = array<i32>} : memref<32x512xf32, #tpu.memory_space<vmem>>, vector<1x16xf32>,
        %parallel_loop3A_807 = vector.shape_cast %parallel_loop3A_806 : vector<1x16xf32> to vector<16xf32>
        %parallel_loop3A_808 = arith.mulf %parallel_loop3A_799, %parallel_loop3A_807 : vector<16xf32>
        %parallel_loop3A_809 = arith.addf %parallel_loop3A_765, %parallel_loop3A_808 : vector<16xf32>
        %parallel_loop3A_810 = arith.mulf %parallel_loop3A_807, %parallel_loop3A_807 : vector<16xf32>
        %parallel_loop3A_811 = arith.addf %parallel_loop3A_767, %parallel_loop3A_810 : vector<16xf32>
        %parallel_loop3A_812 = arith.mulf %parallel_loop3A_799, %parallel_loop3A_799 : vector<16xf32>
        %parallel_loop3A_813 = arith.addf %parallel_loop3A_769, %parallel_loop3A_812 : vector<16xf32>
        %parallel_loop3A_814 = arith.constant 0 : i32
        %parallel_loop3A_815 = arith.constant 0 : i32
        %parallel_loop3A_816 = tpu.memref_slice %arg9[%parallel_loop3A_176, %parallel_loop3A_814, %parallel_loop3A_815] : memref<2x32x512xf32, #tpu.memory_space<vmem>> -> memref<1x32x512xf32, #tpu.memory_space<vmem>>
        %parallel_loop3A_817 = tpu.memref_squeeze %parallel_loop3A_816 : memref<1x32x512xf32, #tpu.memory_space<vmem>> -> memref<32x512xf32, #tpu.memory_space<vmem>>
        %parallel_loop3A_818 = arith.index_cast %parallel_loop3A_283 : i32 to index
        %parallel_loop3A_819 = arith.constant 384 : index
        %parallel_loop3A_820 = tpu.vector_load %parallel_loop3A_817[%parallel_loop3A_818, %parallel_loop3A_819] {strides = array<i32>} : memref<32x512xf32, #tpu.memory_space<vmem>>, vector<1x16xf32>,
        %parallel_loop3A_821 = vector.shape_cast %parallel_loop3A_820 : vector<1x16xf32> to vector<16xf32>
        %parallel_loop3A_822 = arith.constant 0 : i32
        %parallel_loop3A_823 = arith.constant 0 : i32
        %parallel_loop3A_824 = tpu.memref_slice %arg10[%parallel_loop3A_177, %parallel_loop3A_822, %parallel_loop3A_823] : memref<2x32x512xf32, #tpu.memory_space<vmem>> -> memref<1x32x512xf32, #tpu.memory_space<vmem>>
        %parallel_loop3A_825 = tpu.memref_squeeze %parallel_loop3A_824 : memref<1x32x512xf32, #tpu.memory_space<vmem>> -> memref<32x512xf32, #tpu.memory_space<vmem>>
        %parallel_loop3A_826 = arith.index_cast %parallel_loop3A_283 : i32 to index
        %parallel_loop3A_827 = arith.constant 384 : index
        %parallel_loop3A_828 = tpu.vector_load %parallel_loop3A_825[%parallel_loop3A_826, %parallel_loop3A_827] {strides = array<i32>} : memref<32x512xf32, #tpu.memory_space<vmem>>, vector<1x16xf32>,
        %parallel_loop3A_829 = vector.shape_cast %parallel_loop3A_828 : vector<1x16xf32> to vector<16xf32>
        %parallel_loop3A_830 = arith.mulf %parallel_loop3A_821, %parallel_loop3A_829 : vector<16xf32>
        %parallel_loop3A_831 = arith.addf %parallel_loop3A_787, %parallel_loop3A_830 : vector<16xf32>
        %parallel_loop3A_832 = arith.mulf %parallel_loop3A_829, %parallel_loop3A_829 : vector<16xf32>
        %parallel_loop3A_833 = arith.addf %parallel_loop3A_789, %parallel_loop3A_832 : vector<16xf32>
        %parallel_loop3A_834 = arith.mulf %parallel_loop3A_821, %parallel_loop3A_821 : vector<16xf32>
        %parallel_loop3A_835 = arith.addf %parallel_loop3A_791, %parallel_loop3A_834 : vector<16xf32>
        %parallel_loop3A_836 = arith.constant 0 : i32
        %parallel_loop3A_837 = arith.constant 0 : i32
        %parallel_loop3A_838 = tpu.memref_slice %arg9[%parallel_loop3A_176, %parallel_loop3A_836, %parallel_loop3A_837] : memref<2x32x512xf32, #tpu.memory_space<vmem>> -> memref<1x32x512xf32, #tpu.memory_space<vmem>>
        %parallel_loop3A_839 = tpu.memref_squeeze %parallel_loop3A_838 : memref<1x32x512xf32, #tpu.memory_space<vmem>> -> memref<32x512xf32, #tpu.memory_space<vmem>>
        %parallel_loop3A_840 = arith.index_cast %parallel_loop3A_283 : i32 to index
        %parallel_loop3A_841 = arith.constant 400 : index
        %parallel_loop3A_842 = tpu.vector_load %parallel_loop3A_839[%parallel_loop3A_840, %parallel_loop3A_841] {strides = array<i32>} : memref<32x512xf32, #tpu.memory_space<vmem>>, vector<1x16xf32>,
        %parallel_loop3A_843 = vector.shape_cast %parallel_loop3A_842 : vector<1x16xf32> to vector<16xf32>
        %parallel_loop3A_844 = arith.constant 0 : i32
        %parallel_loop3A_845 = arith.constant 0 : i32
        %parallel_loop3A_846 = tpu.memref_slice %arg10[%parallel_loop3A_177, %parallel_loop3A_844, %parallel_loop3A_845] : memref<2x32x512xf32, #tpu.memory_space<vmem>> -> memref<1x32x512xf32, #tpu.memory_space<vmem>>
        %parallel_loop3A_847 = tpu.memref_squeeze %parallel_loop3A_846 : memref<1x32x512xf32, #tpu.memory_space<vmem>> -> memref<32x512xf32, #tpu.memory_space<vmem>>
        %parallel_loop3A_848 = arith.index_cast %parallel_loop3A_283 : i32 to index
        %parallel_loop3A_849 = arith.constant 400 : index
        %parallel_loop3A_850 = tpu.vector_load %parallel_loop3A_847[%parallel_loop3A_848, %parallel_loop3A_849] {strides = array<i32>} : memref<32x512xf32, #tpu.memory_space<vmem>>, vector<1x16xf32>,
        %parallel_loop3A_851 = vector.shape_cast %parallel_loop3A_850 : vector<1x16xf32> to vector<16xf32>
        %parallel_loop3A_852 = arith.mulf %parallel_loop3A_843, %parallel_loop3A_851 : vector<16xf32>
        %parallel_loop3A_853 = arith.addf %parallel_loop3A_809, %parallel_loop3A_852 : vector<16xf32>
        %parallel_loop3A_854 = arith.mulf %parallel_loop3A_851, %parallel_loop3A_851 : vector<16xf32>
        %parallel_loop3A_855 = arith.addf %parallel_loop3A_811, %parallel_loop3A_854 : vector<16xf32>
        %parallel_loop3A_856 = arith.mulf %parallel_loop3A_843, %parallel_loop3A_843 : vector<16xf32>
        %parallel_loop3A_857 = arith.addf %parallel_loop3A_813, %parallel_loop3A_856 : vector<16xf32>
        %parallel_loop3A_858 = arith.constant 0 : i32
        %parallel_loop3A_859 = arith.constant 0 : i32
        %parallel_loop3A_860 = tpu.memref_slice %arg9[%parallel_loop3A_176, %parallel_loop3A_858, %parallel_loop3A_859] : memref<2x32x512xf32, #tpu.memory_space<vmem>> -> memref<1x32x512xf32, #tpu.memory_space<vmem>>
        %parallel_loop3A_861 = tpu.memref_squeeze %parallel_loop3A_860 : memref<1x32x512xf32, #tpu.memory_space<vmem>> -> memref<32x512xf32, #tpu.memory_space<vmem>>
        %parallel_loop3A_862 = arith.index_cast %parallel_loop3A_283 : i32 to index
        %parallel_loop3A_863 = arith.constant 416 : index
        %parallel_loop3A_864 = tpu.vector_load %parallel_loop3A_861[%parallel_loop3A_862, %parallel_loop3A_863] {strides = array<i32>} : memref<32x512xf32, #tpu.memory_space<vmem>>, vector<1x16xf32>,
        %parallel_loop3A_865 = vector.shape_cast %parallel_loop3A_864 : vector<1x16xf32> to vector<16xf32>
        %parallel_loop3A_866 = arith.constant 0 : i32
        %parallel_loop3A_867 = arith.constant 0 : i32
        %parallel_loop3A_868 = tpu.memref_slice %arg10[%parallel_loop3A_177, %parallel_loop3A_866, %parallel_loop3A_867] : memref<2x32x512xf32, #tpu.memory_space<vmem>> -> memref<1x32x512xf32, #tpu.memory_space<vmem>>
        %parallel_loop3A_869 = tpu.memref_squeeze %parallel_loop3A_868 : memref<1x32x512xf32, #tpu.memory_space<vmem>> -> memref<32x512xf32, #tpu.memory_space<vmem>>
        %parallel_loop3A_870 = arith.index_cast %parallel_loop3A_283 : i32 to index
        %parallel_loop3A_871 = arith.constant 416 : index
        %parallel_loop3A_872 = tpu.vector_load %parallel_loop3A_869[%parallel_loop3A_870, %parallel_loop3A_871] {strides = array<i32>} : memref<32x512xf32, #tpu.memory_space<vmem>>, vector<1x16xf32>,
        %parallel_loop3A_873 = vector.shape_cast %parallel_loop3A_872 : vector<1x16xf32> to vector<16xf32>
        %parallel_loop3A_874 = arith.mulf %parallel_loop3A_865, %parallel_loop3A_873 : vector<16xf32>
        %parallel_loop3A_875 = arith.addf %parallel_loop3A_831, %parallel_loop3A_874 : vector<16xf32>
        %parallel_loop3A_876 = arith.mulf %parallel_loop3A_873, %parallel_loop3A_873 : vector<16xf32>
        %parallel_loop3A_877 = arith.addf %parallel_loop3A_833, %parallel_loop3A_876 : vector<16xf32>
        %parallel_loop3A_878 = arith.mulf %parallel_loop3A_865, %parallel_loop3A_865 : vector<16xf32>
        %parallel_loop3A_879 = arith.addf %parallel_loop3A_835, %parallel_loop3A_878 : vector<16xf32>
        %parallel_loop3A_880 = arith.constant 0 : i32
        %parallel_loop3A_881 = arith.constant 0 : i32
        %parallel_loop3A_882 = tpu.memref_slice %arg9[%parallel_loop3A_176, %parallel_loop3A_880, %parallel_loop3A_881] : memref<2x32x512xf32, #tpu.memory_space<vmem>> -> memref<1x32x512xf32, #tpu.memory_space<vmem>>
        %parallel_loop3A_883 = tpu.memref_squeeze %parallel_loop3A_882 : memref<1x32x512xf32, #tpu.memory_space<vmem>> -> memref<32x512xf32, #tpu.memory_space<vmem>>
        %parallel_loop3A_884 = arith.index_cast %parallel_loop3A_283 : i32 to index
        %parallel_loop3A_885 = arith.constant 432 : index
        %parallel_loop3A_886 = tpu.vector_load %parallel_loop3A_883[%parallel_loop3A_884, %parallel_loop3A_885] {strides = array<i32>} : memref<32x512xf32, #tpu.memory_space<vmem>>, vector<1x16xf32>,
        %parallel_loop3A_887 = vector.shape_cast %parallel_loop3A_886 : vector<1x16xf32> to vector<16xf32>
        %parallel_loop3A_888 = arith.constant 0 : i32
        %parallel_loop3A_889 = arith.constant 0 : i32
        %parallel_loop3A_890 = tpu.memref_slice %arg10[%parallel_loop3A_177, %parallel_loop3A_888, %parallel_loop3A_889] : memref<2x32x512xf32, #tpu.memory_space<vmem>> -> memref<1x32x512xf32, #tpu.memory_space<vmem>>
        %parallel_loop3A_891 = tpu.memref_squeeze %parallel_loop3A_890 : memref<1x32x512xf32, #tpu.memory_space<vmem>> -> memref<32x512xf32, #tpu.memory_space<vmem>>
        %parallel_loop3A_892 = arith.index_cast %parallel_loop3A_283 : i32 to index
        %parallel_loop3A_893 = arith.constant 432 : index
        %parallel_loop3A_894 = tpu.vector_load %parallel_loop3A_891[%parallel_loop3A_892, %parallel_loop3A_893] {strides = array<i32>} : memref<32x512xf32, #tpu.memory_space<vmem>>, vector<1x16xf32>,
        %parallel_loop3A_895 = vector.shape_cast %parallel_loop3A_894 : vector<1x16xf32> to vector<16xf32>
        %parallel_loop3A_896 = arith.mulf %parallel_loop3A_887, %parallel_loop3A_895 : vector<16xf32>
        %parallel_loop3A_897 = arith.addf %parallel_loop3A_853, %parallel_loop3A_896 : vector<16xf32>
        %parallel_loop3A_898 = arith.mulf %parallel_loop3A_895, %parallel_loop3A_895 : vector<16xf32>
        %parallel_loop3A_899 = arith.addf %parallel_loop3A_855, %parallel_loop3A_898 : vector<16xf32>
        %parallel_loop3A_900 = arith.mulf %parallel_loop3A_887, %parallel_loop3A_887 : vector<16xf32>
        %parallel_loop3A_901 = arith.addf %parallel_loop3A_857, %parallel_loop3A_900 : vector<16xf32>
        %parallel_loop3A_902 = arith.constant 0 : i32
        %parallel_loop3A_903 = arith.constant 0 : i32
        %parallel_loop3A_904 = tpu.memref_slice %arg9[%parallel_loop3A_176, %parallel_loop3A_902, %parallel_loop3A_903] : memref<2x32x512xf32, #tpu.memory_space<vmem>> -> memref<1x32x512xf32, #tpu.memory_space<vmem>>
        %parallel_loop3A_905 = tpu.memref_squeeze %parallel_loop3A_904 : memref<1x32x512xf32, #tpu.memory_space<vmem>> -> memref<32x512xf32, #tpu.memory_space<vmem>>
        %parallel_loop3A_906 = arith.index_cast %parallel_loop3A_283 : i32 to index
        %parallel_loop3A_907 = arith.constant 448 : index
        %parallel_loop3A_908 = tpu.vector_load %parallel_loop3A_905[%parallel_loop3A_906, %parallel_loop3A_907] {strides = array<i32>} : memref<32x512xf32, #tpu.memory_space<vmem>>, vector<1x16xf32>,
        %parallel_loop3A_909 = vector.shape_cast %parallel_loop3A_908 : vector<1x16xf32> to vector<16xf32>
        %parallel_loop3A_910 = arith.constant 0 : i32
        %parallel_loop3A_911 = arith.constant 0 : i32
        %parallel_loop3A_912 = tpu.memref_slice %arg10[%parallel_loop3A_177, %parallel_loop3A_910, %parallel_loop3A_911] : memref<2x32x512xf32, #tpu.memory_space<vmem>> -> memref<1x32x512xf32, #tpu.memory_space<vmem>>
        %parallel_loop3A_913 = tpu.memref_squeeze %parallel_loop3A_912 : memref<1x32x512xf32, #tpu.memory_space<vmem>> -> memref<32x512xf32, #tpu.memory_space<vmem>>
        %parallel_loop3A_914 = arith.index_cast %parallel_loop3A_283 : i32 to index
        %parallel_loop3A_915 = arith.constant 448 : index
        %parallel_loop3A_916 = tpu.vector_load %parallel_loop3A_913[%parallel_loop3A_914, %parallel_loop3A_915] {strides = array<i32>} : memref<32x512xf32, #tpu.memory_space<vmem>>, vector<1x16xf32>,
        %parallel_loop3A_917 = vector.shape_cast %parallel_loop3A_916 : vector<1x16xf32> to vector<16xf32>
        %parallel_loop3A_918 = arith.mulf %parallel_loop3A_909, %parallel_loop3A_917 : vector<16xf32>
        %parallel_loop3A_919 = arith.addf %parallel_loop3A_875, %parallel_loop3A_918 : vector<16xf32>
        %parallel_loop3A_920 = arith.mulf %parallel_loop3A_917, %parallel_loop3A_917 : vector<16xf32>
        %parallel_loop3A_921 = arith.addf %parallel_loop3A_877, %parallel_loop3A_920 : vector<16xf32>
        %parallel_loop3A_922 = arith.mulf %parallel_loop3A_909, %parallel_loop3A_909 : vector<16xf32>
        %parallel_loop3A_923 = arith.addf %parallel_loop3A_879, %parallel_loop3A_922 : vector<16xf32>
        %parallel_loop3A_924 = arith.constant 0 : i32
        %parallel_loop3A_925 = arith.constant 0 : i32
        %parallel_loop3A_926 = tpu.memref_slice %arg9[%parallel_loop3A_176, %parallel_loop3A_924, %parallel_loop3A_925] : memref<2x32x512xf32, #tpu.memory_space<vmem>> -> memref<1x32x512xf32, #tpu.memory_space<vmem>>
        %parallel_loop3A_927 = tpu.memref_squeeze %parallel_loop3A_926 : memref<1x32x512xf32, #tpu.memory_space<vmem>> -> memref<32x512xf32, #tpu.memory_space<vmem>>
        %parallel_loop3A_928 = arith.index_cast %parallel_loop3A_283 : i32 to index
        %parallel_loop3A_929 = arith.constant 464 : index
        %parallel_loop3A_930 = tpu.vector_load %parallel_loop3A_927[%parallel_loop3A_928, %parallel_loop3A_929] {strides = array<i32>} : memref<32x512xf32, #tpu.memory_space<vmem>>, vector<1x16xf32>,
        %parallel_loop3A_931 = vector.shape_cast %parallel_loop3A_930 : vector<1x16xf32> to vector<16xf32>
        %parallel_loop3A_932 = arith.constant 0 : i32
        %parallel_loop3A_933 = arith.constant 0 : i32
        %parallel_loop3A_934 = tpu.memref_slice %arg10[%parallel_loop3A_177, %parallel_loop3A_932, %parallel_loop3A_933] : memref<2x32x512xf32, #tpu.memory_space<vmem>> -> memref<1x32x512xf32, #tpu.memory_space<vmem>>
        %parallel_loop3A_935 = tpu.memref_squeeze %parallel_loop3A_934 : memref<1x32x512xf32, #tpu.memory_space<vmem>> -> memref<32x512xf32, #tpu.memory_space<vmem>>
        %parallel_loop3A_936 = arith.index_cast %parallel_loop3A_283 : i32 to index
        %parallel_loop3A_937 = arith.constant 464 : index
        %parallel_loop3A_938 = tpu.vector_load %parallel_loop3A_935[%parallel_loop3A_936, %parallel_loop3A_937] {strides = array<i32>} : memref<32x512xf32, #tpu.memory_space<vmem>>, vector<1x16xf32>,
        %parallel_loop3A_939 = vector.shape_cast %parallel_loop3A_938 : vector<1x16xf32> to vector<16xf32>
        %parallel_loop3A_940 = arith.mulf %parallel_loop3A_931, %parallel_loop3A_939 : vector<16xf32>
        %parallel_loop3A_941 = arith.addf %parallel_loop3A_897, %parallel_loop3A_940 : vector<16xf32>
        %parallel_loop3A_942 = arith.mulf %parallel_loop3A_939, %parallel_loop3A_939 : vector<16xf32>
        %parallel_loop3A_943 = arith.addf %parallel_loop3A_899, %parallel_loop3A_942 : vector<16xf32>
        %parallel_loop3A_944 = arith.mulf %parallel_loop3A_931, %parallel_loop3A_931 : vector<16xf32>
        %parallel_loop3A_945 = arith.addf %parallel_loop3A_901, %parallel_loop3A_944 : vector<16xf32>
        %parallel_loop3A_946 = arith.constant 0 : i32
        %parallel_loop3A_947 = arith.constant 0 : i32
        %parallel_loop3A_948 = tpu.memref_slice %arg9[%parallel_loop3A_176, %parallel_loop3A_946, %parallel_loop3A_947] : memref<2x32x512xf32, #tpu.memory_space<vmem>> -> memref<1x32x512xf32, #tpu.memory_space<vmem>>
        %parallel_loop3A_949 = tpu.memref_squeeze %parallel_loop3A_948 : memref<1x32x512xf32, #tpu.memory_space<vmem>> -> memref<32x512xf32, #tpu.memory_space<vmem>>
        %parallel_loop3A_950 = arith.index_cast %parallel_loop3A_283 : i32 to index
        %parallel_loop3A_951 = arith.constant 480 : index
        %parallel_loop3A_952 = tpu.vector_load %parallel_loop3A_949[%parallel_loop3A_950, %parallel_loop3A_951] {strides = array<i32>} : memref<32x512xf32, #tpu.memory_space<vmem>>, vector<1x16xf32>,
        %parallel_loop3A_953 = vector.shape_cast %parallel_loop3A_952 : vector<1x16xf32> to vector<16xf32>
        %parallel_loop3A_954 = arith.constant 0 : i32
        %parallel_loop3A_955 = arith.constant 0 : i32
        %parallel_loop3A_956 = tpu.memref_slice %arg10[%parallel_loop3A_177, %parallel_loop3A_954, %parallel_loop3A_955] : memref<2x32x512xf32, #tpu.memory_space<vmem>> -> memref<1x32x512xf32, #tpu.memory_space<vmem>>
        %parallel_loop3A_957 = tpu.memref_squeeze %parallel_loop3A_956 : memref<1x32x512xf32, #tpu.memory_space<vmem>> -> memref<32x512xf32, #tpu.memory_space<vmem>>
        %parallel_loop3A_958 = arith.index_cast %parallel_loop3A_283 : i32 to index
        %parallel_loop3A_959 = arith.constant 480 : index
        %parallel_loop3A_960 = tpu.vector_load %parallel_loop3A_957[%parallel_loop3A_958, %parallel_loop3A_959] {strides = array<i32>} : memref<32x512xf32, #tpu.memory_space<vmem>>, vector<1x16xf32>,
        %parallel_loop3A_961 = vector.shape_cast %parallel_loop3A_960 : vector<1x16xf32> to vector<16xf32>
        %parallel_loop3A_962 = arith.mulf %parallel_loop3A_953, %parallel_loop3A_961 : vector<16xf32>
        %parallel_loop3A_963 = arith.addf %parallel_loop3A_919, %parallel_loop3A_962 : vector<16xf32>
        %parallel_loop3A_964 = arith.mulf %parallel_loop3A_961, %parallel_loop3A_961 : vector<16xf32>
        %parallel_loop3A_965 = arith.addf %parallel_loop3A_921, %parallel_loop3A_964 : vector<16xf32>
        %parallel_loop3A_966 = arith.mulf %parallel_loop3A_953, %parallel_loop3A_953 : vector<16xf32>
        %parallel_loop3A_967 = arith.addf %parallel_loop3A_923, %parallel_loop3A_966 : vector<16xf32>
        %parallel_loop3A_968 = arith.constant 0 : i32
        %parallel_loop3A_969 = arith.constant 0 : i32
        %parallel_loop3A_970 = tpu.memref_slice %arg9[%parallel_loop3A_176, %parallel_loop3A_968, %parallel_loop3A_969] : memref<2x32x512xf32, #tpu.memory_space<vmem>> -> memref<1x32x512xf32, #tpu.memory_space<vmem>>
        %parallel_loop3A_971 = tpu.memref_squeeze %parallel_loop3A_970 : memref<1x32x512xf32, #tpu.memory_space<vmem>> -> memref<32x512xf32, #tpu.memory_space<vmem>>
        %parallel_loop3A_972 = arith.index_cast %parallel_loop3A_283 : i32 to index
        %parallel_loop3A_973 = arith.constant 496 : index
        %parallel_loop3A_974 = tpu.vector_load %parallel_loop3A_971[%parallel_loop3A_972, %parallel_loop3A_973] {strides = array<i32>} : memref<32x512xf32, #tpu.memory_space<vmem>>, vector<1x16xf32>,
        %parallel_loop3A_975 = vector.shape_cast %parallel_loop3A_974 : vector<1x16xf32> to vector<16xf32>
        %parallel_loop3A_976 = arith.constant 0 : i32
        %parallel_loop3A_977 = arith.constant 0 : i32
        %parallel_loop3A_978 = tpu.memref_slice %arg10[%parallel_loop3A_177, %parallel_loop3A_976, %parallel_loop3A_977] : memref<2x32x512xf32, #tpu.memory_space<vmem>> -> memref<1x32x512xf32, #tpu.memory_space<vmem>>
        %parallel_loop3A_979 = tpu.memref_squeeze %parallel_loop3A_978 : memref<1x32x512xf32, #tpu.memory_space<vmem>> -> memref<32x512xf32, #tpu.memory_space<vmem>>
        %parallel_loop3A_980 = arith.index_cast %parallel_loop3A_283 : i32 to index
        %parallel_loop3A_981 = arith.constant 496 : index
        %parallel_loop3A_982 = tpu.vector_load %parallel_loop3A_979[%parallel_loop3A_980, %parallel_loop3A_981] {strides = array<i32>} : memref<32x512xf32, #tpu.memory_space<vmem>>, vector<1x16xf32>,
        %parallel_loop3A_983 = vector.shape_cast %parallel_loop3A_982 : vector<1x16xf32> to vector<16xf32>
        %parallel_loop3A_984 = arith.mulf %parallel_loop3A_975, %parallel_loop3A_983 : vector<16xf32>
        %parallel_loop3A_985 = arith.addf %parallel_loop3A_941, %parallel_loop3A_984 : vector<16xf32>
        %parallel_loop3A_986 = arith.mulf %parallel_loop3A_983, %parallel_loop3A_983 : vector<16xf32>
        %parallel_loop3A_987 = arith.addf %parallel_loop3A_943, %parallel_loop3A_986 : vector<16xf32>
        %parallel_loop3A_988 = arith.mulf %parallel_loop3A_975, %parallel_loop3A_975 : vector<16xf32>
        %parallel_loop3A_989 = arith.addf %parallel_loop3A_945, %parallel_loop3A_988 : vector<16xf32>
        %parallel_loop3A_990 = arith.constant 4 : i32
        %parallel_loop3A_991 = arith.muli %add3A_143, %parallel_loop3A_990 : i32
        %parallel_loop3A_992 = arith.constant 8 : i32
        %parallel_loop3A_993 = arith.divsi %parallel_loop3A_283, %parallel_loop3A_992 : i32
        %parallel_loop3A_994 = arith.constant 0 : i32
        %parallel_loop3A_995 = arith.cmpi sgt, %parallel_loop3A_283, %parallel_loop3A_994 : i32
        %parallel_loop3A_996 = arith.extui %parallel_loop3A_995 : i1 to i32
        %parallel_loop3A_997 = arith.constant 0 : i32
        %parallel_loop3A_998 = arith.cmpi slt, %parallel_loop3A_283, %parallel_loop3A_997 : i32
        %parallel_loop3A_999 = arith.extui %parallel_loop3A_998 : i1 to i32
        %parallel_loop3A_1000 = arith.subi %parallel_loop3A_996, %parallel_loop3A_999 : i32
        %parallel_loop3A_1001 = arith.constant 0 : i32
        %parallel_loop3A_1002 = arith.cmpi sgt, %parallel_loop3A_992, %parallel_loop3A_1001 : i32
        %parallel_loop3A_1003 = arith.extui %parallel_loop3A_1002 : i1 to i32
        %parallel_loop3A_1004 = arith.constant 0 : i32
        %parallel_loop3A_1005 = arith.cmpi slt, %parallel_loop3A_992, %parallel_loop3A_1004 : i32
        %parallel_loop3A_1006 = arith.extui %parallel_loop3A_1005 : i1 to i32
        %parallel_loop3A_1007 = arith.subi %parallel_loop3A_1003, %parallel_loop3A_1006 : i32
        %parallel_loop3A_1008 = arith.cmpi ne, %parallel_loop3A_1000, %parallel_loop3A_1007 : i32
        %parallel_loop3A_1009 = arith.remsi %parallel_loop3A_283, %parallel_loop3A_992 : i32
        %parallel_loop3A_1010 = arith.constant 0 : i32
        %parallel_loop3A_1011 = arith.cmpi ne, %parallel_loop3A_1009, %parallel_loop3A_1010 : i32
        %parallel_loop3A_1012 = arith.andi %parallel_loop3A_1008, %parallel_loop3A_1011 : i1
        %parallel_loop3A_1013 = arith.constant 1 : i32
        %parallel_loop3A_1014 = arith.subi %parallel_loop3A_993, %parallel_loop3A_1013 : i32
        %parallel_loop3A_1015 = arith.select %parallel_loop3A_1012, %parallel_loop3A_1014, %parallel_loop3A_993 : i32
        %parallel_loop3A_1016 = arith.addi %parallel_loop3A_991, %parallel_loop3A_1015 : i32
        %parallel_loop3A_1017 = arith.constant 8 : i32
        %parallel_loop3A_1018 = arith.constant 0 : i32
        %parallel_loop3A_1019 = arith.cmpi eq, %parallel_loop3A_1017, %parallel_loop3A_1018 : i32
        %parallel_loop3A_1020 = arith.constant 1 : i32
        %parallel_loop3A_1021 = arith.select %parallel_loop3A_1019, %parallel_loop3A_1020, %parallel_loop3A_1017 : i32
        %parallel_loop3A_1022 = arith.remsi %parallel_loop3A_283, %parallel_loop3A_1021 : i32
        %parallel_loop3A_1023 = arith.constant 0 : i32
        %parallel_loop3A_1024 = arith.cmpi ne, %parallel_loop3A_1022, %parallel_loop3A_1023 : i32
        %parallel_loop3A_1025 = arith.constant 0 : i32
        %parallel_loop3A_1026 = arith.cmpi slt, %parallel_loop3A_1022, %parallel_loop3A_1025 : i32
        %parallel_loop3A_1027 = arith.constant 0 : i32
        %parallel_loop3A_1028 = arith.cmpi slt, %parallel_loop3A_1021, %parallel_loop3A_1027 : i32
        %parallel_loop3A_1029 = arith.xori %parallel_loop3A_1026, %parallel_loop3A_1028 : i1
        %parallel_loop3A_1030 = arith.andi %parallel_loop3A_1029, %parallel_loop3A_1024 : i1
        %parallel_loop3A_1031 = arith.addi %parallel_loop3A_1022, %parallel_loop3A_1021 : i32
        %parallel_loop3A_1032 = arith.select %parallel_loop3A_1030, %parallel_loop3A_1031, %parallel_loop3A_1022 : i32
        %parallel_loop3A_1033 = arith.constant 16 : i32
        %parallel_loop3A_1034 = arith.muli %parallel_loop3A_1032, %parallel_loop3A_1033 : i32
        %parallel_loop3A_1035 = arith.addf %parallel_loop3A_963, %parallel_loop3A_985 : vector<16xf32>
        %parallel_loop3A_1036 = arith.index_cast %parallel_loop3A_1016 : i32 to index
        %parallel_loop3A_1037 = arith.index_cast %parallel_loop3A_1034 : i32 to index
        %parallel_loop3A_1038 = tpu.vector_load %arg11[%parallel_loop3A_1036, %parallel_loop3A_1037] {strides = array<i32>} : memref<64x128xf32, #tpu.memory_space<vmem>>, vector<1x16xf32>,
        %parallel_loop3A_1039 = vector.shape_cast %parallel_loop3A_1038 : vector<1x16xf32> to vector<16xf32>
        %parallel_loop3A_1040 = vector.shape_cast %parallel_loop3A_1035 : vector<16xf32> to vector<1x16xf32>
        tpu.vector_store %arg11[%parallel_loop3A_1036, %parallel_loop3A_1037], %parallel_loop3A_1040 {strides = array<i32>} : memref<64x128xf32, #tpu.memory_space<vmem>>, vector<1x16xf32>,
        %parallel_loop3A_1041 = arith.addf %parallel_loop3A_965, %parallel_loop3A_987 : vector<16xf32>
        %parallel_loop3A_1042 = arith.index_cast %parallel_loop3A_1016 : i32 to index
        %parallel_loop3A_1043 = arith.index_cast %parallel_loop3A_1034 : i32 to index
        %parallel_loop3A_1044 = tpu.vector_load %arg12[%parallel_loop3A_1042, %parallel_loop3A_1043] {strides = array<i32>} : memref<64x128xf32, #tpu.memory_space<vmem>>, vector<1x16xf32>,
        %parallel_loop3A_1045 = vector.shape_cast %parallel_loop3A_1044 : vector<1x16xf32> to vector<16xf32>
        %parallel_loop3A_1046 = vector.shape_cast %parallel_loop3A_1041 : vector<16xf32> to vector<1x16xf32>
        tpu.vector_store %arg12[%parallel_loop3A_1042, %parallel_loop3A_1043], %parallel_loop3A_1046 {strides = array<i32>} : memref<64x128xf32, #tpu.memory_space<vmem>>, vector<1x16xf32>,
        %parallel_loop3A_1047 = arith.addf %parallel_loop3A_967, %parallel_loop3A_989 : vector<16xf32>
        %parallel_loop3A_1048 = arith.index_cast %parallel_loop3A_1016 : i32 to index
        %parallel_loop3A_1049 = arith.index_cast %parallel_loop3A_1034 : i32 to index
        %parallel_loop3A_1050 = tpu.vector_load %arg13[%parallel_loop3A_1048, %parallel_loop3A_1049] {strides = array<i32>} : memref<64x128xf32, #tpu.memory_space<vmem>>, vector<1x16xf32>,
        %parallel_loop3A_1051 = vector.shape_cast %parallel_loop3A_1050 : vector<1x16xf32> to vector<16xf32>
        %parallel_loop3A_1052 = vector.shape_cast %parallel_loop3A_1047 : vector<16xf32> to vector<1x16xf32>
        tpu.vector_store %arg13[%parallel_loop3A_1048, %parallel_loop3A_1049], %parallel_loop3A_1052 {strides = array<i32>} : memref<64x128xf32, #tpu.memory_space<vmem>>, vector<1x16xf32>,
      } {sc.loop_unroll_factor = 8 : i64, sc.parallel_access}
      %add3A_178 = arith.constant 2 : i32
      %add3A_179 = arith.addi %add3A_143, %add3A_178 : i32
      %min3A = arith.constant 15 : i32
      %min3A_180 = arith.minsi %add3A_179, %min3A : i32
      %mul3A_181 = arith.constant 32 : i32
      %mul3A_182 = arith.muli %min3A_180, %mul3A_181 : i32
      %add3A_183 = arith.addi %multiple_of3A, %mul3A_182 : i32
      %multiple_of3A_184 = tpu.assume_multiple %add3A_183, 32 : i32
      %dma_start3A_185 = arith.constant 0 : i32
      %dma_start3A_186 = arith.constant 0 : i32
      %dma_start3A_187 = arith.constant 0 : i32
      %dma_start3A_188 = tpu.memref_slice %arg9[%dma_start3A_185, %dma_start3A_186, %dma_start3A_187] : memref<2x32x512xf32, #tpu.memory_space<vmem>> -> memref<1x32x512xf32, #tpu.memory_space<vmem>>
      %dma_start3A_189 = tpu.memref_squeeze %dma_start3A_188 : memref<1x32x512xf32, #tpu.memory_space<vmem>> -> memref<32x512xf32, #tpu.memory_space<vmem>>
      %dma_start3A_190 = arith.constant 0 : i32
      %dma_start3A_191 = tpu.memref_slice %arg2[%multiple_of3A_184, %dma_start3A_190] : memref<16384x512xf32, #tpu.memory_space<hbm>> -> memref<32x512xf32, #tpu.memory_space<hbm>>
      %dma_start3A_192 = arith.constant 0 : i32
      %dma_start3A_193 = arith.constant 0 : i32
      %dma_start3A_194 = tpu.memref_slice %arg9[%dma_start3A_185, %dma_start3A_192, %dma_start3A_193] : memref<2x32x512xf32, #tpu.memory_space<vmem>> -> memref<1x32x512xf32, #tpu.memory_space<vmem>>
      %dma_start3A_195 = tpu.memref_squeeze %dma_start3A_194 : memref<1x32x512xf32, #tpu.memory_space<vmem>> -> memref<32x512xf32, #tpu.memory_space<vmem>>
      %dma_start3A_196 = arith.constant 0 : i32
      %dma_start3A_197 = tpu.memref_slice %arg2[%multiple_of3A_184, %dma_start3A_196] : memref<16384x512xf32, #tpu.memory_space<hbm>> -> memref<32x512xf32, #tpu.memory_space<hbm>>
      tpu.enqueue_dma source(%dma_start3A_197 : memref<32x512xf32, #tpu.memory_space<hbm>>) target(%dma_start3A_195 : memref<32x512xf32, #tpu.memory_space<vmem>>) target_semaphore(%arg14 : memref<!tpu.dma_semaphore, #tpu.memory_space<semaphore_mem>>)
      %mul3A_198 = arith.constant 32 : i32
      %mul3A_199 = arith.muli %min3A_180, %mul3A_198 : i32
      %multiple_of3A_200 = tpu.assume_multiple %mul3A_199, 32 : i32
      %dma_start3A_201 = arith.constant 0 : i32
      %dma_start3A_202 = arith.constant 0 : i32
      %dma_start3A_203 = arith.constant 0 : i32
      %dma_start3A_204 = tpu.memref_slice %arg10[%dma_start3A_201, %dma_start3A_202, %dma_start3A_203] : memref<2x32x512xf32, #tpu.memory_space<vmem>> -> memref<1x32x512xf32, #tpu.memory_space<vmem>>
      %dma_start3A_205 = tpu.memref_squeeze %dma_start3A_204 : memref<1x32x512xf32, #tpu.memory_space<vmem>> -> memref<32x512xf32, #tpu.memory_space<vmem>>
      %dma_start3A_206 = tpu.memref_slice %arg8[%multiple_of3A_200] : memref<512xi32, #tpu.memory_space<vmem>> -> memref<32xi32, #tpu.memory_space<vmem>>
      %dma_start3A_207 = arith.constant 0 : i32
      %dma_start3A_208 = arith.constant 0 : i32
      %dma_start3A_209 = tpu.memref_slice %arg4[%dma_start3A_207, %dma_start3A_208] : memref<100000x512xf32, #tpu.memory_space<hbm>> -> memref<100000x512xf32, #tpu.memory_space<hbm>>
      tpu.enqueue_indirect_dma source(%dma_start3A_209 : memref<100000x512xf32, #tpu.memory_space<hbm>>) target(%dma_start3A_205 : memref<32x512xf32, #tpu.memory_space<vmem>>) offsets(%dma_start3A_206 : memref<32xi32, #tpu.memory_space<vmem>>) semaphore(%arg16 : memref<!tpu.dma_semaphore, #tpu.memory_space<semaphore_mem>>)
      %mul3A_210 = arith.constant 2 : i32
      %mul3A_211 = arith.muli %scan3A_138, %mul3A_210 : i32
      %add3A_212 = arith.constant 1 : i32
      %add3A_213 = arith.addi %mul3A_211, %add3A_212 : i32
      %dma_wait3A_214 = arith.constant 1 : i32
      %dma_wait3A_215 = arith.constant 0 : i32
      %dma_wait3A_216 = arith.constant 0 : i32
      %dma_wait3A_217 = tpu.memref_slice %arg9[%dma_wait3A_214, %dma_wait3A_215, %dma_wait3A_216] : memref<2x32x512xf32, #tpu.memory_space<vmem>> -> memref<1x32x512xf32, #tpu.memory_space<vmem>>
      %dma_wait3A_218 = tpu.memref_squeeze %dma_wait3A_217 : memref<1x32x512xf32, #tpu.memory_space<vmem>> -> memref<32x512xf32, #tpu.memory_space<vmem>>
      %dma_wait3A_219 = arith.constant 0 : i32
      %dma_wait3A_220 = arith.constant 0 : i32
      %dma_wait3A_221 = tpu.memref_slice %arg2[%dma_wait3A_219, %dma_wait3A_220] : memref<16384x512xf32, #tpu.memory_space<hbm>> -> memref<32x512xf32, #tpu.memory_space<hbm>>
      %dma_wait3A_222 = arith.constant 0 : i32
      %dma_wait3A_223 = arith.constant 0 : i32
      %dma_wait3A_224 = tpu.memref_slice %arg9[%dma_wait3A_214, %dma_wait3A_222, %dma_wait3A_223] : memref<2x32x512xf32, #tpu.memory_space<vmem>> -> memref<1x32x512xf32, #tpu.memory_space<vmem>>
      %dma_wait3A_225 = tpu.memref_squeeze %dma_wait3A_224 : memref<1x32x512xf32, #tpu.memory_space<vmem>> -> memref<32x512xf32, #tpu.memory_space<vmem>>
      %dma_wait3A_226 = arith.constant 0 : i32
      %dma_wait3A_227 = arith.constant 0 : i32
      %dma_wait3A_228 = tpu.memref_slice %arg2[%dma_wait3A_226, %dma_wait3A_227] : memref<16384x512xf32, #tpu.memory_space<hbm>> -> memref<32x512xf32, #tpu.memory_space<hbm>>
      tpu.wait_dma2 semaphore(%arg15 : memref<!tpu.dma_semaphore, #tpu.memory_space<semaphore_mem>>) src(%dma_wait3A_228 : memref<32x512xf32, #tpu.memory_space<hbm>>) dst(%dma_wait3A_225 : memref<32x512xf32, #tpu.memory_space<vmem>>)
      %dma_wait3A_229 = arith.constant 1 : i32
      %dma_wait3A_230 = arith.constant 0 : i32
      %dma_wait3A_231 = arith.constant 0 : i32
      %dma_wait3A_232 = tpu.memref_slice %arg10[%dma_wait3A_229, %dma_wait3A_230, %dma_wait3A_231] : memref<2x32x512xf32, #tpu.memory_space<vmem>> -> memref<1x32x512xf32, #tpu.memory_space<vmem>>
      %dma_wait3A_233 = tpu.memref_squeeze %dma_wait3A_232 : memref<1x32x512xf32, #tpu.memory_space<vmem>> -> memref<32x512xf32, #tpu.memory_space<vmem>>
      %dma_wait3A_234 = arith.constant 0 : i32
      %dma_wait3A_235 = arith.constant 0 : i32
      %dma_wait3A_236 = tpu.memref_slice %arg4[%dma_wait3A_234, %dma_wait3A_235] : memref<100000x512xf32, #tpu.memory_space<hbm>> -> memref<32x512xf32, #tpu.memory_space<hbm>>
      %dma_wait3A_237 = arith.constant 0 : i32
      %dma_wait3A_238 = arith.constant 0 : i32
      %dma_wait3A_239 = tpu.memref_slice %arg10[%dma_wait3A_229, %dma_wait3A_237, %dma_wait3A_238] : memref<2x32x512xf32, #tpu.memory_space<vmem>> -> memref<1x32x512xf32, #tpu.memory_space<vmem>>
      %dma_wait3A_240 = tpu.memref_squeeze %dma_wait3A_239 : memref<1x32x512xf32, #tpu.memory_space<vmem>> -> memref<32x512xf32, #tpu.memory_space<vmem>>
      %dma_wait3A_241 = arith.constant 0 : i32
      %dma_wait3A_242 = arith.constant 0 : i32
      %dma_wait3A_243 = tpu.memref_slice %arg4[%dma_wait3A_241, %dma_wait3A_242] : memref<100000x512xf32, #tpu.memory_space<hbm>> -> memref<32x512xf32, #tpu.memory_space<hbm>>
      tpu.wait_dma2 semaphore(%arg17 : memref<!tpu.dma_semaphore, #tpu.memory_space<semaphore_mem>>) src(%dma_wait3A_243 : memref<32x512xf32, #tpu.memory_space<hbm>>) dst(%dma_wait3A_240 : memref<32x512xf32, #tpu.memory_space<vmem>>)
      %parallel_loop3A_244 = arith.constant 0 : i32
      %parallel_loop3A_245 = arith.constant 32 : i32
      %parallel_loop3A_246 = arith.constant 1 : i32
      %parallel_loop3A_247 = arith.constant 1 : i32
      %parallel_loop3A_248 = arith.constant 1 : i32
      scf.for %parallel_loop3A_283 = %parallel_loop3A_244 to %parallel_loop3A_245 step %parallel_loop3A_246  : i32 {
        %parallel_loop3A_284 = arith.constant 0.000000e+00 : f32
        %parallel_loop3A_285 = vector.broadcast %parallel_loop3A_284 : f32 to vector<16xf32>
        %parallel_loop3A_286 = arith.constant 0 : i32
        %parallel_loop3A_287 = arith.constant 0 : i32
        %parallel_loop3A_288 = tpu.memref_slice %arg9[%parallel_loop3A_247, %parallel_loop3A_286, %parallel_loop3A_287] : memref<2x32x512xf32, #tpu.memory_space<vmem>> -> memref<1x32x512xf32, #tpu.memory_space<vmem>>
        %parallel_loop3A_289 = tpu.memref_squeeze %parallel_loop3A_288 : memref<1x32x512xf32, #tpu.memory_space<vmem>> -> memref<32x512xf32, #tpu.memory_space<vmem>>
        %parallel_loop3A_290 = arith.index_cast %parallel_loop3A_283 : i32 to index
        %parallel_loop3A_291 = arith.constant 0 : index
        %parallel_loop3A_292 = tpu.vector_load %parallel_loop3A_289[%parallel_loop3A_290, %parallel_loop3A_291] {strides = array<i32>} : memref<32x512xf32, #tpu.memory_space<vmem>>, vector<1x16xf32>,
        %parallel_loop3A_293 = vector.shape_cast %parallel_loop3A_292 : vector<1x16xf32> to vector<16xf32>
        %parallel_loop3A_294 = arith.constant 0 : i32
        %parallel_loop3A_295 = arith.constant 0 : i32
        %parallel_loop3A_296 = tpu.memref_slice %arg10[%parallel_loop3A_248, %parallel_loop3A_294, %parallel_loop3A_295] : memref<2x32x512xf32, #tpu.memory_space<vmem>> -> memref<1x32x512xf32, #tpu.memory_space<vmem>>
        %parallel_loop3A_297 = tpu.memref_squeeze %parallel_loop3A_296 : memref<1x32x512xf32, #tpu.memory_space<vmem>> -> memref<32x512xf32, #tpu.memory_space<vmem>>
        %parallel_loop3A_298 = arith.index_cast %parallel_loop3A_283 : i32 to index
        %parallel_loop3A_299 = arith.constant 0 : index
        %parallel_loop3A_300 = tpu.vector_load %parallel_loop3A_297[%parallel_loop3A_298, %parallel_loop3A_299] {strides = array<i32>} : memref<32x512xf32, #tpu.memory_space<vmem>>, vector<1x16xf32>,
        %parallel_loop3A_301 = vector.shape_cast %parallel_loop3A_300 : vector<1x16xf32> to vector<16xf32>
        %parallel_loop3A_302 = arith.mulf %parallel_loop3A_293, %parallel_loop3A_301 : vector<16xf32>
        %parallel_loop3A_303 = arith.addf %parallel_loop3A_285, %parallel_loop3A_302 : vector<16xf32>
        %parallel_loop3A_304 = arith.mulf %parallel_loop3A_301, %parallel_loop3A_301 : vector<16xf32>
        %parallel_loop3A_305 = arith.addf %parallel_loop3A_285, %parallel_loop3A_304 : vector<16xf32>
        %parallel_loop3A_306 = arith.mulf %parallel_loop3A_293, %parallel_loop3A_293 : vector<16xf32>
        %parallel_loop3A_307 = arith.addf %parallel_loop3A_285, %parallel_loop3A_306 : vector<16xf32>
        %parallel_loop3A_308 = arith.constant 0 : i32
        %parallel_loop3A_309 = arith.constant 0 : i32
        %parallel_loop3A_310 = tpu.memref_slice %arg9[%parallel_loop3A_247, %parallel_loop3A_308, %parallel_loop3A_309] : memref<2x32x512xf32, #tpu.memory_space<vmem>> -> memref<1x32x512xf32, #tpu.memory_space<vmem>>
        %parallel_loop3A_311 = tpu.memref_squeeze %parallel_loop3A_310 : memref<1x32x512xf32, #tpu.memory_space<vmem>> -> memref<32x512xf32, #tpu.memory_space<vmem>>
        %parallel_loop3A_312 = arith.index_cast %parallel_loop3A_283 : i32 to index
        %parallel_loop3A_313 = arith.constant 16 : index
        %parallel_loop3A_314 = tpu.vector_load %parallel_loop3A_311[%parallel_loop3A_312, %parallel_loop3A_313] {strides = array<i32>} : memref<32x512xf32, #tpu.memory_space<vmem>>, vector<1x16xf32>,
        %parallel_loop3A_315 = vector.shape_cast %parallel_loop3A_314 : vector<1x16xf32> to vector<16xf32>
        %parallel_loop3A_316 = arith.constant 0 : i32
        %parallel_loop3A_317 = arith.constant 0 : i32
        %parallel_loop3A_318 = tpu.memref_slice %arg10[%parallel_loop3A_248, %parallel_loop3A_316, %parallel_loop3A_317] : memref<2x32x512xf32, #tpu.memory_space<vmem>> -> memref<1x32x512xf32, #tpu.memory_space<vmem>>
        %parallel_loop3A_319 = tpu.memref_squeeze %parallel_loop3A_318 : memref<1x32x512xf32, #tpu.memory_space<vmem>> -> memref<32x512xf32, #tpu.memory_space<vmem>>
        %parallel_loop3A_320 = arith.index_cast %parallel_loop3A_283 : i32 to index
        %parallel_loop3A_321 = arith.constant 16 : index
        %parallel_loop3A_322 = tpu.vector_load %parallel_loop3A_319[%parallel_loop3A_320, %parallel_loop3A_321] {strides = array<i32>} : memref<32x512xf32, #tpu.memory_space<vmem>>, vector<1x16xf32>,
        %parallel_loop3A_323 = vector.shape_cast %parallel_loop3A_322 : vector<1x16xf32> to vector<16xf32>
        %parallel_loop3A_324 = arith.mulf %parallel_loop3A_315, %parallel_loop3A_323 : vector<16xf32>
        %parallel_loop3A_325 = arith.addf %parallel_loop3A_285, %parallel_loop3A_324 : vector<16xf32>
        %parallel_loop3A_326 = arith.mulf %parallel_loop3A_323, %parallel_loop3A_323 : vector<16xf32>
        %parallel_loop3A_327 = arith.addf %parallel_loop3A_285, %parallel_loop3A_326 : vector<16xf32>
        %parallel_loop3A_328 = arith.mulf %parallel_loop3A_315, %parallel_loop3A_315 : vector<16xf32>
        %parallel_loop3A_329 = arith.addf %parallel_loop3A_285, %parallel_loop3A_328 : vector<16xf32>
        %parallel_loop3A_330 = arith.constant 0 : i32
        %parallel_loop3A_331 = arith.constant 0 : i32
        %parallel_loop3A_332 = tpu.memref_slice %arg9[%parallel_loop3A_247, %parallel_loop3A_330, %parallel_loop3A_331] : memref<2x32x512xf32, #tpu.memory_space<vmem>> -> memref<1x32x512xf32, #tpu.memory_space<vmem>>
        %parallel_loop3A_333 = tpu.memref_squeeze %parallel_loop3A_332 : memref<1x32x512xf32, #tpu.memory_space<vmem>> -> memref<32x512xf32, #tpu.memory_space<vmem>>
        %parallel_loop3A_334 = arith.index_cast %parallel_loop3A_283 : i32 to index
        %parallel_loop3A_335 = arith.constant 32 : index
        %parallel_loop3A_336 = tpu.vector_load %parallel_loop3A_333[%parallel_loop3A_334, %parallel_loop3A_335] {strides = array<i32>} : memref<32x512xf32, #tpu.memory_space<vmem>>, vector<1x16xf32>,
        %parallel_loop3A_337 = vector.shape_cast %parallel_loop3A_336 : vector<1x16xf32> to vector<16xf32>
        %parallel_loop3A_338 = arith.constant 0 : i32
        %parallel_loop3A_339 = arith.constant 0 : i32
        %parallel_loop3A_340 = tpu.memref_slice %arg10[%parallel_loop3A_248, %parallel_loop3A_338, %parallel_loop3A_339] : memref<2x32x512xf32, #tpu.memory_space<vmem>> -> memref<1x32x512xf32, #tpu.memory_space<vmem>>
        %parallel_loop3A_341 = tpu.memref_squeeze %parallel_loop3A_340 : memref<1x32x512xf32, #tpu.memory_space<vmem>> -> memref<32x512xf32, #tpu.memory_space<vmem>>
        %parallel_loop3A_342 = arith.index_cast %parallel_loop3A_283 : i32 to index
        %parallel_loop3A_343 = arith.constant 32 : index
        %parallel_loop3A_344 = tpu.vector_load %parallel_loop3A_341[%parallel_loop3A_342, %parallel_loop3A_343] {strides = array<i32>} : memref<32x512xf32, #tpu.memory_space<vmem>>, vector<1x16xf32>,
        %parallel_loop3A_345 = vector.shape_cast %parallel_loop3A_344 : vector<1x16xf32> to vector<16xf32>
        %parallel_loop3A_346 = arith.mulf %parallel_loop3A_337, %parallel_loop3A_345 : vector<16xf32>
        %parallel_loop3A_347 = arith.addf %parallel_loop3A_303, %parallel_loop3A_346 : vector<16xf32>
        %parallel_loop3A_348 = arith.mulf %parallel_loop3A_345, %parallel_loop3A_345 : vector<16xf32>
        %parallel_loop3A_349 = arith.addf %parallel_loop3A_305, %parallel_loop3A_348 : vector<16xf32>
        %parallel_loop3A_350 = arith.mulf %parallel_loop3A_337, %parallel_loop3A_337 : vector<16xf32>
        %parallel_loop3A_351 = arith.addf %parallel_loop3A_307, %parallel_loop3A_350 : vector<16xf32>
        %parallel_loop3A_352 = arith.constant 0 : i32
        %parallel_loop3A_353 = arith.constant 0 : i32
        %parallel_loop3A_354 = tpu.memref_slice %arg9[%parallel_loop3A_247, %parallel_loop3A_352, %parallel_loop3A_353] : memref<2x32x512xf32, #tpu.memory_space<vmem>> -> memref<1x32x512xf32, #tpu.memory_space<vmem>>
        %parallel_loop3A_355 = tpu.memref_squeeze %parallel_loop3A_354 : memref<1x32x512xf32, #tpu.memory_space<vmem>> -> memref<32x512xf32, #tpu.memory_space<vmem>>
        %parallel_loop3A_356 = arith.index_cast %parallel_loop3A_283 : i32 to index
        %parallel_loop3A_357 = arith.constant 48 : index
        %parallel_loop3A_358 = tpu.vector_load %parallel_loop3A_355[%parallel_loop3A_356, %parallel_loop3A_357] {strides = array<i32>} : memref<32x512xf32, #tpu.memory_space<vmem>>, vector<1x16xf32>,
        %parallel_loop3A_359 = vector.shape_cast %parallel_loop3A_358 : vector<1x16xf32> to vector<16xf32>
        %parallel_loop3A_360 = arith.constant 0 : i32
        %parallel_loop3A_361 = arith.constant 0 : i32
        %parallel_loop3A_362 = tpu.memref_slice %arg10[%parallel_loop3A_248, %parallel_loop3A_360, %parallel_loop3A_361] : memref<2x32x512xf32, #tpu.memory_space<vmem>> -> memref<1x32x512xf32, #tpu.memory_space<vmem>>
        %parallel_loop3A_363 = tpu.memref_squeeze %parallel_loop3A_362 : memref<1x32x512xf32, #tpu.memory_space<vmem>> -> memref<32x512xf32, #tpu.memory_space<vmem>>
        %parallel_loop3A_364 = arith.index_cast %parallel_loop3A_283 : i32 to index
        %parallel_loop3A_365 = arith.constant 48 : index
        %parallel_loop3A_366 = tpu.vector_load %parallel_loop3A_363[%parallel_loop3A_364, %parallel_loop3A_365] {strides = array<i32>} : memref<32x512xf32, #tpu.memory_space<vmem>>, vector<1x16xf32>,
        %parallel_loop3A_367 = vector.shape_cast %parallel_loop3A_366 : vector<1x16xf32> to vector<16xf32>
        %parallel_loop3A_368 = arith.mulf %parallel_loop3A_359, %parallel_loop3A_367 : vector<16xf32>
        %parallel_loop3A_369 = arith.addf %parallel_loop3A_325, %parallel_loop3A_368 : vector<16xf32>
        %parallel_loop3A_370 = arith.mulf %parallel_loop3A_367, %parallel_loop3A_367 : vector<16xf32>
        %parallel_loop3A_371 = arith.addf %parallel_loop3A_327, %parallel_loop3A_370 : vector<16xf32>
        %parallel_loop3A_372 = arith.mulf %parallel_loop3A_359, %parallel_loop3A_359 : vector<16xf32>
        %parallel_loop3A_373 = arith.addf %parallel_loop3A_329, %parallel_loop3A_372 : vector<16xf32>
        %parallel_loop3A_374 = arith.constant 0 : i32
        %parallel_loop3A_375 = arith.constant 0 : i32
        %parallel_loop3A_376 = tpu.memref_slice %arg9[%parallel_loop3A_247, %parallel_loop3A_374, %parallel_loop3A_375] : memref<2x32x512xf32, #tpu.memory_space<vmem>> -> memref<1x32x512xf32, #tpu.memory_space<vmem>>
        %parallel_loop3A_377 = tpu.memref_squeeze %parallel_loop3A_376 : memref<1x32x512xf32, #tpu.memory_space<vmem>> -> memref<32x512xf32, #tpu.memory_space<vmem>>
        %parallel_loop3A_378 = arith.index_cast %parallel_loop3A_283 : i32 to index
        %parallel_loop3A_379 = arith.constant 64 : index
        %parallel_loop3A_380 = tpu.vector_load %parallel_loop3A_377[%parallel_loop3A_378, %parallel_loop3A_379] {strides = array<i32>} : memref<32x512xf32, #tpu.memory_space<vmem>>, vector<1x16xf32>,
        %parallel_loop3A_381 = vector.shape_cast %parallel_loop3A_380 : vector<1x16xf32> to vector<16xf32>
        %parallel_loop3A_382 = arith.constant 0 : i32
        %parallel_loop3A_383 = arith.constant 0 : i32
        %parallel_loop3A_384 = tpu.memref_slice %arg10[%parallel_loop3A_248, %parallel_loop3A_382, %parallel_loop3A_383] : memref<2x32x512xf32, #tpu.memory_space<vmem>> -> memref<1x32x512xf32, #tpu.memory_space<vmem>>
        %parallel_loop3A_385 = tpu.memref_squeeze %parallel_loop3A_384 : memref<1x32x512xf32, #tpu.memory_space<vmem>> -> memref<32x512xf32, #tpu.memory_space<vmem>>
        %parallel_loop3A_386 = arith.index_cast %parallel_loop3A_283 : i32 to index
        %parallel_loop3A_387 = arith.constant 64 : index
        %parallel_loop3A_388 = tpu.vector_load %parallel_loop3A_385[%parallel_loop3A_386, %parallel_loop3A_387] {strides = array<i32>} : memref<32x512xf32, #tpu.memory_space<vmem>>, vector<1x16xf32>,
        %parallel_loop3A_389 = vector.shape_cast %parallel_loop3A_388 : vector<1x16xf32> to vector<16xf32>
        %parallel_loop3A_390 = arith.mulf %parallel_loop3A_381, %parallel_loop3A_389 : vector<16xf32>
        %parallel_loop3A_391 = arith.addf %parallel_loop3A_347, %parallel_loop3A_390 : vector<16xf32>
        %parallel_loop3A_392 = arith.mulf %parallel_loop3A_389, %parallel_loop3A_389 : vector<16xf32>
        %parallel_loop3A_393 = arith.addf %parallel_loop3A_349, %parallel_loop3A_392 : vector<16xf32>
        %parallel_loop3A_394 = arith.mulf %parallel_loop3A_381, %parallel_loop3A_381 : vector<16xf32>
        %parallel_loop3A_395 = arith.addf %parallel_loop3A_351, %parallel_loop3A_394 : vector<16xf32>
        %parallel_loop3A_396 = arith.constant 0 : i32
        %parallel_loop3A_397 = arith.constant 0 : i32
        %parallel_loop3A_398 = tpu.memref_slice %arg9[%parallel_loop3A_247, %parallel_loop3A_396, %parallel_loop3A_397] : memref<2x32x512xf32, #tpu.memory_space<vmem>> -> memref<1x32x512xf32, #tpu.memory_space<vmem>>
        %parallel_loop3A_399 = tpu.memref_squeeze %parallel_loop3A_398 : memref<1x32x512xf32, #tpu.memory_space<vmem>> -> memref<32x512xf32, #tpu.memory_space<vmem>>
        %parallel_loop3A_400 = arith.index_cast %parallel_loop3A_283 : i32 to index
        %parallel_loop3A_401 = arith.constant 80 : index
        %parallel_loop3A_402 = tpu.vector_load %parallel_loop3A_399[%parallel_loop3A_400, %parallel_loop3A_401] {strides = array<i32>} : memref<32x512xf32, #tpu.memory_space<vmem>>, vector<1x16xf32>,
        %parallel_loop3A_403 = vector.shape_cast %parallel_loop3A_402 : vector<1x16xf32> to vector<16xf32>
        %parallel_loop3A_404 = arith.constant 0 : i32
        %parallel_loop3A_405 = arith.constant 0 : i32
        %parallel_loop3A_406 = tpu.memref_slice %arg10[%parallel_loop3A_248, %parallel_loop3A_404, %parallel_loop3A_405] : memref<2x32x512xf32, #tpu.memory_space<vmem>> -> memref<1x32x512xf32, #tpu.memory_space<vmem>>
        %parallel_loop3A_407 = tpu.memref_squeeze %parallel_loop3A_406 : memref<1x32x512xf32, #tpu.memory_space<vmem>> -> memref<32x512xf32, #tpu.memory_space<vmem>>
        %parallel_loop3A_408 = arith.index_cast %parallel_loop3A_283 : i32 to index
        %parallel_loop3A_409 = arith.constant 80 : index
        %parallel_loop3A_410 = tpu.vector_load %parallel_loop3A_407[%parallel_loop3A_408, %parallel_loop3A_409] {strides = array<i32>} : memref<32x512xf32, #tpu.memory_space<vmem>>, vector<1x16xf32>,
        %parallel_loop3A_411 = vector.shape_cast %parallel_loop3A_410 : vector<1x16xf32> to vector<16xf32>
        %parallel_loop3A_412 = arith.mulf %parallel_loop3A_403, %parallel_loop3A_411 : vector<16xf32>
        %parallel_loop3A_413 = arith.addf %parallel_loop3A_369, %parallel_loop3A_412 : vector<16xf32>
        %parallel_loop3A_414 = arith.mulf %parallel_loop3A_411, %parallel_loop3A_411 : vector<16xf32>
        %parallel_loop3A_415 = arith.addf %parallel_loop3A_371, %parallel_loop3A_414 : vector<16xf32>
        %parallel_loop3A_416 = arith.mulf %parallel_loop3A_403, %parallel_loop3A_403 : vector<16xf32>
        %parallel_loop3A_417 = arith.addf %parallel_loop3A_373, %parallel_loop3A_416 : vector<16xf32>
        %parallel_loop3A_418 = arith.constant 0 : i32
        %parallel_loop3A_419 = arith.constant 0 : i32
        %parallel_loop3A_420 = tpu.memref_slice %arg9[%parallel_loop3A_247, %parallel_loop3A_418, %parallel_loop3A_419] : memref<2x32x512xf32, #tpu.memory_space<vmem>> -> memref<1x32x512xf32, #tpu.memory_space<vmem>>
        %parallel_loop3A_421 = tpu.memref_squeeze %parallel_loop3A_420 : memref<1x32x512xf32, #tpu.memory_space<vmem>> -> memref<32x512xf32, #tpu.memory_space<vmem>>
        %parallel_loop3A_422 = arith.index_cast %parallel_loop3A_283 : i32 to index
        %parallel_loop3A_423 = arith.constant 96 : index
        %parallel_loop3A_424 = tpu.vector_load %parallel_loop3A_421[%parallel_loop3A_422, %parallel_loop3A_423] {strides = array<i32>} : memref<32x512xf32, #tpu.memory_space<vmem>>, vector<1x16xf32>,
        %parallel_loop3A_425 = vector.shape_cast %parallel_loop3A_424 : vector<1x16xf32> to vector<16xf32>
        %parallel_loop3A_426 = arith.constant 0 : i32
        %parallel_loop3A_427 = arith.constant 0 : i32
        %parallel_loop3A_428 = tpu.memref_slice %arg10[%parallel_loop3A_248, %parallel_loop3A_426, %parallel_loop3A_427] : memref<2x32x512xf32, #tpu.memory_space<vmem>> -> memref<1x32x512xf32, #tpu.memory_space<vmem>>
        %parallel_loop3A_429 = tpu.memref_squeeze %parallel_loop3A_428 : memref<1x32x512xf32, #tpu.memory_space<vmem>> -> memref<32x512xf32, #tpu.memory_space<vmem>>
        %parallel_loop3A_430 = arith.index_cast %parallel_loop3A_283 : i32 to index
        %parallel_loop3A_431 = arith.constant 96 : index
        %parallel_loop3A_432 = tpu.vector_load %parallel_loop3A_429[%parallel_loop3A_430, %parallel_loop3A_431] {strides = array<i32>} : memref<32x512xf32, #tpu.memory_space<vmem>>, vector<1x16xf32>,
        %parallel_loop3A_433 = vector.shape_cast %parallel_loop3A_432 : vector<1x16xf32> to vector<16xf32>
        %parallel_loop3A_434 = arith.mulf %parallel_loop3A_425, %parallel_loop3A_433 : vector<16xf32>
        %parallel_loop3A_435 = arith.addf %parallel_loop3A_391, %parallel_loop3A_434 : vector<16xf32>
        %parallel_loop3A_436 = arith.mulf %parallel_loop3A_433, %parallel_loop3A_433 : vector<16xf32>
        %parallel_loop3A_437 = arith.addf %parallel_loop3A_393, %parallel_loop3A_436 : vector<16xf32>
        %parallel_loop3A_438 = arith.mulf %parallel_loop3A_425, %parallel_loop3A_425 : vector<16xf32>
        %parallel_loop3A_439 = arith.addf %parallel_loop3A_395, %parallel_loop3A_438 : vector<16xf32>
        %parallel_loop3A_440 = arith.constant 0 : i32
        %parallel_loop3A_441 = arith.constant 0 : i32
        %parallel_loop3A_442 = tpu.memref_slice %arg9[%parallel_loop3A_247, %parallel_loop3A_440, %parallel_loop3A_441] : memref<2x32x512xf32, #tpu.memory_space<vmem>> -> memref<1x32x512xf32, #tpu.memory_space<vmem>>
        %parallel_loop3A_443 = tpu.memref_squeeze %parallel_loop3A_442 : memref<1x32x512xf32, #tpu.memory_space<vmem>> -> memref<32x512xf32, #tpu.memory_space<vmem>>
        %parallel_loop3A_444 = arith.index_cast %parallel_loop3A_283 : i32 to index
        %parallel_loop3A_445 = arith.constant 112 : index
        %parallel_loop3A_446 = tpu.vector_load %parallel_loop3A_443[%parallel_loop3A_444, %parallel_loop3A_445] {strides = array<i32>} : memref<32x512xf32, #tpu.memory_space<vmem>>, vector<1x16xf32>,
        %parallel_loop3A_447 = vector.shape_cast %parallel_loop3A_446 : vector<1x16xf32> to vector<16xf32>
        %parallel_loop3A_448 = arith.constant 0 : i32
        %parallel_loop3A_449 = arith.constant 0 : i32
        %parallel_loop3A_450 = tpu.memref_slice %arg10[%parallel_loop3A_248, %parallel_loop3A_448, %parallel_loop3A_449] : memref<2x32x512xf32, #tpu.memory_space<vmem>> -> memref<1x32x512xf32, #tpu.memory_space<vmem>>
        %parallel_loop3A_451 = tpu.memref_squeeze %parallel_loop3A_450 : memref<1x32x512xf32, #tpu.memory_space<vmem>> -> memref<32x512xf32, #tpu.memory_space<vmem>>
        %parallel_loop3A_452 = arith.index_cast %parallel_loop3A_283 : i32 to index
        %parallel_loop3A_453 = arith.constant 112 : index
        %parallel_loop3A_454 = tpu.vector_load %parallel_loop3A_451[%parallel_loop3A_452, %parallel_loop3A_453] {strides = array<i32>} : memref<32x512xf32, #tpu.memory_space<vmem>>, vector<1x16xf32>,
        %parallel_loop3A_455 = vector.shape_cast %parallel_loop3A_454 : vector<1x16xf32> to vector<16xf32>
        %parallel_loop3A_456 = arith.mulf %parallel_loop3A_447, %parallel_loop3A_455 : vector<16xf32>
        %parallel_loop3A_457 = arith.addf %parallel_loop3A_413, %parallel_loop3A_456 : vector<16xf32>
        %parallel_loop3A_458 = arith.mulf %parallel_loop3A_455, %parallel_loop3A_455 : vector<16xf32>
        %parallel_loop3A_459 = arith.addf %parallel_loop3A_415, %parallel_loop3A_458 : vector<16xf32>
        %parallel_loop3A_460 = arith.mulf %parallel_loop3A_447, %parallel_loop3A_447 : vector<16xf32>
        %parallel_loop3A_461 = arith.addf %parallel_loop3A_417, %parallel_loop3A_460 : vector<16xf32>
        %parallel_loop3A_462 = arith.constant 0 : i32
        %parallel_loop3A_463 = arith.constant 0 : i32
        %parallel_loop3A_464 = tpu.memref_slice %arg9[%parallel_loop3A_247, %parallel_loop3A_462, %parallel_loop3A_463] : memref<2x32x512xf32, #tpu.memory_space<vmem>> -> memref<1x32x512xf32, #tpu.memory_space<vmem>>
        %parallel_loop3A_465 = tpu.memref_squeeze %parallel_loop3A_464 : memref<1x32x512xf32, #tpu.memory_space<vmem>> -> memref<32x512xf32, #tpu.memory_space<vmem>>
        %parallel_loop3A_466 = arith.index_cast %parallel_loop3A_283 : i32 to index
        %parallel_loop3A_467 = arith.constant 128 : index
        %parallel_loop3A_468 = tpu.vector_load %parallel_loop3A_465[%parallel_loop3A_466, %parallel_loop3A_467] {strides = array<i32>} : memref<32x512xf32, #tpu.memory_space<vmem>>, vector<1x16xf32>,
        %parallel_loop3A_469 = vector.shape_cast %parallel_loop3A_468 : vector<1x16xf32> to vector<16xf32>
        %parallel_loop3A_470 = arith.constant 0 : i32
        %parallel_loop3A_471 = arith.constant 0 : i32
        %parallel_loop3A_472 = tpu.memref_slice %arg10[%parallel_loop3A_248, %parallel_loop3A_470, %parallel_loop3A_471] : memref<2x32x512xf32, #tpu.memory_space<vmem>> -> memref<1x32x512xf32, #tpu.memory_space<vmem>>
        %parallel_loop3A_473 = tpu.memref_squeeze %parallel_loop3A_472 : memref<1x32x512xf32, #tpu.memory_space<vmem>> -> memref<32x512xf32, #tpu.memory_space<vmem>>
        %parallel_loop3A_474 = arith.index_cast %parallel_loop3A_283 : i32 to index
        %parallel_loop3A_475 = arith.constant 128 : index
        %parallel_loop3A_476 = tpu.vector_load %parallel_loop3A_473[%parallel_loop3A_474, %parallel_loop3A_475] {strides = array<i32>} : memref<32x512xf32, #tpu.memory_space<vmem>>, vector<1x16xf32>,
        %parallel_loop3A_477 = vector.shape_cast %parallel_loop3A_476 : vector<1x16xf32> to vector<16xf32>
        %parallel_loop3A_478 = arith.mulf %parallel_loop3A_469, %parallel_loop3A_477 : vector<16xf32>
        %parallel_loop3A_479 = arith.addf %parallel_loop3A_435, %parallel_loop3A_478 : vector<16xf32>
        %parallel_loop3A_480 = arith.mulf %parallel_loop3A_477, %parallel_loop3A_477 : vector<16xf32>
        %parallel_loop3A_481 = arith.addf %parallel_loop3A_437, %parallel_loop3A_480 : vector<16xf32>
        %parallel_loop3A_482 = arith.mulf %parallel_loop3A_469, %parallel_loop3A_469 : vector<16xf32>
        %parallel_loop3A_483 = arith.addf %parallel_loop3A_439, %parallel_loop3A_482 : vector<16xf32>
        %parallel_loop3A_484 = arith.constant 0 : i32
        %parallel_loop3A_485 = arith.constant 0 : i32
        %parallel_loop3A_486 = tpu.memref_slice %arg9[%parallel_loop3A_247, %parallel_loop3A_484, %parallel_loop3A_485] : memref<2x32x512xf32, #tpu.memory_space<vmem>> -> memref<1x32x512xf32, #tpu.memory_space<vmem>>
        %parallel_loop3A_487 = tpu.memref_squeeze %parallel_loop3A_486 : memref<1x32x512xf32, #tpu.memory_space<vmem>> -> memref<32x512xf32, #tpu.memory_space<vmem>>
        %parallel_loop3A_488 = arith.index_cast %parallel_loop3A_283 : i32 to index
        %parallel_loop3A_489 = arith.constant 144 : index
        %parallel_loop3A_490 = tpu.vector_load %parallel_loop3A_487[%parallel_loop3A_488, %parallel_loop3A_489] {strides = array<i32>} : memref<32x512xf32, #tpu.memory_space<vmem>>, vector<1x16xf32>,
        %parallel_loop3A_491 = vector.shape_cast %parallel_loop3A_490 : vector<1x16xf32> to vector<16xf32>
        %parallel_loop3A_492 = arith.constant 0 : i32
        %parallel_loop3A_493 = arith.constant 0 : i32
        %parallel_loop3A_494 = tpu.memref_slice %arg10[%parallel_loop3A_248, %parallel_loop3A_492, %parallel_loop3A_493] : memref<2x32x512xf32, #tpu.memory_space<vmem>> -> memref<1x32x512xf32, #tpu.memory_space<vmem>>
        %parallel_loop3A_495 = tpu.memref_squeeze %parallel_loop3A_494 : memref<1x32x512xf32, #tpu.memory_space<vmem>> -> memref<32x512xf32, #tpu.memory_space<vmem>>
        %parallel_loop3A_496 = arith.index_cast %parallel_loop3A_283 : i32 to index
        %parallel_loop3A_497 = arith.constant 144 : index
        %parallel_loop3A_498 = tpu.vector_load %parallel_loop3A_495[%parallel_loop3A_496, %parallel_loop3A_497] {strides = array<i32>} : memref<32x512xf32, #tpu.memory_space<vmem>>, vector<1x16xf32>,
        %parallel_loop3A_499 = vector.shape_cast %parallel_loop3A_498 : vector<1x16xf32> to vector<16xf32>
        %parallel_loop3A_500 = arith.mulf %parallel_loop3A_491, %parallel_loop3A_499 : vector<16xf32>
        %parallel_loop3A_501 = arith.addf %parallel_loop3A_457, %parallel_loop3A_500 : vector<16xf32>
        %parallel_loop3A_502 = arith.mulf %parallel_loop3A_499, %parallel_loop3A_499 : vector<16xf32>
        %parallel_loop3A_503 = arith.addf %parallel_loop3A_459, %parallel_loop3A_502 : vector<16xf32>
        %parallel_loop3A_504 = arith.mulf %parallel_loop3A_491, %parallel_loop3A_491 : vector<16xf32>
        %parallel_loop3A_505 = arith.addf %parallel_loop3A_461, %parallel_loop3A_504 : vector<16xf32>
        %parallel_loop3A_506 = arith.constant 0 : i32
        %parallel_loop3A_507 = arith.constant 0 : i32
        %parallel_loop3A_508 = tpu.memref_slice %arg9[%parallel_loop3A_247, %parallel_loop3A_506, %parallel_loop3A_507] : memref<2x32x512xf32, #tpu.memory_space<vmem>> -> memref<1x32x512xf32, #tpu.memory_space<vmem>>
        %parallel_loop3A_509 = tpu.memref_squeeze %parallel_loop3A_508 : memref<1x32x512xf32, #tpu.memory_space<vmem>> -> memref<32x512xf32, #tpu.memory_space<vmem>>
        %parallel_loop3A_510 = arith.index_cast %parallel_loop3A_283 : i32 to index
        %parallel_loop3A_511 = arith.constant 160 : index
        %parallel_loop3A_512 = tpu.vector_load %parallel_loop3A_509[%parallel_loop3A_510, %parallel_loop3A_511] {strides = array<i32>} : memref<32x512xf32, #tpu.memory_space<vmem>>, vector<1x16xf32>,
        %parallel_loop3A_513 = vector.shape_cast %parallel_loop3A_512 : vector<1x16xf32> to vector<16xf32>
        %parallel_loop3A_514 = arith.constant 0 : i32
        %parallel_loop3A_515 = arith.constant 0 : i32
        %parallel_loop3A_516 = tpu.memref_slice %arg10[%parallel_loop3A_248, %parallel_loop3A_514, %parallel_loop3A_515] : memref<2x32x512xf32, #tpu.memory_space<vmem>> -> memref<1x32x512xf32, #tpu.memory_space<vmem>>
        %parallel_loop3A_517 = tpu.memref_squeeze %parallel_loop3A_516 : memref<1x32x512xf32, #tpu.memory_space<vmem>> -> memref<32x512xf32, #tpu.memory_space<vmem>>
        %parallel_loop3A_518 = arith.index_cast %parallel_loop3A_283 : i32 to index
        %parallel_loop3A_519 = arith.constant 160 : index
        %parallel_loop3A_520 = tpu.vector_load %parallel_loop3A_517[%parallel_loop3A_518, %parallel_loop3A_519] {strides = array<i32>} : memref<32x512xf32, #tpu.memory_space<vmem>>, vector<1x16xf32>,
        %parallel_loop3A_521 = vector.shape_cast %parallel_loop3A_520 : vector<1x16xf32> to vector<16xf32>
        %parallel_loop3A_522 = arith.mulf %parallel_loop3A_513, %parallel_loop3A_521 : vector<16xf32>
        %parallel_loop3A_523 = arith.addf %parallel_loop3A_479, %parallel_loop3A_522 : vector<16xf32>
        %parallel_loop3A_524 = arith.mulf %parallel_loop3A_521, %parallel_loop3A_521 : vector<16xf32>
        %parallel_loop3A_525 = arith.addf %parallel_loop3A_481, %parallel_loop3A_524 : vector<16xf32>
        %parallel_loop3A_526 = arith.mulf %parallel_loop3A_513, %parallel_loop3A_513 : vector<16xf32>
        %parallel_loop3A_527 = arith.addf %parallel_loop3A_483, %parallel_loop3A_526 : vector<16xf32>
        %parallel_loop3A_528 = arith.constant 0 : i32
        %parallel_loop3A_529 = arith.constant 0 : i32
        %parallel_loop3A_530 = tpu.memref_slice %arg9[%parallel_loop3A_247, %parallel_loop3A_528, %parallel_loop3A_529] : memref<2x32x512xf32, #tpu.memory_space<vmem>> -> memref<1x32x512xf32, #tpu.memory_space<vmem>>
        %parallel_loop3A_531 = tpu.memref_squeeze %parallel_loop3A_530 : memref<1x32x512xf32, #tpu.memory_space<vmem>> -> memref<32x512xf32, #tpu.memory_space<vmem>>
        %parallel_loop3A_532 = arith.index_cast %parallel_loop3A_283 : i32 to index
        %parallel_loop3A_533 = arith.constant 176 : index
        %parallel_loop3A_534 = tpu.vector_load %parallel_loop3A_531[%parallel_loop3A_532, %parallel_loop3A_533] {strides = array<i32>} : memref<32x512xf32, #tpu.memory_space<vmem>>, vector<1x16xf32>,
        %parallel_loop3A_535 = vector.shape_cast %parallel_loop3A_534 : vector<1x16xf32> to vector<16xf32>
        %parallel_loop3A_536 = arith.constant 0 : i32
        %parallel_loop3A_537 = arith.constant 0 : i32
        %parallel_loop3A_538 = tpu.memref_slice %arg10[%parallel_loop3A_248, %parallel_loop3A_536, %parallel_loop3A_537] : memref<2x32x512xf32, #tpu.memory_space<vmem>> -> memref<1x32x512xf32, #tpu.memory_space<vmem>>
        %parallel_loop3A_539 = tpu.memref_squeeze %parallel_loop3A_538 : memref<1x32x512xf32, #tpu.memory_space<vmem>> -> memref<32x512xf32, #tpu.memory_space<vmem>>
        %parallel_loop3A_540 = arith.index_cast %parallel_loop3A_283 : i32 to index
        %parallel_loop3A_541 = arith.constant 176 : index
        %parallel_loop3A_542 = tpu.vector_load %parallel_loop3A_539[%parallel_loop3A_540, %parallel_loop3A_541] {strides = array<i32>} : memref<32x512xf32, #tpu.memory_space<vmem>>, vector<1x16xf32>,
        %parallel_loop3A_543 = vector.shape_cast %parallel_loop3A_542 : vector<1x16xf32> to vector<16xf32>
        %parallel_loop3A_544 = arith.mulf %parallel_loop3A_535, %parallel_loop3A_543 : vector<16xf32>
        %parallel_loop3A_545 = arith.addf %parallel_loop3A_501, %parallel_loop3A_544 : vector<16xf32>
        %parallel_loop3A_546 = arith.mulf %parallel_loop3A_543, %parallel_loop3A_543 : vector<16xf32>
        %parallel_loop3A_547 = arith.addf %parallel_loop3A_503, %parallel_loop3A_546 : vector<16xf32>
        %parallel_loop3A_548 = arith.mulf %parallel_loop3A_535, %parallel_loop3A_535 : vector<16xf32>
        %parallel_loop3A_549 = arith.addf %parallel_loop3A_505, %parallel_loop3A_548 : vector<16xf32>
        %parallel_loop3A_550 = arith.constant 0 : i32
        %parallel_loop3A_551 = arith.constant 0 : i32
        %parallel_loop3A_552 = tpu.memref_slice %arg9[%parallel_loop3A_247, %parallel_loop3A_550, %parallel_loop3A_551] : memref<2x32x512xf32, #tpu.memory_space<vmem>> -> memref<1x32x512xf32, #tpu.memory_space<vmem>>
        %parallel_loop3A_553 = tpu.memref_squeeze %parallel_loop3A_552 : memref<1x32x512xf32, #tpu.memory_space<vmem>> -> memref<32x512xf32, #tpu.memory_space<vmem>>
        %parallel_loop3A_554 = arith.index_cast %parallel_loop3A_283 : i32 to index
        %parallel_loop3A_555 = arith.constant 192 : index
        %parallel_loop3A_556 = tpu.vector_load %parallel_loop3A_553[%parallel_loop3A_554, %parallel_loop3A_555] {strides = array<i32>} : memref<32x512xf32, #tpu.memory_space<vmem>>, vector<1x16xf32>,
        %parallel_loop3A_557 = vector.shape_cast %parallel_loop3A_556 : vector<1x16xf32> to vector<16xf32>
        %parallel_loop3A_558 = arith.constant 0 : i32
        %parallel_loop3A_559 = arith.constant 0 : i32
        %parallel_loop3A_560 = tpu.memref_slice %arg10[%parallel_loop3A_248, %parallel_loop3A_558, %parallel_loop3A_559] : memref<2x32x512xf32, #tpu.memory_space<vmem>> -> memref<1x32x512xf32, #tpu.memory_space<vmem>>
        %parallel_loop3A_561 = tpu.memref_squeeze %parallel_loop3A_560 : memref<1x32x512xf32, #tpu.memory_space<vmem>> -> memref<32x512xf32, #tpu.memory_space<vmem>>
        %parallel_loop3A_562 = arith.index_cast %parallel_loop3A_283 : i32 to index
        %parallel_loop3A_563 = arith.constant 192 : index
        %parallel_loop3A_564 = tpu.vector_load %parallel_loop3A_561[%parallel_loop3A_562, %parallel_loop3A_563] {strides = array<i32>} : memref<32x512xf32, #tpu.memory_space<vmem>>, vector<1x16xf32>,
        %parallel_loop3A_565 = vector.shape_cast %parallel_loop3A_564 : vector<1x16xf32> to vector<16xf32>
        %parallel_loop3A_566 = arith.mulf %parallel_loop3A_557, %parallel_loop3A_565 : vector<16xf32>
        %parallel_loop3A_567 = arith.addf %parallel_loop3A_523, %parallel_loop3A_566 : vector<16xf32>
        %parallel_loop3A_568 = arith.mulf %parallel_loop3A_565, %parallel_loop3A_565 : vector<16xf32>
        %parallel_loop3A_569 = arith.addf %parallel_loop3A_525, %parallel_loop3A_568 : vector<16xf32>
        %parallel_loop3A_570 = arith.mulf %parallel_loop3A_557, %parallel_loop3A_557 : vector<16xf32>
        %parallel_loop3A_571 = arith.addf %parallel_loop3A_527, %parallel_loop3A_570 : vector<16xf32>
        %parallel_loop3A_572 = arith.constant 0 : i32
        %parallel_loop3A_573 = arith.constant 0 : i32
        %parallel_loop3A_574 = tpu.memref_slice %arg9[%parallel_loop3A_247, %parallel_loop3A_572, %parallel_loop3A_573] : memref<2x32x512xf32, #tpu.memory_space<vmem>> -> memref<1x32x512xf32, #tpu.memory_space<vmem>>
        %parallel_loop3A_575 = tpu.memref_squeeze %parallel_loop3A_574 : memref<1x32x512xf32, #tpu.memory_space<vmem>> -> memref<32x512xf32, #tpu.memory_space<vmem>>
        %parallel_loop3A_576 = arith.index_cast %parallel_loop3A_283 : i32 to index
        %parallel_loop3A_577 = arith.constant 208 : index
        %parallel_loop3A_578 = tpu.vector_load %parallel_loop3A_575[%parallel_loop3A_576, %parallel_loop3A_577] {strides = array<i32>} : memref<32x512xf32, #tpu.memory_space<vmem>>, vector<1x16xf32>,
        %parallel_loop3A_579 = vector.shape_cast %parallel_loop3A_578 : vector<1x16xf32> to vector<16xf32>
        %parallel_loop3A_580 = arith.constant 0 : i32
        %parallel_loop3A_581 = arith.constant 0 : i32
        %parallel_loop3A_582 = tpu.memref_slice %arg10[%parallel_loop3A_248, %parallel_loop3A_580, %parallel_loop3A_581] : memref<2x32x512xf32, #tpu.memory_space<vmem>> -> memref<1x32x512xf32, #tpu.memory_space<vmem>>
        %parallel_loop3A_583 = tpu.memref_squeeze %parallel_loop3A_582 : memref<1x32x512xf32, #tpu.memory_space<vmem>> -> memref<32x512xf32, #tpu.memory_space<vmem>>
        %parallel_loop3A_584 = arith.index_cast %parallel_loop3A_283 : i32 to index
        %parallel_loop3A_585 = arith.constant 208 : index
        %parallel_loop3A_586 = tpu.vector_load %parallel_loop3A_583[%parallel_loop3A_584, %parallel_loop3A_585] {strides = array<i32>} : memref<32x512xf32, #tpu.memory_space<vmem>>, vector<1x16xf32>,
        %parallel_loop3A_587 = vector.shape_cast %parallel_loop3A_586 : vector<1x16xf32> to vector<16xf32>
        %parallel_loop3A_588 = arith.mulf %parallel_loop3A_579, %parallel_loop3A_587 : vector<16xf32>
        %parallel_loop3A_589 = arith.addf %parallel_loop3A_545, %parallel_loop3A_588 : vector<16xf32>
        %parallel_loop3A_590 = arith.mulf %parallel_loop3A_587, %parallel_loop3A_587 : vector<16xf32>
        %parallel_loop3A_591 = arith.addf %parallel_loop3A_547, %parallel_loop3A_590 : vector<16xf32>
        %parallel_loop3A_592 = arith.mulf %parallel_loop3A_579, %parallel_loop3A_579 : vector<16xf32>
        %parallel_loop3A_593 = arith.addf %parallel_loop3A_549, %parallel_loop3A_592 : vector<16xf32>
        %parallel_loop3A_594 = arith.constant 0 : i32
        %parallel_loop3A_595 = arith.constant 0 : i32
        %parallel_loop3A_596 = tpu.memref_slice %arg9[%parallel_loop3A_247, %parallel_loop3A_594, %parallel_loop3A_595] : memref<2x32x512xf32, #tpu.memory_space<vmem>> -> memref<1x32x512xf32, #tpu.memory_space<vmem>>
        %parallel_loop3A_597 = tpu.memref_squeeze %parallel_loop3A_596 : memref<1x32x512xf32, #tpu.memory_space<vmem>> -> memref<32x512xf32, #tpu.memory_space<vmem>>
        %parallel_loop3A_598 = arith.index_cast %parallel_loop3A_283 : i32 to index
        %parallel_loop3A_599 = arith.constant 224 : index
        %parallel_loop3A_600 = tpu.vector_load %parallel_loop3A_597[%parallel_loop3A_598, %parallel_loop3A_599] {strides = array<i32>} : memref<32x512xf32, #tpu.memory_space<vmem>>, vector<1x16xf32>,
        %parallel_loop3A_601 = vector.shape_cast %parallel_loop3A_600 : vector<1x16xf32> to vector<16xf32>
        %parallel_loop3A_602 = arith.constant 0 : i32
        %parallel_loop3A_603 = arith.constant 0 : i32
        %parallel_loop3A_604 = tpu.memref_slice %arg10[%parallel_loop3A_248, %parallel_loop3A_602, %parallel_loop3A_603] : memref<2x32x512xf32, #tpu.memory_space<vmem>> -> memref<1x32x512xf32, #tpu.memory_space<vmem>>
        %parallel_loop3A_605 = tpu.memref_squeeze %parallel_loop3A_604 : memref<1x32x512xf32, #tpu.memory_space<vmem>> -> memref<32x512xf32, #tpu.memory_space<vmem>>
        %parallel_loop3A_606 = arith.index_cast %parallel_loop3A_283 : i32 to index
        %parallel_loop3A_607 = arith.constant 224 : index
        %parallel_loop3A_608 = tpu.vector_load %parallel_loop3A_605[%parallel_loop3A_606, %parallel_loop3A_607] {strides = array<i32>} : memref<32x512xf32, #tpu.memory_space<vmem>>, vector<1x16xf32>,
        %parallel_loop3A_609 = vector.shape_cast %parallel_loop3A_608 : vector<1x16xf32> to vector<16xf32>
        %parallel_loop3A_610 = arith.mulf %parallel_loop3A_601, %parallel_loop3A_609 : vector<16xf32>
        %parallel_loop3A_611 = arith.addf %parallel_loop3A_567, %parallel_loop3A_610 : vector<16xf32>
        %parallel_loop3A_612 = arith.mulf %parallel_loop3A_609, %parallel_loop3A_609 : vector<16xf32>
        %parallel_loop3A_613 = arith.addf %parallel_loop3A_569, %parallel_loop3A_612 : vector<16xf32>
        %parallel_loop3A_614 = arith.mulf %parallel_loop3A_601, %parallel_loop3A_601 : vector<16xf32>
        %parallel_loop3A_615 = arith.addf %parallel_loop3A_571, %parallel_loop3A_614 : vector<16xf32>
        %parallel_loop3A_616 = arith.constant 0 : i32
        %parallel_loop3A_617 = arith.constant 0 : i32
        %parallel_loop3A_618 = tpu.memref_slice %arg9[%parallel_loop3A_247, %parallel_loop3A_616, %parallel_loop3A_617] : memref<2x32x512xf32, #tpu.memory_space<vmem>> -> memref<1x32x512xf32, #tpu.memory_space<vmem>>
        %parallel_loop3A_619 = tpu.memref_squeeze %parallel_loop3A_618 : memref<1x32x512xf32, #tpu.memory_space<vmem>> -> memref<32x512xf32, #tpu.memory_space<vmem>>
        %parallel_loop3A_620 = arith.index_cast %parallel_loop3A_283 : i32 to index
        %parallel_loop3A_621 = arith.constant 240 : index
        %parallel_loop3A_622 = tpu.vector_load %parallel_loop3A_619[%parallel_loop3A_620, %parallel_loop3A_621] {strides = array<i32>} : memref<32x512xf32, #tpu.memory_space<vmem>>, vector<1x16xf32>,
        %parallel_loop3A_623 = vector.shape_cast %parallel_loop3A_622 : vector<1x16xf32> to vector<16xf32>
        %parallel_loop3A_624 = arith.constant 0 : i32
        %parallel_loop3A_625 = arith.constant 0 : i32
        %parallel_loop3A_626 = tpu.memref_slice %arg10[%parallel_loop3A_248, %parallel_loop3A_624, %parallel_loop3A_625] : memref<2x32x512xf32, #tpu.memory_space<vmem>> -> memref<1x32x512xf32, #tpu.memory_space<vmem>>
        %parallel_loop3A_627 = tpu.memref_squeeze %parallel_loop3A_626 : memref<1x32x512xf32, #tpu.memory_space<vmem>> -> memref<32x512xf32, #tpu.memory_space<vmem>>
        %parallel_loop3A_628 = arith.index_cast %parallel_loop3A_283 : i32 to index
        %parallel_loop3A_629 = arith.constant 240 : index
        %parallel_loop3A_630 = tpu.vector_load %parallel_loop3A_627[%parallel_loop3A_628, %parallel_loop3A_629] {strides = array<i32>} : memref<32x512xf32, #tpu.memory_space<vmem>>, vector<1x16xf32>,
        %parallel_loop3A_631 = vector.shape_cast %parallel_loop3A_630 : vector<1x16xf32> to vector<16xf32>
        %parallel_loop3A_632 = arith.mulf %parallel_loop3A_623, %parallel_loop3A_631 : vector<16xf32>
        %parallel_loop3A_633 = arith.addf %parallel_loop3A_589, %parallel_loop3A_632 : vector<16xf32>
        %parallel_loop3A_634 = arith.mulf %parallel_loop3A_631, %parallel_loop3A_631 : vector<16xf32>
        %parallel_loop3A_635 = arith.addf %parallel_loop3A_591, %parallel_loop3A_634 : vector<16xf32>
        %parallel_loop3A_636 = arith.mulf %parallel_loop3A_623, %parallel_loop3A_623 : vector<16xf32>
        %parallel_loop3A_637 = arith.addf %parallel_loop3A_593, %parallel_loop3A_636 : vector<16xf32>
        %parallel_loop3A_638 = arith.constant 0 : i32
        %parallel_loop3A_639 = arith.constant 0 : i32
        %parallel_loop3A_640 = tpu.memref_slice %arg9[%parallel_loop3A_247, %parallel_loop3A_638, %parallel_loop3A_639] : memref<2x32x512xf32, #tpu.memory_space<vmem>> -> memref<1x32x512xf32, #tpu.memory_space<vmem>>
        %parallel_loop3A_641 = tpu.memref_squeeze %parallel_loop3A_640 : memref<1x32x512xf32, #tpu.memory_space<vmem>> -> memref<32x512xf32, #tpu.memory_space<vmem>>
        %parallel_loop3A_642 = arith.index_cast %parallel_loop3A_283 : i32 to index
        %parallel_loop3A_643 = arith.constant 256 : index
        %parallel_loop3A_644 = tpu.vector_load %parallel_loop3A_641[%parallel_loop3A_642, %parallel_loop3A_643] {strides = array<i32>} : memref<32x512xf32, #tpu.memory_space<vmem>>, vector<1x16xf32>,
        %parallel_loop3A_645 = vector.shape_cast %parallel_loop3A_644 : vector<1x16xf32> to vector<16xf32>
        %parallel_loop3A_646 = arith.constant 0 : i32
        %parallel_loop3A_647 = arith.constant 0 : i32
        %parallel_loop3A_648 = tpu.memref_slice %arg10[%parallel_loop3A_248, %parallel_loop3A_646, %parallel_loop3A_647] : memref<2x32x512xf32, #tpu.memory_space<vmem>> -> memref<1x32x512xf32, #tpu.memory_space<vmem>>
        %parallel_loop3A_649 = tpu.memref_squeeze %parallel_loop3A_648 : memref<1x32x512xf32, #tpu.memory_space<vmem>> -> memref<32x512xf32, #tpu.memory_space<vmem>>
        %parallel_loop3A_650 = arith.index_cast %parallel_loop3A_283 : i32 to index
        %parallel_loop3A_651 = arith.constant 256 : index
        %parallel_loop3A_652 = tpu.vector_load %parallel_loop3A_649[%parallel_loop3A_650, %parallel_loop3A_651] {strides = array<i32>} : memref<32x512xf32, #tpu.memory_space<vmem>>, vector<1x16xf32>,
        %parallel_loop3A_653 = vector.shape_cast %parallel_loop3A_652 : vector<1x16xf32> to vector<16xf32>
        %parallel_loop3A_654 = arith.mulf %parallel_loop3A_645, %parallel_loop3A_653 : vector<16xf32>
        %parallel_loop3A_655 = arith.addf %parallel_loop3A_611, %parallel_loop3A_654 : vector<16xf32>
        %parallel_loop3A_656 = arith.mulf %parallel_loop3A_653, %parallel_loop3A_653 : vector<16xf32>
        %parallel_loop3A_657 = arith.addf %parallel_loop3A_613, %parallel_loop3A_656 : vector<16xf32>
        %parallel_loop3A_658 = arith.mulf %parallel_loop3A_645, %parallel_loop3A_645 : vector<16xf32>
        %parallel_loop3A_659 = arith.addf %parallel_loop3A_615, %parallel_loop3A_658 : vector<16xf32>
        %parallel_loop3A_660 = arith.constant 0 : i32
        %parallel_loop3A_661 = arith.constant 0 : i32
        %parallel_loop3A_662 = tpu.memref_slice %arg9[%parallel_loop3A_247, %parallel_loop3A_660, %parallel_loop3A_661] : memref<2x32x512xf32, #tpu.memory_space<vmem>> -> memref<1x32x512xf32, #tpu.memory_space<vmem>>
        %parallel_loop3A_663 = tpu.memref_squeeze %parallel_loop3A_662 : memref<1x32x512xf32, #tpu.memory_space<vmem>> -> memref<32x512xf32, #tpu.memory_space<vmem>>
        %parallel_loop3A_664 = arith.index_cast %parallel_loop3A_283 : i32 to index
        %parallel_loop3A_665 = arith.constant 272 : index
        %parallel_loop3A_666 = tpu.vector_load %parallel_loop3A_663[%parallel_loop3A_664, %parallel_loop3A_665] {strides = array<i32>} : memref<32x512xf32, #tpu.memory_space<vmem>>, vector<1x16xf32>,
        %parallel_loop3A_667 = vector.shape_cast %parallel_loop3A_666 : vector<1x16xf32> to vector<16xf32>
        %parallel_loop3A_668 = arith.constant 0 : i32
        %parallel_loop3A_669 = arith.constant 0 : i32
        %parallel_loop3A_670 = tpu.memref_slice %arg10[%parallel_loop3A_248, %parallel_loop3A_668, %parallel_loop3A_669] : memref<2x32x512xf32, #tpu.memory_space<vmem>> -> memref<1x32x512xf32, #tpu.memory_space<vmem>>
        %parallel_loop3A_671 = tpu.memref_squeeze %parallel_loop3A_670 : memref<1x32x512xf32, #tpu.memory_space<vmem>> -> memref<32x512xf32, #tpu.memory_space<vmem>>
        %parallel_loop3A_672 = arith.index_cast %parallel_loop3A_283 : i32 to index
        %parallel_loop3A_673 = arith.constant 272 : index
        %parallel_loop3A_674 = tpu.vector_load %parallel_loop3A_671[%parallel_loop3A_672, %parallel_loop3A_673] {strides = array<i32>} : memref<32x512xf32, #tpu.memory_space<vmem>>, vector<1x16xf32>,
        %parallel_loop3A_675 = vector.shape_cast %parallel_loop3A_674 : vector<1x16xf32> to vector<16xf32>
        %parallel_loop3A_676 = arith.mulf %parallel_loop3A_667, %parallel_loop3A_675 : vector<16xf32>
        %parallel_loop3A_677 = arith.addf %parallel_loop3A_633, %parallel_loop3A_676 : vector<16xf32>
        %parallel_loop3A_678 = arith.mulf %parallel_loop3A_675, %parallel_loop3A_675 : vector<16xf32>
        %parallel_loop3A_679 = arith.addf %parallel_loop3A_635, %parallel_loop3A_678 : vector<16xf32>
        %parallel_loop3A_680 = arith.mulf %parallel_loop3A_667, %parallel_loop3A_667 : vector<16xf32>
        %parallel_loop3A_681 = arith.addf %parallel_loop3A_637, %parallel_loop3A_680 : vector<16xf32>
        %parallel_loop3A_682 = arith.constant 0 : i32
        %parallel_loop3A_683 = arith.constant 0 : i32
        %parallel_loop3A_684 = tpu.memref_slice %arg9[%parallel_loop3A_247, %parallel_loop3A_682, %parallel_loop3A_683] : memref<2x32x512xf32, #tpu.memory_space<vmem>> -> memref<1x32x512xf32, #tpu.memory_space<vmem>>
        %parallel_loop3A_685 = tpu.memref_squeeze %parallel_loop3A_684 : memref<1x32x512xf32, #tpu.memory_space<vmem>> -> memref<32x512xf32, #tpu.memory_space<vmem>>
        %parallel_loop3A_686 = arith.index_cast %parallel_loop3A_283 : i32 to index
        %parallel_loop3A_687 = arith.constant 288 : index
        %parallel_loop3A_688 = tpu.vector_load %parallel_loop3A_685[%parallel_loop3A_686, %parallel_loop3A_687] {strides = array<i32>} : memref<32x512xf32, #tpu.memory_space<vmem>>, vector<1x16xf32>,
        %parallel_loop3A_689 = vector.shape_cast %parallel_loop3A_688 : vector<1x16xf32> to vector<16xf32>
        %parallel_loop3A_690 = arith.constant 0 : i32
        %parallel_loop3A_691 = arith.constant 0 : i32
        %parallel_loop3A_692 = tpu.memref_slice %arg10[%parallel_loop3A_248, %parallel_loop3A_690, %parallel_loop3A_691] : memref<2x32x512xf32, #tpu.memory_space<vmem>> -> memref<1x32x512xf32, #tpu.memory_space<vmem>>
        %parallel_loop3A_693 = tpu.memref_squeeze %parallel_loop3A_692 : memref<1x32x512xf32, #tpu.memory_space<vmem>> -> memref<32x512xf32, #tpu.memory_space<vmem>>
        %parallel_loop3A_694 = arith.index_cast %parallel_loop3A_283 : i32 to index
        %parallel_loop3A_695 = arith.constant 288 : index
        %parallel_loop3A_696 = tpu.vector_load %parallel_loop3A_693[%parallel_loop3A_694, %parallel_loop3A_695] {strides = array<i32>} : memref<32x512xf32, #tpu.memory_space<vmem>>, vector<1x16xf32>,
        %parallel_loop3A_697 = vector.shape_cast %parallel_loop3A_696 : vector<1x16xf32> to vector<16xf32>
        %parallel_loop3A_698 = arith.mulf %parallel_loop3A_689, %parallel_loop3A_697 : vector<16xf32>
        %parallel_loop3A_699 = arith.addf %parallel_loop3A_655, %parallel_loop3A_698 : vector<16xf32>
        %parallel_loop3A_700 = arith.mulf %parallel_loop3A_697, %parallel_loop3A_697 : vector<16xf32>
        %parallel_loop3A_701 = arith.addf %parallel_loop3A_657, %parallel_loop3A_700 : vector<16xf32>
        %parallel_loop3A_702 = arith.mulf %parallel_loop3A_689, %parallel_loop3A_689 : vector<16xf32>
        %parallel_loop3A_703 = arith.addf %parallel_loop3A_659, %parallel_loop3A_702 : vector<16xf32>
        %parallel_loop3A_704 = arith.constant 0 : i32
        %parallel_loop3A_705 = arith.constant 0 : i32
        %parallel_loop3A_706 = tpu.memref_slice %arg9[%parallel_loop3A_247, %parallel_loop3A_704, %parallel_loop3A_705] : memref<2x32x512xf32, #tpu.memory_space<vmem>> -> memref<1x32x512xf32, #tpu.memory_space<vmem>>
        %parallel_loop3A_707 = tpu.memref_squeeze %parallel_loop3A_706 : memref<1x32x512xf32, #tpu.memory_space<vmem>> -> memref<32x512xf32, #tpu.memory_space<vmem>>
        %parallel_loop3A_708 = arith.index_cast %parallel_loop3A_283 : i32 to index
        %parallel_loop3A_709 = arith.constant 304 : index
        %parallel_loop3A_710 = tpu.vector_load %parallel_loop3A_707[%parallel_loop3A_708, %parallel_loop3A_709] {strides = array<i32>} : memref<32x512xf32, #tpu.memory_space<vmem>>, vector<1x16xf32>,
        %parallel_loop3A_711 = vector.shape_cast %parallel_loop3A_710 : vector<1x16xf32> to vector<16xf32>
        %parallel_loop3A_712 = arith.constant 0 : i32
        %parallel_loop3A_713 = arith.constant 0 : i32
        %parallel_loop3A_714 = tpu.memref_slice %arg10[%parallel_loop3A_248, %parallel_loop3A_712, %parallel_loop3A_713] : memref<2x32x512xf32, #tpu.memory_space<vmem>> -> memref<1x32x512xf32, #tpu.memory_space<vmem>>
        %parallel_loop3A_715 = tpu.memref_squeeze %parallel_loop3A_714 : memref<1x32x512xf32, #tpu.memory_space<vmem>> -> memref<32x512xf32, #tpu.memory_space<vmem>>
        %parallel_loop3A_716 = arith.index_cast %parallel_loop3A_283 : i32 to index
        %parallel_loop3A_717 = arith.constant 304 : index
        %parallel_loop3A_718 = tpu.vector_load %parallel_loop3A_715[%parallel_loop3A_716, %parallel_loop3A_717] {strides = array<i32>} : memref<32x512xf32, #tpu.memory_space<vmem>>, vector<1x16xf32>,
        %parallel_loop3A_719 = vector.shape_cast %parallel_loop3A_718 : vector<1x16xf32> to vector<16xf32>
        %parallel_loop3A_720 = arith.mulf %parallel_loop3A_711, %parallel_loop3A_719 : vector<16xf32>
        %parallel_loop3A_721 = arith.addf %parallel_loop3A_677, %parallel_loop3A_720 : vector<16xf32>
        %parallel_loop3A_722 = arith.mulf %parallel_loop3A_719, %parallel_loop3A_719 : vector<16xf32>
        %parallel_loop3A_723 = arith.addf %parallel_loop3A_679, %parallel_loop3A_722 : vector<16xf32>
        %parallel_loop3A_724 = arith.mulf %parallel_loop3A_711, %parallel_loop3A_711 : vector<16xf32>
        %parallel_loop3A_725 = arith.addf %parallel_loop3A_681, %parallel_loop3A_724 : vector<16xf32>
        %parallel_loop3A_726 = arith.constant 0 : i32
        %parallel_loop3A_727 = arith.constant 0 : i32
        %parallel_loop3A_728 = tpu.memref_slice %arg9[%parallel_loop3A_247, %parallel_loop3A_726, %parallel_loop3A_727] : memref<2x32x512xf32, #tpu.memory_space<vmem>> -> memref<1x32x512xf32, #tpu.memory_space<vmem>>
        %parallel_loop3A_729 = tpu.memref_squeeze %parallel_loop3A_728 : memref<1x32x512xf32, #tpu.memory_space<vmem>> -> memref<32x512xf32, #tpu.memory_space<vmem>>
        %parallel_loop3A_730 = arith.index_cast %parallel_loop3A_283 : i32 to index
        %parallel_loop3A_731 = arith.constant 320 : index
        %parallel_loop3A_732 = tpu.vector_load %parallel_loop3A_729[%parallel_loop3A_730, %parallel_loop3A_731] {strides = array<i32>} : memref<32x512xf32, #tpu.memory_space<vmem>>, vector<1x16xf32>,
        %parallel_loop3A_733 = vector.shape_cast %parallel_loop3A_732 : vector<1x16xf32> to vector<16xf32>
        %parallel_loop3A_734 = arith.constant 0 : i32
        %parallel_loop3A_735 = arith.constant 0 : i32
        %parallel_loop3A_736 = tpu.memref_slice %arg10[%parallel_loop3A_248, %parallel_loop3A_734, %parallel_loop3A_735] : memref<2x32x512xf32, #tpu.memory_space<vmem>> -> memref<1x32x512xf32, #tpu.memory_space<vmem>>
        %parallel_loop3A_737 = tpu.memref_squeeze %parallel_loop3A_736 : memref<1x32x512xf32, #tpu.memory_space<vmem>> -> memref<32x512xf32, #tpu.memory_space<vmem>>
        %parallel_loop3A_738 = arith.index_cast %parallel_loop3A_283 : i32 to index
        %parallel_loop3A_739 = arith.constant 320 : index
        %parallel_loop3A_740 = tpu.vector_load %parallel_loop3A_737[%parallel_loop3A_738, %parallel_loop3A_739] {strides = array<i32>} : memref<32x512xf32, #tpu.memory_space<vmem>>, vector<1x16xf32>,
        %parallel_loop3A_741 = vector.shape_cast %parallel_loop3A_740 : vector<1x16xf32> to vector<16xf32>
        %parallel_loop3A_742 = arith.mulf %parallel_loop3A_733, %parallel_loop3A_741 : vector<16xf32>
        %parallel_loop3A_743 = arith.addf %parallel_loop3A_699, %parallel_loop3A_742 : vector<16xf32>
        %parallel_loop3A_744 = arith.mulf %parallel_loop3A_741, %parallel_loop3A_741 : vector<16xf32>
        %parallel_loop3A_745 = arith.addf %parallel_loop3A_701, %parallel_loop3A_744 : vector<16xf32>
        %parallel_loop3A_746 = arith.mulf %parallel_loop3A_733, %parallel_loop3A_733 : vector<16xf32>
        %parallel_loop3A_747 = arith.addf %parallel_loop3A_703, %parallel_loop3A_746 : vector<16xf32>
        %parallel_loop3A_748 = arith.constant 0 : i32
        %parallel_loop3A_749 = arith.constant 0 : i32
        %parallel_loop3A_750 = tpu.memref_slice %arg9[%parallel_loop3A_247, %parallel_loop3A_748, %parallel_loop3A_749] : memref<2x32x512xf32, #tpu.memory_space<vmem>> -> memref<1x32x512xf32, #tpu.memory_space<vmem>>
        %parallel_loop3A_751 = tpu.memref_squeeze %parallel_loop3A_750 : memref<1x32x512xf32, #tpu.memory_space<vmem>> -> memref<32x512xf32, #tpu.memory_space<vmem>>
        %parallel_loop3A_752 = arith.index_cast %parallel_loop3A_283 : i32 to index
        %parallel_loop3A_753 = arith.constant 336 : index
        %parallel_loop3A_754 = tpu.vector_load %parallel_loop3A_751[%parallel_loop3A_752, %parallel_loop3A_753] {strides = array<i32>} : memref<32x512xf32, #tpu.memory_space<vmem>>, vector<1x16xf32>,
        %parallel_loop3A_755 = vector.shape_cast %parallel_loop3A_754 : vector<1x16xf32> to vector<16xf32>
        %parallel_loop3A_756 = arith.constant 0 : i32
        %parallel_loop3A_757 = arith.constant 0 : i32
        %parallel_loop3A_758 = tpu.memref_slice %arg10[%parallel_loop3A_248, %parallel_loop3A_756, %parallel_loop3A_757] : memref<2x32x512xf32, #tpu.memory_space<vmem>> -> memref<1x32x512xf32, #tpu.memory_space<vmem>>
        %parallel_loop3A_759 = tpu.memref_squeeze %parallel_loop3A_758 : memref<1x32x512xf32, #tpu.memory_space<vmem>> -> memref<32x512xf32, #tpu.memory_space<vmem>>
        %parallel_loop3A_760 = arith.index_cast %parallel_loop3A_283 : i32 to index
        %parallel_loop3A_761 = arith.constant 336 : index
        %parallel_loop3A_762 = tpu.vector_load %parallel_loop3A_759[%parallel_loop3A_760, %parallel_loop3A_761] {strides = array<i32>} : memref<32x512xf32, #tpu.memory_space<vmem>>, vector<1x16xf32>,
        %parallel_loop3A_763 = vector.shape_cast %parallel_loop3A_762 : vector<1x16xf32> to vector<16xf32>
        %parallel_loop3A_764 = arith.mulf %parallel_loop3A_755, %parallel_loop3A_763 : vector<16xf32>
        %parallel_loop3A_765 = arith.addf %parallel_loop3A_721, %parallel_loop3A_764 : vector<16xf32>
        %parallel_loop3A_766 = arith.mulf %parallel_loop3A_763, %parallel_loop3A_763 : vector<16xf32>
        %parallel_loop3A_767 = arith.addf %parallel_loop3A_723, %parallel_loop3A_766 : vector<16xf32>
        %parallel_loop3A_768 = arith.mulf %parallel_loop3A_755, %parallel_loop3A_755 : vector<16xf32>
        %parallel_loop3A_769 = arith.addf %parallel_loop3A_725, %parallel_loop3A_768 : vector<16xf32>
        %parallel_loop3A_770 = arith.constant 0 : i32
        %parallel_loop3A_771 = arith.constant 0 : i32
        %parallel_loop3A_772 = tpu.memref_slice %arg9[%parallel_loop3A_247, %parallel_loop3A_770, %parallel_loop3A_771] : memref<2x32x512xf32, #tpu.memory_space<vmem>> -> memref<1x32x512xf32, #tpu.memory_space<vmem>>
        %parallel_loop3A_773 = tpu.memref_squeeze %parallel_loop3A_772 : memref<1x32x512xf32, #tpu.memory_space<vmem>> -> memref<32x512xf32, #tpu.memory_space<vmem>>
        %parallel_loop3A_774 = arith.index_cast %parallel_loop3A_283 : i32 to index
        %parallel_loop3A_775 = arith.constant 352 : index
        %parallel_loop3A_776 = tpu.vector_load %parallel_loop3A_773[%parallel_loop3A_774, %parallel_loop3A_775] {strides = array<i32>} : memref<32x512xf32, #tpu.memory_space<vmem>>, vector<1x16xf32>,
        %parallel_loop3A_777 = vector.shape_cast %parallel_loop3A_776 : vector<1x16xf32> to vector<16xf32>
        %parallel_loop3A_778 = arith.constant 0 : i32
        %parallel_loop3A_779 = arith.constant 0 : i32
        %parallel_loop3A_780 = tpu.memref_slice %arg10[%parallel_loop3A_248, %parallel_loop3A_778, %parallel_loop3A_779] : memref<2x32x512xf32, #tpu.memory_space<vmem>> -> memref<1x32x512xf32, #tpu.memory_space<vmem>>
        %parallel_loop3A_781 = tpu.memref_squeeze %parallel_loop3A_780 : memref<1x32x512xf32, #tpu.memory_space<vmem>> -> memref<32x512xf32, #tpu.memory_space<vmem>>
        %parallel_loop3A_782 = arith.index_cast %parallel_loop3A_283 : i32 to index
        %parallel_loop3A_783 = arith.constant 352 : index
        %parallel_loop3A_784 = tpu.vector_load %parallel_loop3A_781[%parallel_loop3A_782, %parallel_loop3A_783] {strides = array<i32>} : memref<32x512xf32, #tpu.memory_space<vmem>>, vector<1x16xf32>,
        %parallel_loop3A_785 = vector.shape_cast %parallel_loop3A_784 : vector<1x16xf32> to vector<16xf32>
        %parallel_loop3A_786 = arith.mulf %parallel_loop3A_777, %parallel_loop3A_785 : vector<16xf32>
        %parallel_loop3A_787 = arith.addf %parallel_loop3A_743, %parallel_loop3A_786 : vector<16xf32>
        %parallel_loop3A_788 = arith.mulf %parallel_loop3A_785, %parallel_loop3A_785 : vector<16xf32>
        %parallel_loop3A_789 = arith.addf %parallel_loop3A_745, %parallel_loop3A_788 : vector<16xf32>
        %parallel_loop3A_790 = arith.mulf %parallel_loop3A_777, %parallel_loop3A_777 : vector<16xf32>
        %parallel_loop3A_791 = arith.addf %parallel_loop3A_747, %parallel_loop3A_790 : vector<16xf32>
        %parallel_loop3A_792 = arith.constant 0 : i32
        %parallel_loop3A_793 = arith.constant 0 : i32
        %parallel_loop3A_794 = tpu.memref_slice %arg9[%parallel_loop3A_247, %parallel_loop3A_792, %parallel_loop3A_793] : memref<2x32x512xf32, #tpu.memory_space<vmem>> -> memref<1x32x512xf32, #tpu.memory_space<vmem>>
        %parallel_loop3A_795 = tpu.memref_squeeze %parallel_loop3A_794 : memref<1x32x512xf32, #tpu.memory_space<vmem>> -> memref<32x512xf32, #tpu.memory_space<vmem>>
        %parallel_loop3A_796 = arith.index_cast %parallel_loop3A_283 : i32 to index
        %parallel_loop3A_797 = arith.constant 368 : index
        %parallel_loop3A_798 = tpu.vector_load %parallel_loop3A_795[%parallel_loop3A_796, %parallel_loop3A_797] {strides = array<i32>} : memref<32x512xf32, #tpu.memory_space<vmem>>, vector<1x16xf32>,
        %parallel_loop3A_799 = vector.shape_cast %parallel_loop3A_798 : vector<1x16xf32> to vector<16xf32>
        %parallel_loop3A_800 = arith.constant 0 : i32
        %parallel_loop3A_801 = arith.constant 0 : i32
        %parallel_loop3A_802 = tpu.memref_slice %arg10[%parallel_loop3A_248, %parallel_loop3A_800, %parallel_loop3A_801] : memref<2x32x512xf32, #tpu.memory_space<vmem>> -> memref<1x32x512xf32, #tpu.memory_space<vmem>>
        %parallel_loop3A_803 = tpu.memref_squeeze %parallel_loop3A_802 : memref<1x32x512xf32, #tpu.memory_space<vmem>> -> memref<32x512xf32, #tpu.memory_space<vmem>>
        %parallel_loop3A_804 = arith.index_cast %parallel_loop3A_283 : i32 to index
        %parallel_loop3A_805 = arith.constant 368 : index
        %parallel_loop3A_806 = tpu.vector_load %parallel_loop3A_803[%parallel_loop3A_804, %parallel_loop3A_805] {strides = array<i32>} : memref<32x512xf32, #tpu.memory_space<vmem>>, vector<1x16xf32>,
        %parallel_loop3A_807 = vector.shape_cast %parallel_loop3A_806 : vector<1x16xf32> to vector<16xf32>
        %parallel_loop3A_808 = arith.mulf %parallel_loop3A_799, %parallel_loop3A_807 : vector<16xf32>
        %parallel_loop3A_809 = arith.addf %parallel_loop3A_765, %parallel_loop3A_808 : vector<16xf32>
        %parallel_loop3A_810 = arith.mulf %parallel_loop3A_807, %parallel_loop3A_807 : vector<16xf32>
        %parallel_loop3A_811 = arith.addf %parallel_loop3A_767, %parallel_loop3A_810 : vector<16xf32>
        %parallel_loop3A_812 = arith.mulf %parallel_loop3A_799, %parallel_loop3A_799 : vector<16xf32>
        %parallel_loop3A_813 = arith.addf %parallel_loop3A_769, %parallel_loop3A_812 : vector<16xf32>
        %parallel_loop3A_814 = arith.constant 0 : i32
        %parallel_loop3A_815 = arith.constant 0 : i32
        %parallel_loop3A_816 = tpu.memref_slice %arg9[%parallel_loop3A_247, %parallel_loop3A_814, %parallel_loop3A_815] : memref<2x32x512xf32, #tpu.memory_space<vmem>> -> memref<1x32x512xf32, #tpu.memory_space<vmem>>
        %parallel_loop3A_817 = tpu.memref_squeeze %parallel_loop3A_816 : memref<1x32x512xf32, #tpu.memory_space<vmem>> -> memref<32x512xf32, #tpu.memory_space<vmem>>
        %parallel_loop3A_818 = arith.index_cast %parallel_loop3A_283 : i32 to index
        %parallel_loop3A_819 = arith.constant 384 : index
        %parallel_loop3A_820 = tpu.vector_load %parallel_loop3A_817[%parallel_loop3A_818, %parallel_loop3A_819] {strides = array<i32>} : memref<32x512xf32, #tpu.memory_space<vmem>>, vector<1x16xf32>,
        %parallel_loop3A_821 = vector.shape_cast %parallel_loop3A_820 : vector<1x16xf32> to vector<16xf32>
        %parallel_loop3A_822 = arith.constant 0 : i32
        %parallel_loop3A_823 = arith.constant 0 : i32
        %parallel_loop3A_824 = tpu.memref_slice %arg10[%parallel_loop3A_248, %parallel_loop3A_822, %parallel_loop3A_823] : memref<2x32x512xf32, #tpu.memory_space<vmem>> -> memref<1x32x512xf32, #tpu.memory_space<vmem>>
        %parallel_loop3A_825 = tpu.memref_squeeze %parallel_loop3A_824 : memref<1x32x512xf32, #tpu.memory_space<vmem>> -> memref<32x512xf32, #tpu.memory_space<vmem>>
        %parallel_loop3A_826 = arith.index_cast %parallel_loop3A_283 : i32 to index
        %parallel_loop3A_827 = arith.constant 384 : index
        %parallel_loop3A_828 = tpu.vector_load %parallel_loop3A_825[%parallel_loop3A_826, %parallel_loop3A_827] {strides = array<i32>} : memref<32x512xf32, #tpu.memory_space<vmem>>, vector<1x16xf32>,
        %parallel_loop3A_829 = vector.shape_cast %parallel_loop3A_828 : vector<1x16xf32> to vector<16xf32>
        %parallel_loop3A_830 = arith.mulf %parallel_loop3A_821, %parallel_loop3A_829 : vector<16xf32>
        %parallel_loop3A_831 = arith.addf %parallel_loop3A_787, %parallel_loop3A_830 : vector<16xf32>
        %parallel_loop3A_832 = arith.mulf %parallel_loop3A_829, %parallel_loop3A_829 : vector<16xf32>
        %parallel_loop3A_833 = arith.addf %parallel_loop3A_789, %parallel_loop3A_832 : vector<16xf32>
        %parallel_loop3A_834 = arith.mulf %parallel_loop3A_821, %parallel_loop3A_821 : vector<16xf32>
        %parallel_loop3A_835 = arith.addf %parallel_loop3A_791, %parallel_loop3A_834 : vector<16xf32>
        %parallel_loop3A_836 = arith.constant 0 : i32
        %parallel_loop3A_837 = arith.constant 0 : i32
        %parallel_loop3A_838 = tpu.memref_slice %arg9[%parallel_loop3A_247, %parallel_loop3A_836, %parallel_loop3A_837] : memref<2x32x512xf32, #tpu.memory_space<vmem>> -> memref<1x32x512xf32, #tpu.memory_space<vmem>>
        %parallel_loop3A_839 = tpu.memref_squeeze %parallel_loop3A_838 : memref<1x32x512xf32, #tpu.memory_space<vmem>> -> memref<32x512xf32, #tpu.memory_space<vmem>>
        %parallel_loop3A_840 = arith.index_cast %parallel_loop3A_283 : i32 to index
        %parallel_loop3A_841 = arith.constant 400 : index
        %parallel_loop3A_842 = tpu.vector_load %parallel_loop3A_839[%parallel_loop3A_840, %parallel_loop3A_841] {strides = array<i32>} : memref<32x512xf32, #tpu.memory_space<vmem>>, vector<1x16xf32>,
        %parallel_loop3A_843 = vector.shape_cast %parallel_loop3A_842 : vector<1x16xf32> to vector<16xf32>
        %parallel_loop3A_844 = arith.constant 0 : i32
        %parallel_loop3A_845 = arith.constant 0 : i32
        %parallel_loop3A_846 = tpu.memref_slice %arg10[%parallel_loop3A_248, %parallel_loop3A_844, %parallel_loop3A_845] : memref<2x32x512xf32, #tpu.memory_space<vmem>> -> memref<1x32x512xf32, #tpu.memory_space<vmem>>
        %parallel_loop3A_847 = tpu.memref_squeeze %parallel_loop3A_846 : memref<1x32x512xf32, #tpu.memory_space<vmem>> -> memref<32x512xf32, #tpu.memory_space<vmem>>
        %parallel_loop3A_848 = arith.index_cast %parallel_loop3A_283 : i32 to index
        %parallel_loop3A_849 = arith.constant 400 : index
        %parallel_loop3A_850 = tpu.vector_load %parallel_loop3A_847[%parallel_loop3A_848, %parallel_loop3A_849] {strides = array<i32>} : memref<32x512xf32, #tpu.memory_space<vmem>>, vector<1x16xf32>,
        %parallel_loop3A_851 = vector.shape_cast %parallel_loop3A_850 : vector<1x16xf32> to vector<16xf32>
        %parallel_loop3A_852 = arith.mulf %parallel_loop3A_843, %parallel_loop3A_851 : vector<16xf32>
        %parallel_loop3A_853 = arith.addf %parallel_loop3A_809, %parallel_loop3A_852 : vector<16xf32>
        %parallel_loop3A_854 = arith.mulf %parallel_loop3A_851, %parallel_loop3A_851 : vector<16xf32>
        %parallel_loop3A_855 = arith.addf %parallel_loop3A_811, %parallel_loop3A_854 : vector<16xf32>
        %parallel_loop3A_856 = arith.mulf %parallel_loop3A_843, %parallel_loop3A_843 : vector<16xf32>
        %parallel_loop3A_857 = arith.addf %parallel_loop3A_813, %parallel_loop3A_856 : vector<16xf32>
        %parallel_loop3A_858 = arith.constant 0 : i32
        %parallel_loop3A_859 = arith.constant 0 : i32
        %parallel_loop3A_860 = tpu.memref_slice %arg9[%parallel_loop3A_247, %parallel_loop3A_858, %parallel_loop3A_859] : memref<2x32x512xf32, #tpu.memory_space<vmem>> -> memref<1x32x512xf32, #tpu.memory_space<vmem>>
        %parallel_loop3A_861 = tpu.memref_squeeze %parallel_loop3A_860 : memref<1x32x512xf32, #tpu.memory_space<vmem>> -> memref<32x512xf32, #tpu.memory_space<vmem>>
        %parallel_loop3A_862 = arith.index_cast %parallel_loop3A_283 : i32 to index
        %parallel_loop3A_863 = arith.constant 416 : index
        %parallel_loop3A_864 = tpu.vector_load %parallel_loop3A_861[%parallel_loop3A_862, %parallel_loop3A_863] {strides = array<i32>} : memref<32x512xf32, #tpu.memory_space<vmem>>, vector<1x16xf32>,
        %parallel_loop3A_865 = vector.shape_cast %parallel_loop3A_864 : vector<1x16xf32> to vector<16xf32>
        %parallel_loop3A_866 = arith.constant 0 : i32
        %parallel_loop3A_867 = arith.constant 0 : i32
        %parallel_loop3A_868 = tpu.memref_slice %arg10[%parallel_loop3A_248, %parallel_loop3A_866, %parallel_loop3A_867] : memref<2x32x512xf32, #tpu.memory_space<vmem>> -> memref<1x32x512xf32, #tpu.memory_space<vmem>>
        %parallel_loop3A_869 = tpu.memref_squeeze %parallel_loop3A_868 : memref<1x32x512xf32, #tpu.memory_space<vmem>> -> memref<32x512xf32, #tpu.memory_space<vmem>>
        %parallel_loop3A_870 = arith.index_cast %parallel_loop3A_283 : i32 to index
        %parallel_loop3A_871 = arith.constant 416 : index
        %parallel_loop3A_872 = tpu.vector_load %parallel_loop3A_869[%parallel_loop3A_870, %parallel_loop3A_871] {strides = array<i32>} : memref<32x512xf32, #tpu.memory_space<vmem>>, vector<1x16xf32>,
        %parallel_loop3A_873 = vector.shape_cast %parallel_loop3A_872 : vector<1x16xf32> to vector<16xf32>
        %parallel_loop3A_874 = arith.mulf %parallel_loop3A_865, %parallel_loop3A_873 : vector<16xf32>
        %parallel_loop3A_875 = arith.addf %parallel_loop3A_831, %parallel_loop3A_874 : vector<16xf32>
        %parallel_loop3A_876 = arith.mulf %parallel_loop3A_873, %parallel_loop3A_873 : vector<16xf32>
        %parallel_loop3A_877 = arith.addf %parallel_loop3A_833, %parallel_loop3A_876 : vector<16xf32>
        %parallel_loop3A_878 = arith.mulf %parallel_loop3A_865, %parallel_loop3A_865 : vector<16xf32>
        %parallel_loop3A_879 = arith.addf %parallel_loop3A_835, %parallel_loop3A_878 : vector<16xf32>
        %parallel_loop3A_880 = arith.constant 0 : i32
        %parallel_loop3A_881 = arith.constant 0 : i32
        %parallel_loop3A_882 = tpu.memref_slice %arg9[%parallel_loop3A_247, %parallel_loop3A_880, %parallel_loop3A_881] : memref<2x32x512xf32, #tpu.memory_space<vmem>> -> memref<1x32x512xf32, #tpu.memory_space<vmem>>
        %parallel_loop3A_883 = tpu.memref_squeeze %parallel_loop3A_882 : memref<1x32x512xf32, #tpu.memory_space<vmem>> -> memref<32x512xf32, #tpu.memory_space<vmem>>
        %parallel_loop3A_884 = arith.index_cast %parallel_loop3A_283 : i32 to index
        %parallel_loop3A_885 = arith.constant 432 : index
        %parallel_loop3A_886 = tpu.vector_load %parallel_loop3A_883[%parallel_loop3A_884, %parallel_loop3A_885] {strides = array<i32>} : memref<32x512xf32, #tpu.memory_space<vmem>>, vector<1x16xf32>,
        %parallel_loop3A_887 = vector.shape_cast %parallel_loop3A_886 : vector<1x16xf32> to vector<16xf32>
        %parallel_loop3A_888 = arith.constant 0 : i32
        %parallel_loop3A_889 = arith.constant 0 : i32
        %parallel_loop3A_890 = tpu.memref_slice %arg10[%parallel_loop3A_248, %parallel_loop3A_888, %parallel_loop3A_889] : memref<2x32x512xf32, #tpu.memory_space<vmem>> -> memref<1x32x512xf32, #tpu.memory_space<vmem>>
        %parallel_loop3A_891 = tpu.memref_squeeze %parallel_loop3A_890 : memref<1x32x512xf32, #tpu.memory_space<vmem>> -> memref<32x512xf32, #tpu.memory_space<vmem>>
        %parallel_loop3A_892 = arith.index_cast %parallel_loop3A_283 : i32 to index
        %parallel_loop3A_893 = arith.constant 432 : index
        %parallel_loop3A_894 = tpu.vector_load %parallel_loop3A_891[%parallel_loop3A_892, %parallel_loop3A_893] {strides = array<i32>} : memref<32x512xf32, #tpu.memory_space<vmem>>, vector<1x16xf32>,
        %parallel_loop3A_895 = vector.shape_cast %parallel_loop3A_894 : vector<1x16xf32> to vector<16xf32>
        %parallel_loop3A_896 = arith.mulf %parallel_loop3A_887, %parallel_loop3A_895 : vector<16xf32>
        %parallel_loop3A_897 = arith.addf %parallel_loop3A_853, %parallel_loop3A_896 : vector<16xf32>
        %parallel_loop3A_898 = arith.mulf %parallel_loop3A_895, %parallel_loop3A_895 : vector<16xf32>
        %parallel_loop3A_899 = arith.addf %parallel_loop3A_855, %parallel_loop3A_898 : vector<16xf32>
        %parallel_loop3A_900 = arith.mulf %parallel_loop3A_887, %parallel_loop3A_887 : vector<16xf32>
        %parallel_loop3A_901 = arith.addf %parallel_loop3A_857, %parallel_loop3A_900 : vector<16xf32>
        %parallel_loop3A_902 = arith.constant 0 : i32
        %parallel_loop3A_903 = arith.constant 0 : i32
        %parallel_loop3A_904 = tpu.memref_slice %arg9[%parallel_loop3A_247, %parallel_loop3A_902, %parallel_loop3A_903] : memref<2x32x512xf32, #tpu.memory_space<vmem>> -> memref<1x32x512xf32, #tpu.memory_space<vmem>>
        %parallel_loop3A_905 = tpu.memref_squeeze %parallel_loop3A_904 : memref<1x32x512xf32, #tpu.memory_space<vmem>> -> memref<32x512xf32, #tpu.memory_space<vmem>>
        %parallel_loop3A_906 = arith.index_cast %parallel_loop3A_283 : i32 to index
        %parallel_loop3A_907 = arith.constant 448 : index
        %parallel_loop3A_908 = tpu.vector_load %parallel_loop3A_905[%parallel_loop3A_906, %parallel_loop3A_907] {strides = array<i32>} : memref<32x512xf32, #tpu.memory_space<vmem>>, vector<1x16xf32>,
        %parallel_loop3A_909 = vector.shape_cast %parallel_loop3A_908 : vector<1x16xf32> to vector<16xf32>
        %parallel_loop3A_910 = arith.constant 0 : i32
        %parallel_loop3A_911 = arith.constant 0 : i32
        %parallel_loop3A_912 = tpu.memref_slice %arg10[%parallel_loop3A_248, %parallel_loop3A_910, %parallel_loop3A_911] : memref<2x32x512xf32, #tpu.memory_space<vmem>> -> memref<1x32x512xf32, #tpu.memory_space<vmem>>
        %parallel_loop3A_913 = tpu.memref_squeeze %parallel_loop3A_912 : memref<1x32x512xf32, #tpu.memory_space<vmem>> -> memref<32x512xf32, #tpu.memory_space<vmem>>
        %parallel_loop3A_914 = arith.index_cast %parallel_loop3A_283 : i32 to index
        %parallel_loop3A_915 = arith.constant 448 : index
        %parallel_loop3A_916 = tpu.vector_load %parallel_loop3A_913[%parallel_loop3A_914, %parallel_loop3A_915] {strides = array<i32>} : memref<32x512xf32, #tpu.memory_space<vmem>>, vector<1x16xf32>,
        %parallel_loop3A_917 = vector.shape_cast %parallel_loop3A_916 : vector<1x16xf32> to vector<16xf32>
        %parallel_loop3A_918 = arith.mulf %parallel_loop3A_909, %parallel_loop3A_917 : vector<16xf32>
        %parallel_loop3A_919 = arith.addf %parallel_loop3A_875, %parallel_loop3A_918 : vector<16xf32>
        %parallel_loop3A_920 = arith.mulf %parallel_loop3A_917, %parallel_loop3A_917 : vector<16xf32>
        %parallel_loop3A_921 = arith.addf %parallel_loop3A_877, %parallel_loop3A_920 : vector<16xf32>
        %parallel_loop3A_922 = arith.mulf %parallel_loop3A_909, %parallel_loop3A_909 : vector<16xf32>
        %parallel_loop3A_923 = arith.addf %parallel_loop3A_879, %parallel_loop3A_922 : vector<16xf32>
        %parallel_loop3A_924 = arith.constant 0 : i32
        %parallel_loop3A_925 = arith.constant 0 : i32
        %parallel_loop3A_926 = tpu.memref_slice %arg9[%parallel_loop3A_247, %parallel_loop3A_924, %parallel_loop3A_925] : memref<2x32x512xf32, #tpu.memory_space<vmem>> -> memref<1x32x512xf32, #tpu.memory_space<vmem>>
        %parallel_loop3A_927 = tpu.memref_squeeze %parallel_loop3A_926 : memref<1x32x512xf32, #tpu.memory_space<vmem>> -> memref<32x512xf32, #tpu.memory_space<vmem>>
        %parallel_loop3A_928 = arith.index_cast %parallel_loop3A_283 : i32 to index
        %parallel_loop3A_929 = arith.constant 464 : index
        %parallel_loop3A_930 = tpu.vector_load %parallel_loop3A_927[%parallel_loop3A_928, %parallel_loop3A_929] {strides = array<i32>} : memref<32x512xf32, #tpu.memory_space<vmem>>, vector<1x16xf32>,
        %parallel_loop3A_931 = vector.shape_cast %parallel_loop3A_930 : vector<1x16xf32> to vector<16xf32>
        %parallel_loop3A_932 = arith.constant 0 : i32
        %parallel_loop3A_933 = arith.constant 0 : i32
        %parallel_loop3A_934 = tpu.memref_slice %arg10[%parallel_loop3A_248, %parallel_loop3A_932, %parallel_loop3A_933] : memref<2x32x512xf32, #tpu.memory_space<vmem>> -> memref<1x32x512xf32, #tpu.memory_space<vmem>>
        %parallel_loop3A_935 = tpu.memref_squeeze %parallel_loop3A_934 : memref<1x32x512xf32, #tpu.memory_space<vmem>> -> memref<32x512xf32, #tpu.memory_space<vmem>>
        %parallel_loop3A_936 = arith.index_cast %parallel_loop3A_283 : i32 to index
        %parallel_loop3A_937 = arith.constant 464 : index
        %parallel_loop3A_938 = tpu.vector_load %parallel_loop3A_935[%parallel_loop3A_936, %parallel_loop3A_937] {strides = array<i32>} : memref<32x512xf32, #tpu.memory_space<vmem>>, vector<1x16xf32>,
        %parallel_loop3A_939 = vector.shape_cast %parallel_loop3A_938 : vector<1x16xf32> to vector<16xf32>
        %parallel_loop3A_940 = arith.mulf %parallel_loop3A_931, %parallel_loop3A_939 : vector<16xf32>
        %parallel_loop3A_941 = arith.addf %parallel_loop3A_897, %parallel_loop3A_940 : vector<16xf32>
        %parallel_loop3A_942 = arith.mulf %parallel_loop3A_939, %parallel_loop3A_939 : vector<16xf32>
        %parallel_loop3A_943 = arith.addf %parallel_loop3A_899, %parallel_loop3A_942 : vector<16xf32>
        %parallel_loop3A_944 = arith.mulf %parallel_loop3A_931, %parallel_loop3A_931 : vector<16xf32>
        %parallel_loop3A_945 = arith.addf %parallel_loop3A_901, %parallel_loop3A_944 : vector<16xf32>
        %parallel_loop3A_946 = arith.constant 0 : i32
        %parallel_loop3A_947 = arith.constant 0 : i32
        %parallel_loop3A_948 = tpu.memref_slice %arg9[%parallel_loop3A_247, %parallel_loop3A_946, %parallel_loop3A_947] : memref<2x32x512xf32, #tpu.memory_space<vmem>> -> memref<1x32x512xf32, #tpu.memory_space<vmem>>
        %parallel_loop3A_949 = tpu.memref_squeeze %parallel_loop3A_948 : memref<1x32x512xf32, #tpu.memory_space<vmem>> -> memref<32x512xf32, #tpu.memory_space<vmem>>
        %parallel_loop3A_950 = arith.index_cast %parallel_loop3A_283 : i32 to index
        %parallel_loop3A_951 = arith.constant 480 : index
        %parallel_loop3A_952 = tpu.vector_load %parallel_loop3A_949[%parallel_loop3A_950, %parallel_loop3A_951] {strides = array<i32>} : memref<32x512xf32, #tpu.memory_space<vmem>>, vector<1x16xf32>,
        %parallel_loop3A_953 = vector.shape_cast %parallel_loop3A_952 : vector<1x16xf32> to vector<16xf32>
        %parallel_loop3A_954 = arith.constant 0 : i32
        %parallel_loop3A_955 = arith.constant 0 : i32
        %parallel_loop3A_956 = tpu.memref_slice %arg10[%parallel_loop3A_248, %parallel_loop3A_954, %parallel_loop3A_955] : memref<2x32x512xf32, #tpu.memory_space<vmem>> -> memref<1x32x512xf32, #tpu.memory_space<vmem>>
        %parallel_loop3A_957 = tpu.memref_squeeze %parallel_loop3A_956 : memref<1x32x512xf32, #tpu.memory_space<vmem>> -> memref<32x512xf32, #tpu.memory_space<vmem>>
        %parallel_loop3A_958 = arith.index_cast %parallel_loop3A_283 : i32 to index
        %parallel_loop3A_959 = arith.constant 480 : index
        %parallel_loop3A_960 = tpu.vector_load %parallel_loop3A_957[%parallel_loop3A_958, %parallel_loop3A_959] {strides = array<i32>} : memref<32x512xf32, #tpu.memory_space<vmem>>, vector<1x16xf32>,
        %parallel_loop3A_961 = vector.shape_cast %parallel_loop3A_960 : vector<1x16xf32> to vector<16xf32>
        %parallel_loop3A_962 = arith.mulf %parallel_loop3A_953, %parallel_loop3A_961 : vector<16xf32>
        %parallel_loop3A_963 = arith.addf %parallel_loop3A_919, %parallel_loop3A_962 : vector<16xf32>
        %parallel_loop3A_964 = arith.mulf %parallel_loop3A_961, %parallel_loop3A_961 : vector<16xf32>
        %parallel_loop3A_965 = arith.addf %parallel_loop3A_921, %parallel_loop3A_964 : vector<16xf32>
        %parallel_loop3A_966 = arith.mulf %parallel_loop3A_953, %parallel_loop3A_953 : vector<16xf32>
        %parallel_loop3A_967 = arith.addf %parallel_loop3A_923, %parallel_loop3A_966 : vector<16xf32>
        %parallel_loop3A_968 = arith.constant 0 : i32
        %parallel_loop3A_969 = arith.constant 0 : i32
        %parallel_loop3A_970 = tpu.memref_slice %arg9[%parallel_loop3A_247, %parallel_loop3A_968, %parallel_loop3A_969] : memref<2x32x512xf32, #tpu.memory_space<vmem>> -> memref<1x32x512xf32, #tpu.memory_space<vmem>>
        %parallel_loop3A_971 = tpu.memref_squeeze %parallel_loop3A_970 : memref<1x32x512xf32, #tpu.memory_space<vmem>> -> memref<32x512xf32, #tpu.memory_space<vmem>>
        %parallel_loop3A_972 = arith.index_cast %parallel_loop3A_283 : i32 to index
        %parallel_loop3A_973 = arith.constant 496 : index
        %parallel_loop3A_974 = tpu.vector_load %parallel_loop3A_971[%parallel_loop3A_972, %parallel_loop3A_973] {strides = array<i32>} : memref<32x512xf32, #tpu.memory_space<vmem>>, vector<1x16xf32>,
        %parallel_loop3A_975 = vector.shape_cast %parallel_loop3A_974 : vector<1x16xf32> to vector<16xf32>
        %parallel_loop3A_976 = arith.constant 0 : i32
        %parallel_loop3A_977 = arith.constant 0 : i32
        %parallel_loop3A_978 = tpu.memref_slice %arg10[%parallel_loop3A_248, %parallel_loop3A_976, %parallel_loop3A_977] : memref<2x32x512xf32, #tpu.memory_space<vmem>> -> memref<1x32x512xf32, #tpu.memory_space<vmem>>
        %parallel_loop3A_979 = tpu.memref_squeeze %parallel_loop3A_978 : memref<1x32x512xf32, #tpu.memory_space<vmem>> -> memref<32x512xf32, #tpu.memory_space<vmem>>
        %parallel_loop3A_980 = arith.index_cast %parallel_loop3A_283 : i32 to index
        %parallel_loop3A_981 = arith.constant 496 : index
        %parallel_loop3A_982 = tpu.vector_load %parallel_loop3A_979[%parallel_loop3A_980, %parallel_loop3A_981] {strides = array<i32>} : memref<32x512xf32, #tpu.memory_space<vmem>>, vector<1x16xf32>,
        %parallel_loop3A_983 = vector.shape_cast %parallel_loop3A_982 : vector<1x16xf32> to vector<16xf32>
        %parallel_loop3A_984 = arith.mulf %parallel_loop3A_975, %parallel_loop3A_983 : vector<16xf32>
        %parallel_loop3A_985 = arith.addf %parallel_loop3A_941, %parallel_loop3A_984 : vector<16xf32>
        %parallel_loop3A_986 = arith.mulf %parallel_loop3A_983, %parallel_loop3A_983 : vector<16xf32>
        %parallel_loop3A_987 = arith.addf %parallel_loop3A_943, %parallel_loop3A_986 : vector<16xf32>
        %parallel_loop3A_988 = arith.mulf %parallel_loop3A_975, %parallel_loop3A_975 : vector<16xf32>
        %parallel_loop3A_989 = arith.addf %parallel_loop3A_945, %parallel_loop3A_988 : vector<16xf32>
        %parallel_loop3A_990 = arith.constant 4 : i32
        %parallel_loop3A_991 = arith.muli %add3A_213, %parallel_loop3A_990 : i32
        %parallel_loop3A_992 = arith.constant 8 : i32
        %parallel_loop3A_993 = arith.divsi %parallel_loop3A_283, %parallel_loop3A_992 : i32
        %parallel_loop3A_994 = arith.constant 0 : i32
        %parallel_loop3A_995 = arith.cmpi sgt, %parallel_loop3A_283, %parallel_loop3A_994 : i32
        %parallel_loop3A_996 = arith.extui %parallel_loop3A_995 : i1 to i32
        %parallel_loop3A_997 = arith.constant 0 : i32
        %parallel_loop3A_998 = arith.cmpi slt, %parallel_loop3A_283, %parallel_loop3A_997 : i32
        %parallel_loop3A_999 = arith.extui %parallel_loop3A_998 : i1 to i32
        %parallel_loop3A_1000 = arith.subi %parallel_loop3A_996, %parallel_loop3A_999 : i32
        %parallel_loop3A_1001 = arith.constant 0 : i32
        %parallel_loop3A_1002 = arith.cmpi sgt, %parallel_loop3A_992, %parallel_loop3A_1001 : i32
        %parallel_loop3A_1003 = arith.extui %parallel_loop3A_1002 : i1 to i32
        %parallel_loop3A_1004 = arith.constant 0 : i32
        %parallel_loop3A_1005 = arith.cmpi slt, %parallel_loop3A_992, %parallel_loop3A_1004 : i32
        %parallel_loop3A_1006 = arith.extui %parallel_loop3A_1005 : i1 to i32
        %parallel_loop3A_1007 = arith.subi %parallel_loop3A_1003, %parallel_loop3A_1006 : i32
        %parallel_loop3A_1008 = arith.cmpi ne, %parallel_loop3A_1000, %parallel_loop3A_1007 : i32
        %parallel_loop3A_1009 = arith.remsi %parallel_loop3A_283, %parallel_loop3A_992 : i32
        %parallel_loop3A_1010 = arith.constant 0 : i32
        %parallel_loop3A_1011 = arith.cmpi ne, %parallel_loop3A_1009, %parallel_loop3A_1010 : i32
        %parallel_loop3A_1012 = arith.andi %parallel_loop3A_1008, %parallel_loop3A_1011 : i1
        %parallel_loop3A_1013 = arith.constant 1 : i32
        %parallel_loop3A_1014 = arith.subi %parallel_loop3A_993, %parallel_loop3A_1013 : i32
        %parallel_loop3A_1015 = arith.select %parallel_loop3A_1012, %parallel_loop3A_1014, %parallel_loop3A_993 : i32
        %parallel_loop3A_1016 = arith.addi %parallel_loop3A_991, %parallel_loop3A_1015 : i32
        %parallel_loop3A_1017 = arith.constant 8 : i32
        %parallel_loop3A_1018 = arith.constant 0 : i32
        %parallel_loop3A_1019 = arith.cmpi eq, %parallel_loop3A_1017, %parallel_loop3A_1018 : i32
        %parallel_loop3A_1020 = arith.constant 1 : i32
        %parallel_loop3A_1021 = arith.select %parallel_loop3A_1019, %parallel_loop3A_1020, %parallel_loop3A_1017 : i32
        %parallel_loop3A_1022 = arith.remsi %parallel_loop3A_283, %parallel_loop3A_1021 : i32
        %parallel_loop3A_1023 = arith.constant 0 : i32
        %parallel_loop3A_1024 = arith.cmpi ne, %parallel_loop3A_1022, %parallel_loop3A_1023 : i32
        %parallel_loop3A_1025 = arith.constant 0 : i32
        %parallel_loop3A_1026 = arith.cmpi slt, %parallel_loop3A_1022, %parallel_loop3A_1025 : i32
        %parallel_loop3A_1027 = arith.constant 0 : i32
        %parallel_loop3A_1028 = arith.cmpi slt, %parallel_loop3A_1021, %parallel_loop3A_1027 : i32
        %parallel_loop3A_1029 = arith.xori %parallel_loop3A_1026, %parallel_loop3A_1028 : i1
        %parallel_loop3A_1030 = arith.andi %parallel_loop3A_1029, %parallel_loop3A_1024 : i1
        %parallel_loop3A_1031 = arith.addi %parallel_loop3A_1022, %parallel_loop3A_1021 : i32
        %parallel_loop3A_1032 = arith.select %parallel_loop3A_1030, %parallel_loop3A_1031, %parallel_loop3A_1022 : i32
        %parallel_loop3A_1033 = arith.constant 16 : i32
        %parallel_loop3A_1034 = arith.muli %parallel_loop3A_1032, %parallel_loop3A_1033 : i32
        %parallel_loop3A_1035 = arith.addf %parallel_loop3A_963, %parallel_loop3A_985 : vector<16xf32>
        %parallel_loop3A_1036 = arith.index_cast %parallel_loop3A_1016 : i32 to index
        %parallel_loop3A_1037 = arith.index_cast %parallel_loop3A_1034 : i32 to index
        %parallel_loop3A_1038 = tpu.vector_load %arg11[%parallel_loop3A_1036, %parallel_loop3A_1037] {strides = array<i32>} : memref<64x128xf32, #tpu.memory_space<vmem>>, vector<1x16xf32>,
        %parallel_loop3A_1039 = vector.shape_cast %parallel_loop3A_1038 : vector<1x16xf32> to vector<16xf32>
        %parallel_loop3A_1040 = vector.shape_cast %parallel_loop3A_1035 : vector<16xf32> to vector<1x16xf32>
        tpu.vector_store %arg11[%parallel_loop3A_1036, %parallel_loop3A_1037], %parallel_loop3A_1040 {strides = array<i32>} : memref<64x128xf32, #tpu.memory_space<vmem>>, vector<1x16xf32>,
        %parallel_loop3A_1041 = arith.addf %parallel_loop3A_965, %parallel_loop3A_987 : vector<16xf32>
        %parallel_loop3A_1042 = arith.index_cast %parallel_loop3A_1016 : i32 to index
        %parallel_loop3A_1043 = arith.index_cast %parallel_loop3A_1034 : i32 to index
        %parallel_loop3A_1044 = tpu.vector_load %arg12[%parallel_loop3A_1042, %parallel_loop3A_1043] {strides = array<i32>} : memref<64x128xf32, #tpu.memory_space<vmem>>, vector<1x16xf32>,
        %parallel_loop3A_1045 = vector.shape_cast %parallel_loop3A_1044 : vector<1x16xf32> to vector<16xf32>
        %parallel_loop3A_1046 = vector.shape_cast %parallel_loop3A_1041 : vector<16xf32> to vector<1x16xf32>
        tpu.vector_store %arg12[%parallel_loop3A_1042, %parallel_loop3A_1043], %parallel_loop3A_1046 {strides = array<i32>} : memref<64x128xf32, #tpu.memory_space<vmem>>, vector<1x16xf32>,
        %parallel_loop3A_1047 = arith.addf %parallel_loop3A_967, %parallel_loop3A_989 : vector<16xf32>
        %parallel_loop3A_1048 = arith.index_cast %parallel_loop3A_1016 : i32 to index
        %parallel_loop3A_1049 = arith.index_cast %parallel_loop3A_1034 : i32 to index
        %parallel_loop3A_1050 = tpu.vector_load %arg13[%parallel_loop3A_1048, %parallel_loop3A_1049] {strides = array<i32>} : memref<64x128xf32, #tpu.memory_space<vmem>>, vector<1x16xf32>,
        %parallel_loop3A_1051 = vector.shape_cast %parallel_loop3A_1050 : vector<1x16xf32> to vector<16xf32>
        %parallel_loop3A_1052 = vector.shape_cast %parallel_loop3A_1047 : vector<16xf32> to vector<1x16xf32>
        tpu.vector_store %arg13[%parallel_loop3A_1048, %parallel_loop3A_1049], %parallel_loop3A_1052 {strides = array<i32>} : memref<64x128xf32, #tpu.memory_space<vmem>>, vector<1x16xf32>,
      } {sc.loop_unroll_factor = 8 : i64, sc.parallel_access}
      %add3A_249 = arith.constant 2 : i32
      %add3A_250 = arith.addi %add3A_213, %add3A_249 : i32
      %min3A_251 = arith.constant 15 : i32
      %min3A_252 = arith.minsi %add3A_250, %min3A_251 : i32
      %mul3A_253 = arith.constant 32 : i32
      %mul3A_254 = arith.muli %min3A_252, %mul3A_253 : i32
      %add3A_255 = arith.addi %multiple_of3A, %mul3A_254 : i32
      %multiple_of3A_256 = tpu.assume_multiple %add3A_255, 32 : i32
      %dma_start3A_257 = arith.constant 1 : i32
      %dma_start3A_258 = arith.constant 0 : i32
      %dma_start3A_259 = arith.constant 0 : i32
      %dma_start3A_260 = tpu.memref_slice %arg9[%dma_start3A_257, %dma_start3A_258, %dma_start3A_259] : memref<2x32x512xf32, #tpu.memory_space<vmem>> -> memref<1x32x512xf32, #tpu.memory_space<vmem>>
      %dma_start3A_261 = tpu.memref_squeeze %dma_start3A_260 : memref<1x32x512xf32, #tpu.memory_space<vmem>> -> memref<32x512xf32, #tpu.memory_space<vmem>>
      %dma_start3A_262 = arith.constant 0 : i32
      %dma_start3A_263 = tpu.memref_slice %arg2[%multiple_of3A_256, %dma_start3A_262] : memref<16384x512xf32, #tpu.memory_space<hbm>> -> memref<32x512xf32, #tpu.memory_space<hbm>>
      %dma_start3A_264 = arith.constant 0 : i32
      %dma_start3A_265 = arith.constant 0 : i32
      %dma_start3A_266 = tpu.memref_slice %arg9[%dma_start3A_257, %dma_start3A_264, %dma_start3A_265] : memref<2x32x512xf32, #tpu.memory_space<vmem>> -> memref<1x32x512xf32, #tpu.memory_space<vmem>>
      %dma_start3A_267 = tpu.memref_squeeze %dma_start3A_266 : memref<1x32x512xf32, #tpu.memory_space<vmem>> -> memref<32x512xf32, #tpu.memory_space<vmem>>
      %dma_start3A_268 = arith.constant 0 : i32
      %dma_start3A_269 = tpu.memref_slice %arg2[%multiple_of3A_256, %dma_start3A_268] : memref<16384x512xf32, #tpu.memory_space<hbm>> -> memref<32x512xf32, #tpu.memory_space<hbm>>
      tpu.enqueue_dma source(%dma_start3A_269 : memref<32x512xf32, #tpu.memory_space<hbm>>) target(%dma_start3A_267 : memref<32x512xf32, #tpu.memory_space<vmem>>) target_semaphore(%arg15 : memref<!tpu.dma_semaphore, #tpu.memory_space<semaphore_mem>>)
      %mul3A_270 = arith.constant 32 : i32
      %mul3A_271 = arith.muli %min3A_252, %mul3A_270 : i32
      %multiple_of3A_272 = tpu.assume_multiple %mul3A_271, 32 : i32
      %dma_start3A_273 = arith.constant 1 : i32
      %dma_start3A_274 = arith.constant 0 : i32
      %dma_start3A_275 = arith.constant 0 : i32
      %dma_start3A_276 = tpu.memref_slice %arg10[%dma_start3A_273, %dma_start3A_274, %dma_start3A_275] : memref<2x32x512xf32, #tpu.memory_space<vmem>> -> memref<1x32x512xf32, #tpu.memory_space<vmem>>
      %dma_start3A_277 = tpu.memref_squeeze %dma_start3A_276 : memref<1x32x512xf32, #tpu.memory_space<vmem>> -> memref<32x512xf32, #tpu.memory_space<vmem>>
      %dma_start3A_278 = tpu.memref_slice %arg8[%multiple_of3A_272] : memref<512xi32, #tpu.memory_space<vmem>> -> memref<32xi32, #tpu.memory_space<vmem>>
      %dma_start3A_279 = arith.constant 0 : i32
      %dma_start3A_280 = arith.constant 0 : i32
      %dma_start3A_281 = tpu.memref_slice %arg4[%dma_start3A_279, %dma_start3A_280] : memref<100000x512xf32, #tpu.memory_space<hbm>> -> memref<100000x512xf32, #tpu.memory_space<hbm>>
      tpu.enqueue_indirect_dma source(%dma_start3A_281 : memref<100000x512xf32, #tpu.memory_space<hbm>>) target(%dma_start3A_277 : memref<32x512xf32, #tpu.memory_space<vmem>>) offsets(%dma_start3A_278 : memref<32xi32, #tpu.memory_space<vmem>>) semaphore(%arg17 : memref<!tpu.dma_semaphore, #tpu.memory_space<semaphore_mem>>)
      %scan3A_282 = arith.constant 0 : i32
      scf.yield %scan3A_282 : i32
    }
    %scan3A_61 = arith.constant 8 : i32
    %dma_wait3A = arith.constant 0 : i32
    %dma_wait3A_62 = arith.constant 0 : i32
    %dma_wait3A_63 = arith.constant 0 : i32
    %dma_wait3A_64 = tpu.memref_slice %arg9[%dma_wait3A, %dma_wait3A_62, %dma_wait3A_63] : memref<2x32x512xf32, #tpu.memory_space<vmem>> -> memref<1x32x512xf32, #tpu.memory_space<vmem>>
    %dma_wait3A_65 = tpu.memref_squeeze %dma_wait3A_64 : memref<1x32x512xf32, #tpu.memory_space<vmem>> -> memref<32x512xf32, #tpu.memory_space<vmem>>
    %dma_wait3A_66 = arith.constant 0 : i32
    %dma_wait3A_67 = arith.constant 0 : i32
    %dma_wait3A_68 = tpu.memref_slice %arg2[%dma_wait3A_66, %dma_wait3A_67] : memref<16384x512xf32, #tpu.memory_space<hbm>> -> memref<32x512xf32, #tpu.memory_space<hbm>>
    %dma_wait3A_69 = arith.constant 0 : i32
    %dma_wait3A_70 = arith.constant 0 : i32
    %dma_wait3A_71 = tpu.memref_slice %arg9[%dma_wait3A, %dma_wait3A_69, %dma_wait3A_70] : memref<2x32x512xf32, #tpu.memory_space<vmem>> -> memref<1x32x512xf32, #tpu.memory_space<vmem>>
    %dma_wait3A_72 = tpu.memref_squeeze %dma_wait3A_71 : memref<1x32x512xf32, #tpu.memory_space<vmem>> -> memref<32x512xf32, #tpu.memory_space<vmem>>
    %dma_wait3A_73 = arith.constant 0 : i32
    %dma_wait3A_74 = arith.constant 0 : i32
    %dma_wait3A_75 = tpu.memref_slice %arg2[%dma_wait3A_73, %dma_wait3A_74] : memref<16384x512xf32, #tpu.memory_space<hbm>> -> memref<32x512xf32, #tpu.memory_space<hbm>>
    tpu.wait_dma2 semaphore(%arg14 : memref<!tpu.dma_semaphore, #tpu.memory_space<semaphore_mem>>) src(%dma_wait3A_75 : memref<32x512xf32, #tpu.memory_space<hbm>>) dst(%dma_wait3A_72 : memref<32x512xf32, #tpu.memory_space<vmem>>)
    %dma_wait3A_76 = arith.constant 0 : i32
    %dma_wait3A_77 = arith.constant 0 : i32
    %dma_wait3A_78 = arith.constant 0 : i32
    %dma_wait3A_79 = tpu.memref_slice %arg10[%dma_wait3A_76, %dma_wait3A_77, %dma_wait3A_78] : memref<2x32x512xf32, #tpu.memory_space<vmem>> -> memref<1x32x512xf32, #tpu.memory_space<vmem>>
    %dma_wait3A_80 = tpu.memref_squeeze %dma_wait3A_79 : memref<1x32x512xf32, #tpu.memory_space<vmem>> -> memref<32x512xf32, #tpu.memory_space<vmem>>
    %dma_wait3A_81 = arith.constant 0 : i32
    %dma_wait3A_82 = arith.constant 0 : i32
    %dma_wait3A_83 = tpu.memref_slice %arg4[%dma_wait3A_81, %dma_wait3A_82] : memref<100000x512xf32, #tpu.memory_space<hbm>> -> memref<32x512xf32, #tpu.memory_space<hbm>>
    %dma_wait3A_84 = arith.constant 0 : i32
    %dma_wait3A_85 = arith.constant 0 : i32
    %dma_wait3A_86 = tpu.memref_slice %arg10[%dma_wait3A_76, %dma_wait3A_84, %dma_wait3A_85] : memref<2x32x512xf32, #tpu.memory_space<vmem>> -> memref<1x32x512xf32, #tpu.memory_space<vmem>>
    %dma_wait3A_87 = tpu.memref_squeeze %dma_wait3A_86 : memref<1x32x512xf32, #tpu.memory_space<vmem>> -> memref<32x512xf32, #tpu.memory_space<vmem>>
    %dma_wait3A_88 = arith.constant 0 : i32
    %dma_wait3A_89 = arith.constant 0 : i32
    %dma_wait3A_90 = tpu.memref_slice %arg4[%dma_wait3A_88, %dma_wait3A_89] : memref<100000x512xf32, #tpu.memory_space<hbm>> -> memref<32x512xf32, #tpu.memory_space<hbm>>
    tpu.wait_dma2 semaphore(%arg16 : memref<!tpu.dma_semaphore, #tpu.memory_space<semaphore_mem>>) src(%dma_wait3A_90 : memref<32x512xf32, #tpu.memory_space<hbm>>) dst(%dma_wait3A_87 : memref<32x512xf32, #tpu.memory_space<vmem>>)
    %dma_wait3A_91 = arith.constant 1 : i32
    %dma_wait3A_92 = arith.constant 0 : i32
    %dma_wait3A_93 = arith.constant 0 : i32
    %dma_wait3A_94 = tpu.memref_slice %arg9[%dma_wait3A_91, %dma_wait3A_92, %dma_wait3A_93] : memref<2x32x512xf32, #tpu.memory_space<vmem>> -> memref<1x32x512xf32, #tpu.memory_space<vmem>>
    %dma_wait3A_95 = tpu.memref_squeeze %dma_wait3A_94 : memref<1x32x512xf32, #tpu.memory_space<vmem>> -> memref<32x512xf32, #tpu.memory_space<vmem>>
    %dma_wait3A_96 = arith.constant 0 : i32
    %dma_wait3A_97 = arith.constant 0 : i32
    %dma_wait3A_98 = tpu.memref_slice %arg2[%dma_wait3A_96, %dma_wait3A_97] : memref<16384x512xf32, #tpu.memory_space<hbm>> -> memref<32x512xf32, #tpu.memory_space<hbm>>
    %dma_wait3A_99 = arith.constant 0 : i32
    %dma_wait3A_100 = arith.constant 0 : i32
    %dma_wait3A_101 = tpu.memref_slice %arg9[%dma_wait3A_91, %dma_wait3A_99, %dma_wait3A_100] : memref<2x32x512xf32, #tpu.memory_space<vmem>> -> memref<1x32x512xf32, #tpu.memory_space<vmem>>
    %dma_wait3A_102 = tpu.memref_squeeze %dma_wait3A_101 : memref<1x32x512xf32, #tpu.memory_space<vmem>> -> memref<32x512xf32, #tpu.memory_space<vmem>>
    %dma_wait3A_103 = arith.constant 0 : i32
    %dma_wait3A_104 = arith.constant 0 : i32
    %dma_wait3A_105 = tpu.memref_slice %arg2[%dma_wait3A_103, %dma_wait3A_104] : memref<16384x512xf32, #tpu.memory_space<hbm>> -> memref<32x512xf32, #tpu.memory_space<hbm>>
    tpu.wait_dma2 semaphore(%arg15 : memref<!tpu.dma_semaphore, #tpu.memory_space<semaphore_mem>>) src(%dma_wait3A_105 : memref<32x512xf32, #tpu.memory_space<hbm>>) dst(%dma_wait3A_102 : memref<32x512xf32, #tpu.memory_space<vmem>>)
    %dma_wait3A_106 = arith.constant 1 : i32
    %dma_wait3A_107 = arith.constant 0 : i32
    %dma_wait3A_108 = arith.constant 0 : i32
    %dma_wait3A_109 = tpu.memref_slice %arg10[%dma_wait3A_106, %dma_wait3A_107, %dma_wait3A_108] : memref<2x32x512xf32, #tpu.memory_space<vmem>> -> memref<1x32x512xf32, #tpu.memory_space<vmem>>
    %dma_wait3A_110 = tpu.memref_squeeze %dma_wait3A_109 : memref<1x32x512xf32, #tpu.memory_space<vmem>> -> memref<32x512xf32, #tpu.memory_space<vmem>>
    %dma_wait3A_111 = arith.constant 0 : i32
    %dma_wait3A_112 = arith.constant 0 : i32
    %dma_wait3A_113 = tpu.memref_slice %arg4[%dma_wait3A_111, %dma_wait3A_112] : memref<100000x512xf32, #tpu.memory_space<hbm>> -> memref<32x512xf32, #tpu.memory_space<hbm>>
    %dma_wait3A_114 = arith.constant 0 : i32
    %dma_wait3A_115 = arith.constant 0 : i32
    %dma_wait3A_116 = tpu.memref_slice %arg10[%dma_wait3A_106, %dma_wait3A_114, %dma_wait3A_115] : memref<2x32x512xf32, #tpu.memory_space<vmem>> -> memref<1x32x512xf32, #tpu.memory_space<vmem>>
    %dma_wait3A_117 = tpu.memref_squeeze %dma_wait3A_116 : memref<1x32x512xf32, #tpu.memory_space<vmem>> -> memref<32x512xf32, #tpu.memory_space<vmem>>
    %dma_wait3A_118 = arith.constant 0 : i32
    %dma_wait3A_119 = arith.constant 0 : i32
    %dma_wait3A_120 = tpu.memref_slice %arg4[%dma_wait3A_118, %dma_wait3A_119] : memref<100000x512xf32, #tpu.memory_space<hbm>> -> memref<32x512xf32, #tpu.memory_space<hbm>>
    tpu.wait_dma2 semaphore(%arg17 : memref<!tpu.dma_semaphore, #tpu.memory_space<semaphore_mem>>) src(%dma_wait3A_120 : memref<32x512xf32, #tpu.memory_space<hbm>>) dst(%dma_wait3A_117 : memref<32x512xf32, #tpu.memory_space<vmem>>)
    %jit3A = arith.constant 8 : i32
    %div3A = arith.divsi %multiple_of3A, %jit3A : i32
    %sign3A = arith.constant 0 : i32
    %sign3A_121 = arith.cmpi sgt, %multiple_of3A, %sign3A : i32
    %sign3A_122 = arith.extui %sign3A_121 : i1 to i32
    %sign3A_123 = arith.constant 0 : i32
    %sign3A_124 = arith.cmpi slt, %multiple_of3A, %sign3A_123 : i32
    %sign3A_125 = arith.extui %sign3A_124 : i1 to i32
    %sign3A_126 = arith.subi %sign3A_122, %sign3A_125 : i32
    %sign3A_127 = arith.constant 0 : i32
    %sign3A_128 = arith.cmpi sgt, %jit3A, %sign3A_127 : i32
    %sign3A_129 = arith.extui %sign3A_128 : i1 to i32
    %sign3A_130 = arith.constant 0 : i32
    %sign3A_131 = arith.cmpi slt, %jit3A, %sign3A_130 : i32
    %sign3A_132 = arith.extui %sign3A_131 : i1 to i32
    %sign3A_133 = arith.subi %sign3A_129, %sign3A_132 : i32
    %ne3A = arith.cmpi ne, %sign3A_126, %sign3A_133 : i32
    %rem3A = arith.remsi %multiple_of3A, %jit3A : i32
    %ne3A_134 = arith.constant 0 : i32
    %ne3A_135 = arith.cmpi ne, %rem3A, %ne3A_134 : i32
    %and3A = arith.andi %ne3A, %ne3A_135 : i1
    %sub3A = arith.constant 1 : i32
    %sub3A_136 = arith.subi %div3A, %sub3A : i32
    %select_n3A = arith.select %and3A, %sub3A_136, %div3A : i32
    %multiple_of3A_137 = tpu.assume_multiple %select_n3A, 8 : i32
    "tpu.region"() ({
      %run_scoped3A = tpu.sem_alloc : memref<!tpu.dma_semaphore, #tpu.memory_space<semaphore_mem>>
      %dma_start3A_138 = arith.constant 0 : i32
      %dma_start3A_139 = tpu.memref_slice %arg5[%multiple_of3A_137, %dma_start3A_138] : memref<2048x128xf32, #tpu.memory_space<hbm>> -> memref<64x128xf32, #tpu.memory_space<hbm>>
      %dma_start3A_140 = arith.constant 0 : i32
      %dma_start3A_141 = tpu.memref_slice %arg5[%multiple_of3A_137, %dma_start3A_140] : memref<2048x128xf32, #tpu.memory_space<hbm>> -> memref<64x128xf32, #tpu.memory_space<hbm>>
      tpu.enqueue_dma source(%arg11 : memref<64x128xf32, #tpu.memory_space<vmem>>) target(%dma_start3A_141 : memref<64x128xf32, #tpu.memory_space<hbm>>) target_semaphore(%run_scoped3A : memref<!tpu.dma_semaphore, #tpu.memory_space<semaphore_mem>>)
      %dma_wait3A_142 = arith.constant 0 : i32
      %dma_wait3A_143 = tpu.memref_slice %arg5[%multiple_of3A_137, %dma_wait3A_142] : memref<2048x128xf32, #tpu.memory_space<hbm>> -> memref<64x128xf32, #tpu.memory_space<hbm>>
      %dma_wait3A_144 = arith.constant 0 : i32
      %dma_wait3A_145 = tpu.memref_slice %arg5[%multiple_of3A_137, %dma_wait3A_144] : memref<2048x128xf32, #tpu.memory_space<hbm>> -> memref<64x128xf32, #tpu.memory_space<hbm>>
      tpu.wait_dma2 semaphore(%run_scoped3A : memref<!tpu.dma_semaphore, #tpu.memory_space<semaphore_mem>>) src(%arg11 : memref<64x128xf32, #tpu.memory_space<vmem>>) dst(%dma_wait3A_145 : memref<64x128xf32, #tpu.memory_space<hbm>>)
      tpu.yield
    }) : () -> ()
    "tpu.region"() ({
      %run_scoped3A = tpu.sem_alloc : memref<!tpu.dma_semaphore, #tpu.memory_space<semaphore_mem>>
      %dma_start3A_138 = arith.constant 0 : i32
      %dma_start3A_139 = tpu.memref_slice %arg6[%multiple_of3A_137, %dma_start3A_138] : memref<2048x128xf32, #tpu.memory_space<hbm>> -> memref<64x128xf32, #tpu.memory_space<hbm>>
      %dma_start3A_140 = arith.constant 0 : i32
      %dma_start3A_141 = tpu.memref_slice %arg6[%multiple_of3A_137, %dma_start3A_140] : memref<2048x128xf32, #tpu.memory_space<hbm>> -> memref<64x128xf32, #tpu.memory_space<hbm>>
      tpu.enqueue_dma source(%arg12 : memref<64x128xf32, #tpu.memory_space<vmem>>) target(%dma_start3A_141 : memref<64x128xf32, #tpu.memory_space<hbm>>) target_semaphore(%run_scoped3A : memref<!tpu.dma_semaphore, #tpu.memory_space<semaphore_mem>>)
      %dma_wait3A_142 = arith.constant 0 : i32
      %dma_wait3A_143 = tpu.memref_slice %arg6[%multiple_of3A_137, %dma_wait3A_142] : memref<2048x128xf32, #tpu.memory_space<hbm>> -> memref<64x128xf32, #tpu.memory_space<hbm>>
      %dma_wait3A_144 = arith.constant 0 : i32
      %dma_wait3A_145 = tpu.memref_slice %arg6[%multiple_of3A_137, %dma_wait3A_144] : memref<2048x128xf32, #tpu.memory_space<hbm>> -> memref<64x128xf32, #tpu.memory_space<hbm>>
      tpu.wait_dma2 semaphore(%run_scoped3A : memref<!tpu.dma_semaphore, #tpu.memory_space<semaphore_mem>>) src(%arg12 : memref<64x128xf32, #tpu.memory_space<vmem>>) dst(%dma_wait3A_145 : memref<64x128xf32, #tpu.memory_space<hbm>>)
      tpu.yield
    }) : () -> ()
    "tpu.region"() ({
      %run_scoped3A = tpu.sem_alloc : memref<!tpu.dma_semaphore, #tpu.memory_space<semaphore_mem>>
      %dma_start3A_138 = arith.constant 0 : i32
      %dma_start3A_139 = tpu.memref_slice %arg7[%multiple_of3A_137, %dma_start3A_138] : memref<2048x128xf32, #tpu.memory_space<hbm>> -> memref<64x128xf32, #tpu.memory_space<hbm>>
      %dma_start3A_140 = arith.constant 0 : i32
      %dma_start3A_141 = tpu.memref_slice %arg7[%multiple_of3A_137, %dma_start3A_140] : memref<2048x128xf32, #tpu.memory_space<hbm>> -> memref<64x128xf32, #tpu.memory_space<hbm>>
      tpu.enqueue_dma source(%arg13 : memref<64x128xf32, #tpu.memory_space<vmem>>) target(%dma_start3A_141 : memref<64x128xf32, #tpu.memory_space<hbm>>) target_semaphore(%run_scoped3A : memref<!tpu.dma_semaphore, #tpu.memory_space<semaphore_mem>>)
      %dma_wait3A_142 = arith.constant 0 : i32
      %dma_wait3A_143 = tpu.memref_slice %arg7[%multiple_of3A_137, %dma_wait3A_142] : memref<2048x128xf32, #tpu.memory_space<hbm>> -> memref<64x128xf32, #tpu.memory_space<hbm>>
      %dma_wait3A_144 = arith.constant 0 : i32
      %dma_wait3A_145 = tpu.memref_slice %arg7[%multiple_of3A_137, %dma_wait3A_144] : memref<2048x128xf32, #tpu.memory_space<hbm>> -> memref<64x128xf32, #tpu.memory_space<hbm>>
      tpu.wait_dma2 semaphore(%run_scoped3A : memref<!tpu.dma_semaphore, #tpu.memory_space<semaphore_mem>>) src(%arg13 : memref<64x128xf32, #tpu.memory_space<vmem>>) dst(%dma_wait3A_145 : memref<64x128xf32, #tpu.memory_space<hbm>>)
      tpu.yield
    }) : () -> ()
    return
  }
}

module attributes {stable_mosaic.version = 14 : i64} {
  func.func @body(%arg0: memref<2048x128xf32, #tpu.memory_space<vmem>>, %arg1: memref<2048x128xf32, #tpu.memory_space<vmem>>, %arg2: memref<2048x128xf32, #tpu.memory_space<vmem>>, %arg3: memref<128x8xf32, #tpu.memory_space<vmem>>, %arg4: memref<1x1xf32, #tpu.memory_space<smem>>) attributes {dimension_semantics = [], scalar_prefetch = 0 : i64, scratch_operands = 0 : i64, tpu.core_type = #tpu.core_type<tc>} {
    %get3A = arith.constant 0 : index
    %get3A_0 = arith.constant 0 : index
    %get3A_1 = vector.load %arg3[%get3A, %get3A_0] : memref<128x8xf32, #tpu.memory_space<vmem>>, vector<128x8xf32>
    %get3A_2 = arith.constant 0 : index
    %get3A_3 = arith.constant 0 : index
    %get3A_4 = vector.load %arg0[%get3A_2, %get3A_3] : memref<2048x128xf32, #tpu.memory_space<vmem>>, vector<2048x128xf32>
    %dot_general3A = arith.constant dense<0.000000e+00> : vector<2048x8xf32>
    %dot_general3A_5 = tpu.matmul %get3A_4, %get3A_1, %dot_general3A {dimension_numbers = #tpu.dot_dimension_numbers<[1], [0], [0], [1], [0, 0, 1, 1], [], []>, transpose_lhs_hint = false} : vector<2048x128xf32>, vector<128x8xf32>, vector<2048x8xf32> -> vector<2048x8xf32>
    %get3A_6 = arith.constant 0 : index
    %get3A_7 = arith.constant 0 : index
    %get3A_8 = vector.load %arg1[%get3A_6, %get3A_7] : memref<2048x128xf32, #tpu.memory_space<vmem>>, vector<2048x128xf32>
    %dot_general3A_9 = arith.constant dense<0.000000e+00> : vector<2048x8xf32>
    %dot_general3A_10 = tpu.matmul %get3A_8, %get3A_1, %dot_general3A_9 {dimension_numbers = #tpu.dot_dimension_numbers<[1], [0], [0], [1], [0, 0, 1, 1], [], []>, transpose_lhs_hint = false} : vector<2048x128xf32>, vector<128x8xf32>, vector<2048x8xf32> -> vector<2048x8xf32>
    %get3A_11 = arith.constant 0 : index
    %get3A_12 = arith.constant 0 : index
    %get3A_13 = vector.load %arg2[%get3A_11, %get3A_12] : memref<2048x128xf32, #tpu.memory_space<vmem>>, vector<2048x128xf32>
    %dot_general3A_14 = arith.constant dense<0.000000e+00> : vector<2048x8xf32>
    %dot_general3A_15 = tpu.matmul %get3A_13, %get3A_1, %dot_general3A_14 {dimension_numbers = #tpu.dot_dimension_numbers<[1], [0], [0], [1], [0, 0, 1, 1], [], []>, transpose_lhs_hint = false} : vector<2048x128xf32>, vector<128x8xf32>, vector<2048x8xf32> -> vector<2048x8xf32>
    %sqrt3A = math.sqrt %dot_general3A_15 : vector<2048x8xf32>
    %sqrt3A_16 = math.sqrt %dot_general3A_10 : vector<2048x8xf32>
    %mul3A = arith.mulf %sqrt3A, %sqrt3A_16 : vector<2048x8xf32>
    %max3A = arith.constant 9.99999993E-9 : f32
    %max3A_17 = vector.broadcast %max3A : f32 to vector<2048x8xf32>
    %max3A_18 = arith.maximumf %mul3A, %max3A_17 : vector<2048x8xf32>
    %div3A = arith.divf %dot_general3A_5, %max3A_18 : vector<2048x8xf32>
    %sub3A = arith.constant 1.000000e+00 : f32
    %sub3A_19 = vector.broadcast %sub3A : f32 to vector<2048x8xf32>
    %sub3A_20 = arith.subf %div3A, %sub3A_19 : vector<2048x8xf32>
    %mul3A_21 = arith.constant -3.500000e+00 : f32
    %mul3A_22 = vector.broadcast %mul3A_21 : f32 to vector<2048x8xf32>
    %mul3A_23 = arith.mulf %mul3A_22, %sub3A_20 : vector<2048x8xf32>
    %exp3A = math.exp %mul3A_23 : vector<2048x8xf32>
    %reduce_sum3A = vector.shape_cast %exp3A : vector<2048x8xf32> to vector<1x2048x8xf32>
    %reduce_sum3A_24 = arith.constant dense<0.000000e+00> : vector<1xf32>
    %reduce_sum3A_25 = vector.multi_reduction <add>, %reduce_sum3A, %reduce_sum3A_24 [1, 2] : vector<1x2048x8xf32> to vector<1xf32>
    %reduce_sum3A_26 = vector.shape_cast %reduce_sum3A_25 : vector<1xf32> to vector<1x1x1xf32>
    %reduce_sum3A_27 = vector.extract %reduce_sum3A_26[0, 0, 0] : f32 from vector<1x1x1xf32>
    %mul3A_28 = arith.constant 6.10351563E-5 : f32
    %mul3A_29 = arith.mulf %reduce_sum3A_27, %mul3A_28 : f32
    %swap3A = arith.constant 0 : index
    %swap3A_30 = arith.constant 0 : index
    %swap3A_31 = memref.load %arg4[%swap3A, %swap3A_30] : memref<1x1xf32, #tpu.memory_space<smem>>
    memref.store %mul3A_29, %arg4[%swap3A, %swap3A_30] : memref<1x1xf32, #tpu.memory_space<smem>>
    return
  }
}

</mosaic_0001>

<sc_bundles>
// kernel: kernel.4.cloned.1.call-start
scs
__scs_entry_jumppad:
0x0: {  	(pc) =	sbr.rel $0x88, $3  }
0x1: {  	(tag) =	ssettag $0x0;
	lr =	simm.s32 $0x1  }
0x2: {  	[smem:$0x3F9E] =	sst lr;
	_ =	strace $0xD0000000  }
0x3: {  	_ = 	snop  }
0x4: {  	_ = 	snop  }
0x5: {  	_ = 	snop  }
0x6: {  	_ = 	snop  }
0x7: {  	_ = 	snop  }
__scs_overlays_trampoline_lowered:
0x8: {  	[smem:$0x3FAD] =	sst s0  }
0x9: {  	[smem:$0x3FAE] =	sst s1  }
0xa: {  	[smem:$0x3FAF] =	sst s2  }
0xb: {  	[smem:$0x3FB0] =	sst s3  }
0xc: {  	[smem:$0x3FB1] =	sst s4  }
0xd: {  	[smem:$0x3FB2] =	sst s5  }
0xe: {  	[smem:$0x3FB3] =	sst s6  }
0xf: {  	[smem:$0x3FB4] =	sst s7  }
0x10: {  	[smem:$0x3FB5] =	sst s8  }
0x11: {  	[smem:$0x3FB6] =	sst s9;
	s0 =	simm.s32 @!p0 $0x0  }
0x12: {  	s1 =	sld [smem:$0x3F9C];
	s0 =	simm.s32 @p0 $0x1  }
0x13: {  	[smem:$0x3FB7] =	sst s0;
	s0 =	simm.s32 @!p1 $0x0  }
0x14: {  	s2 =	sld [smem:$0x3F9B];
	s0 =	simm.s32 @p1 $0x1  }
0x15: {  	[smem:$0x3FB8] =	sst s0;
	s0 =	simm.s32 @!p2 $0x0  }
0x16: {  	s3 =	sld [smem:$0x3FDB];
	s0 =	simm.s32 @p2 $0x1  }
0x17: {  	s4 =	simm.s32 $0x1BF5;
	[smem:$0x3FBA] =	sst s0  }
0x18: {  	s0 =	sld [smem:$0x3F9D];
	_ =	swait.ge [sflag:s4], $0x0  }
0x19: {  	s7 =	sld [smem:$0x3F9E]  }
0x1a: {  	s8 =	sadd.s32 $0xFFFFE003, lr  }
0x1b: {  	s9 =	sadd.s32 $0xFFFFFEF7, lr;
	s5 =	simm.s32 $0xFFFFFFFF;
	p2 =	slt.u32 s8, $0xFFFFF086  }
0x1c: {  	p1 =	slt.u32 s9, $0xF7A;
	s5 =	simm.s32 @!p2 $0x0  }
0x1d: {  	s5 =	simm.s32 @p1 $0x1;
	p0 =	seq.s32 s7, s2  }
0x1e: {  	s7 =	smul.u32 @!p0 $0xF7A, s2;
	p2 =	seq.s32 @!p0 s5, $0x0  }
0x1f: {  	s9 =	smul.u32 $0xF7A, s1;
	s8 =	simm.s32 @!p0 $0x1BF5;
	p2 =	por !p2, p0  }
0x20: {  	[sflag:s8] =	ssyncset.s32 @!p0 $0xFFFFF086;
	s6 =	sadd.s32 @!p0 s3, s7;
	s7 =	simm.s32 @!p0 $0x108  }
0x21: {  	s3 =	sadd.s32 s3, s9;
	s6 =	sadd.s32 @!p0 $0x88, s6;
	s7 =	simm.s32 @p2 $0x1082  }
0x22: {  	[simem:s7], [sflag:s8] =	dma.local @!p0 [hbm:s6], $0xF7A  }
0x23: {  	s9 =	sor.u32 $0xD0000000, s2;
	s6 =	simm.s32 $0x108;
	_ =	swait.ge @!p0 [sflag:s8], $0x0  }
0x24: {  	s3 =	sadd.s32 $0x88, s3;
	s6 =	simm.s32 @!p1 $0x1082;
	[sflag:s4] =	ssyncset.s32 $0xFFFFF086  }
0x25: {  	[simem:s6], [sflag:s4] =	dma.local [hbm:s3], $0xF7A  }
0x26: {  	[smem:$0x3F9E] =	sst s1;
	(tag) =	ssettag s2;
	_ =	strace s9  }
0x27: {  	s1 =	sld [smem:$0x3FAE]  }
0x28: {  	s2 =	sld [smem:$0x3FAF]  }
0x29: {  	s4 =	sld [smem:$0x3FB1]  }
0x2a: {  	p0 =	seq.s32 s5, $0x0;
	s5 =	sld [smem:$0x3FB2]  }
0x2b: {  	s6 =	sld [smem:$0x3FB3]  }
0x2c: {  	s7 =	sld [smem:$0x3FB4]  }
0x2d: {  	s3 =	simm.s32 $0x108;
	s8 =	sld [smem:$0x3FB5]  }
0x2e: {  	s3 =	simm.s32 @!p0 $0x1082;
	s9 =	sld [smem:$0x3FB6]  }
0x2f: {  	lr =	sadd.s32 s0, s3;
	s0 =	sld [smem:$0x3FAD]  }
0x30: {  	s3 =	sld [smem:$0x3FB0]  }
0x31: {  	[smem:$0x3FB9] =	sst s10  }
0x32: {  	s10 =	sld [smem:$0x3FB7];
	_ =	sdelay $0x3  }
0x33: {  	p0 =	seq.s32 s10, $0x1;
	s10 =	sld [smem:$0x3FB9];
	_ =	sdelay $0x3  }
0x34: {  	[smem:$0x3FB9] =	sst s10  }
0x35: {  	s10 =	sld [smem:$0x3FB8];
	_ =	sdelay $0x3  }
0x36: {  	p1 =	seq.s32 s10, $0x1;
	s10 =	sld [smem:$0x3FB9];
	_ =	sdelay $0x3  }
0x37: {  	[smem:$0x3FB9] =	sst s10  }
0x38: {  	s10 =	sld [smem:$0x3FBA]  }
0x39: {  	_ = 	snop;
	(pc) =	sbr.ind lr, $3  }
0x3a: {  	_ = 	snop  }
0x3b: {  	_ = 	snop  }
0x3c: {  	p2 =	seq.s32 s10, $0x1;
	s10 =	sld [smem:$0x3FB9]  }
0x3d: {  	_ =	shalt  }
0x3e: {  	_ =	shalt  }
0x3f: {  	_ =	shalt  }
0x40: {  	_ =	shalt  }
0x41: {  	_ =	shalt  }
0x42: {  	_ =	shalt  }
0x43: {  	_ =	shalt  }
0x44: {  	_ =	shalt  }
0x45: {  	_ =	shalt  }
0x46: {  	_ =	shalt  }
0x47: {  	_ =	shalt  }
0x48: {  	_ =	shalt  }
0x49: {  	_ =	shalt  }
0x4a: {  	_ =	shalt  }
0x4b: {  	_ =	shalt  }
0x4c: {  	_ =	shalt  }
0x4d: {  	_ =	shalt  }
0x4e: {  	_ =	shalt  }
0x4f: {  	_ =	shalt  }
0x50: {  	_ =	shalt  }
0x51: {  	_ =	shalt  }
0x52: {  	_ =	shalt  }
0x53: {  	_ =	shalt  }
0x54: {  	_ =	shalt  }
0x55: {  	_ =	shalt  }
0x56: {  	_ =	shalt  }
0x57: {  	_ =	shalt  }
0x58: {  	_ =	shalt  }
0x59: {  	_ =	shalt  }
0x5a: {  	_ =	shalt  }
0x5b: {  	_ =	shalt  }
0x5c: {  	_ =	shalt  }
0x5d: {  	_ =	shalt  }
0x5e: {  	_ =	shalt  }
0x5f: {  	_ =	shalt  }
0x60: {  	_ =	shalt  }
0x61: {  	_ =	shalt  }
0x62: {  	_ =	shalt  }
0x63: {  	_ =	shalt  }
0x64: {  	_ =	shalt  }
0x65: {  	_ =	shalt  }
0x66: {  	_ =	shalt  }
0x67: {  	_ =	shalt  }
0x68: {  	_ =	shalt  }
0x69: {  	_ =	shalt  }
0x6a: {  	_ =	shalt  }
0x6b: {  	_ =	shalt  }
0x6c: {  	_ =	shalt  }
0x6d: {  	_ =	shalt  }
0x6e: {  	_ =	shalt  }
0x6f: {  	_ =	shalt  }
0x70: {  	_ =	shalt  }
0x71: {  	_ =	shalt  }
0x72: {  	_ =	shalt  }
0x73: {  	_ =	shalt  }
0x74: {  	_ =	shalt  }
0x75: {  	_ =	shalt  }
0x76: {  	_ =	shalt  }
0x77: {  	_ =	shalt  }
0x78: {  	_ =	shalt  }
0x79: {  	_ =	shalt  }
0x7a: {  	_ =	shalt  }
0x7b: {  	_ =	shalt  }
0x7c: {  	_ =	shalt  }
0x7d: {  	_ =	shalt  }
0x7e: {  	_ =	shalt  }
0x7f: {  	_ =	shalt  }
0x80: {  	_ =	shalt  }
0x81: {  	_ =	shalt  }
0x82: {  	_ =	shalt  }
0x83: {  	_ =	shalt  }
0x84: {  	_ =	shalt  }
0x85: {  	_ =	shalt  }
0x86: {  	_ =	shalt  }
0x87: {  	_ =	shalt  }
.Lfunc_end0:
.L_simem_size_0:
called_computation_lowered:
.L_overlay_start_0:
0x88: {  	s2 =	sld [smem:$0x3FD9]  }
0x89: {  	s3 =	sld [smem:$0x3FFE];
	_ =	sdelay $0x1  }
0x8a: {  	s1 =	srdreg.scid  }
0x8b: {  	s0 =	sand.u32 $0x1, s1  }
0x8c: {  	s17 =	sshll.u32 s0, $0xA;
	s2 =	sadd.s32 s3, s2  }
0x8d: {  	s2 =	sadd.s32 s2, s17  }
0x8e: {  	[smem:$0x3FC5] =	sst s2  }
0x8f: {  	_ = 	snop  }
0x90: {  	s2 =	sld [smem:$0x3FC9]  }
0x91: {  	s18 =	sld [smem:$0x3FC8]  }
0x92: {  	s4 =	sld [smem:$0x3FC7];
	(tm) =	ssettm $0x1  }
0x93: {  	s5 =	sld [smem:$0x3FFB];
	_ =	sdelay $0x3  }
0x94: {  	_ =	strace s5  }
0x95: {  	s5 =	sld [smem:$0x3FFC];
	_ =	sdelay $0x3  }
0x96: {  	_ =	strace s5  }
0x97: {  	s5 =	sld [smem:$0x3FFD];
	_ =	sdelay $0x3  }
0x98: {  	_ =	strace s5  }
0x99: {  	_ =	strace $0x8FFFFFFF  }
0x9a: {  	s19 =	sld [smem:$0x3FDB];
	_ =	sdelay $0x1  }
0x9b: {  	s6 =	simm.s32 $_scs_section_size  }
0x9c: {  	s7 =	simm.s32 $_size__tile_overlayer_lowered;
	s8 =	simm.s32 $_tile_overlayer_lowered  }
0x9d: {  	s22 =	simm.s32 $0x1BFF;
	s21 =	sshll.u32 s8, $0x1;
	s5 =	sadd.s32 s6, s19  }
0x9e: {  	s9 =	simm.s32 $0x0;
	s20 =	sshll.u32 s7, $0x1;
	s7 =	sadd.s32 s21, s5  }
0x9f: {  	[timem:s9], [sflag:s22] =	dma.local [hbm:s7], s20  }
0xa0: {  	_ =	swait.ge [sflag:s22], s20  }
0xa1: {  	s6 =	ssub.s32 $0x0, s20;
	[sflag:s22] =	ssyncset.done $0x0  }
0xa2: {  	[sflag:s22] =	ssyncadd.s32 s6;
	_ =	sdelay $0x1  }
0xa3: {  	s23 =	simm.s32 $0x1B8B  }
0xa4: {  	_ =	swait.ge [sflag:s23], $0x1  }
0xa5: {  	[sflag:s23] =	ssyncset.done $0x0  }
0xa6: {  	s25 =	simm.s32 $0x1B8E;
	s24 =	sld [smem:$0x3FFE];
	[sflag:s23] =	ssyncadd.s32 $0xFFFFFFFF  }
0xa7: {  	s26 =	simm.s32 $execute0_lowered;
	[smem:$0x3FD2] =	sst s25  }
0xa8: {  	s7 =	sshll.u32 s26, $0x1;
	_ =	strace $0x80000046;
	[dreg:$0x1] =	wrdreg $0xFFFFFFFF  }
0xa9: {  	s28 =	simm.s32 $_size_execute0_lowered;
	s5 =	sadd.s32 s5, s7;
	[dreg:$0x0] =	wrdreg $0x0  }
0xaa: {  	s7 =	sshll.u32 s28, $0x1;
	[dreg:$0x2] =	wrdreg s5  }
0xab: {  	[dreg:$0x3] =	wrdreg s7  }
0xac: {  	[dreg:$0x4] =	wrdreg $0xC0  }
0xad: {  	_ =	task [dreg:s9], $0x5FFFF  }
0xae: {  	[dreg:$0x1] =	wrdreg $0xFFFFFFFF  }
0xaf: {  	[dreg:$0x0] =	wrdreg $0x60  }
0xb0: {  	[dreg:$0x2] =	wrdreg s2  }
0xb1: {  	[dreg:$0x3] =	wrdreg s18  }
0xb2: {  	[dreg:$0x4] =	wrdreg s4  }
0xb3: {  	[dreg:$0x5] =	wrdreg s24  }
0xb4: {  	[dreg:$0x6] =	wrdreg $0x9  }
0xb5: {  	_ =	task.clear_ibuf [dreg:s9], $0x7FFFF;
	_ =	strace $0x90000046  }
0xb6: {  	s29 =	simm.s32 $0x9;
	_ =	strace $0x80000048  }
0xb7: {  	_ =	swait.ge [sflag:s29], $0x1  }
0xb8: {  	[sflag:s29] =	ssyncadd.s32 $0xFFFFFFFF  }
0xb9: {  	_ =	strace $0x90000048  }
0xba: {  	_ =	sfence  }
0xbb: {  	s30 =	sld [smem:$0x0];
	_ =	sdelay $0x2  }
0xbc: {  	s31 =	sshll.u32 s1, $0xD;
	s1 =	sshrl.u32 s1, $0x2  }
0xbd: {  	s3 =	sand.u32 $0x4000, s31;
	s1 =	sadd.s32 s1, s30  }
0xbe: {  	s0 =	sor.u32 s3, s0;
	s1 =	sshll.u32 s1, $0x11  }
0xbf: {  	s0 =	sor.u32 s1, s0  }
0xc0: {  	s0 =	sadd.s32 $0x8F2B, s0  }
0xc1: {  	[sflag:s0] =	ssyncadd.remote.s32 $0x1  }
0xc2: {  	_ =	sfence.sel $0xFFFF  }
0xc3: {  	[dreg:$0x0] =	wrdreg $0xFFFFFFFF;
	(pc) =	sbr.abs _section_cstart, $3  }
0xc4: {  	[dreg:$0x1] =	wrdreg $0xFFFFFFFF  }
0xc5: {  	_ =	task.clear_ibuf [dreg:s9], $0x2FFFF;
	_ =	strace $0x9FFFFFFF  }
0xc6: {  	(tm) =	ssettm $0x7FFFFFFF  }
0xc7: {  	_ =	shalt  }
tec
execute0_lowered:
.L_overlay_start_1:
0x0: {  	(tag) =	ssettag $0x1  }
0x1: {  	s1 =	rddreg [dreg:$0x0]  }
0x2: {  	s0 =	rddreg [dreg:$0x1]  }
0x3: {  	s2 =	srdreg.scid;
	s3 =	rddreg [dreg:$0x2]  }
0x4: {  	s4 =	stileid.u32;
	s6 =	rddreg [dreg:$0x3];
	s12 =	simm.s32 $0x5  }
0x5: {  	s17 =	simm.s32 $0x8A00;
	s18 =	simm.s32 $0x9200;
	s19 =	simm.s32 $0x9A00  }
0x6: {  	s20 =	simm.s32 $0xA200;
	s28 =	simm.s32 $0xD200;
	s29 =	simm.s32 $0xDA00  }
0x7: {  	s30 =	simm.s32 $0xE200;
	s31 =	simm.s32 $0xEA00;
	s10 =	simm.s32 $0x2  }
0x8: {  	s11 =	simm.s32 $0x4;
	s13 =	simm.s32 $0x0;
	s16 =	simm.s32 $0x200  }
0x9: {  	s2 =	sand.u32 $0x1, s2;
	s5 =	sshll.u32 s4, $0xA;
	s4 =	simm.s32 $0x0  }
0xa: {  	s7 =	sshll.u32 s2, $0x9;
	[smem:$0x7FF] =	sst s4;
	s2 =	ssub.s32 $0x2, s2  }
0xb: {  	s5 =	sor.u32 s7, s5;
	_ =	strace $0x80000047;
	s21 =	sshrl.u32 s2, $0x1  }
0xc: {  	s7 =	sshll.u32 s5, $0x1;
	s8 =	sshrl.u32 s5, $0x3;
	s9 =	sshll.u32 s5, $0x6  }
0xd: {  	s2 =	ssub.s32 s2, s21;
	s21 =	simm.s32 $0xAA00;
	s0 =	sadd.s32 s0, s8  }
0xe: {  	s6 =	sadd.s32 s7, s6;
	s22 =	sadd.s32 s1, s9;
	[dreg:$0x5] =	wrdreg s0  }
0xf: {  	s8 =	sadd.s32 $0x100, s3;
	s26 =	smax.u32 s2, $0x1;
	[dreg:$0x6] =	wrdreg s22  }
0x10: {  	s2 =	simm.s32 $0xF200;
	s0 =	sadd.s32 $0x800, s22;
	[dreg:$0xb] =	wrdreg s26  }
0x11: {  	s9 =	simm.s32 $0x3;
	s23 =	sadd.s32 $0xE00, s6;
	[dreg:$0x7] =	wrdreg s0  }
0x12: {  	s24 =	sadd.s32 $0x8E00, s6;
	s25 =	sadd.s32 $0x10E00, s6;
	[dreg:$0x8] =	wrdreg s23  }
0x13: {  	v2 =	vlaneseq.u32;
	s22 =	simm.s32 $0xB200;
	s26 =	simm.s32 $0xCA00;
	[dreg:$0x9] =	wrdreg s24  }
0x14: {  	vm0 =	vmmov $0xffff;
	v1 =	vshrl.u32 v2, $0x3;
	s6 =	simm.s32 $0x1;
	[dreg:$0xa] =	wrdreg s25;
	s23 =	simm.s32 $0xBA00  }
0x15: {  	v0 =	vand.u32 $0x7, v2;
	v2 =	vor.u32 $0x8, v2;
	v1 =	vmul.u32 $0x8, v1;
	s24 =	simm.s32 $0x4200;
	s25 =	simm.s32 $0xC200;
	s0 =	simm.s32 $0xFA00  }
.LBB2_1:
0x16: {  	[dreg:$0xc] =	wrdreg s13  }
0x17: {  	s7 =	rddreg [dreg:$0x5]  }
0x18: {  	[tilespmem:s4], [sflag:$0x5] =	stream.linear.gather [hbm4b:s7+s4], $0x200, $0x38;
	[tilespmem:$0x16200] =	vst v63  }
0x19: {  	_ =	swait.ge [sflag:s12], $0x200  }
0x1a: {  	[sflag:s12] =	ssyncset.done $0x0  }
0x1b: {  	s13 =	simm.s32 $0x200;
	[sflag:s12] =	ssyncadd.s32 $0xFFFFFE00;
	s12 =	rddreg [dreg:$0x6]  }
0x1c: {  	[tilespmem:s13], [sflag:$0x1] =	stream.linear.gather [hbm4b:s12+s4], $0x4000, $0x38;
	[tilespmem:$0x16200] =	vst v63  }
0x1d: {  	v3 =	vld [tilespmem:$0x0];
	_ =	sdelay $0x4  }
0x1e: {  	v4 =	vshll.u32 v3, $0x2  }
0x1f: {  	v3 =	vand.u32 $0x7, v3;
	v4 =	vand.u32 $0xFFFFFFE0, v4  }
0x20: {  	v3 =	vor.u32 v3, v4  }
0x21: {  	v4 =	vperm.xlane v3, v0;
	_ =	sdelay $0x1  }
0x22: {  	v4 =	vadd.s32 v1, v4;
	_ =	sdelay $0x1  }
0x23: {  	v3 =	vperm.xlane v3, v2;
	_ =	sdelay $0x1  }
0x24: {  	s14 =	simm.s32 $0x8200;
	v3 =	vadd.s32 v1, v3  }
0x25: {  	[tilespmem:s14], [sflag:$0x3] =	stream.indirect_vreg.gather [hbm4b:s3+s4], $0x80, v4, vm0, $0xb8;
	[tilespmem:$0x16200] =	vst v63  }
0x26: {  	_ = 	snop  }
0x27: {  	[tilespmem:s17], [sflag:$0x3] =	stream.indirect_vreg.gather [hbm4b:s8+s4], $0x80, v4, vm0, $0xb8;
	[tilespmem:$0x16200] =	vst v63  }
0x28: {  	_ = 	snop  }
0x29: {  	[tilespmem:s18], [sflag:$0x3] =	stream.indirect_vreg.gather [hbm4b:s3+s4], $0x80, v3, vm0, $0xb8;
	[tilespmem:$0x16200] =	vst v63  }
0x2a: {  	_ = 	snop  }
0x2b: {  	[tilespmem:s19], [sflag:$0x3] =	stream.indirect_vreg.gather [hbm4b:s8+s4], $0x80, v3, vm0, $0xb8;
	[tilespmem:$0x16200] =	vst v63  }
0x2c: {  	v3 =	vld [tilespmem:$0x10];
	_ =	sdelay $0x4  }
0x2d: {  	v61 =	vshll.u32 v3, $0x2  }
0x2e: {  	v3 =	vand.u32 $0x7, v3;
	v4 =	vand.u32 $0xFFFFFFE0, v61  }
0x2f: {  	v3 =	vor.u32 v3, v4  }
0x30: {  	v4 =	vperm.xlane v3, v0;
	_ =	sdelay $0x1  }
0x31: {  	v4 =	vadd.s32 v1, v4;
	_ =	sdelay $0x1  }
0x32: {  	v3 =	vperm.xlane v3, v2;
	_ =	sdelay $0x1  }
0x33: {  	v3 =	vadd.s32 v1, v3  }
0x34: {  	[tilespmem:s20], [sflag:$0x3] =	stream.indirect_vreg.gather [hbm4b:s3+s4], $0x80, v4, vm0, $0xb8;
	[tilespmem:$0x16200] =	vst v63  }
0x35: {  	_ = 	snop  }
0x36: {  	[tilespmem:s21], [sflag:$0x3] =	stream.indirect_vreg.gather [hbm4b:s8+s4], $0x80, v4, vm0, $0xb8;
	[tilespmem:$0x16200] =	vst v63  }
0x37: {  	_ = 	snop  }
0x38: {  	[tilespmem:s22], [sflag:$0x3] =	stream.indirect_vreg.gather [hbm4b:s3+s4], $0x80, v3, vm0, $0xb8;
	[tilespmem:$0x16200] =	vst v63  }
0x39: {  	_ = 	snop  }
0x3a: {  	[tilespmem:s23], [sflag:$0x3] =	stream.indirect_vreg.gather [hbm4b:s8+s4], $0x80, v3, vm0, $0xb8;
	[tilespmem:$0x16200] =	vst v63  }
0x3b: {  	s15 =	rddreg [dreg:$0x7]  }
0x3c: {  	[tilespmem:s24], [sflag:$0x2] =	stream.linear.gather [hbm4b:s15+s4], $0x4000, $0x38;
	[tilespmem:$0x16200] =	vst v63  }
0x3d: {  	v3 =	vld [tilespmem:$0x20];
	_ =	sdelay $0x4  }
0x3e: {  	v62 =	vshll.u32 v3, $0x2  }
0x3f: {  	v3 =	vand.u32 $0x7, v3;
	v4 =	vand.u32 $0xFFFFFFE0, v62  }
0x40: {  	v3 =	vor.u32 v3, v4  }
0x41: {  	v4 =	vperm.xlane v3, v0;
	_ =	sdelay $0x1  }
0x42: {  	v4 =	vadd.s32 v1, v4;
	_ =	sdelay $0x1  }
0x43: {  	v3 =	vperm.xlane v3, v2;
	_ =	sdelay $0x1  }
0x44: {  	v3 =	vadd.s32 v1, v3  }
0x45: {  	[tilespmem:s25], [sflag:$0x4] =	stream.indirect_vreg.gather [hbm4b:s3+s4], $0x80, v4, vm0, $0xb8;
	[tilespmem:$0x16200] =	vst v63  }
0x46: {  	_ = 	snop  }
0x47: {  	[tilespmem:s26], [sflag:$0x4] =	stream.indirect_vreg.gather [hbm4b:s8+s4], $0x80, v4, vm0, $0xb8;
	[tilespmem:$0x16200] =	vst v63  }
0x48: {  	_ = 	snop  }
0x49: {  	[tilespmem:s28], [sflag:$0x4] =	stream.indirect_vreg.gather [hbm4b:s3+s4], $0x80, v3, vm0, $0xb8;
	[tilespmem:$0x16200] =	vst v63  }
0x4a: {  	_ = 	snop  }
0x4b: {  	[tilespmem:s29], [sflag:$0x4] =	stream.indirect_vreg.gather [hbm4b:s8+s4], $0x80, v3, vm0, $0xb8;
	[tilespmem:$0x16200] =	vst v63  }
0x4c: {  	v3 =	vld [tilespmem:$0x30];
	_ =	sdelay $0x4  }
0x4d: {  	v63 =	vshll.u32 v3, $0x2  }
0x4e: {  	v3 =	vand.u32 $0x7, v3;
	v4 =	vand.u32 $0xFFFFFFE0, v63  }
0x4f: {  	v3 =	vor.u32 v3, v4  }
0x50: {  	v4 =	vperm.xlane v3, v0;
	_ =	sdelay $0x1  }
0x51: {  	v4 =	vadd.s32 v1, v4;
	_ =	sdelay $0x1  }
0x52: {  	v3 =	vperm.xlane v3, v2;
	_ =	sdelay $0x1  }
0x53: {  	v3 =	vadd.s32 v1, v3  }
0x54: {  	[tilespmem:s30], [sflag:$0x4] =	stream.indirect_vreg.gather [hbm4b:s3+s4], $0x80, v4, vm0, $0xb8;
	[tilespmem:$0x16200] =	vst v63  }
0x55: {  	_ = 	snop  }
0x56: {  	[tilespmem:s31], [sflag:$0x4] =	stream.indirect_vreg.gather [hbm4b:s8+s4], $0x80, v4, vm0, $0xb8;
	[tilespmem:$0x16200] =	vst v63  }
0x57: {  	_ = 	snop  }
0x58: {  	[tilespmem:s2], [sflag:$0x4] =	stream.indirect_vreg.gather [hbm4b:s3+s4], $0x80, v3, vm0, $0xb8;
	[tilespmem:$0x16200] =	vst v63  }
0x59: {  	s13 =	simm.s32 $0x0  }
0x5a: {  	[tilespmem:s0], [sflag:$0x4] =	stream.indirect_vreg.gather [hbm4b:s8+s4], $0x80, v3, vm0, $0xb8;
	[tilespmem:$0x16200] =	vst v63  }
.LBB2_2:
0x5b: {  	_ =	swait.ge [sflag:s6], $0x4000  }
0x5c: {  	[sflag:s6] =	ssyncset.done $0x0  }
0x5d: {  	[sflag:s6] =	ssyncadd.s32 $0xFFFFC000  }
0x5e: {  	_ =	swait.ge [sflag:s9], $0x4000  }
0x5f: {  	s12 =	sshll.u32 s13, $0xA;
	[sflag:s9] =	ssyncset.done $0x0  }
0x60: {  	s7 =	simm.s32 $0x0;
	v3 =	vmov s12;
	[sflag:s9] =	ssyncadd.s32 $0xFFFFC000  }
.LBB2_3:
0x61: {  	s14 =	sshll.u32 s7, $0x9  }
0x62: {  	v4 =	vld [tilespmem:s14+$0x200]  }
0x63: {  	v5 =	vld [tilespmem:s14+$0x8200]  }
0x64: {  	v6 =	vld [tilespmem:s14+$0x210]  }
0x65: {  	v7 =	vld [tilespmem:s14+$0x8210]  }
0x66: {  	v8 =	vld [tilespmem:s14+$0x220]  }
0x67: {  	v9 =	vld [tilespmem:s14+$0x8220]  }
0x68: {  	v10 =	vld [tilespmem:s14+$0x230]  }
0x69: {  	v11 =	vld [tilespmem:s14+$0x8230]  }
0x6a: {  	v13 =	vld [tilespmem:s14+$0x240]  }
0x6b: {  	v14 =	vld [tilespmem:s14+$0x8240]  }
0x6c: {  	v16 =	vld [tilespmem:s14+$0x250]  }
0x6d: {  	v18 =	vld [tilespmem:s14+$0x8250]  }
0x6e: {  	v19 =	vld [tilespmem:s14+$0x260];
	v12 =	vmul.f32 v5, v4;
	v5 =	vmul.f32 v5, v5  }
0x6f: {  	v20 =	vld [tilespmem:s14+$0x8260];
	v4 =	vmul.f32 v4, v4;
	v15 =	vmul.f32 v7, v6  }
0x70: {  	v55 =	vld [tilespmem:s14+$0x270];
	v7 =	vmul.f32 v7, v7;
	v6 =	vmul.f32 v6, v6  }
0x71: {  	v58 =	vld [tilespmem:s14+$0x8270];
	v17 =	vmul.f32 v9, v8;
	v9 =	vmul.f32 v9, v9  }
0x72: {  	v60 =	vld [tilespmem:s14+$0x600];
	v8 =	vmul.f32 v8, v8;
	v53 =	vmul.f32 v11, v10  }
0x73: {  	v63 =	vld [tilespmem:s14+$0x8600];
	v11 =	vmul.f32 v11, v11;
	v54 =	vmul.f32 v10, v10  }
0x74: {  	v25 =	vld [tilespmem:s14+$0x610];
	v57 =	vmul.f32 v14, v13;
	v59 =	vmul.f32 v14, v14  }
0x75: {  	v27 =	vld [tilespmem:s14+$0x8610];
	v13 =	vmul.f32 v13, v13;
	v61 =	vmul.f32 v18, v16  }
0x76: {  	v30 =	vld [tilespmem:s14+$0x620];
	v62 =	vmul.f32 v18, v18;
	v24 =	vmul.f32 v16, v16  }
0x77: {  	v32 =	vld [tilespmem:s14+$0x8620];
	v26 =	vmul.f32 v20, v19;
	v28 =	vmul.f32 v20, v20  }
0x78: {  	v34 =	vld [tilespmem:s14+$0x630];
	v29 =	vmul.f32 v19, v19;
	v31 =	vmul.f32 v58, v55  }
0x79: {  	v36 =	vld [tilespmem:s14+$0x8630];
	v33 =	vmul.f32 v55, v55;
	v35 =	vmul.f32 v63, v60  }
0x7a: {  	v38 =	vld [tilespmem:s14+$0x640];
	v37 =	vmul.f32 v63, v63;
	v14 =	vmul.f32 v60, v60  }
0x7b: {  	v40 =	vld [tilespmem:s14+$0x8640];
	v39 =	vmul.f32 v27, v25;
	v16 =	vmul.f32 v27, v27  }
0x7c: {  	v42 =	vld [tilespmem:s14+$0x650];
	v41 =	vmul.f32 v25, v25;
	v43 =	vmul.f32 v32, v30  }
0x7d: {  	v49 =	vld [tilespmem:s14+$0x8660];
	v45 =	vmul.f32 v32, v32;
	v46 =	vmul.f32 v30, v30  }
0x7e: {  	v44 =	vld [tilespmem:s14+$0x8650];
	v48 =	vmul.f32 v36, v34;
	v12 =	vadd.f32 $0.0e+00, v12;
	v15 =	vadd.f32 $0.0e+00, v15  }
0x7f: {  	v47 =	vld [tilespmem:s14+$0x660];
	v50 =	vmul.f32 v34, v34;
	v5 =	vadd.f32 v9, v5;
	v4 =	vadd.f32 v8, v4  }
0x80: {  	v51 =	vld [tilespmem:s14+$0x670];
	v52 =	vmul.f32 v40, v38;
	v7 =	vadd.f32 v11, v7;
	v6 =	vadd.f32 v54, v6  }
0x81: {  	v55 =	vmul.f32 v38, v38;
	v60 =	vld [tilespmem:s14+$0xA10];
	v12 =	vadd.f32 v17, v12;
	v56 =	vadd.f32 v53, v15  }
0x82: {  	v63 =	vmul.f32 v49, v49;
	v5 =	vadd.f32 v59, v5;
	v4 =	vadd.f32 v13, v4;
	v53 =	vld [tilespmem:s14+$0x8670]  }
0x83: {  	v7 =	vadd.f32 v62, v7;
	v6 =	vadd.f32 v24, v6;
	v15 =	vmul.f32 v58, v58;
	v58 =	vld [tilespmem:s14+$0x8A00]  }
0x84: {  	v54 =	vmul.f32 v40, v40;
	v62 =	vld [tilespmem:s14+$0x8A10];
	v11 =	vadd.f32 v57, v12;
	v10 =	vadd.f32 v61, v56  }
0x85: {  	v59 =	vmul.f32 v42, v42;
	v5 =	vadd.f32 v28, v5;
	v4 =	vadd.f32 v29, v4;
	v56 =	vld [tilespmem:s14+$0xA00]  }
0x86: {  	v24 =	vmul.f32 v47, v47;
	v7 =	vadd.f32 v15, v7;
	v6 =	vadd.f32 v33, v6;
	v25 =	vld [tilespmem:s14+$0xA20]  }
0x87: {  	v15 =	vmul.f32 v36, v36;
	v57 =	vmul.f32 v44, v42;
	v27 =	vld [tilespmem:s14+$0x8A20];
	v11 =	vadd.f32 v26, v11  }
0x88: {  	v61 =	vmul.f32 v49, v47;
	v29 =	vld [tilespmem:s14+$0xA30];
	v10 =	vadd.f32 v31, v10;
	v5 =	vadd.f32 v37, v5  }
0x89: {  	v28 =	vmul.f32 v51, v51;
	v34 =	vld [tilespmem:s14+$0xA40];
	v4 =	vadd.f32 v14, v4;
	v7 =	vadd.f32 v16, v7  }
0x8a: {  	v36 =	vld [tilespmem:s14+$0x8A40];
	v6 =	vadd.f32 v41, v6;
	v14 =	vmul.f32 v44, v44;
	v37 =	vmul.f32 v60, v60  }
0x8b: {  	v38 =	vld [tilespmem:s14+$0xA50];
	v26 =	vmul.f32 v53, v51;
	v32 =	vmul.f32 v58, v58;
	v11 =	vadd.f32 v35, v11  }
0x8c: {  	v40 =	vld [tilespmem:s14+$0x8A50];
	v7 =	vadd.f32 v15, v7;
	v15 =	vmul.f32 v53, v53;
	v35 =	vmul.f32 v62, v60  }
0x8d: {  	v47 =	vld [tilespmem:s14+$0xA70];
	v10 =	vadd.f32 v39, v10;
	v30 =	vmul.f32 v58, v56;
	v33 =	vmul.f32 v56, v56  }
0x8e: {  	v49 =	vld [tilespmem:s14+$0x8A70];
	v5 =	vadd.f32 v45, v5;
	v39 =	vmul.f32 v27, v25;
	v41 =	vmul.f32 v27, v27  }
0x8f: {  	v21 =	vld [tilespmem:s14+$0x82D0];
	v4 =	vadd.f32 v46, v4;
	v42 =	vmul.f32 v25, v25;
	v46 =	vmul.f32 v29, v29  }
0x90: {  	v31 =	vld [tilespmem:s14+$0x8A30];
	v6 =	vadd.f32 v50, v6;
	v50 =	vmul.f32 v36, v36;
	v51 =	vmul.f32 v34, v34  }
0x91: {  	v45 =	vld [tilespmem:s14+$0x8A60];
	v53 =	vmul.f32 v40, v38;
	v11 =	vadd.f32 v43, v11;
	v10 =	vadd.f32 v48, v10  }
0x92: {  	v56 =	vld [tilespmem:s14+$0xE10];
	v23 =	vmul.f32 v47, v47;
	v5 =	vadd.f32 v54, v5;
	v4 =	vadd.f32 v55, v4  }
0x93: {  	v58 =	vld [tilespmem:s14+$0x8E10];
	v7 =	vadd.f32 v14, v7;
	v6 =	vadd.f32 v59, v6;
	v14 =	vmul.f32 v62, v62  }
0x94: {  	v43 =	vld [tilespmem:s14+$0xA60];
	v48 =	vmul.f32 v36, v34;
	v55 =	vmul.f32 v38, v38;
	v11 =	vadd.f32 v52, v11  }
0x95: {  	v54 =	vld [tilespmem:s14+$0x8E00];
	v62 =	vmul.f32 v49, v47;
	v10 =	vadd.f32 v57, v10;
	v5 =	vadd.f32 v63, v5  }
0x96: {  	v38 =	vld [tilespmem:s14+$0xE60];
	v44 =	vmul.f32 v31, v29;
	v4 =	vadd.f32 v24, v4;
	v7 =	vadd.f32 v15, v7  }
0x97: {  	v29 =	vld [tilespmem:s14+$0xE40];
	v6 =	vadd.f32 v28, v6;
	v15 =	vmul.f32 v31, v31;
	v11 =	vadd.f32 v61, v11  }
0x98: {  	v52 =	vld [tilespmem:s14+$0xE00];
	v59 =	vmul.f32 v45, v45;
	v10 =	vadd.f32 v26, v10;
	v5 =	vadd.f32 v32, v5  }
0x99: {  	v63 =	vld [tilespmem:s14+$0x8E20];
	v4 =	vadd.f32 v33, v4;
	v7 =	vadd.f32 v14, v7;
	v14 =	vmul.f32 v40, v40  }
0x9a: {  	v24 =	vld [tilespmem:s14+$0xE30];
	v6 =	vadd.f32 v37, v6;
	v32 =	vmul.f32 v56, v56;
	v57 =	vmul.f32 v45, v43  }
0x9b: {  	v31 =	vld [tilespmem:s14+$0x8E40];
	v60 =	vmul.f32 v43, v43;
	v27 =	vmul.f32 v54, v54;
	v11 =	vadd.f32 v30, v11  }
0x9c: {  	v61 =	vld [tilespmem:s14+$0xE20];
	v10 =	vadd.f32 v35, v10;
	v7 =	vadd.f32 v15, v7;
	v15 =	vmul.f32 v49, v49  }
0x9d: {  	v26 =	vld [tilespmem:s14+$0x8E30];
	v6 =	vadd.f32 v46, v6;
	v30 =	vmul.f32 v58, v56;
	v46 =	vmul.f32 v29, v29  }
0x9e: {  	v33 =	vld [tilespmem:s14+$0xE50];
	v5 =	vadd.f32 v41, v5;
	v25 =	vmul.f32 v54, v52;
	v28 =	vmul.f32 v52, v52  }
0x9f: {  	v40 =	vld [tilespmem:s14+$0x8E60];
	v4 =	vadd.f32 v42, v4;
	v36 =	vmul.f32 v63, v63;
	v41 =	vmul.f32 v24, v24  }
0xa0: {  	v35 =	vld [tilespmem:s14+$0x8E50];
	v43 =	vmul.f32 v31, v29;
	v11 =	vadd.f32 v39, v11;
	v10 =	vadd.f32 v44, v10  }
0xa1: {  	v42 =	vld [tilespmem:s14+$0xE70];
	v45 =	vmul.f32 v31, v31;
	v5 =	vadd.f32 v50, v5;
	v4 =	vadd.f32 v51, v4  }
0xa2: {  	v49 =	vld [tilespmem:s14+$0x8280];
	v7 =	vadd.f32 v14, v7;
	v14 =	vmul.f32 v58, v58;
	v34 =	vmul.f32 v63, v61  }
0xa3: {  	v56 =	vld [tilespmem:s14+$0x2A0];
	v6 =	vadd.f32 v55, v6;
	v37 =	vmul.f32 v61, v61;
	v39 =	vmul.f32 v26, v24  }
0xa4: {  	v47 =	vld [tilespmem:s14+$0x280];
	v50 =	vmul.f32 v33, v33;
	v52 =	vmul.f32 v40, v38;
	v11 =	vadd.f32 v48, v11  }
0xa5: {  	v29 =	vld [tilespmem:s14+$0x2D0];
	v54 =	vmul.f32 v40, v40;
	v10 =	vadd.f32 v53, v10;
	v5 =	vadd.f32 v59, v5  }
0xa6: {  	v44 =	vld [tilespmem:s14+$0x8E70];
	v4 =	vadd.f32 v60, v4;
	v7 =	vadd.f32 v15, v7;
	v15 =	vmul.f32 v26, v26  }
0xa7: {  	v51 =	vld [tilespmem:s14+$0x290];
	v6 =	vadd.f32 v23, v6;
	v48 =	vmul.f32 v35, v33;
	v9 =	vmul.f32 v42, v42  }
0xa8: {  	v58 =	vld [tilespmem:s14+$0x82A0];
	v24 =	vmul.f32 v49, v49;
	v20 =	vmul.f32 v56, v56;
	v11 =	vadd.f32 v57, v11  }
0xa9: {  	v61 =	vld [tilespmem:s14+$0x82B0];
	v10 =	vadd.f32 v62, v10;
	v7 =	vadd.f32 v14, v7;
	v14 =	vmul.f32 v35, v35  }
0xaa: {  	v63 =	vld [tilespmem:s14+$0x2C0];
	v5 =	vadd.f32 v27, v5;
	v57 =	vmul.f32 v38, v38;
	v62 =	vmul.f32 v49, v47  }
0xab: {  	v53 =	vld [tilespmem:s14+$0x8290];
	v4 =	vadd.f32 v28, v4;
	v38 =	vmul.f32 v21, v21;
	v40 =	vmul.f32 v29, v29  }
0xac: {  	v60 =	vld [tilespmem:s14+$0x2B0];
	v6 =	vadd.f32 v32, v6;
	v55 =	vmul.f32 v44, v42;
	v13 =	vmul.f32 v51, v51  }
0xad: {  	v26 =	vld [tilespmem:s14+$0x82C0];
	v19 =	vmul.f32 v58, v58;
	v11 =	vadd.f32 v25, v11;
	v10 =	vadd.f32 v30, v10  }
0xae: {  	v22 =	vld [tilespmem:s14+$0x2E0];
	v5 =	vadd.f32 v36, v5;
	v7 =	vadd.f32 v15, v7;
	v15 =	vmul.f32 v44, v44  }
0xaf: {  	v23 =	vld [tilespmem:s14+$0x82E0];
	v4 =	vadd.f32 v37, v4;
	v25 =	vmul.f32 v47, v47;
	v30 =	vmul.f32 v58, v56  }
0xb0: {  	v32 =	vld [tilespmem:s14+$0x2F0];
	v6 =	vadd.f32 v41, v6;
	v37 =	vmul.f32 v21, v29;
	v27 =	vmul.f32 v53, v51  }
0xb1: {  	v8 =	vadd.f32 $0.0e+00, v62;
	v36 =	vld [tilespmem:s14+$0x680];
	v28 =	vmul.f32 v53, v53;
	v31 =	vmul.f32 v61, v60  }
0xb2: {  	v41 =	vld [tilespmem:s14+$0x690];
	v33 =	vmul.f32 v26, v63;
	v11 =	vadd.f32 v34, v11;
	v10 =	vadd.f32 v39, v10  }
0xb3: {  	v56 =	vld [tilespmem:s14+$0x86C0];
	v35 =	vmul.f32 v26, v26;
	v5 =	vadd.f32 v45, v5;
	v4 =	vadd.f32 v46, v4  }
0xb4: {  	v58 =	vld [tilespmem:s14+$0x6D0];
	v42 =	vmul.f32 v23, v22;
	v7 =	vadd.f32 v14, v7;
	v6 =	vadd.f32 v50, v6  }
0xb5: {  	v29 =	vld [tilespmem:s14+$0x86F0];
	v44 =	vmul.f32 v23, v23;
	v8 =	vadd.f32 v30, v8;
	v16 =	vadd.f32 v20, v25  }
0xb6: {  	v34 =	vld [tilespmem:s14+$0x82F0];
	v45 =	vmul.f32 v22, v22;
	v11 =	vadd.f32 v43, v11;
	v10 =	vadd.f32 v48, v10  }
0xb7: {  	v39 =	vld [tilespmem:s14+$0x8680];
	v49 =	vmul.f32 v32, v32;
	v5 =	vadd.f32 v54, v5;
	v12 =	vadd.f32 v57, v4  }
0xb8: {  	v46 =	vld [tilespmem:s14+$0x6A0];
	v7 =	vadd.f32 v15, v7;
	v6 =	vadd.f32 v9, v6;
	v15 =	vmul.f32 v61, v61  }
0xb9: {  	v50 =	vld [tilespmem:s14+$0x6B0];
	v9 =	vmul.f32 v63, v63;
	v8 =	vadd.f32 v33, v8;
	v17 =	vmul.f32 v36, v36  }
0xba: {  	v25 =	vld [tilespmem:s14+$0x86E0];
	v57 =	vmul.f32 v41, v41;
	v11 =	vadd.f32 v52, v11;
	v59 =	vadd.f32 v55, v10  }
0xbb: {  	v43 =	vld [tilespmem:s14+$0x8690];
	v30 =	vmul.f32 v56, v56;
	v7 =	vadd.f32 v7, v5;
	v5 =	vadd.f32 v6, v12  }
0xbc: {  	v48 =	vld [tilespmem:s14+$0x86A0];
	v6 =	vadd.f32 $0.0e+00, v27;
	v10 =	vmul.f32 v60, v60;
	v12 =	vadd.f32 v15, v28  }
0xbd: {  	v54 =	vld [tilespmem:s14+$0x6C0];
	v9 =	vadd.f32 v9, v16;
	v47 =	vmul.f32 v34, v32;
	v18 =	vmul.f32 v34, v34  }
0xbe: {  	v63 =	vld [tilespmem:s14+$0x6E0];
	v8 =	vadd.f32 v42, v8;
	v51 =	vmul.f32 v39, v36;
	v53 =	vmul.f32 v39, v39  }
0xbf: {  	v52 =	vld [tilespmem:s14+$0x86B0];
	v62 =	vmul.f32 v46, v46;
	v26 =	vmul.f32 v50, v50;
	v4 =	vadd.f32 v59, v11  }
0xc0: {  	v60 =	vld [tilespmem:s14+$0x86D0];
	v39 =	vmul.f32 v25, v25;
	v11 =	vadd.f32 v19, v24;
	v6 =	vadd.f32 v31, v6  }
0xc1: {  	v27 =	vld [tilespmem:s14+$0x6F0];
	v10 =	vadd.f32 v10, v13;
	v12 =	vadd.f32 v38, v12;
	v55 =	vmul.f32 v43, v41  }
0xc2: {  	v32 =	vld [tilespmem:s14+$0xA80];
	v9 =	vadd.f32 v45, v9;
	v16 =	vmul.f32 v43, v43;
	v59 =	vmul.f32 v48, v46  }
0xc3: {  	v34 =	vld [tilespmem:s14+$0x8A80];
	v8 =	vadd.f32 v51, v8;
	v61 =	vmul.f32 v48, v48;
	v28 =	vmul.f32 v56, v54  }
0xc4: {  	v36 =	vld [tilespmem:s14+$0xA90];
	v31 =	vmul.f32 v54, v54;
	v11 =	vadd.f32 v35, v11;
	v6 =	vadd.f32 v37, v6  }
0xc5: {  	v38 =	vld [tilespmem:s14+$0x8A90];
	v10 =	vadd.f32 v40, v10;
	v12 =	vadd.f32 v18, v12;
	v35 =	vmul.f32 v58, v58  }
0xc6: {  	s12 =	sshll.u32 s7, $0x4;
	v45 =	vld [tilespmem:s14+$0xAB0];
	v9 =	vadd.f32 v17, v9;
	v37 =	vmul.f32 v25, v63;
	v40 =	vmul.f32 v63, v63  }
0xc7: {  	v41 =	vld [tilespmem:s14+$0xAA0];
	[tilespmem:v3+s12+$0x10200 ss:$0x1] =	vst.idx.msk $0xffff, v4;
	v24 =	vmul.f32 v52, v50;
	v18 =	vmul.f32 v52, v52  }
0xc8: {  	v43 =	vld [tilespmem:s14+$0x8AA0];
	v8 =	vadd.f32 v59, v8;
	v33 =	vmul.f32 v60, v58;
	v42 =	vmul.f32 v29, v27  }
0xc9: {  	v54 =	vld [tilespmem:s14+$0xAD0];
	[tilespmem:v3+s12+$0x12200 ss:$0x1] =	vst.idx.msk $0xffff, v7;
	v11 =	vadd.f32 v44, v11;
	v6 =	vadd.f32 v47, v6  }
0xca: {  	v56 =	vld [tilespmem:s14+$0x8AD0];
	v10 =	vadd.f32 v49, v10;
	v12 =	vadd.f32 v16, v12;
	v16 =	vmul.f32 v60, v60  }
0xcb: {  	v63 =	vld [tilespmem:s14+$0xAF0];
	v9 =	vadd.f32 v62, v9;
	v44 =	vmul.f32 v27, v27;
	v46 =	vmul.f32 v34, v32  }
0xcc: {  	v25 =	vld [tilespmem:s14+$0x8AF0];
	v48 =	vmul.f32 v34, v34;
	v49 =	vmul.f32 v32, v32;
	v8 =	vadd.f32 v28, v8  }
0xcd: {  	v50 =	vld [tilespmem:s14+$0xAC0];
	v51 =	vmul.f32 v38, v36;
	v62 =	vmul.f32 v45, v45;
	v11 =	vadd.f32 v53, v11  }
0xce: {  	v52 =	vld [tilespmem:s14+$0x8AC0];
	v6 =	vadd.f32 v55, v6;
	v12 =	vadd.f32 v18, v12;
	v18 =	vmul.f32 v29, v29  }
0xcf: {  	v59 =	vld [tilespmem:s14+$0xAE0];
	v10 =	vadd.f32 v57, v10;
	v53 =	vmul.f32 v36, v36;
	v55 =	vmul.f32 v43, v41  }
0xd0: {  	v47 =	vld [tilespmem:s14+$0x8AB0];
	v9 =	vadd.f32 v31, v9;
	v57 =	vmul.f32 v43, v43;
	v58 =	vmul.f32 v41, v41  }
0xd1: {  	v32 =	vld [tilespmem:s14+$0xE90];
	v29 =	vmul.f32 v56, v54;
	v8 =	vadd.f32 v37, v8;
	v11 =	vadd.f32 v61, v11  }
0xd2: {  	v34 =	vld [tilespmem:s14+$0x8E90];
	v31 =	vmul.f32 v54, v54;
	v6 =	vadd.f32 v24, v6;
	v10 =	vadd.f32 v26, v10  }
0xd3: {  	v28 =	vld [tilespmem:s14+$0xE80];
	v12 =	vadd.f32 v16, v12;
	v16 =	vmul.f32 v38, v38;
	v24 =	vmul.f32 v52, v50  }
0xd4: {  	v41 =	vld [tilespmem:s14+$0xEB0];
	v9 =	vadd.f32 v40, v9;
	v26 =	vmul.f32 v52, v52;
	v27 =	vmul.f32 v50, v50  }
0xd5: {  	v43 =	vld [tilespmem:s14+$0x8EB0];
	v36 =	vmul.f32 v59, v59;
	v38 =	vmul.f32 v25, v63;
	v8 =	vadd.f32 v46, v8  }
0xd6: {  	v37 =	vld [tilespmem:s14+$0xEA0];
	v40 =	vmul.f32 v63, v63;
	v11 =	vadd.f32 v30, v11;
	v6 =	vadd.f32 v33, v6  }
0xd7: {  	v61 =	vld [tilespmem:s14+$0x8AE0];
	v60 =	vmul.f32 v47, v45;
	v10 =	vadd.f32 v35, v10;
	v12 =	vadd.f32 v18, v12  }
0xd8: {  	v50 =	vld [tilespmem:s14+$0xED0];
	v9 =	vadd.f32 v49, v9;
	v18 =	vmul.f32 v47, v47;
	v45 =	vmul.f32 v28, v28  }
0xd9: {  	v52 =	vld [tilespmem:s14+$0x8ED0];
	v47 =	vmul.f32 v34, v32;
	v8 =	vadd.f32 v55, v8;
	v11 =	vadd.f32 v39, v11  }
0xda: {  	v46 =	vld [tilespmem:s14+$0xEC0];
	v49 =	vmul.f32 v32, v32;
	v6 =	vadd.f32 v42, v6;
	v10 =	vadd.f32 v44, v10  }
0xdb: {  	v30 =	vld [tilespmem:s14+$0x8E80];
	v12 =	vadd.f32 v16, v12;
	v16 =	vmul.f32 v56, v56;
	v54 =	vmul.f32 v37, v37  }
0xdc: {  	v55 =	vld [tilespmem:s14+$0xEE0];
	v9 =	vadd.f32 v58, v9;
	v56 =	vmul.f32 v43, v41;
	v58 =	vmul.f32 v41, v41  }
0xdd: {  	v39 =	vld [tilespmem:s14+$0x8EA0];
	v8 =	vadd.f32 v24, v8;
	v33 =	vmul.f32 v61, v59;
	v11 =	vadd.f32 v48, v11  }
0xde: {  	v41 =	vld [tilespmem:s14+$0x340];
	v35 =	vmul.f32 v61, v61;
	v6 =	vadd.f32 v51, v6;
	v10 =	vadd.f32 v53, v10  }
0xdf: {  	v59 =	vld [tilespmem:s14+$0xEF0];
	v12 =	vadd.f32 v18, v12;
	v18 =	vmul.f32 v25, v25;
	v63 =	vmul.f32 v46, v46  }
0xe0: {  	v61 =	vld [tilespmem:s14+$0x8EF0];
	v9 =	vadd.f32 v27, v9;
	v25 =	vmul.f32 v52, v50;
	v27 =	vmul.f32 v50, v50  }
0xe1: {  	v24 =	vld [tilespmem:s14+$0x300];
	v8 =	vadd.f32 v33, v8;
	v42 =	vmul.f32 v30, v28;
	v11 =	vadd.f32 v57, v11  }
0xe2: {  	v48 =	vld [tilespmem:s14+$0x8EC0];
	v44 =	vmul.f32 v30, v30;
	v6 =	vadd.f32 v60, v6;
	v10 =	vadd.f32 v62, v10  }
0xe3: {  	v50 =	vld [tilespmem:s14+$0x8350];
	v12 =	vadd.f32 v16, v12;
	v9 =	vadd.f32 v36, v9;
	v16 =	vmul.f32 v34, v34  }
0xe4: {  	v28 =	vld [tilespmem:s14+$0x310];
	v34 =	vmul.f32 v55, v55;
	v8 =	vadd.f32 v42, v8;
	v51 =	vmul.f32 v39, v37  }
0xe5: {  	v30 =	vld [tilespmem:s14+$0x8310];
	v53 =	vmul.f32 v39, v39;
	v11 =	vadd.f32 v26, v11;
	v6 =	vadd.f32 v29, v6  }
0xe6: {  	v33 =	vld [tilespmem:s14+$0x320];
	v15 =	vmul.f32 v41, v41;
	v10 =	vadd.f32 v31, v10;
	v12 =	vadd.f32 v18, v12  }
0xe7: {  	v57 =	vld [tilespmem:s14+$0x8EE0];
	v9 =	vadd.f32 v45, v9;
	v18 =	vmul.f32 v43, v43;
	v32 =	vmul.f32 v61, v59  }
0xe8: {  	v37 =	vld [tilespmem:s14+$0x330];
	v36 =	vmul.f32 v59, v59;
	v43 =	vmul.f32 v24, v24;
	v8 =	vadd.f32 v51, v8  }
0xe9: {  	v39 =	vld [tilespmem:s14+$0x8330];
	v60 =	vmul.f32 v48, v46;
	v62 =	vmul.f32 v48, v48;
	v11 =	vadd.f32 v35, v11  }
0xea: {  	v26 =	vld [tilespmem:s14+$0x8300];
	v20 =	vmul.f32 v50, v50;
	v6 =	vadd.f32 v38, v6;
	v10 =	vadd.f32 v40, v10  }
0xeb: {  	v46 =	vld [tilespmem:s14+$0x350];
	v12 =	vadd.f32 v16, v12;
	v16 =	vmul.f32 v52, v52;
	v45 =	vmul.f32 v30, v28  }
0xec: {  	v9 =	vadd.f32 v54, v9;
	v35 =	vld [tilespmem:s14+$0x8320];
	v48 =	vmul.f32 v28, v28;
	v52 =	vmul.f32 v33, v33  }
0xed: {  	v28 =	vld [tilespmem:s14+$0x8710];
	v8 =	vadd.f32 v60, v8;
	v29 =	vmul.f32 v57, v55;
	v11 =	vadd.f32 v44, v11  }
0xee: {  	v31 =	vmul.f32 v57, v57;
	v55 =	vld [tilespmem:s14+$0x8360];
	v6 =	vadd.f32 v47, v6;
	v10 =	vadd.f32 v49, v10  }
0xef: {  	v60 =	vld [tilespmem:s14+$0x8370];
	v12 =	vadd.f32 v18, v12;
	v9 =	vadd.f32 v63, v9;
	v18 =	vmul.f32 v61, v61  }
0xf0: {  	[tilespmem:v3+s12+$0x14200 ss:$0x1] =	vst.idx.msk $0xffff, v5;
	v44 =	vld [tilespmem:s14+$0x8340];
	v5 =	vadd.f32 $0.0e+00, v45;
	v54 =	vmul.f32 v39, v37;
	v57 =	vmul.f32 v37, v37  }
0xf1: {  	v37 =	vld [tilespmem:s14+$0x8730];
	v8 =	vadd.f32 v29, v8;
	v40 =	vmul.f32 v26, v24;
	v11 =	vadd.f32 v53, v11  }
0xf2: {  	v45 =	vld [tilespmem:s14+$0x8750];
	v42 =	vmul.f32 v26, v26;
	v6 =	vadd.f32 v56, v6;
	v10 =	vadd.f32 v58, v10  }
0xf3: {  	v24 =	vld [tilespmem:s14+$0x8700];
	v12 =	vadd.f32 v16, v12;
	v4 =	vadd.f32 v34, v9;
	v16 =	vmul.f32 v30, v30  }
0xf4: {  	v26 =	vld [tilespmem:s14+$0x710];
	v56 =	vadd.f32 v52, v43;
	v5 =	vadd.f32 v54, v5;
	v63 =	vmul.f32 v50, v46  }
0xf5: {  	v53 =	vld [tilespmem:s14+$0x360];
	v47 =	vadd.f32 $0.0e+00, v40;
	v49 =	vmul.f32 v35, v33;
	v51 =	vmul.f32 v35, v35  }
0xf6: {  	v58 =	vld [tilespmem:s14+$0x370];
	v19 =	vmul.f32 v28, v28;
	v11 =	vadd.f32 v62, v11;
	v6 =	vadd.f32 v25, v6  }
0xf7: {  	v43 =	vld [tilespmem:s14+$0x750];
	v10 =	vadd.f32 v27, v10;
	v38 =	vadd.f32 v18, v12;
	v12 =	vmul.f32 v39, v39  }
0xf8: {  	v50 =	vld [tilespmem:s14+$0x8760];
	v25 =	vmul.f32 v46, v46;
	v5 =	vadd.f32 v63, v5;
	v29 =	vmul.f32 v55, v55  }
0xf9: {  	v52 =	vld [tilespmem:s14+$0x770];
	v7 =	vadd.f32 v49, v47;
	v9 =	vadd.f32 v51, v42;
	v59 =	vmul.f32 v44, v41  }
0xfa: {  	v54 =	vld [tilespmem:s14+$0x8770];
	v61 =	vmul.f32 v44, v44;
	v11 =	vadd.f32 v31, v11;
	v6 =	vadd.f32 v32, v6  }
0xfb: {  	v33 =	vld [tilespmem:s14+$0x8720];
	v10 =	vadd.f32 v36, v10;
	v12 =	vadd.f32 v12, v16;
	v16 =	vmul.f32 v60, v60  }
0xfc: {  	v35 =	vld [tilespmem:s14+$0x730];
	v40 =	vmul.f32 v28, v26;
	v42 =	vmul.f32 v26, v26;
	v7 =	vadd.f32 v59, v7  }
0xfd: {  	v62 =	vld [tilespmem:s14+$0x700];
	v9 =	vadd.f32 v61, v9;
	v27 =	vmul.f32 v55, v53;
	v30 =	vmul.f32 v53, v53  }
0xfe: {  	v39 =	vld [tilespmem:s14+$0x740];
	v32 =	vmul.f32 v60, v58;
	v34 =	vmul.f32 v58, v58;
	v8 =	vadd.f32 v6, v8  }
0xff: {  	v63 =	vld [tilespmem:s14+$0x8B10];
	v58 =	vmul.f32 v45, v43;
	v6 =	vadd.f32 v38, v11;
	v4 =	vadd.f32 v10, v4  }
0x100: {  	v41 =	vld [tilespmem:s14+$0x8740];
	v60 =	vmul.f32 v43, v43;
	v11 =	vadd.f32 v57, v48;
	v10 =	vadd.f32 v15, v56  }
0x101: {  	v31 =	vld [tilespmem:s14+$0x720];
	v12 =	vadd.f32 v20, v12;
	v38 =	vmul.f32 v24, v24;
	v46 =	vmul.f32 v33, v33  }
0x102: {  	v26 =	vld [tilespmem:s14+$0xB20];
	v49 =	vmul.f32 v37, v35;
	v51 =	vmul.f32 v35, v35;
	v7 =	vadd.f32 v27, v7  }
0x103: {  	v28 =	vld [tilespmem:s14+$0x8B20];
	v9 =	vadd.f32 v29, v9;
	v36 =	vmul.f32 v24, v62;
	v18 =	vmul.f32 v62, v62  }
0x104: {  	v59 =	vld [tilespmem:s14+$0x8B00];
	v5 =	vadd.f32 v32, v5;
	v56 =	vmul.f32 v39, v39;
	v24 =	vmul.f32 v50, v50  }
0x105: {  	v61 =	vld [tilespmem:s14+$0xB10];
	v27 =	vmul.f32 v54, v52;
	v29 =	vmul.f32 v52, v52;
	v11 =	vadd.f32 v25, v11  }
0x106: {  	v48 =	vld [tilespmem:s14+$0x760];
	v10 =	vadd.f32 v30, v10;
	v12 =	vadd.f32 v16, v12;
	v16 =	vmul.f32 v37, v37  }
0x107: {  	v57 =	vld [tilespmem:s14+$0xB00];
	v53 =	vmul.f32 v41, v39;
	v55 =	vmul.f32 v41, v41;
	[tilespmem:v3+s12+$0x10210 ss:$0x1] =	vst.idx.msk $0xffff, v8  }
0x108: {  	v35 =	vld [tilespmem:s14+$0xB40];
	v7 =	vadd.f32 v36, v7;
	v9 =	vadd.f32 v38, v9;
	v44 =	vmul.f32 v33, v31  }
0x109: {  	v32 =	vld [tilespmem:s14+$0x8B30];
	v5 =	vadd.f32 v40, v5;
	v47 =	vmul.f32 v31, v31;
	v40 =	vmul.f32 v28, v26  }
0x10a: {  	v30 =	vld [tilespmem:s14+$0xB30];
	v43 =	vmul.f32 v26, v26;
	[tilespmem:v3+s12+$0x12210 ss:$0x1] =	vst.idx.msk $0xffff, v6;
	v11 =	vadd.f32 v34, v11  }
0x10b: {  	v37 =	vld [tilespmem:s14+$0x8B40];
	v10 =	vadd.f32 v18, v10;
	v18 =	vmul.f32 v45, v45;
	v33 =	vmul.f32 v59, v59  }
0x10c: {  	v39 =	vld [tilespmem:s14+$0xB50];
	v12 =	vadd.f32 v19, v12;
	v36 =	vmul.f32 v63, v61;
	v38 =	vmul.f32 v61, v61  }
0x10d: {  	v41 =	vld [tilespmem:s14+$0x8B50];
	v7 =	vadd.f32 v44, v7;
	v9 =	vadd.f32 v46, v9;
	v62 =	vmul.f32 v50, v48  }
0x10e: {  	v26 =	vld [tilespmem:s14+$0xF30];
	v5 =	vadd.f32 v49, v5;
	v25 =	vmul.f32 v48, v48;
	v31 =	vmul.f32 v59, v57  }
0x10f: {  	v34 =	vmul.f32 v57, v57;
	v44 =	vld [tilespmem:s14+$0xB60];
	v52 =	vmul.f32 v35, v35;
	v11 =	vadd.f32 v42, v11  }
0x110: {  	v46 =	vld [tilespmem:s14+$0x8B60];
	v10 =	vadd.f32 v47, v10;
	v12 =	vadd.f32 v16, v12;
	v16 =	vmul.f32 v54, v54  }
0x111: {  	v48 =	vld [tilespmem:s14+$0xB70];
	v42 =	vmul.f32 v28, v28;
	v7 =	vadd.f32 v53, v7;
	v9 =	vadd.f32 v55, v9  }
0x112: {  	v50 =	vld [tilespmem:s14+$0x8B70];
	v5 =	vadd.f32 v58, v5;
	v45 =	vmul.f32 v32, v30;
	v47 =	vmul.f32 v30, v30  }
0x113: {  	v57 =	vld [tilespmem:s14+$0xF10];
	v49 =	vmul.f32 v37, v35;
	v54 =	vmul.f32 v41, v39;
	v11 =	vadd.f32 v51, v11  }
0x114: {  	v59 =	vld [tilespmem:s14+$0x8F10];
	v10 =	vadd.f32 v56, v10;
	v12 =	vadd.f32 v18, v12;
	v18 =	vmul.f32 v63, v63  }
0x115: {  	v28 =	vld [tilespmem:s14+$0x8F30];
	v51 =	vmul.f32 v37, v37;
	v7 =	vadd.f32 v62, v7;
	v9 =	vadd.f32 v24, v9  }
0x116: {  	v53 =	vld [tilespmem:s14+$0xF00];
	v56 =	vmul.f32 v39, v39;
	v5 =	vadd.f32 v27, v5;
	v11 =	vadd.f32 v60, v11  }
0x117: {  	v55 =	vld [tilespmem:s14+$0x8F00];
	v12 =	vadd.f32 v16, v12;
	v16 =	vmul.f32 v32, v32;
	v58 =	vmul.f32 v46, v44  }
0x118: {  	v35 =	vld [tilespmem:s14+$0xF50];
	v10 =	vadd.f32 v25, v10;
	v60 =	vmul.f32 v46, v46;
	v61 =	vmul.f32 v44, v44  }
0x119: {  	v37 =	vld [tilespmem:s14+$0x8F50];
	v63 =	vmul.f32 v50, v48;
	v25 =	vmul.f32 v48, v48;
	v7 =	vadd.f32 v31, v7  }
0x11a: {  	v62 =	vld [tilespmem:s14+$0xF20];
	v32 =	vmul.f32 v59, v57;
	v9 =	vadd.f32 v33, v9;
	v5 =	vadd.f32 v36, v5  }
0x11b: {  	v24 =	vld [tilespmem:s14+$0x8F20];
	v11 =	vadd.f32 v29, v11;
	v12 =	vadd.f32 v18, v12;
	v18 =	vmul.f32 v41, v41  }
0x11c: {  	v44 =	vld [tilespmem:s14+$0xF70];
	v10 =	vadd.f32 v34, v10;
	v27 =	vmul.f32 v55, v53;
	v29 =	vmul.f32 v55, v55  }
0x11d: {  	v46 =	vld [tilespmem:s14+$0x8F70];
	v30 =	vmul.f32 v53, v53;
	v34 =	vmul.f32 v57, v57;
	v7 =	vadd.f32 v40, v7  }
0x11e: {  	v31 =	vld [tilespmem:s14+$0xF40];
	v41 =	vmul.f32 v28, v26;
	v9 =	vadd.f32 v42, v9;
	v5 =	vadd.f32 v45, v5  }
0x11f: {  	v33 =	vld [tilespmem:s14+$0x8F40];
	v11 =	vadd.f32 v38, v11;
	v12 =	vadd.f32 v16, v12;
	v16 =	vmul.f32 v50, v50  }
0x120: {  	v10 =	vadd.f32 v43, v10;
	v36 =	vmul.f32 v24, v62;
	v38 =	vmul.f32 v24, v24  }
0x121: {  	v53 =	vld [tilespmem:s14+$0x390];
	v39 =	vmul.f32 v62, v62;
	v43 =	vmul.f32 v26, v26;
	v7 =	vadd.f32 v49, v7  }
0x122: {  	v40 =	vld [tilespmem:s14+$0xF60];
	v50 =	vmul.f32 v37, v35;
	v9 =	vadd.f32 v51, v9;
	v5 =	vadd.f32 v54, v5  }
0x123: {  	v42 =	vld [tilespmem:s14+$0x8F60];
	v57 =	vmul.f32 v46, v44;
	v11 =	vadd.f32 v47, v11;
	v10 =	vadd.f32 v52, v10  }
0x124: {  	v12 =	vadd.f32 v18, v12;
	v18 =	vmul.f32 v59, v59;
	v45 =	vmul.f32 v33, v31  }
0x125: {  	v55 =	vld [tilespmem:s14+$0x8390];
	v47 =	vmul.f32 v33, v33;
	v48 =	vmul.f32 v31, v31;
	v7 =	vadd.f32 v58, v7  }
0x126: {  	v62 =	vld [tilespmem:s14+$0x3B0];
	v52 =	vmul.f32 v35, v35;
	v9 =	vadd.f32 v60, v9;
	v5 =	vadd.f32 v63, v5  }
0x127: {  	v49 =	vld [tilespmem:s14+$0x380];
	v33 =	vmul.f32 v53, v53;
	v11 =	vadd.f32 v56, v11;
	v10 =	vadd.f32 v61, v10  }
0x128: {  	v51 =	vld [tilespmem:s14+$0x8380];
	v12 =	vadd.f32 v16, v12;
	v16 =	vmul.f32 v28, v28;
	v54 =	vmul.f32 v42, v40  }
0x129: {  	v31 =	vld [tilespmem:s14+$0x3D0];
	v56 =	vmul.f32 v42, v42;
	v59 =	vmul.f32 v40, v40;
	v7 =	vadd.f32 v27, v7  }
0x12a: {  	v35 =	vld [tilespmem:s14+$0x83D0];
	v61 =	vmul.f32 v44, v44;
	v9 =	vadd.f32 v29, v9;
	v5 =	vadd.f32 v32, v5  }
0x12b: {  	v58 =	vld [tilespmem:s14+$0x3A0];
	v29 =	vmul.f32 v55, v53;
	v42 =	vmul.f32 v62, v62;
	v11 =	vadd.f32 v25, v11  }
0x12c: {  	v60 =	vld [tilespmem:s14+$0x83A0];
	v10 =	vadd.f32 v30, v10;
	v12 =	vadd.f32 v18, v12;
	v18 =	vmul.f32 v37, v37  }
0x12d: {  	v63 =	vld [tilespmem:s14+$0x83B0];
	v24 =	vmul.f32 v51, v49;
	v26 =	vmul.f32 v51, v51;
	v7 =	vadd.f32 v36, v7  }
0x12e: {  	v28 =	vld [tilespmem:s14+$0x83C0];
	v27 =	vmul.f32 v49, v49;
	v9 =	vadd.f32 v38, v9;
	v5 =	vadd.f32 v41, v5  }
0x12f: {  	[tilespmem:v3+s12+$0x14210 ss:$0x1] =	vst.idx.msk $0xffff, v4;
	v40 =	vld [tilespmem:s14+$0x83E0];
	v30 =	vmul.f32 v55, v55;
	v4 =	vadd.f32 $0.0e+00, v29;
	v11 =	vadd.f32 v34, v11  }
0x130: {  	v53 =	vld [tilespmem:s14+$0x8790];
	v20 =	vmul.f32 v35, v35;
	v10 =	vadd.f32 v39, v10;
	v12 =	vadd.f32 v16, v12  }
0x131: {  	v25 =	vld [tilespmem:s14+$0x3C0];
	v16 =	vmul.f32 v46, v46;
	v32 =	vadd.f32 $0.0e+00, v24;
	v34 =	vmul.f32 v60, v58  }
0x132: {  	v49 =	vld [tilespmem:s14+$0x8780];
	v36 =	vmul.f32 v60, v60;
	v37 =	vmul.f32 v58, v58;
	v7 =	vadd.f32 v45, v7  }
0x133: {  	v51 =	vld [tilespmem:s14+$0x790];
	v39 =	vmul.f32 v63, v62;
	v9 =	vadd.f32 v47, v9;
	v5 =	vadd.f32 v50, v5  }
0x134: {  	v38 =	vld [tilespmem:s14+$0x3E0];
	v14 =	vmul.f32 v63, v63;
	v11 =	vadd.f32 v43, v11;
	v10 =	vadd.f32 v48, v10  }
0x135: {  	v58 =	vld [tilespmem:s14+$0x87A0];
	v46 =	vmul.f32 v28, v28;
	v12 =	vadd.f32 v18, v12;
	v6 =	vadd.f32 v34, v32  }
0x136: {  	v60 =	vld [tilespmem:s14+$0x7B0];
	v50 =	vmul.f32 v31, v31;
	v41 =	vadd.f32 v37, v27;
	v4 =	vadd.f32 v39, v4  }
0x137: {  	v62 =	vld [tilespmem:s14+$0x87B0];
	v48 =	vmul.f32 v35, v31;
	v18 =	vmul.f32 v53, v53;
	v7 =	vadd.f32 v54, v7  }
0x138: {  	v45 =	vld [tilespmem:s14+$0x83F0];
	v9 =	vadd.f32 v56, v9;
	v5 =	vadd.f32 v57, v5;
	v44 =	vmul.f32 v28, v25  }
0x139: {  	v47 =	vld [tilespmem:s14+$0x780];
	v54 =	vmul.f32 v40, v40;
	v63 =	vmul.f32 v49, v49;
	v11 =	vadd.f32 v52, v11  }
0x13a: {  	v43 =	vld [tilespmem:s14+$0x3F0];
	v27 =	vmul.f32 v51, v51;
	v10 =	vadd.f32 v59, v10;
	v12 =	vadd.f32 v16, v12  }
0x13b: {  	v35 =	vld [tilespmem:s14+$0x87E0];
	v16 =	vmul.f32 v25, v25;
	v4 =	vadd.f32 v48, v4;
	v52 =	vmul.f32 v40, v38  }
0x13c: {  	v37 =	vld [tilespmem:s14+$0x7F0];
	v55 =	vmul.f32 v38, v38;
	v25 =	vmul.f32 v53, v51;
	v8 =	vadd.f32 v5, v7  }
0x13d: {  	v39 =	vld [tilespmem:s14+$0x87F0];
	v6 =	vadd.f32 v44, v6;
	v31 =	vmul.f32 v58, v58;
	v34 =	vmul.f32 v62, v60  }
0x13e: {  	v24 =	vld [tilespmem:s14+$0x7C0];
	v11 =	vadd.f32 v61, v11;
	v7 =	vadd.f32 v12, v9;
	v15 =	vmul.f32 v45, v45  }
0x13f: {  	v56 =	vld [tilespmem:s14+$0x7A0];
	v9 =	vadd.f32 v36, v26;
	v61 =	vmul.f32 v49, v47;
	v19 =	vmul.f32 v47, v47  }
0x140: {  	v28 =	vld [tilespmem:s14+$0x7D0];
	v12 =	vadd.f32 v42, v33;
	v36 =	vmul.f32 v60, v60;
	v57 =	vmul.f32 v45, v43  }
0x141: {  	v51 =	vld [tilespmem:s14+$0xBA0];
	v6 =	vadd.f32 v52, v6;
	v59 =	vmul.f32 v43, v43;
	v49 =	vmul.f32 v35, v35  }
0x142: {  	v44 =	vld [tilespmem:s14+$0x8B80];
	v52 =	vmul.f32 v39, v37;
	v5 =	vadd.f32 v11, v10;
	v11 =	vadd.f32 v14, v30  }
0x143: {  	v26 =	vld [tilespmem:s14+$0x87C0];
	[tilespmem:v3+s12+$0x10220 ss:$0x1] =	vst.idx.msk $0xffff, v8;
	v9 =	vadd.f32 v46, v9;
	v10 =	vadd.f32 v16, v41  }
0x144: {  	v33 =	vld [tilespmem:s14+$0x7E0];
	v12 =	vadd.f32 v50, v12;
	v29 =	vmul.f32 v58, v56;
	v32 =	vmul.f32 v56, v56  }
0x145: {  	v42 =	vld [tilespmem:s14+$0xB80];
	v41 =	vmul.f32 v24, v24;
	v45 =	vmul.f32 v28, v28;
	v4 =	vadd.f32 v57, v4  }
0x146: {  	v53 =	vld [tilespmem:s14+$0x8BA0];
	[tilespmem:v3+s12+$0x12220 ss:$0x1] =	vst.idx.msk $0xffff, v7;
	v6 =	vadd.f32 v61, v6;
	v11 =	vadd.f32 v20, v11  }
0x147: {  	v60 =	vld [tilespmem:s14+$0xBC0];
	v9 =	vadd.f32 v54, v9;
	v10 =	vadd.f32 v55, v10;
	v54 =	vmul.f32 v37, v37  }
0x148: {  	v48 =	vld [tilespmem:s14+$0x8B90];
	v12 =	vadd.f32 v59, v12;
	v58 =	vmul.f32 v44, v44;
	v38 =	vmul.f32 v26, v24  }
0x149: {  	v30 =	vld [tilespmem:s14+$0x87D0];
	v4 =	vadd.f32 v25, v4;
	v40 =	vmul.f32 v26, v26;
	v47 =	vmul.f32 v35, v33  }
0x14a: {  	v46 =	vld [tilespmem:s14+$0xB90];
	v6 =	vadd.f32 v29, v6;
	v50 =	vmul.f32 v33, v33;
	v56 =	vmul.f32 v44, v42  }
0x14b: {  	v57 =	vld [tilespmem:s14+$0x8BB0];
	v59 =	vmul.f32 v42, v42;
	v25 =	vmul.f32 v53, v51;
	v11 =	vadd.f32 v15, v11  }
0x14c: {  	v55 =	vld [tilespmem:s14+$0xBB0];
	v37 =	vmul.f32 v60, v60;
	v9 =	vadd.f32 v63, v9;
	v10 =	vadd.f32 v19, v10  }
0x14d: {  	v24 =	vld [tilespmem:s14+$0xBD0];
	v12 =	vadd.f32 v27, v12;
	v15 =	vmul.f32 v62, v62;
	v27 =	vmul.f32 v53, v53  }
0x14e: {  	v26 =	vld [tilespmem:s14+$0x8BD0];
	v4 =	vadd.f32 v34, v4;
	v6 =	vadd.f32 v38, v6;
	v43 =	vmul.f32 v30, v28  }
0x14f: {  	v29 =	vld [tilespmem:s14+$0xBE0];
	v61 =	vmul.f32 v48, v46;
	v63 =	vmul.f32 v46, v46;
	v11 =	vadd.f32 v18, v11  }
0x150: {  	v33 =	vld [tilespmem:s14+$0xBF0];
	v28 =	vmul.f32 v51, v51;
	v9 =	vadd.f32 v31, v9;
	v10 =	vadd.f32 v32, v10  }
0x151: {  	v62 =	vld [tilespmem:s14+$0x8BC0];
	v12 =	vadd.f32 v36, v12;
	v18 =	vmul.f32 v30, v30;
	v4 =	vadd.f32 v43, v4  }
0x152: {  	v35 =	vld [tilespmem:s14+$0x8BF0];
	v6 =	vadd.f32 v47, v6;
	v30 =	vmul.f32 v57, v55;
	v11 =	vadd.f32 v15, v11  }
0x153: {  	v42 =	vld [tilespmem:s14+$0xF90];
	v32 =	vmul.f32 v55, v55;
	v9 =	vadd.f32 v40, v9;
	v10 =	vadd.f32 v41, v10  }
0x154: {  	v38 =	vld [tilespmem:s14+$0xF80];
	v12 =	vadd.f32 v45, v12;
	v15 =	vmul.f32 v39, v39;
	v39 =	vmul.f32 v26, v24  }
0x155: {  	v31 =	vld [tilespmem:s14+$0x8BE0];
	v41 =	vmul.f32 v24, v24;
	v46 =	vmul.f32 v29, v29;
	v4 =	vadd.f32 v52, v4  }
0x156: {  	v44 =	vld [tilespmem:s14+$0x8F90];
	v6 =	vadd.f32 v56, v6;
	v34 =	vmul.f32 v62, v60;
	v11 =	vadd.f32 v18, v11  }
0x157: {  	v53 =	vld [tilespmem:s14+$0x8FB0];
	v36 =	vmul.f32 v62, v62;
	v9 =	vadd.f32 v49, v9;
	v10 =	vadd.f32 v50, v10  }
0x158: {  	v47 =	vld [tilespmem:s14+$0xFA0];
	v12 =	vadd.f32 v54, v12;
	v18 =	vmul.f32 v48, v48;
	v48 =	vmul.f32 v35, v33  }
0x159: {  	v40 =	vld [tilespmem:s14+$0x8F80];
	v50 =	vmul.f32 v33, v33;
	v55 =	vmul.f32 v38, v38;
	v4 =	vadd.f32 v61, v4  }
0x15a: {  	v51 =	vld [tilespmem:s14+$0xFB0];
	v6 =	vadd.f32 v25, v6;
	v43 =	vmul.f32 v31, v29;
	v11 =	vadd.f32 v15, v11  }
0x15b: {  	v56 =	vld [tilespmem:s14+$0xFC0];
	v45 =	vmul.f32 v31, v31;
	v9 =	vadd.f32 v58, v9;
	v10 =	vadd.f32 v59, v10  }
0x15c: {  	v60 =	vld [tilespmem:s14+$0xFD0];
	v12 =	vadd.f32 v63, v12;
	v15 =	vmul.f32 v57, v57;
	v57 =	vmul.f32 v44, v42  }
0x15d: {  	v49 =	vld [tilespmem:s14+$0x8FA0];
	v59 =	vmul.f32 v42, v42;
	v24 =	vmul.f32 v47, v47;
	v4 =	vadd.f32 v30, v4  }
0x15e: {  	v62 =	vld [tilespmem:s14+$0x8FD0];
	v6 =	vadd.f32 v34, v6;
	v52 =	vmul.f32 v40, v38;
	v11 =	vadd.f32 v18, v11  }
0x15f: {  	v29 =	vld [tilespmem:s14+$0xFF0];
	v54 =	vmul.f32 v40, v40;
	v9 =	vadd.f32 v27, v9;
	v10 =	vadd.f32 v28, v10  }
0x160: {  	v31 =	vld [tilespmem:s14+$0x8FF0];
	v12 =	vadd.f32 v32, v12;
	v18 =	vmul.f32 v26, v26;
	v26 =	vmul.f32 v53, v51  }
0x161: {  	v58 =	vld [tilespmem:s14+$0x8FC0];
	v28 =	vmul.f32 v51, v51;
	v33 =	vmul.f32 v56, v56;
	v4 =	vadd.f32 v39, v4  }
0x162: {  	v25 =	vld [tilespmem:s14+$0xFE0];
	v6 =	vadd.f32 v43, v6;
	v61 =	vmul.f32 v49, v47;
	v11 =	vadd.f32 v15, v11  }
0x163: {  	v34 =	vld [tilespmem:s14+$0x400];
	v63 =	vmul.f32 v49, v49;
	v9 =	vadd.f32 v36, v9;
	v10 =	vadd.f32 v37, v10  }
0x164: {  	v38 =	vld [tilespmem:s14+$0x410];
	v12 =	vadd.f32 v41, v12;
	v15 =	vmul.f32 v35, v35;
	v35 =	vmul.f32 v62, v60  }
0x165: {  	v27 =	vld [tilespmem:s14+$0x8FE0];
	v37 =	vmul.f32 v60, v60;
	v42 =	vmul.f32 v31, v29;
	v4 =	vadd.f32 v48, v4  }
0x166: {  	v40 =	vld [tilespmem:s14+$0x8410];
	v6 =	vadd.f32 v52, v6;
	v30 =	vmul.f32 v58, v56;
	v32 =	vmul.f32 v58, v58  }
0x167: {  	v43 =	vld [tilespmem:s14+$0x420];
	v11 =	vadd.f32 v18, v11;
	v9 =	vadd.f32 v45, v9;
	v18 =	vmul.f32 v44, v44  }
0x168: {  	v47 =	vld [tilespmem:s14+$0x430];
	v10 =	vadd.f32 v46, v10;
	v44 =	vmul.f32 v25, v25;
	v46 =	vmul.f32 v29, v29  }
0x169: {  	v36 =	vld [tilespmem:s14+$0x8400];
	v12 =	vadd.f32 v50, v12;
	v52 =	vmul.f32 v34, v34;
	v58 =	vmul.f32 v38, v38  }
0x16a: {  	v60 =	vld [tilespmem:s14+$0x8450];
	v4 =	vadd.f32 v57, v4;
	v6 =	vadd.f32 v61, v6;
	v39 =	vmul.f32 v27, v25  }
0x16b: {  	v48 =	vld [tilespmem:s14+$0x8430];
	v41 =	vmul.f32 v27, v27;
	v11 =	vadd.f32 v15, v11;
	v9 =	vadd.f32 v54, v9  }
0x16c: {  	v56 =	vld [tilespmem:s14+$0x450];
	v10 =	vadd.f32 v55, v10;
	v15 =	vmul.f32 v53, v53;
	v54 =	vmul.f32 v40, v38  }
0x16d: {  	v45 =	vld [tilespmem:s14+$0x8420];
	v12 =	vadd.f32 v59, v12;
	v55 =	vmul.f32 v40, v40;
	v27 =	vmul.f32 v47, v47  }
0x16e: {  	v50 =	vld [tilespmem:s14+$0x440];
	v4 =	vadd.f32 v26, v4;
	v6 =	vadd.f32 v30, v6;
	v49 =	vmul.f32 v36, v34  }
0x16f: {  	v25 =	vld [tilespmem:s14+$0x8460];
	v51 =	vmul.f32 v36, v36;
	v11 =	vadd.f32 v18, v11;
	v9 =	vadd.f32 v63, v9  }
0x170: {  	v53 =	vld [tilespmem:s14+$0x8440];
	v20 =	vmul.f32 v60, v60;
	v10 =	vadd.f32 v24, v10;
	v12 =	vadd.f32 v28, v12  }
0x171: {  	[tilespmem:v3+s12+$0x14220 ss:$0x1] =	vst.idx.msk $0xffff, v5;
	v38 =	vld [tilespmem:s14+$0x8810];
	v18 =	vmul.f32 v62, v62;
	v5 =	vadd.f32 $0.0e+00, v54;
	v62 =	vmul.f32 v43, v43  }
0x172: {  	v30 =	vld [tilespmem:s14+$0x8470];
	v24 =	vmul.f32 v48, v47;
	v14 =	vmul.f32 v48, v48;
	v4 =	vadd.f32 v35, v4  }
0x173: {  	v34 =	vld [tilespmem:s14+$0x8800];
	v6 =	vadd.f32 v39, v6;
	v57 =	vadd.f32 $0.0e+00, v49;
	v59 =	vmul.f32 v45, v43  }
0x174: {  	v36 =	vld [tilespmem:s14+$0x810];
	v61 =	vmul.f32 v45, v45;
	v11 =	vadd.f32 v15, v11;
	v9 =	vadd.f32 v32, v9  }
0x175: {  	v63 =	vld [tilespmem:s14+$0x460];
	v35 =	vmul.f32 v56, v56;
	v10 =	vadd.f32 v33, v10;
	v12 =	vadd.f32 v37, v12  }
0x176: {  	v28 =	vld [tilespmem:s14+$0x470];
	v15 =	vmul.f32 v31, v31;
	v26 =	vadd.f32 v62, v52;
	v5 =	vadd.f32 v24, v5  }
0x177: {  	v47 =	vld [tilespmem:s14+$0x8830];
	v33 =	vmul.f32 v60, v56;
	v39 =	vmul.f32 v25, v25;
	v4 =	vadd.f32 v42, v4  }
0x178: {  	v43 =	vld [tilespmem:s14+$0x8820];
	v7 =	vadd.f32 v59, v57;
	v29 =	vmul.f32 v53, v50;
	v11 =	vadd.f32 v18, v11  }
0x179: {  	v45 =	vld [tilespmem:s14+$0x830];
	v31 =	vmul.f32 v53, v53;
	v9 =	vadd.f32 v41, v9;
	v10 =	vadd.f32 v44, v10  }
0x17a: {  	v32 =	vld [tilespmem:s14+$0x800];
	v12 =	vadd.f32 v46, v12;
	v16 =	vmul.f32 v30, v30;
	v48 =	vmul.f32 v34, v34  }
0x17b: {  	v60 =	vld [tilespmem:s14+$0x8860];
	v5 =	vadd.f32 v33, v5;
	v18 =	vmul.f32 v38, v38;
	v52 =	vmul.f32 v36, v36  }
0x17c: {  	v62 =	vld [tilespmem:s14+$0x870];
	v8 =	vadd.f32 v4, v6;
	v37 =	vmul.f32 v25, v63;
	v40 =	vmul.f32 v63, v63  }
0x17d: {  	v24 =	vld [tilespmem:s14+$0x8870];
	v7 =	vadd.f32 v29, v7;
	v42 =	vmul.f32 v30, v28;
	v44 =	vmul.f32 v28, v28  }
0x17e: {  	v11 =	vadd.f32 v15, v11;
	v4 =	vadd.f32 v12, v10;
	v15 =	vmul.f32 v50, v50  }
0x17f: {  	v49 =	vld [tilespmem:s14+$0x840];
	v12 =	vadd.f32 v14, v55;
	v50 =	vmul.f32 v38, v36;
	v56 =	vmul.f32 v43, v43  }
0x180: {  	v53 =	vld [tilespmem:s14+$0x850];
	v59 =	vmul.f32 v47, v45;
	v7 =	vadd.f32 v37, v7;
	v46 =	vmul.f32 v34, v32  }
0x181: {  	v41 =	vld [tilespmem:s14+$0x820];
	v5 =	vadd.f32 v42, v5;
	v19 =	vmul.f32 v32, v32;
	v34 =	vmul.f32 v60, v60  }
0x182: {  	v29 =	vld [tilespmem:s14+$0x8C00];
	v37 =	vmul.f32 v24, v62;
	v6 =	vadd.f32 v11, v9;
	v9 =	vadd.f32 v61, v51  }
0x183: {  	v55 =	vld [tilespmem:s14+$0x8850];
	[tilespmem:v3+s12+$0x10230 ss:$0x1] =	vst.idx.msk $0xffff, v8;
	v11 =	vadd.f32 v27, v58;
	v10 =	vadd.f32 v15, v26  }
0x184: {  	v36 =	vld [tilespmem:s14+$0xC20];
	v12 =	vadd.f32 v20, v12;
	v61 =	vmul.f32 v45, v45;
	v26 =	vmul.f32 v49, v49  }
0x185: {  	v38 =	vld [tilespmem:s14+$0x8C20];
	v30 =	vmul.f32 v53, v53;
	v7 =	vadd.f32 v46, v7;
	v5 =	vadd.f32 v50, v5  }
0x186: {  	v33 =	vld [tilespmem:s14+$0x8C10];
	v54 =	vmul.f32 v43, v41;
	v9 =	vadd.f32 v31, v9;
	v11 =	vadd.f32 v35, v11  }
0x187: {  	v51 =	vld [tilespmem:s14+$0x8840];
	v57 =	vmul.f32 v41, v41;
	v10 =	vadd.f32 v40, v10;
	v12 =	vadd.f32 v16, v12  }
0x188: {  	v58 =	vld [tilespmem:s14+$0x860];
	v16 =	vmul.f32 v47, v47;
	v43 =	vmul.f32 v29, v29;
	[tilespmem:v3+s12+$0x12230 ss:$0x1] =	vst.idx.msk $0xffff, v6  }
0x189: {  	v27 =	vld [tilespmem:s14+$0xC00];
	v7 =	vadd.f32 v54, v7;
	v5 =	vadd.f32 v59, v5;
	v28 =	vmul.f32 v55, v53  }
0x18a: {  	v45 =	vld [tilespmem:s14+$0xC40];
	v50 =	vmul.f32 v38, v36;
	v53 =	vmul.f32 v36, v36;
	v9 =	vadd.f32 v39, v9  }
0x18b: {  	v42 =	vld [tilespmem:s14+$0x8C30];
	v12 =	vadd.f32 v18, v12;
	v18 =	vmul.f32 v55, v55;
	v39 =	vmul.f32 v62, v62  }
0x18c: {  	v31 =	vld [tilespmem:s14+$0xC10];
	v11 =	vadd.f32 v44, v11;
	v63 =	vmul.f32 v51, v49;
	v25 =	vmul.f32 v51, v51  }
0x18d: {  	v40 =	vld [tilespmem:s14+$0xC30];
	v10 =	vadd.f32 v19, v10;
	v32 =	vmul.f32 v60, v58;
	v35 =	vmul.f32 v58, v58  }
0x18e: {  	v47 =	vld [tilespmem:s14+$0x8C40];
	v5 =	vadd.f32 v28, v5;
	v41 =	vmul.f32 v29, v27;
	v44 =	vmul.f32 v27, v27  }
0x18f: {  	v54 =	vld [tilespmem:s14+$0xC60];
	v62 =	vmul.f32 v45, v45;
	v9 =	vadd.f32 v48, v9;
	v11 =	vadd.f32 v52, v11  }
0x190: {  	v49 =	vld [tilespmem:s14+$0xC50];
	v10 =	vadd.f32 v57, v10;
	v12 =	vadd.f32 v16, v12;
	v16 =	vmul.f32 v24, v24  }
0x191: {  	v51 =	vld [tilespmem:s14+$0x8C50];
	v52 =	vmul.f32 v38, v38;
	v7 =	vadd.f32 v63, v7;
	v46 =	vmul.f32 v33, v31  }
0x192: {  	v58 =	vld [tilespmem:s14+$0xC70];
	v5 =	vadd.f32 v37, v5;
	v48 =	vmul.f32 v31, v31;
	v55 =	vmul.f32 v42, v40  }
0x193: {  	v60 =	vld [tilespmem:s14+$0x8C70];
	v57 =	vmul.f32 v40, v40;
	v9 =	vadd.f32 v56, v9;
	v11 =	vadd.f32 v61, v11  }
0x194: {  	v27 =	vld [tilespmem:s14+$0x1010];
	v59 =	vmul.f32 v47, v45;
	v10 =	vadd.f32 v26, v10;
	v12 =	vadd.f32 v18, v12  }
0x195: {  	v29 =	vld [tilespmem:s14+$0x9010];
	v18 =	vmul.f32 v33, v33;
	v61 =	vmul.f32 v47, v47;
	v7 =	vadd.f32 v32, v7  }
0x196: {  	v36 =	vld [tilespmem:s14+$0x1030];
	v31 =	vmul.f32 v54, v54;
	v5 =	vadd.f32 v46, v5;
	v9 =	vadd.f32 v25, v9  }
0x197: {  	v63 =	vld [tilespmem:s14+$0x1000];
	v11 =	vadd.f32 v30, v11;
	v12 =	vadd.f32 v16, v12;
	v16 =	vmul.f32 v42, v42  }
0x198: {  	v38 =	vld [tilespmem:s14+$0x9030];
	v10 =	vadd.f32 v35, v10;
	v24 =	vmul.f32 v51, v49;
	v26 =	vmul.f32 v49, v49  }
0x199: {  	v56 =	vld [tilespmem:s14+$0x8C60];
	v33 =	vmul.f32 v60, v58;
	v35 =	vmul.f32 v58, v58;
	v7 =	vadd.f32 v41, v7  }
0x19a: {  	v45 =	vld [tilespmem:s14+$0x1050];
	v42 =	vmul.f32 v29, v27;
	v5 =	vadd.f32 v55, v5;
	v9 =	vadd.f32 v34, v9  }
0x19b: {  	v32 =	vld [tilespmem:s14+$0x1020];
	v11 =	vadd.f32 v39, v11;
	v12 =	vadd.f32 v18, v12;
	v18 =	vmul.f32 v51, v51  }
0x19c: {  	v47 =	vld [tilespmem:s14+$0x9050];
	v10 =	vadd.f32 v44, v10;
	v40 =	vmul.f32 v63, v63;
	v44 =	vmul.f32 v27, v27  }
0x19d: {  	v25 =	vld [tilespmem:s14+$0x9000];
	v51 =	vmul.f32 v38, v36;
	v7 =	vadd.f32 v50, v7;
	v5 =	vadd.f32 v24, v5  }
0x19e: {  	v41 =	vld [tilespmem:s14+$0x1040];
	v28 =	vmul.f32 v56, v54;
	v30 =	vmul.f32 v56, v56;
	v9 =	vadd.f32 v43, v9  }
0x19f: {  	v34 =	vld [tilespmem:s14+$0x9020];
	v11 =	vadd.f32 v48, v11;
	v12 =	vadd.f32 v16, v12;
	v16 =	vmul.f32 v60, v60  }
0x1a0: {  	v50 =	vld [tilespmem:s14+$0x1060];
	v10 =	vadd.f32 v53, v10;
	v49 =	vmul.f32 v32, v32;
	v53 =	vmul.f32 v36, v36  }
0x1a1: {  	v54 =	vld [tilespmem:s14+$0x1070];
	v60 =	vmul.f32 v47, v45;
	v7 =	vadd.f32 v59, v7;
	v5 =	vadd.f32 v33, v5  }
0x1a2: {  	v56 =	vld [tilespmem:s14+$0x9070];
	v37 =	vmul.f32 v25, v63;
	v39 =	vmul.f32 v25, v25;
	v9 =	vadd.f32 v52, v9  }
0x1a3: {  	v43 =	vld [tilespmem:s14+$0x9040];
	v11 =	vadd.f32 v57, v11;
	v12 =	vadd.f32 v18, v12;
	v18 =	vmul.f32 v29, v29  }
0x1a4: {  	v59 =	vld [tilespmem:s14+$0x480];
	v10 =	vadd.f32 v62, v10;
	v58 =	vmul.f32 v41, v41;
	v62 =	vmul.f32 v45, v45  }
0x1a5: {  	v63 =	vld [tilespmem:s14+$0x490];
	v7 =	vadd.f32 v28, v7;
	v5 =	vadd.f32 v42, v5;
	v46 =	vmul.f32 v34, v32  }
0x1a6: {  	v25 =	vld [tilespmem:s14+$0x8490];
	v48 =	vmul.f32 v34, v34;
	v9 =	vadd.f32 v61, v9;
	v11 =	vadd.f32 v26, v11  }
0x1a7: {  	v33 =	vld [tilespmem:s14+$0x84B0];
	v12 =	vadd.f32 v16, v12;
	v16 =	vmul.f32 v38, v38;
	v27 =	vmul.f32 v56, v54  }
0x1a8: {  	v52 =	vld [tilespmem:s14+$0x9060];
	v10 =	vadd.f32 v31, v10;
	v29 =	vmul.f32 v50, v50;
	v31 =	vmul.f32 v54, v54  }
0x1a9: {  	v45 =	vld [tilespmem:s14+$0x84D0];
	v7 =	vadd.f32 v37, v7;
	v5 =	vadd.f32 v51, v5;
	v55 =	vmul.f32 v43, v41  }
0x1aa: {  	v28 =	vld [tilespmem:s14+$0x4A0];
	v57 =	vmul.f32 v43, v43;
	v9 =	vadd.f32 v30, v9;
	v11 =	vadd.f32 v35, v11  }
0x1ab: {  	v32 =	vld [tilespmem:s14+$0x4B0];
	v12 =	vadd.f32 v18, v12;
	v18 =	vmul.f32 v47, v47;
	v37 =	vmul.f32 v59, v59  }
0x1ac: {  	v61 =	vld [tilespmem:s14+$0x8480];
	v10 =	vadd.f32 v40, v10;
	v40 =	vmul.f32 v25, v25;
	v43 =	vmul.f32 v63, v63  }
0x1ad: {  	v38 =	vld [tilespmem:s14+$0x84C0];
	v14 =	vmul.f32 v33, v33;
	v7 =	vadd.f32 v46, v7;
	v24 =	vmul.f32 v52, v50  }
0x1ae: {  	v41 =	vld [tilespmem:s14+$0x4D0];
	v5 =	vadd.f32 v60, v5;
	v26 =	vmul.f32 v52, v52;
	v20 =	vmul.f32 v45, v45  }
0x1af: {  	v30 =	vld [tilespmem:s14+$0x84A0];
	v9 =	vadd.f32 v39, v9;
	v12 =	vadd.f32 v16, v12;
	v16 =	vmul.f32 v56, v56  }
0x1b0: {  	v35 =	vld [tilespmem:s14+$0x4C0];
	v11 =	vadd.f32 v44, v11;
	v39 =	vmul.f32 v25, v63;
	v47 =	vmul.f32 v28, v28  }
0x1b1: {  	v50 =	vld [tilespmem:s14+$0x84E0];
	v10 =	vadd.f32 v49, v10;
	v49 =	vmul.f32 v33, v32;
	v52 =	vmul.f32 v32, v32  }
0x1b2: {  	v63 =	vld [tilespmem:s14+$0x8890];
	v7 =	vadd.f32 v55, v7;
	v5 =	vadd.f32 v27, v5;
	v34 =	vmul.f32 v61, v59  }
0x1b3: {  	v32 =	vld [tilespmem:s14+$0x88B0];
	v36 =	vmul.f32 v61, v61;
	v9 =	vadd.f32 v48, v9;
	v11 =	vadd.f32 v53, v11  }
0x1b4: {  	v55 =	vld [tilespmem:s14+$0x84F0];
	v56 =	vmul.f32 v38, v38;
	v10 =	vadd.f32 v58, v10;
	v12 =	vadd.f32 v18, v12  }
0x1b5: {  	[tilespmem:v3+s12+$0x14230 ss:$0x1] =	vst.idx.msk $0xffff, v4;
	v59 =	vld [tilespmem:s14+$0x8880];
	v4 =	vadd.f32 $0.0e+00, v39;
	v51 =	vadd.f32 v47, v37;
	v58 =	vmul.f32 v45, v41  }
0x1b6: {  	v61 =	vld [tilespmem:s14+$0x890];
	v60 =	vmul.f32 v41, v41;
	v7 =	vadd.f32 v24, v7;
	v42 =	vadd.f32 $0.0e+00, v34  }
0x1b7: {  	v48 =	vld [tilespmem:s14+$0x4E0];
	v44 =	vmul.f32 v30, v28;
	v46 =	vmul.f32 v30, v30;
	v9 =	vadd.f32 v57, v9  }
0x1b8: {  	v53 =	vld [tilespmem:s14+$0x4F0];
	v54 =	vmul.f32 v38, v35;
	v11 =	vadd.f32 v62, v11;
	v10 =	vadd.f32 v29, v10  }
0x1b9: {  	v45 =	vld [tilespmem:s14+$0x88E0];
	v12 =	vadd.f32 v16, v12;
	v4 =	vadd.f32 v49, v4;
	v16 =	vmul.f32 v35, v35  }
0x1ba: {  	v28 =	vld [tilespmem:s14+$0x88A0];
	v24 =	vmul.f32 v50, v50;
	v8 =	vadd.f32 v5, v7;
	v6 =	vadd.f32 v44, v42  }
0x1bb: {  	v30 =	vld [tilespmem:s14+$0x8B0];
	v18 =	vmul.f32 v63, v63;
	v9 =	vadd.f32 v26, v9;
	v15 =	vmul.f32 v55, v55  }
0x1bc: {  	v34 =	vld [tilespmem:s14+$0x8C0];
	v11 =	vadd.f32 v31, v11;
	v33 =	vmul.f32 v59, v59;
	v35 =	vmul.f32 v63, v61  }
0x1bd: {  	v38 =	vld [tilespmem:s14+$0x8D0];
	v4 =	vadd.f32 v58, v4;
	v37 =	vmul.f32 v61, v61;
	v62 =	vmul.f32 v50, v48  }
0x1be: {  	v57 =	vld [tilespmem:s14+$0x880];
	v6 =	vadd.f32 v54, v6;
	v25 =	vmul.f32 v48, v48;
	v27 =	vmul.f32 v55, v53  }
0x1bf: {  	v47 =	vld [tilespmem:s14+$0x8F0];
	v29 =	vmul.f32 v53, v53;
	v7 =	vadd.f32 v12, v9;
	v5 =	vadd.f32 v11, v10  }
0x1c0: {  	v49 =	vld [tilespmem:s14+$0x88F0];
	[tilespmem:v3+s12+$0x10240 ss:$0x1] =	vst.idx.msk $0xffff, v8;
	v9 =	vadd.f32 v46, v36;
	v11 =	vadd.f32 v14, v40  }
0x1c1: {  	v26 =	vld [tilespmem:s14+$0x8A0];
	v12 =	vadd.f32 v52, v43;
	v41 =	vmul.f32 v28, v28;
	v44 =	vmul.f32 v32, v30  }
0x1c2: {  	v61 =	vld [tilespmem:s14+$0xCA0];
	v10 =	vadd.f32 v16, v51;
	v46 =	vmul.f32 v30, v30;
	v51 =	vmul.f32 v34, v34  }
0x1c3: {  	v63 =	vld [tilespmem:s14+$0x8CA0];
	v55 =	vmul.f32 v38, v38;
	v6 =	vadd.f32 v62, v6;
	v31 =	vmul.f32 v59, v57  }
0x1c4: {  	v54 =	vld [tilespmem:s14+$0x8C80];
	v4 =	vadd.f32 v27, v4;
	v19 =	vmul.f32 v57, v57;
	v59 =	vmul.f32 v45, v45  }
0x1c5: {  	v36 =	vld [tilespmem:s14+$0x88C0];
	v62 =	vmul.f32 v49, v47;
	v9 =	vadd.f32 v56, v9;
	v11 =	vadd.f32 v20, v11  }
0x1c6: {  	v40 =	vld [tilespmem:s14+$0x88D0];
	v12 =	vadd.f32 v60, v12;
	v10 =	vadd.f32 v25, v10;
	[tilespmem:v3+s12+$0x12240 ss:$0x1] =	vst.idx.msk $0xffff, v7  }
0x1c7: {  	v43 =	vld [tilespmem:s14+$0x8E0];
	v6 =	vadd.f32 v31, v6;
	v4 =	vadd.f32 v35, v4;
	v39 =	vmul.f32 v28, v26  }
0x1c8: {  	v52 =	vld [tilespmem:s14+$0xC80];
	v42 =	vmul.f32 v26, v26;
	v35 =	vmul.f32 v63, v61;
	v9 =	vadd.f32 v24, v9  }
0x1c9: {  	v58 =	vld [tilespmem:s14+$0x8C90];
	v11 =	vadd.f32 v15, v11;
	v15 =	vmul.f32 v32, v32;
	v24 =	vmul.f32 v47, v47  }
0x1ca: {  	v30 =	vld [tilespmem:s14+$0xCC0];
	v12 =	vadd.f32 v29, v12;
	v28 =	vmul.f32 v54, v54;
	v48 =	vmul.f32 v36, v34  }
0x1cb: {  	v27 =	vld [tilespmem:s14+$0x8CB0];
	v10 =	vadd.f32 v19, v10;
	v50 =	vmul.f32 v36, v36;
	v53 =	vmul.f32 v40, v38  }
0x1cc: {  	v56 =	vld [tilespmem:s14+$0xC90];
	v6 =	vadd.f32 v39, v6;
	v57 =	vmul.f32 v45, v43;
	v60 =	vmul.f32 v43, v43  }
0x1cd: {  	v25 =	vld [tilespmem:s14+$0xCB0];
	v4 =	vadd.f32 v44, v4;
	v26 =	vmul.f32 v54, v52;
	v29 =	vmul.f32 v52, v52  }
0x1ce: {  	v32 =	vld [tilespmem:s14+$0x8CC0];
	v38 =	vmul.f32 v61, v61;
	v9 =	vadd.f32 v33, v9;
	v11 =	vadd.f32 v18, v11  }
0x1cf: {  	v34 =	vld [tilespmem:s14+$0xCD0];
	v47 =	vmul.f32 v30, v30;
	v12 =	vadd.f32 v37, v12;
	v10 =	vadd.f32 v42, v10  }
0x1d0: {  	v36 =	vld [tilespmem:s14+$0x8CD0];
	v18 =	vmul.f32 v40, v40;
	v37 =	vmul.f32 v63, v63;
	v6 =	vadd.f32 v48, v6  }
0x1d1: {  	v39 =	vld [tilespmem:s14+$0xCE0];
	v4 =	vadd.f32 v53, v4;
	v31 =	vmul.f32 v58, v56;
	v33 =	vmul.f32 v56, v56  }
0x1d2: {  	v43 =	vld [tilespmem:s14+$0xCF0];
	v40 =	vmul.f32 v27, v25;
	v9 =	vadd.f32 v41, v9;
	v11 =	vadd.f32 v15, v11  }
0x1d3: {  	v45 =	vld [tilespmem:s14+$0x8CF0];
	v42 =	vmul.f32 v25, v25;
	v12 =	vadd.f32 v46, v12;
	v10 =	vadd.f32 v51, v10  }
0x1d4: {  	v52 =	vld [tilespmem:s14+$0x1090];
	v15 =	vmul.f32 v49, v49;
	v6 =	vadd.f32 v57, v6;
	v4 =	vadd.f32 v62, v4  }
0x1d5: {  	v54 =	vld [tilespmem:s14+$0x9090];
	v44 =	vmul.f32 v32, v30;
	v46 =	vmul.f32 v32, v32;
	v9 =	vadd.f32 v50, v9  }
0x1d6: {  	v48 =	vld [tilespmem:s14+$0x1080];
	v11 =	vadd.f32 v18, v11;
	v12 =	vadd.f32 v55, v12;
	v18 =	vmul.f32 v58, v58  }
0x1d7: {  	v61 =	vld [tilespmem:s14+$0x10B0];
	v10 =	vadd.f32 v60, v10;
	v49 =	vmul.f32 v36, v34;
	v51 =	vmul.f32 v34, v34  }
0x1d8: {  	v41 =	vld [tilespmem:s14+$0x8CE0];
	v56 =	vmul.f32 v39, v39;
	v58 =	vmul.f32 v45, v43;
	v6 =	vadd.f32 v26, v6  }
0x1d9: {  	v63 =	vld [tilespmem:s14+$0x90B0];
	v60 =	vmul.f32 v43, v43;
	v4 =	vadd.f32 v31, v4;
	v9 =	vadd.f32 v59, v9  }
0x1da: {  	v57 =	vld [tilespmem:s14+$0x10A0];
	v11 =	vadd.f32 v15, v11;
	v12 =	vadd.f32 v24, v12;
	v15 =	vmul.f32 v27, v27  }
0x1db: {  	v30 =	vld [tilespmem:s14+$0x10D0];
	v10 =	vadd.f32 v29, v10;
	v25 =	vmul.f32 v48, v48;
	v27 =	vmul.f32 v54, v52  }
0x1dc: {  	v50 =	vld [tilespmem:s14+$0x9080];
	v29 =	vmul.f32 v52, v52;
	v6 =	vadd.f32 v35, v6;
	v4 =	vadd.f32 v40, v4  }
0x1dd: {  	v32 =	vld [tilespmem:s14+$0x90D0];
	v53 =	vmul.f32 v41, v39;
	v55 =	vmul.f32 v41, v41;
	v9 =	vadd.f32 v28, v9  }
0x1de: {  	v26 =	vld [tilespmem:s14+$0x10C0];
	v11 =	vadd.f32 v18, v11;
	v12 =	vadd.f32 v33, v12;
	v18 =	vmul.f32 v36, v36  }
0x1df: {  	v59 =	vld [tilespmem:s14+$0x90A0];
	v10 =	vadd.f32 v38, v10;
	v34 =	vmul.f32 v57, v57;
	v36 =	vmul.f32 v63, v61  }
0x1e0: {  	v35 =	vld [tilespmem:s14+$0x10E0];
	v38 =	vmul.f32 v61, v61;
	v6 =	vadd.f32 v44, v6;
	v4 =	vadd.f32 v49, v4  }
0x1e1: {  	v39 =	vld [tilespmem:s14+$0x10F0];
	v62 =	vmul.f32 v50, v48;
	v24 =	vmul.f32 v50, v50;
	v9 =	vadd.f32 v37, v9  }
0x1e2: {  	v41 =	vld [tilespmem:s14+$0x90F0];
	v11 =	vadd.f32 v15, v11;
	v12 =	vadd.f32 v42, v12;
	v15 =	vmul.f32 v45, v45  }
0x1e3: {  	v28 =	vld [tilespmem:s14+$0x90C0];
	v10 =	vadd.f32 v47, v10;
	v43 =	vmul.f32 v26, v26;
	v45 =	vmul.f32 v32, v30  }
0x1e4: {  	v44 =	vld [tilespmem:s14+$0x500];
	v47 =	vmul.f32 v30, v30;
	v6 =	vadd.f32 v53, v6;
	v4 =	vadd.f32 v58, v4  }
0x1e5: {  	v48 =	vld [tilespmem:s14+$0x510];
	v31 =	vmul.f32 v59, v57;
	v33 =	vmul.f32 v59, v59;
	v9 =	vadd.f32 v46, v9  }
0x1e6: {  	v50 =	vld [tilespmem:s14+$0x8510];
	v11 =	vadd.f32 v18, v11;
	v12 =	vadd.f32 v51, v12;
	v18 =	vmul.f32 v54, v54  }
0x1e7: {  	v37 =	vld [tilespmem:s14+$0x90E0];
	v10 =	vadd.f32 v56, v10;
	v52 =	vmul.f32 v41, v39;
	v54 =	vmul.f32 v35, v35  }
0x1e8: {  	v30 =	vld [tilespmem:s14+$0x8550];
	v56 =	vmul.f32 v39, v39;
	v6 =	vadd.f32 v62, v6;
	v4 =	vadd.f32 v27, v4  }
0x1e9: {  	v53 =	vld [tilespmem:s14+$0x520];
	v40 =	vmul.f32 v28, v26;
	v42 =	vmul.f32 v28, v28;
	v9 =	vadd.f32 v55, v9  }
0x1ea: {  	v57 =	vld [tilespmem:s14+$0x530];
	v11 =	vadd.f32 v15, v11;
	v12 =	vadd.f32 v60, v12;
	v15 =	vmul.f32 v63, v63  }
0x1eb: {  	v58 =	vld [tilespmem:s14+$0x8530];
	v10 =	vadd.f32 v25, v10;
	v62 =	vmul.f32 v44, v44;
	v25 =	vmul.f32 v50, v50  }
0x1ec: {  	v46 =	vld [tilespmem:s14+$0x8500];
	v28 =	vmul.f32 v48, v48;
	v6 =	vadd.f32 v31, v6;
	v49 =	vmul.f32 v37, v35  }
0x1ed: {  	v26 =	vld [tilespmem:s14+$0x550];
	v4 =	vadd.f32 v36, v4;
	v51 =	vmul.f32 v37, v37;
	v20 =	vmul.f32 v30, v30  }
0x1ee: {  	v55 =	vld [tilespmem:s14+$0x8520];
	v9 =	vadd.f32 v24, v9;
	v11 =	vadd.f32 v18, v11;
	v18 =	vmul.f32 v32, v32  }
0x1ef: {  	v60 =	vld [tilespmem:s14+$0x540];
	v12 =	vadd.f32 v29, v12;
	v24 =	vmul.f32 v50, v48;
	v32 =	vmul.f32 v53, v53  }
0x1f0: {  	v63 =	vld [tilespmem:s14+$0x8540];
	v10 =	vadd.f32 v34, v10;
	v34 =	vmul.f32 v58, v57;
	v14 =	vmul.f32 v58, v58  }
0x1f1: {  	v35 =	vld [tilespmem:s14+$0x8560];
	v37 =	vmul.f32 v57, v57;
	v6 =	vadd.f32 v40, v6;
	v4 =	vadd.f32 v45, v4  }
0x1f2: {  	v48 =	vld [tilespmem:s14+$0x8910];
	v59 =	vmul.f32 v46, v44;
	v9 =	vadd.f32 v33, v9;
	v11 =	vadd.f32 v15, v11  }
0x1f3: {  	v57 =	vld [tilespmem:s14+$0x8930];
	v61 =	vmul.f32 v46, v46;
	v12 =	vadd.f32 v38, v12;
	v10 =	vadd.f32 v43, v10  }
0x1f4: {  	[tilespmem:v3+s12+$0x14240 ss:$0x1] =	vst.idx.msk $0xffff, v5;
	v40 =	vld [tilespmem:s14+$0x8570];
	v15 =	vmul.f32 v41, v41;
	v5 =	vadd.f32 $0.0e+00, v24;
	v36 =	vadd.f32 v32, v62  }
0x1f5: {  	v44 =	vld [tilespmem:s14+$0x8900];
	v43 =	vmul.f32 v30, v26;
	v45 =	vmul.f32 v26, v26;
	v6 =	vadd.f32 v49, v6  }
0x1f6: {  	v46 =	vld [tilespmem:s14+$0x910];
	v4 =	vadd.f32 v52, v4;
	v27 =	vadd.f32 $0.0e+00, v59;
	v29 =	vmul.f32 v55, v53  }
0x1f7: {  	v33 =	vld [tilespmem:s14+$0x560];
	v31 =	vmul.f32 v55, v55;
	v39 =	vmul.f32 v63, v60;
	v9 =	vadd.f32 v42, v9  }
0x1f8: {  	v38 =	vld [tilespmem:s14+$0x570];
	v41 =	vmul.f32 v63, v63;
	v11 =	vadd.f32 v18, v11;
	v12 =	vadd.f32 v47, v12  }
0x1f9: {  	v30 =	vld [tilespmem:s14+$0x8960];
	v10 =	vadd.f32 v54, v10;
	v5 =	vadd.f32 v34, v5;
	v49 =	vmul.f32 v35, v35  }
0x1fa: {  	v32 =	vld [tilespmem:s14+$0x970];
	v8 =	vadd.f32 v4, v6;
	v7 =	vadd.f32 v29, v27;
	v18 =	vmul.f32 v48, v48  }
0x1fb: {  	v53 =	vld [tilespmem:s14+$0x8920];
	v9 =	vadd.f32 v51, v9;
	v11 =	vadd.f32 v15, v11;
	v15 =	vmul.f32 v60, v60  }
0x1fc: {  	v55 =	vld [tilespmem:s14+$0x930];
	v12 =	vadd.f32 v56, v12;
	v16 =	vmul.f32 v40, v40;
	v58 =	vmul.f32 v44, v44  }
0x1fd: {  	v59 =	vld [tilespmem:s14+$0x940];
	v5 =	vadd.f32 v43, v5;
	v60 =	vmul.f32 v48, v46;
	v62 =	vmul.f32 v46, v46  }
0x1fe: {  	v63 =	vld [tilespmem:s14+$0x950];
	v7 =	vadd.f32 v39, v7;
	v47 =	vmul.f32 v35, v33;
	v50 =	vmul.f32 v33, v33  }
0x1ff: {  	v42 =	vld [tilespmem:s14+$0x900];
	v52 =	vmul.f32 v40, v38;
	v54 =	vmul.f32 v38, v38;
	v6 =	vadd.f32 v11, v9  }
0x200: {  	v34 =	vld [tilespmem:s14+$0x8970];
	[tilespmem:v3+s12+$0x10250 ss:$0x1] =	vst.idx.msk $0xffff, v8;
	v4 =	vadd.f32 v12, v10;
	v9 =	vadd.f32 v31, v61  }
0x201: {  	v51 =	vld [tilespmem:s14+$0x920];
	v12 =	vadd.f32 v14, v25;
	v11 =	vadd.f32 v37, v28;
	v26 =	vmul.f32 v53, v53  }
0x202: {  	v46 =	vld [tilespmem:s14+$0xD20];
	v10 =	vadd.f32 v15, v36;
	v29 =	vmul.f32 v57, v55;
	v31 =	vmul.f32 v55, v55  }
0x203: {  	v48 =	vld [tilespmem:s14+$0x8D20];
	v36 =	vmul.f32 v59, v59;
	v40 =	vmul.f32 v63, v63;
	v7 =	vadd.f32 v47, v7  }
0x204: {  	v39 =	vld [tilespmem:s14+$0x8D00];
	v5 =	vadd.f32 v52, v5;
	v56 =	vmul.f32 v44, v42;
	v19 =	vmul.f32 v42, v42  }
0x205: {  	v61 =	vld [tilespmem:s14+$0x8940];
	v44 =	vmul.f32 v30, v30;
	v9 =	vadd.f32 v41, v9;
	v12 =	vadd.f32 v20, v12  }
0x206: {  	v25 =	vld [tilespmem:s14+$0x8950];
	v47 =	vmul.f32 v34, v32;
	v11 =	vadd.f32 v45, v11;
	v10 =	vadd.f32 v50, v10  }
0x207: {  	v28 =	vld [tilespmem:s14+$0x960];
	[tilespmem:v3+s12+$0x12250 ss:$0x1] =	vst.idx.msk $0xffff, v6;
	v7 =	vadd.f32 v56, v7;
	v24 =	vmul.f32 v53, v51  }
0x208: {  	v37 =	vld [tilespmem:s14+$0xD00];
	v5 =	vadd.f32 v60, v5;
	v27 =	vmul.f32 v51, v51;
	v60 =	vmul.f32 v48, v46  }
0x209: {  	v43 =	vld [tilespmem:s14+$0x8D10];
	v9 =	vadd.f32 v49, v9;
	v12 =	vadd.f32 v16, v12;
	v16 =	vmul.f32 v57, v57  }
0x20a: {  	v55 =	vld [tilespmem:s14+$0xD40];
	v11 =	vadd.f32 v54, v11;
	v49 =	vmul.f32 v32, v32;
	v53 =	vmul.f32 v39, v39  }
0x20b: {  	v52 =	vld [tilespmem:s14+$0x8D30];
	v10 =	vadd.f32 v19, v10;
	v33 =	vmul.f32 v61, v59;
	v35 =	vmul.f32 v61, v61  }
0x20c: {  	v41 =	vld [tilespmem:s14+$0xD10];
	v7 =	vadd.f32 v24, v7;
	v38 =	vmul.f32 v25, v63;
	v42 =	vmul.f32 v30, v28  }
0x20d: {  	v50 =	vld [tilespmem:s14+$0xD30];
	v5 =	vadd.f32 v29, v5;
	v45 =	vmul.f32 v28, v28;
	v51 =	vmul.f32 v39, v37  }
0x20e: {  	v57 =	vld [tilespmem:s14+$0x8D40];
	v54 =	vmul.f32 v37, v37;
	v63 =	vmul.f32 v46, v46;
	v9 =	vadd.f32 v58, v9  }
0x20f: {  	v59 =	vld [tilespmem:s14+$0xD50];
	v32 =	vmul.f32 v55, v55;
	v12 =	vadd.f32 v18, v12;
	v11 =	vadd.f32 v62, v11  }
0x210: {  	v61 =	vld [tilespmem:s14+$0x8D50];
	v10 =	vadd.f32 v27, v10;
	v18 =	vmul.f32 v25, v25;
	v62 =	vmul.f32 v48, v48  }
0x211: {  	v24 =	vld [tilespmem:s14+$0xD60];
	v7 =	vadd.f32 v33, v7;
	v5 =	vadd.f32 v38, v5;
	v56 =	vmul.f32 v43, v41  }
0x212: {  	v28 =	vld [tilespmem:s14+$0xD70];
	v58 =	vmul.f32 v41, v41;
	v25 =	vmul.f32 v52, v50;
	v9 =	vadd.f32 v26, v9  }
0x213: {  	v30 =	vld [tilespmem:s14+$0x8D70];
	v27 =	vmul.f32 v50, v50;
	v12 =	vadd.f32 v16, v12;
	v11 =	vadd.f32 v31, v11  }
0x214: {  	v37 =	vld [tilespmem:s14+$0x1110];
	v10 =	vadd.f32 v36, v10;
	v16 =	vmul.f32 v34, v34;
	v7 =	vadd.f32 v42, v7  }
0x215: {  	v39 =	vld [tilespmem:s14+$0x9110];
	v5 =	vadd.f32 v47, v5;
	v29 =	vmul.f32 v57, v55;
	v9 =	vadd.f32 v35, v9  }
0x216: {  	v33 =	vld [tilespmem:s14+$0x1100];
	v31 =	vmul.f32 v57, v57;
	v12 =	vadd.f32 v18, v12;
	v11 =	vadd.f32 v40, v11  }
0x217: {  	v46 =	vld [tilespmem:s14+$0x1130];
	v10 =	vadd.f32 v45, v10;
	v18 =	vmul.f32 v43, v43;
	v34 =	vmul.f32 v61, v59  }
0x218: {  	v26 =	vld [tilespmem:s14+$0x8D60];
	v36 =	vmul.f32 v59, v59;
	v41 =	vmul.f32 v24, v24;
	v7 =	vadd.f32 v51, v7  }
0x219: {  	v48 =	vld [tilespmem:s14+$0x9130];
	v43 =	vmul.f32 v30, v28;
	v5 =	vadd.f32 v56, v5;
	v9 =	vadd.f32 v44, v9  }
0x21a: {  	v42 =	vld [tilespmem:s14+$0x1120];
	v45 =	vmul.f32 v28, v28;
	v12 =	vadd.f32 v16, v12;
	v11 =	vadd.f32 v49, v11  }
0x21b: {  	v55 =	vld [tilespmem:s14+$0x1150];
	v10 =	vadd.f32 v54, v10;
	v16 =	vmul.f32 v52, v52;
	v50 =	vmul.f32 v33, v33  }
0x21c: {  	v35 =	vld [tilespmem:s14+$0x9100];
	v52 =	vmul.f32 v39, v37;
	v54 =	vmul.f32 v37, v37;
	v7 =	vadd.f32 v60, v7  }
0x21d: {  	v57 =	vld [tilespmem:s14+$0x9150];
	v5 =	vadd.f32 v25, v5;
	v38 =	vmul.f32 v26, v24;
	v9 =	vadd.f32 v53, v9  }
0x21e: {  	v51 =	vld [tilespmem:s14+$0x1140];
	v40 =	vmul.f32 v26, v26;
	v12 =	vadd.f32 v18, v12;
	v11 =	vadd.f32 v58, v11  }
0x21f: {  	v44 =	vld [tilespmem:s14+$0x9120];
	v10 =	vadd.f32 v63, v10;
	v18 =	vmul.f32 v61, v61;
	v59 =	vmul.f32 v42, v42  }
0x220: {  	v60 =	vld [tilespmem:s14+$0x1160];
	v61 =	vmul.f32 v48, v46;
	v63 =	vmul.f32 v46, v46;
	v7 =	vadd.f32 v29, v7  }
0x221: {  	v24 =	vld [tilespmem:s14+$0x1170];
	v5 =	vadd.f32 v34, v5;
	v47 =	vmul.f32 v35, v33;
	v9 =	vadd.f32 v62, v9  }
0x222: {  	v26 =	vld [tilespmem:s14+$0x9170];
	v49 =	vmul.f32 v35, v35;
	v12 =	vadd.f32 v16, v12;
	v11 =	vadd.f32 v27, v11  }
0x223: {  	v53 =	vld [tilespmem:s14+$0x9140];
	v10 =	vadd.f32 v32, v10;
	v16 =	vmul.f32 v30, v30;
	v28 =	vmul.f32 v51, v51  }
0x224: {  	v29 =	vld [tilespmem:s14+$0x580];
	v30 =	vmul.f32 v57, v55;
	v32 =	vmul.f32 v55, v55;
	v7 =	vadd.f32 v38, v7  }
0x225: {  	v33 =	vld [tilespmem:s14+$0x590];
	v5 =	vadd.f32 v43, v5;
	v56 =	vmul.f32 v44, v42;
	v9 =	vadd.f32 v31, v9  }
0x226: {  	v35 =	vld [tilespmem:s14+$0x8590];
	v58 =	vmul.f32 v44, v44;
	v12 =	vadd.f32 v18, v12;
	v11 =	vadd.f32 v36, v11  }
0x227: {  	v62 =	vld [tilespmem:s14+$0x9160];
	v10 =	vadd.f32 v41, v10;
	v18 =	vmul.f32 v39, v39;
	v37 =	vmul.f32 v26, v24  }
0x228: {  	v38 =	vld [tilespmem:s14+$0x5A0];
	v39 =	vmul.f32 v60, v60;
	v41 =	vmul.f32 v24, v24;
	v7 =	vadd.f32 v47, v7  }
0x229: {  	v42 =	vld [tilespmem:s14+$0x5B0];
	v5 =	vadd.f32 v52, v5;
	v25 =	vmul.f32 v53, v51;
	v9 =	vadd.f32 v40, v9  }
0x22a: {  	v31 =	vld [tilespmem:s14+$0x8580];
	v27 =	vmul.f32 v53, v53;
	v12 =	vadd.f32 v16, v12;
	v11 =	vadd.f32 v45, v11  }
0x22b: {  	v24 =	vld [tilespmem:s14+$0x85F0];
	v10 =	vadd.f32 v50, v10;
	v16 =	vmul.f32 v48, v48;
	v51 =	vmul.f32 v35, v33  }
0x22c: {  	v47 =	vld [tilespmem:s14+$0x5C0];
	v7 =	vadd.f32 v56, v7;
	v5 =	vadd.f32 v61, v5;
	v34 =	vmul.f32 v62, v60  }
0x22d: {  	v52 =	vld [tilespmem:s14+$0x5D0];
	v36 =	vmul.f32 v62, v62;
	v9 =	vadd.f32 v49, v9;
	v12 =	vadd.f32 v18, v12  }
0x22e: {  	v40 =	vld [tilespmem:s14+$0x85A0];
	v11 =	vadd.f32 v54, v11;
	v10 =	vadd.f32 v59, v10;
	v18 =	vmul.f32 v57, v57  }
0x22f: {  	[tilespmem:v3+s12+$0x14250 ss:$0x1] =	vst.idx.msk $0xffff, v4;
	v45 =	vld [tilespmem:s14+$0x85B0];
	v49 =	vmul.f32 v29, v29;
	v54 =	vmul.f32 v33, v33;
	v4 =	vadd.f32 $0.0e+00, v51  }
0x230: {  	v50 =	vld [tilespmem:s14+$0x85C0];
	v62 =	vmul.f32 v42, v42;
	v7 =	vadd.f32 v25, v7;
	v5 =	vadd.f32 v30, v5  }
0x231: {  	v56 =	vld [tilespmem:s14+$0x85D0];
	v46 =	vmul.f32 v31, v29;
	v48 =	vmul.f32 v31, v31;
	v9 =	vadd.f32 v58, v9  }
0x232: {  	v61 =	vld [tilespmem:s14+$0x85E0];
	v12 =	vadd.f32 v16, v12;
	v11 =	vadd.f32 v63, v11;
	v16 =	vmul.f32 v26, v26  }
0x233: {  	v59 =	vld [tilespmem:s14+$0x5E0];
	v10 =	vadd.f32 v28, v10;
	v58 =	vmul.f32 v38, v38;
	v14 =	vmul.f32 v47, v47  }
0x234: {  	v30 =	vld [tilespmem:s14+$0x990];
	v29 =	vmul.f32 v52, v52;
	v7 =	vadd.f32 v34, v7;
	v5 =	vadd.f32 v37, v5  }
0x235: {  	v63 =	vld [tilespmem:s14+$0x5F0];
	v53 =	vadd.f32 $0.0e+00, v46;
	v55 =	vmul.f32 v40, v38;
	v57 =	vmul.f32 v40, v40  }
0x236: {  	v26 =	vld [tilespmem:s14+$0x980];
	v60 =	vmul.f32 v45, v42;
	v21 =	vmul.f32 v50, v47;
	v9 =	vadd.f32 v27, v9  }
0x237: {  	v28 =	vld [tilespmem:s14+$0x8980];
	v25 =	vmul.f32 v50, v50;
	v12 =	vadd.f32 v18, v12;
	v11 =	vadd.f32 v32, v11  }
0x238: {  	v37 =	vld [tilespmem:s14+$0x89A0];
	v43 =	vadd.f32 v39, v10;
	v18 =	vmul.f32 v35, v35;
	v10 =	vadd.f32 v58, v49  }
0x239: {  	v47 =	vld [tilespmem:s14+$0x9D0];
	v27 =	vmul.f32 v56, v52;
	v20 =	vmul.f32 v56, v56;
	v5 =	vadd.f32 v5, v7  }
0x23a: {  	v32 =	vld [tilespmem:s14+$0x8990];
	v33 =	vmul.f32 v61, v61;
	v6 =	vadd.f32 v55, v53;
	v4 =	vadd.f32 v60, v4  }
0x23b: {  	v35 =	vld [tilespmem:s14+$0x9A0];
	v31 =	vmul.f32 v61, v59;
	v34 =	vmul.f32 v59, v59;
	v9 =	vadd.f32 v36, v9  }
0x23c: {  	v39 =	vld [tilespmem:s14+$0x9B0];
	v44 =	vadd.f32 v16, v12;
	v11 =	vadd.f32 v41, v11;
	v12 =	vmul.f32 v45, v45  }
0x23d: {  	v49 =	vld [tilespmem:s14+$0x89D0];
	v10 =	vadd.f32 v14, v10;
	v46 =	vmul.f32 v30, v30;
	v36 =	vmul.f32 v24, v63  }
0x23e: {  	v52 =	vld [tilespmem:s14+$0x9E0];
	v6 =	vadd.f32 v21, v6;
	v38 =	vmul.f32 v63, v63;
	v40 =	vmul.f32 v28, v26  }
0x23f: {  	v56 =	vld [tilespmem:s14+$0x9F0];
	v4 =	vadd.f32 v27, v4;
	v42 =	vmul.f32 v28, v28;
	v16 =	vmul.f32 v26, v26  }
0x240: {  	v58 =	vld [tilespmem:s14+$0x89F0];
	[tilespmem:v3+s12+$0x10260 ss:$0x1] =	vst.idx.msk $0xffff, v5;
	v7 =	vadd.f32 v44, v9;
	v8 =	vadd.f32 v11, v43  }
0x241: {  	v61 =	vld [tilespmem:s14+$0xD80];
	v9 =	vadd.f32 v57, v48;
	v12 =	vadd.f32 v12, v18;
	v18 =	vmul.f32 v24, v24  }
0x242: {  	v41 =	vld [tilespmem:s14+$0x89B0];
	v11 =	vadd.f32 v62, v54;
	v50 =	vmul.f32 v37, v37;
	v24 =	vmul.f32 v47, v47  }
0x243: {  	v45 =	vld [tilespmem:s14+$0x89C0];
	v10 =	vadd.f32 v34, v10;
	v44 =	vmul.f32 v32, v30;
	v19 =	vmul.f32 v32, v32  }
0x244: {  	v63 =	vld [tilespmem:s14+$0x8D80];
	v6 =	vadd.f32 v31, v6;
	v48 =	vmul.f32 v37, v35;
	v51 =	vmul.f32 v35, v35  }
0x245: {  	v27 =	vld [tilespmem:s14+$0x8D90];
	v4 =	vadd.f32 v36, v4;
	v55 =	vmul.f32 v39, v39;
	v62 =	vmul.f32 v49, v47  }
0x246: {  	v43 =	vld [tilespmem:s14+$0x9C0];
	v31 =	vmul.f32 v58, v56;
	v9 =	vadd.f32 v25, v9;
	v12 =	vadd.f32 v20, v12  }
0x247: {  	v54 =	vld [tilespmem:s14+$0x89E0];
	v11 =	vadd.f32 v29, v11;
	v10 =	vadd.f32 v16, v10;
	v16 =	vmul.f32 v49, v49  }
0x248: {  	v34 =	vld [tilespmem:s14+$0xDB0];
	v29 =	vmul.f32 v52, v52;
	v6 =	vadd.f32 v40, v6;
	v4 =	vadd.f32 v44, v4  }
0x249: {  	v30 =	vld [tilespmem:s14+$0xDA0];
	v53 =	vmul.f32 v41, v39;
	v59 =	vmul.f32 v45, v45;
	v9 =	vadd.f32 v33, v9  }
0x24a: {  	v32 =	vld [tilespmem:s14+$0x8DA0];
	v12 =	vadd.f32 v18, v12;
	v18 =	vmul.f32 v41, v41;
	v33 =	vmul.f32 v56, v56  }
0x24b: {  	v36 =	vld [tilespmem:s14+$0x8DB0];
	v11 =	vadd.f32 v38, v11;
	v35 =	vmul.f32 v63, v61;
	v37 =	vmul.f32 v63, v63  }
0x24c: {  	v25 =	vld [tilespmem:s14+$0xD90];
	v10 =	vadd.f32 v51, v10;
	v38 =	vmul.f32 v61, v61;
	v57 =	vmul.f32 v45, v43  }
0x24d: {  	v39 =	vld [tilespmem:s14+$0xDC0];
	v6 =	vadd.f32 v48, v6;
	v60 =	vmul.f32 v43, v43;
	v26 =	vmul.f32 v54, v52  }
0x24e: {  	v41 =	vld [tilespmem:s14+$0x8DC0];
	v4 =	vadd.f32 v53, v4;
	v28 =	vmul.f32 v54, v54;
	v51 =	vmul.f32 v34, v34  }
0x24f: {  	v43 =	vld [tilespmem:s14+$0xDD0];
	v9 =	vadd.f32 v42, v9;
	v12 =	vadd.f32 v19, v12;
	v44 =	vmul.f32 v32, v30  }
0x250: {  	v45 =	vld [tilespmem:s14+$0x8DD0];
	v11 =	vadd.f32 v46, v11;
	v46 =	vmul.f32 v32, v32;
	v47 =	vmul.f32 v30, v30  }
0x251: {  	v48 =	vld [tilespmem:s14+$0xDE0];
	v49 =	vmul.f32 v36, v34;
	v6 =	vadd.f32 v57, v6;
	v10 =	vadd.f32 v60, v10  }
0x252: {  	v52 =	vld [tilespmem:s14+$0xDF0];
	v4 =	vadd.f32 v62, v4;
	v40 =	vmul.f32 v27, v25;
	v9 =	vadd.f32 v50, v9  }
0x253: {  	v54 =	vld [tilespmem:s14+$0x8DF0];
	v42 =	vmul.f32 v25, v25;
	v12 =	vadd.f32 v18, v12;
	v11 =	vadd.f32 v55, v11  }
0x254: {  	v61 =	vld [tilespmem:s14+$0x1190];
	v18 =	vmul.f32 v58, v58;
	v56 =	vmul.f32 v39, v39;
	v6 =	vadd.f32 v26, v6  }
0x255: {  	v63 =	vld [tilespmem:s14+$0x9190];
	v10 =	vadd.f32 v29, v10;
	v4 =	vadd.f32 v31, v4;
	v53 =	vmul.f32 v41, v39  }
0x256: {  	v30 =	vld [tilespmem:s14+$0x11B0];
	v55 =	vmul.f32 v41, v41;
	v12 =	vadd.f32 v16, v12;
	v16 =	vmul.f32 v27, v27  }
0x257: {  	v57 =	vld [tilespmem:s14+$0x1180];
	v9 =	vadd.f32 v59, v9;
	v58 =	vmul.f32 v45, v43;
	v60 =	vmul.f32 v43, v43  }
0x258: {  	v50 =	vld [tilespmem:s14+$0x8DE0];
	v11 =	vadd.f32 v24, v11;
	v25 =	vmul.f32 v48, v48;
	v27 =	vmul.f32 v54, v52  }
0x259: {  	v32 =	vld [tilespmem:s14+$0x91B0];
	v29 =	vmul.f32 v52, v52;
	v6 =	vadd.f32 v35, v6;
	v10 =	vadd.f32 v38, v10  }
0x25a: {  	v26 =	vld [tilespmem:s14+$0x11A0];
	v4 =	vadd.f32 v40, v4;
	v38 =	vmul.f32 v61, v61;
	v9 =	vadd.f32 v28, v9  }
0x25b: {  	v39 =	vld [tilespmem:s14+$0x11D0];
	v12 =	vadd.f32 v18, v12;
	v11 =	vadd.f32 v33, v11;
	v18 =	vmul.f32 v36, v36  }
0x25c: {  	v59 =	vld [tilespmem:s14+$0x9180];
	v34 =	vmul.f32 v57, v57;
	v36 =	vmul.f32 v63, v61;
	v6 =	vadd.f32 v44, v6  }
0x25d: {  	v41 =	vld [tilespmem:s14+$0x91D0];
	v10 =	vadd.f32 v47, v10;
	v4 =	vadd.f32 v49, v4;
	v62 =	vmul.f32 v50, v48  }
0x25e: {  	v24 =	vmul.f32 v50, v50;
	v47 =	vmul.f32 v30, v30;
	v9 =	vadd.f32 v37, v9  }
0x25f: {  	v35 =	vld [tilespmem:s14+$0x11C0];
	v12 =	vadd.f32 v16, v12;
	v11 =	vadd.f32 v42, v11;
	v16 =	vmul.f32 v45, v45  }
0x260: {  	v43 =	vmul.f32 v26, v26;
	v45 =	vmul.f32 v32, v30;
	v6 =	vadd.f32 v53, v6  }
0x261: {  	v28 =	vld [tilespmem:s14+$0x91A0];
	v10 =	vadd.f32 v56, v10;
	v4 =	vadd.f32 v58, v4;
	v31 =	vmul.f32 v59, v57  }
0x262: {  	v33 =	vmul.f32 v59, v59;
	v53 =	vmul.f32 v41, v39;
	v9 =	vadd.f32 v46, v9  }
0x263: {  	v48 =	vld [tilespmem:s14+$0x11F0];
	v12 =	vadd.f32 v18, v12;
	v11 =	vadd.f32 v51, v11;
	v18 =	vmul.f32 v54, v54  }
0x264: {  	v50 =	vld [tilespmem:s14+$0x91F0];
	v52 =	vmul.f32 v35, v35;
	v6 =	vadd.f32 v62, v6;
	v10 =	vadd.f32 v25, v10  }
0x265: {  	v44 =	vld [tilespmem:s14+$0x11E0];
	v54 =	vmul.f32 v39, v39;
	v4 =	vadd.f32 v27, v4;
	v9 =	vadd.f32 v55, v9  }
0x266: {  	v37 =	vld [tilespmem:s14+$0x91C0];
	v40 =	vmul.f32 v28, v26;
	v12 =	vadd.f32 v16, v12;
	v11 =	vadd.f32 v60, v11  }
0x267: {  	v42 =	vmul.f32 v28, v28;
	v6 =	vadd.f32 v31, v6;
	v10 =	vadd.f32 v34, v10  }
0x268: {  	v16 =	vmul.f32 v63, v63;
	v4 =	vadd.f32 v36, v4;
	v9 =	vadd.f32 v24, v9  }
0x269: {  	v46 =	vld [tilespmem:s14+$0x91E0];
	v57 =	vmul.f32 v50, v48;
	v12 =	vadd.f32 v18, v12;
	v11 =	vadd.f32 v29, v11  }
0x26a: {  	v58 =	vmul.f32 v44, v44;
	v6 =	vadd.f32 v40, v6;
	v10 =	vadd.f32 v43, v10  }
0x26b: {  	v49 =	vmul.f32 v37, v35;
	v4 =	vadd.f32 v45, v4;
	v9 =	vadd.f32 v33, v9  }
0x26c: {  	v51 =	vmul.f32 v37, v37;
	v12 =	vadd.f32 v16, v12;
	v11 =	vadd.f32 v38, v11  }
0x26d: {  	v18 =	vmul.f32 v32, v32;
	v6 =	vadd.f32 v49, v6;
	v10 =	vadd.f32 v52, v10  }
0x26e: {  	v55 =	vmul.f32 v46, v44;
	v4 =	vadd.f32 v53, v4;
	v9 =	vadd.f32 v42, v9  }
0x26f: {  	v16 =	vmul.f32 v41, v41;
	v12 =	vadd.f32 v18, v12;
	v11 =	vadd.f32 v47, v11  }
0x270: {  	v59 =	vmul.f32 v50, v50;
	v6 =	vadd.f32 v55, v6;
	v4 =	vadd.f32 v57, v4  }
0x271: {  	v56 =	vmul.f32 v46, v46;
	v9 =	vadd.f32 v51, v9;
	v12 =	vadd.f32 v16, v12  }
0x272: {  	v60 =	vmul.f32 v48, v48;
	v5 =	vadd.f32 v58, v10;
	v11 =	vadd.f32 v54, v11  }
0x273: {  	p0 =	slt.u32 s7, $0x18;
	v9 =	vadd.f32 v56, v9;
	v61 =	vadd.f32 v59, v12  }
.Ltmp0:
0x274: {  	[tilespmem:v3+s12+$0x12260 ss:$0x1] =	vst.idx.msk $0xffff, v7;
	v4 =	vadd.f32 v4, v6;
	v62 =	vadd.f32 v60, v11;
	(pc) =	sbr.rel @p0 .LBB2_3-.Ltmp0, $4  }
0x275: {  	[tilespmem:v3+s12+$0x14260 ss:$0x1] =	vst.idx.msk $0xffff, v8;
	v63 =	vadd.f32 v61, v9  }
0x276: {  	[tilespmem:v3+s12+$0x10270 ss:$0x1] =	vst.idx.msk $0xffff, v4;
	v4 =	vadd.f32 v62, v5  }
0x277: {  	s15 =	sadd.s32 $0x8, s7;
	[tilespmem:v3+s12+$0x12270 ss:$0x1] =	vst.idx.msk $0xffff, v63  }
0x278: {  	s7 =	smov.u32 s15;
	[tilespmem:v3+s12+$0x14270 ss:$0x1] =	vst.idx.msk $0xffff, v4  }
0x279: {  	s7 =	sshll.u32 s13, $0x1  }
0x27a: {  	s12 =	smin.u32 s7, $0xD  }
0x27b: {  	s12 =	sshll.u32 s12, $0x5  }
0x27c: {  	s14 =	sadd.s32 $0x40, s12  }
0x27d: {  	s14 =	sadd.s32 s5, s14  }
0x27e: {  	s14 =	sshll.u32 s14, $0x6  }
0x27f: {  	s15 =	sadd.s32 s1, s14;
	s14 =	simm.s32 $0x0  }
0x280: {  	[tilespmem:s16], [sflag:$0x1] =	stream.linear.gather [hbm4b:s15+s14], $0x4000, $0x38;
	[tilespmem:$0x16200] =	vst v63  }
0x281: {  	v4 =	vld [tilespmem:s12+$0x40];
	_ =	sdelay $0x4  }
0x282: {  	v5 =	vshll.u32 v4, $0x2  }
0x283: {  	v4 =	vand.u32 $0x7, v4;
	v5 =	vand.u32 $0xFFFFFFE0, v5  }
0x284: {  	v4 =	vor.u32 v4, v5  }
0x285: {  	v5 =	vperm.xlane v4, v0;
	_ =	sdelay $0x1  }
0x286: {  	v5 =	vadd.s32 v1, v5;
	_ =	sdelay $0x1  }
0x287: {  	v4 =	vperm.xlane v4, v2;
	_ =	sdelay $0x1  }
0x288: {  	s15 =	simm.s32 $0x8200;
	v4 =	vadd.s32 v1, v4  }
0x289: {  	[tilespmem:s15], [sflag:$0x3] =	stream.indirect_vreg.gather [hbm4b:s3+s14], $0x80, v5, vm0, $0xb8;
	[tilespmem:$0x16200] =	vst v63  }
0x28a: {  	_ = 	snop  }
0x28b: {  	[tilespmem:s17], [sflag:$0x3] =	stream.indirect_vreg.gather [hbm4b:s8+s14], $0x80, v5, vm0, $0xb8;
	[tilespmem:$0x16200] =	vst v63  }
0x28c: {  	_ = 	snop  }
0x28d: {  	[tilespmem:s18], [sflag:$0x3] =	stream.indirect_vreg.gather [hbm4b:s3+s14], $0x80, v4, vm0, $0xb8;
	[tilespmem:$0x16200] =	vst v63  }
0x28e: {  	_ = 	snop  }
0x28f: {  	[tilespmem:s19], [sflag:$0x3] =	stream.indirect_vreg.gather [hbm4b:s8+s14], $0x80, v4, vm0, $0xb8;
	[tilespmem:$0x16200] =	vst v63  }
0x290: {  	v4 =	vld [tilespmem:s12+$0x50];
	_ =	sdelay $0x4  }
0x291: {  	v5 =	vshll.u32 v4, $0x2  }
0x292: {  	v4 =	vand.u32 $0x7, v4;
	v5 =	vand.u32 $0xFFFFFFE0, v5  }
0x293: {  	v4 =	vor.u32 v4, v5  }
0x294: {  	v5 =	vperm.xlane v4, v0;
	_ =	sdelay $0x1  }
0x295: {  	v5 =	vadd.s32 v1, v5;
	_ =	sdelay $0x1  }
0x296: {  	v4 =	vperm.xlane v4, v2;
	_ =	sdelay $0x1  }
0x297: {  	v4 =	vadd.s32 v1, v4  }
0x298: {  	[tilespmem:s20], [sflag:$0x3] =	stream.indirect_vreg.gather [hbm4b:s3+s14], $0x80, v5, vm0, $0xb8;
	[tilespmem:$0x16200] =	vst v63  }
0x299: {  	_ = 	snop  }
0x29a: {  	[tilespmem:s21], [sflag:$0x3] =	stream.indirect_vreg.gather [hbm4b:s8+s14], $0x80, v5, vm0, $0xb8;
	[tilespmem:$0x16200] =	vst v63  }
0x29b: {  	_ = 	snop  }
0x29c: {  	[tilespmem:s22], [sflag:$0x3] =	stream.indirect_vreg.gather [hbm4b:s3+s14], $0x80, v4, vm0, $0xb8;
	[tilespmem:$0x16200] =	vst v63  }
0x29d: {  	_ = 	snop  }
0x29e: {  	[tilespmem:s23], [sflag:$0x3] =	stream.indirect_vreg.gather [hbm4b:s8+s14], $0x80, v4, vm0, $0xb8;
	[tilespmem:$0x16200] =	vst v63  }
0x29f: {  	_ =	swait.ge [sflag:s10], $0x4000  }
0x2a0: {  	[sflag:s10] =	ssyncset.done $0x0  }
0x2a1: {  	[sflag:s10] =	ssyncadd.s32 $0xFFFFC000  }
0x2a2: {  	_ =	swait.ge [sflag:s11], $0x4000  }
0x2a3: {  	[sflag:s11] =	ssyncset.done $0x0  }
0x2a4: {  	[sflag:s11] =	ssyncadd.s32 $0xFFFFC000  }
.LBB2_5:
0x2a5: {  	s12 =	sshll.u32 s14, $0x9  }
0x2a6: {  	v4 =	vld [tilespmem:s12+$0x4200]  }
0x2a7: {  	v5 =	vld [tilespmem:s12+$0xC200]  }
0x2a8: {  	v6 =	vld [tilespmem:s12+$0x4210]  }
0x2a9: {  	v7 =	vld [tilespmem:s12+$0xC210]  }
0x2aa: {  	v8 =	vld [tilespmem:s12+$0x4220]  }
0x2ab: {  	v9 =	vld [tilespmem:s12+$0xC220]  }
0x2ac: {  	v10 =	vld [tilespmem:s12+$0x4230]  }
0x2ad: {  	v11 =	vld [tilespmem:s12+$0xC230]  }
0x2ae: {  	v13 =	vld [tilespmem:s12+$0x4240]  }
0x2af: {  	v14 =	vld [tilespmem:s12+$0xC240]  }
0x2b0: {  	v16 =	vld [tilespmem:s12+$0x4250]  }
0x2b1: {  	v18 =	vld [tilespmem:s12+$0xC250]  }
0x2b2: {  	v19 =	vld [tilespmem:s12+$0x4260];
	v12 =	vmul.f32 v5, v4;
	v5 =	vmul.f32 v5, v5  }
0x2b3: {  	v20 =	vld [tilespmem:s12+$0xC260];
	v4 =	vmul.f32 v4, v4;
	v15 =	vmul.f32 v7, v6  }
0x2b4: {  	v55 =	vld [tilespmem:s12+$0x4270];
	v7 =	vmul.f32 v7, v7;
	v6 =	vmul.f32 v6, v6  }
0x2b5: {  	v58 =	vld [tilespmem:s12+$0xC270];
	v17 =	vmul.f32 v9, v8;
	v9 =	vmul.f32 v9, v9  }
0x2b6: {  	v60 =	vld [tilespmem:s12+$0x4600];
	v8 =	vmul.f32 v8, v8;
	v53 =	vmul.f32 v11, v10  }
0x2b7: {  	v63 =	vld [tilespmem:s12+$0xC600];
	v11 =	vmul.f32 v11, v11;
	v54 =	vmul.f32 v10, v10  }
0x2b8: {  	v25 =	vld [tilespmem:s12+$0x4610];
	v57 =	vmul.f32 v14, v13;
	v59 =	vmul.f32 v14, v14  }
0x2b9: {  	v27 =	vld [tilespmem:s12+$0xC610];
	v13 =	vmul.f32 v13, v13;
	v61 =	vmul.f32 v18, v16  }
0x2ba: {  	v30 =	vld [tilespmem:s12+$0x4620];
	v62 =	vmul.f32 v18, v18;
	v24 =	vmul.f32 v16, v16  }
0x2bb: {  	v32 =	vld [tilespmem:s12+$0xC620];
	v26 =	vmul.f32 v20, v19;
	v28 =	vmul.f32 v20, v20  }
0x2bc: {  	v34 =	vld [tilespmem:s12+$0x4630];
	v29 =	vmul.f32 v19, v19;
	v31 =	vmul.f32 v58, v55  }
0x2bd: {  	v36 =	vld [tilespmem:s12+$0xC630];
	v33 =	vmul.f32 v55, v55;
	v35 =	vmul.f32 v63, v60  }
0x2be: {  	v38 =	vld [tilespmem:s12+$0x4640];
	v37 =	vmul.f32 v63, v63;
	v14 =	vmul.f32 v60, v60  }
0x2bf: {  	v40 =	vld [tilespmem:s12+$0xC640];
	v39 =	vmul.f32 v27, v25;
	v16 =	vmul.f32 v27, v27  }
0x2c0: {  	v42 =	vld [tilespmem:s12+$0x4650];
	v41 =	vmul.f32 v25, v25;
	v43 =	vmul.f32 v32, v30  }
0x2c1: {  	v49 =	vld [tilespmem:s12+$0xC660];
	v45 =	vmul.f32 v32, v32;
	v46 =	vmul.f32 v30, v30  }
0x2c2: {  	v44 =	vld [tilespmem:s12+$0xC650];
	v48 =	vmul.f32 v36, v34;
	v12 =	vadd.f32 $0.0e+00, v12;
	v15 =	vadd.f32 $0.0e+00, v15  }
0x2c3: {  	v47 =	vld [tilespmem:s12+$0x4660];
	v50 =	vmul.f32 v34, v34;
	v5 =	vadd.f32 v9, v5;
	v4 =	vadd.f32 v8, v4  }
0x2c4: {  	v51 =	vld [tilespmem:s12+$0x4670];
	v52 =	vmul.f32 v40, v38;
	v7 =	vadd.f32 v11, v7;
	v6 =	vadd.f32 v54, v6  }
0x2c5: {  	v55 =	vmul.f32 v38, v38;
	v60 =	vld [tilespmem:s12+$0x4A10];
	v12 =	vadd.f32 v17, v12;
	v56 =	vadd.f32 v53, v15  }
0x2c6: {  	v63 =	vmul.f32 v49, v49;
	v5 =	vadd.f32 v59, v5;
	v4 =	vadd.f32 v13, v4;
	v53 =	vld [tilespmem:s12+$0xC670]  }
0x2c7: {  	v7 =	vadd.f32 v62, v7;
	v6 =	vadd.f32 v24, v6;
	v15 =	vmul.f32 v58, v58;
	v58 =	vld [tilespmem:s12+$0xCA00]  }
0x2c8: {  	v54 =	vmul.f32 v40, v40;
	v62 =	vld [tilespmem:s12+$0xCA10];
	v11 =	vadd.f32 v57, v12;
	v10 =	vadd.f32 v61, v56  }
0x2c9: {  	v59 =	vmul.f32 v42, v42;
	v5 =	vadd.f32 v28, v5;
	v4 =	vadd.f32 v29, v4;
	v56 =	vld [tilespmem:s12+$0x4A00]  }
0x2ca: {  	v24 =	vmul.f32 v47, v47;
	v7 =	vadd.f32 v15, v7;
	v6 =	vadd.f32 v33, v6;
	v25 =	vld [tilespmem:s12+$0x4A20]  }
0x2cb: {  	v15 =	vmul.f32 v36, v36;
	v57 =	vmul.f32 v44, v42;
	v27 =	vld [tilespmem:s12+$0xCA20];
	v11 =	vadd.f32 v26, v11  }
0x2cc: {  	v61 =	vmul.f32 v49, v47;
	v29 =	vld [tilespmem:s12+$0x4A30];
	v10 =	vadd.f32 v31, v10;
	v5 =	vadd.f32 v37, v5  }
0x2cd: {  	v28 =	vmul.f32 v51, v51;
	v34 =	vld [tilespmem:s12+$0x4A40];
	v4 =	vadd.f32 v14, v4;
	v7 =	vadd.f32 v16, v7  }
0x2ce: {  	v36 =	vld [tilespmem:s12+$0xCA40];
	v6 =	vadd.f32 v41, v6;
	v14 =	vmul.f32 v44, v44;
	v37 =	vmul.f32 v60, v60  }
0x2cf: {  	v38 =	vld [tilespmem:s12+$0x4A50];
	v26 =	vmul.f32 v53, v51;
	v32 =	vmul.f32 v58, v58;
	v11 =	vadd.f32 v35, v11  }
0x2d0: {  	v40 =	vld [tilespmem:s12+$0xCA50];
	v7 =	vadd.f32 v15, v7;
	v15 =	vmul.f32 v53, v53;
	v35 =	vmul.f32 v62, v60  }
0x2d1: {  	v47 =	vld [tilespmem:s12+$0x4A70];
	v10 =	vadd.f32 v39, v10;
	v30 =	vmul.f32 v58, v56;
	v33 =	vmul.f32 v56, v56  }
0x2d2: {  	v49 =	vld [tilespmem:s12+$0xCA70];
	v5 =	vadd.f32 v45, v5;
	v39 =	vmul.f32 v27, v25;
	v41 =	vmul.f32 v27, v27  }
0x2d3: {  	v21 =	vld [tilespmem:s12+$0xC2D0];
	v4 =	vadd.f32 v46, v4;
	v42 =	vmul.f32 v25, v25;
	v46 =	vmul.f32 v29, v29  }
0x2d4: {  	v31 =	vld [tilespmem:s12+$0xCA30];
	v6 =	vadd.f32 v50, v6;
	v50 =	vmul.f32 v36, v36;
	v51 =	vmul.f32 v34, v34  }
0x2d5: {  	v45 =	vld [tilespmem:s12+$0xCA60];
	v53 =	vmul.f32 v40, v38;
	v11 =	vadd.f32 v43, v11;
	v10 =	vadd.f32 v48, v10  }
0x2d6: {  	v56 =	vld [tilespmem:s12+$0x4E10];
	v23 =	vmul.f32 v47, v47;
	v5 =	vadd.f32 v54, v5;
	v4 =	vadd.f32 v55, v4  }
0x2d7: {  	v58 =	vld [tilespmem:s12+$0xCE10];
	v7 =	vadd.f32 v14, v7;
	v6 =	vadd.f32 v59, v6;
	v14 =	vmul.f32 v62, v62  }
0x2d8: {  	v43 =	vld [tilespmem:s12+$0x4A60];
	v48 =	vmul.f32 v36, v34;
	v55 =	vmul.f32 v38, v38;
	v11 =	vadd.f32 v52, v11  }
0x2d9: {  	v54 =	vld [tilespmem:s12+$0xCE00];
	v62 =	vmul.f32 v49, v47;
	v10 =	vadd.f32 v57, v10;
	v5 =	vadd.f32 v63, v5  }
0x2da: {  	v38 =	vld [tilespmem:s12+$0x4E60];
	v44 =	vmul.f32 v31, v29;
	v4 =	vadd.f32 v24, v4;
	v7 =	vadd.f32 v15, v7  }
0x2db: {  	v29 =	vld [tilespmem:s12+$0x4E40];
	v6 =	vadd.f32 v28, v6;
	v15 =	vmul.f32 v31, v31;
	v11 =	vadd.f32 v61, v11  }
0x2dc: {  	v52 =	vld [tilespmem:s12+$0x4E00];
	v59 =	vmul.f32 v45, v45;
	v10 =	vadd.f32 v26, v10;
	v5 =	vadd.f32 v32, v5  }
0x2dd: {  	v63 =	vld [tilespmem:s12+$0xCE20];
	v4 =	vadd.f32 v33, v4;
	v7 =	vadd.f32 v14, v7;
	v14 =	vmul.f32 v40, v40  }
0x2de: {  	v24 =	vld [tilespmem:s12+$0x4E30];
	v6 =	vadd.f32 v37, v6;
	v32 =	vmul.f32 v56, v56;
	v57 =	vmul.f32 v45, v43  }
0x2df: {  	v31 =	vld [tilespmem:s12+$0xCE40];
	v60 =	vmul.f32 v43, v43;
	v27 =	vmul.f32 v54, v54;
	v11 =	vadd.f32 v30, v11  }
0x2e0: {  	v61 =	vld [tilespmem:s12+$0x4E20];
	v10 =	vadd.f32 v35, v10;
	v7 =	vadd.f32 v15, v7;
	v15 =	vmul.f32 v49, v49  }
0x2e1: {  	v26 =	vld [tilespmem:s12+$0xCE30];
	v6 =	vadd.f32 v46, v6;
	v30 =	vmul.f32 v58, v56;
	v46 =	vmul.f32 v29, v29  }
0x2e2: {  	v33 =	vld [tilespmem:s12+$0x4E50];
	v5 =	vadd.f32 v41, v5;
	v25 =	vmul.f32 v54, v52;
	v28 =	vmul.f32 v52, v52  }
0x2e3: {  	v40 =	vld [tilespmem:s12+$0xCE60];
	v4 =	vadd.f32 v42, v4;
	v36 =	vmul.f32 v63, v63;
	v41 =	vmul.f32 v24, v24  }
0x2e4: {  	v35 =	vld [tilespmem:s12+$0xCE50];
	v43 =	vmul.f32 v31, v29;
	v11 =	vadd.f32 v39, v11;
	v10 =	vadd.f32 v44, v10  }
0x2e5: {  	v42 =	vld [tilespmem:s12+$0x4E70];
	v45 =	vmul.f32 v31, v31;
	v5 =	vadd.f32 v50, v5;
	v4 =	vadd.f32 v51, v4  }
0x2e6: {  	v49 =	vld [tilespmem:s12+$0xC280];
	v7 =	vadd.f32 v14, v7;
	v14 =	vmul.f32 v58, v58;
	v34 =	vmul.f32 v63, v61  }
0x2e7: {  	v56 =	vld [tilespmem:s12+$0x42A0];
	v6 =	vadd.f32 v55, v6;
	v37 =	vmul.f32 v61, v61;
	v39 =	vmul.f32 v26, v24  }
0x2e8: {  	v47 =	vld [tilespmem:s12+$0x4280];
	v50 =	vmul.f32 v33, v33;
	v52 =	vmul.f32 v40, v38;
	v11 =	vadd.f32 v48, v11  }
0x2e9: {  	v29 =	vld [tilespmem:s12+$0x42D0];
	v54 =	vmul.f32 v40, v40;
	v10 =	vadd.f32 v53, v10;
	v5 =	vadd.f32 v59, v5  }
0x2ea: {  	v44 =	vld [tilespmem:s12+$0xCE70];
	v4 =	vadd.f32 v60, v4;
	v7 =	vadd.f32 v15, v7;
	v15 =	vmul.f32 v26, v26  }
0x2eb: {  	v51 =	vld [tilespmem:s12+$0x4290];
	v6 =	vadd.f32 v23, v6;
	v48 =	vmul.f32 v35, v33;
	v9 =	vmul.f32 v42, v42  }
0x2ec: {  	v58 =	vld [tilespmem:s12+$0xC2A0];
	v24 =	vmul.f32 v49, v49;
	v20 =	vmul.f32 v56, v56;
	v11 =	vadd.f32 v57, v11  }
0x2ed: {  	v61 =	vld [tilespmem:s12+$0xC2B0];
	v10 =	vadd.f32 v62, v10;
	v7 =	vadd.f32 v14, v7;
	v14 =	vmul.f32 v35, v35  }
0x2ee: {  	v63 =	vld [tilespmem:s12+$0x42C0];
	v5 =	vadd.f32 v27, v5;
	v57 =	vmul.f32 v38, v38;
	v62 =	vmul.f32 v49, v47  }
0x2ef: {  	v53 =	vld [tilespmem:s12+$0xC290];
	v4 =	vadd.f32 v28, v4;
	v38 =	vmul.f32 v21, v21;
	v40 =	vmul.f32 v29, v29  }
0x2f0: {  	v60 =	vld [tilespmem:s12+$0x42B0];
	v6 =	vadd.f32 v32, v6;
	v55 =	vmul.f32 v44, v42;
	v13 =	vmul.f32 v51, v51  }
0x2f1: {  	v26 =	vld [tilespmem:s12+$0xC2C0];
	v19 =	vmul.f32 v58, v58;
	v11 =	vadd.f32 v25, v11;
	v10 =	vadd.f32 v30, v10  }
0x2f2: {  	v22 =	vld [tilespmem:s12+$0x42E0];
	v5 =	vadd.f32 v36, v5;
	v7 =	vadd.f32 v15, v7;
	v15 =	vmul.f32 v44, v44  }
0x2f3: {  	v23 =	vld [tilespmem:s12+$0xC2E0];
	v4 =	vadd.f32 v37, v4;
	v25 =	vmul.f32 v47, v47;
	v30 =	vmul.f32 v58, v56  }
0x2f4: {  	v32 =	vld [tilespmem:s12+$0x42F0];
	v6 =	vadd.f32 v41, v6;
	v37 =	vmul.f32 v21, v29;
	v27 =	vmul.f32 v53, v51  }
0x2f5: {  	v8 =	vadd.f32 $0.0e+00, v62;
	v36 =	vld [tilespmem:s12+$0x4680];
	v28 =	vmul.f32 v53, v53;
	v31 =	vmul.f32 v61, v60  }
0x2f6: {  	v41 =	vld [tilespmem:s12+$0x4690];
	v33 =	vmul.f32 v26, v63;
	v11 =	vadd.f32 v34, v11;
	v10 =	vadd.f32 v39, v10  }
0x2f7: {  	v56 =	vld [tilespmem:s12+$0xC6C0];
	v35 =	vmul.f32 v26, v26;
	v5 =	vadd.f32 v45, v5;
	v4 =	vadd.f32 v46, v4  }
0x2f8: {  	v58 =	vld [tilespmem:s12+$0x46D0];
	v42 =	vmul.f32 v23, v22;
	v7 =	vadd.f32 v14, v7;
	v6 =	vadd.f32 v50, v6  }
0x2f9: {  	v29 =	vld [tilespmem:s12+$0xC6F0];
	v44 =	vmul.f32 v23, v23;
	v8 =	vadd.f32 v30, v8;
	v16 =	vadd.f32 v20, v25  }
0x2fa: {  	v34 =	vld [tilespmem:s12+$0xC2F0];
	v45 =	vmul.f32 v22, v22;
	v11 =	vadd.f32 v43, v11;
	v10 =	vadd.f32 v48, v10  }
0x2fb: {  	v39 =	vld [tilespmem:s12+$0xC680];
	v49 =	vmul.f32 v32, v32;
	v5 =	vadd.f32 v54, v5;
	v12 =	vadd.f32 v57, v4  }
0x2fc: {  	v46 =	vld [tilespmem:s12+$0x46A0];
	v7 =	vadd.f32 v15, v7;
	v6 =	vadd.f32 v9, v6;
	v15 =	vmul.f32 v61, v61  }
0x2fd: {  	v50 =	vld [tilespmem:s12+$0x46B0];
	v9 =	vmul.f32 v63, v63;
	v8 =	vadd.f32 v33, v8;
	v17 =	vmul.f32 v36, v36  }
0x2fe: {  	v25 =	vld [tilespmem:s12+$0xC6E0];
	v57 =	vmul.f32 v41, v41;
	v11 =	vadd.f32 v52, v11;
	v59 =	vadd.f32 v55, v10  }
0x2ff: {  	v43 =	vld [tilespmem:s12+$0xC690];
	v30 =	vmul.f32 v56, v56;
	v7 =	vadd.f32 v7, v5;
	v5 =	vadd.f32 v6, v12  }
0x300: {  	v48 =	vld [tilespmem:s12+$0xC6A0];
	v6 =	vadd.f32 $0.0e+00, v27;
	v10 =	vmul.f32 v60, v60;
	v12 =	vadd.f32 v15, v28  }
0x301: {  	v54 =	vld [tilespmem:s12+$0x46C0];
	v9 =	vadd.f32 v9, v16;
	v47 =	vmul.f32 v34, v32;
	v18 =	vmul.f32 v34, v34  }
0x302: {  	v63 =	vld [tilespmem:s12+$0x46E0];
	v8 =	vadd.f32 v42, v8;
	v51 =	vmul.f32 v39, v36;
	v53 =	vmul.f32 v39, v39  }
0x303: {  	v52 =	vld [tilespmem:s12+$0xC6B0];
	v62 =	vmul.f32 v46, v46;
	v26 =	vmul.f32 v50, v50;
	v4 =	vadd.f32 v59, v11  }
0x304: {  	v60 =	vld [tilespmem:s12+$0xC6D0];
	v39 =	vmul.f32 v25, v25;
	v11 =	vadd.f32 v19, v24;
	v6 =	vadd.f32 v31, v6  }
0x305: {  	v27 =	vld [tilespmem:s12+$0x46F0];
	v10 =	vadd.f32 v10, v13;
	v12 =	vadd.f32 v38, v12;
	v55 =	vmul.f32 v43, v41  }
0x306: {  	v32 =	vld [tilespmem:s12+$0x4A80];
	v9 =	vadd.f32 v45, v9;
	v16 =	vmul.f32 v43, v43;
	v59 =	vmul.f32 v48, v46  }
0x307: {  	v34 =	vld [tilespmem:s12+$0xCA80];
	v8 =	vadd.f32 v51, v8;
	v61 =	vmul.f32 v48, v48;
	v28 =	vmul.f32 v56, v54  }
0x308: {  	v36 =	vld [tilespmem:s12+$0x4A90];
	v31 =	vmul.f32 v54, v54;
	v11 =	vadd.f32 v35, v11;
	v6 =	vadd.f32 v37, v6  }
0x309: {  	v38 =	vld [tilespmem:s12+$0xCA90];
	v10 =	vadd.f32 v40, v10;
	v12 =	vadd.f32 v18, v12;
	v35 =	vmul.f32 v58, v58  }
0x30a: {  	s15 =	sshll.u32 s14, $0x4;
	v45 =	vld [tilespmem:s12+$0x4AB0];
	v9 =	vadd.f32 v17, v9;
	v37 =	vmul.f32 v25, v63;
	v40 =	vmul.f32 v63, v63  }
0x30b: {  	v41 =	vld [tilespmem:s12+$0x4AA0];
	[tilespmem:v3+s15+$0x10400 ss:$0x1] =	vst.idx.msk $0xffff, v4;
	v24 =	vmul.f32 v52, v50;
	v18 =	vmul.f32 v52, v52  }
0x30c: {  	v43 =	vld [tilespmem:s12+$0xCAA0];
	v8 =	vadd.f32 v59, v8;
	v33 =	vmul.f32 v60, v58;
	v42 =	vmul.f32 v29, v27  }
0x30d: {  	v54 =	vld [tilespmem:s12+$0x4AD0];
	[tilespmem:v3+s15+$0x12400 ss:$0x1] =	vst.idx.msk $0xffff, v7;
	v11 =	vadd.f32 v44, v11;
	v6 =	vadd.f32 v47, v6  }
0x30e: {  	v56 =	vld [tilespmem:s12+$0xCAD0];
	v10 =	vadd.f32 v49, v10;
	v12 =	vadd.f32 v16, v12;
	v16 =	vmul.f32 v60, v60  }
0x30f: {  	v63 =	vld [tilespmem:s12+$0x4AF0];
	v9 =	vadd.f32 v62, v9;
	v44 =	vmul.f32 v27, v27;
	v46 =	vmul.f32 v34, v32  }
0x310: {  	v25 =	vld [tilespmem:s12+$0xCAF0];
	v48 =	vmul.f32 v34, v34;
	v49 =	vmul.f32 v32, v32;
	v8 =	vadd.f32 v28, v8  }
0x311: {  	v50 =	vld [tilespmem:s12+$0x4AC0];
	v51 =	vmul.f32 v38, v36;
	v62 =	vmul.f32 v45, v45;
	v11 =	vadd.f32 v53, v11  }
0x312: {  	v52 =	vld [tilespmem:s12+$0xCAC0];
	v6 =	vadd.f32 v55, v6;
	v12 =	vadd.f32 v18, v12;
	v18 =	vmul.f32 v29, v29  }
0x313: {  	v59 =	vld [tilespmem:s12+$0x4AE0];
	v10 =	vadd.f32 v57, v10;
	v53 =	vmul.f32 v36, v36;
	v55 =	vmul.f32 v43, v41  }
0x314: {  	v47 =	vld [tilespmem:s12+$0xCAB0];
	v9 =	vadd.f32 v31, v9;
	v57 =	vmul.f32 v43, v43;
	v58 =	vmul.f32 v41, v41  }
0x315: {  	v32 =	vld [tilespmem:s12+$0x4E90];
	v29 =	vmul.f32 v56, v54;
	v8 =	vadd.f32 v37, v8;
	v11 =	vadd.f32 v61, v11  }
0x316: {  	v34 =	vld [tilespmem:s12+$0xCE90];
	v31 =	vmul.f32 v54, v54;
	v6 =	vadd.f32 v24, v6;
	v10 =	vadd.f32 v26, v10  }
0x317: {  	v28 =	vld [tilespmem:s12+$0x4E80];
	v12 =	vadd.f32 v16, v12;
	v16 =	vmul.f32 v38, v38;
	v24 =	vmul.f32 v52, v50  }
0x318: {  	v41 =	vld [tilespmem:s12+$0x4EB0];
	v9 =	vadd.f32 v40, v9;
	v26 =	vmul.f32 v52, v52;
	v27 =	vmul.f32 v50, v50  }
0x319: {  	v43 =	vld [tilespmem:s12+$0xCEB0];
	v36 =	vmul.f32 v59, v59;
	v38 =	vmul.f32 v25, v63;
	v8 =	vadd.f32 v46, v8  }
0x31a: {  	v37 =	vld [tilespmem:s12+$0x4EA0];
	v40 =	vmul.f32 v63, v63;
	v11 =	vadd.f32 v30, v11;
	v6 =	vadd.f32 v33, v6  }
0x31b: {  	v61 =	vld [tilespmem:s12+$0xCAE0];
	v60 =	vmul.f32 v47, v45;
	v10 =	vadd.f32 v35, v10;
	v12 =	vadd.f32 v18, v12  }
0x31c: {  	v50 =	vld [tilespmem:s12+$0x4ED0];
	v9 =	vadd.f32 v49, v9;
	v18 =	vmul.f32 v47, v47;
	v45 =	vmul.f32 v28, v28  }
0x31d: {  	v52 =	vld [tilespmem:s12+$0xCED0];
	v47 =	vmul.f32 v34, v32;
	v8 =	vadd.f32 v55, v8;
	v11 =	vadd.f32 v39, v11  }
0x31e: {  	v46 =	vld [tilespmem:s12+$0x4EC0];
	v49 =	vmul.f32 v32, v32;
	v6 =	vadd.f32 v42, v6;
	v10 =	vadd.f32 v44, v10  }
0x31f: {  	v30 =	vld [tilespmem:s12+$0xCE80];
	v12 =	vadd.f32 v16, v12;
	v16 =	vmul.f32 v56, v56;
	v54 =	vmul.f32 v37, v37  }
0x320: {  	v55 =	vld [tilespmem:s12+$0x4EE0];
	v9 =	vadd.f32 v58, v9;
	v56 =	vmul.f32 v43, v41;
	v58 =	vmul.f32 v41, v41  }
0x321: {  	v39 =	vld [tilespmem:s12+$0xCEA0];
	v8 =	vadd.f32 v24, v8;
	v33 =	vmul.f32 v61, v59;
	v11 =	vadd.f32 v48, v11  }
0x322: {  	v41 =	vld [tilespmem:s12+$0x4340];
	v35 =	vmul.f32 v61, v61;
	v6 =	vadd.f32 v51, v6;
	v10 =	vadd.f32 v53, v10  }
0x323: {  	v59 =	vld [tilespmem:s12+$0x4EF0];
	v12 =	vadd.f32 v18, v12;
	v18 =	vmul.f32 v25, v25;
	v63 =	vmul.f32 v46, v46  }
0x324: {  	v61 =	vld [tilespmem:s12+$0xCEF0];
	v9 =	vadd.f32 v27, v9;
	v25 =	vmul.f32 v52, v50;
	v27 =	vmul.f32 v50, v50  }
0x325: {  	v24 =	vld [tilespmem:s12+$0x4300];
	v8 =	vadd.f32 v33, v8;
	v42 =	vmul.f32 v30, v28;
	v11 =	vadd.f32 v57, v11  }
0x326: {  	v48 =	vld [tilespmem:s12+$0xCEC0];
	v44 =	vmul.f32 v30, v30;
	v6 =	vadd.f32 v60, v6;
	v10 =	vadd.f32 v62, v10  }
0x327: {  	v50 =	vld [tilespmem:s12+$0xC350];
	v12 =	vadd.f32 v16, v12;
	v9 =	vadd.f32 v36, v9;
	v16 =	vmul.f32 v34, v34  }
0x328: {  	v28 =	vld [tilespmem:s12+$0x4310];
	v34 =	vmul.f32 v55, v55;
	v8 =	vadd.f32 v42, v8;
	v51 =	vmul.f32 v39, v37  }
0x329: {  	v30 =	vld [tilespmem:s12+$0xC310];
	v53 =	vmul.f32 v39, v39;
	v11 =	vadd.f32 v26, v11;
	v6 =	vadd.f32 v29, v6  }
0x32a: {  	v33 =	vld [tilespmem:s12+$0x4320];
	v15 =	vmul.f32 v41, v41;
	v10 =	vadd.f32 v31, v10;
	v12 =	vadd.f32 v18, v12  }
0x32b: {  	v57 =	vld [tilespmem:s12+$0xCEE0];
	v9 =	vadd.f32 v45, v9;
	v18 =	vmul.f32 v43, v43;
	v32 =	vmul.f32 v61, v59  }
0x32c: {  	v37 =	vld [tilespmem:s12+$0x4330];
	v36 =	vmul.f32 v59, v59;
	v43 =	vmul.f32 v24, v24;
	v8 =	vadd.f32 v51, v8  }
0x32d: {  	v39 =	vld [tilespmem:s12+$0xC330];
	v60 =	vmul.f32 v48, v46;
	v62 =	vmul.f32 v48, v48;
	v11 =	vadd.f32 v35, v11  }
0x32e: {  	v26 =	vld [tilespmem:s12+$0xC300];
	v20 =	vmul.f32 v50, v50;
	v6 =	vadd.f32 v38, v6;
	v10 =	vadd.f32 v40, v10  }
0x32f: {  	v46 =	vld [tilespmem:s12+$0x4350];
	v12 =	vadd.f32 v16, v12;
	v16 =	vmul.f32 v52, v52;
	v45 =	vmul.f32 v30, v28  }
0x330: {  	v9 =	vadd.f32 v54, v9;
	v35 =	vld [tilespmem:s12+$0xC320];
	v48 =	vmul.f32 v28, v28;
	v52 =	vmul.f32 v33, v33  }
0x331: {  	v28 =	vld [tilespmem:s12+$0xC710];
	v8 =	vadd.f32 v60, v8;
	v29 =	vmul.f32 v57, v55;
	v11 =	vadd.f32 v44, v11  }
0x332: {  	v31 =	vmul.f32 v57, v57;
	v55 =	vld [tilespmem:s12+$0xC360];
	v6 =	vadd.f32 v47, v6;
	v10 =	vadd.f32 v49, v10  }
0x333: {  	v60 =	vld [tilespmem:s12+$0xC370];
	v12 =	vadd.f32 v18, v12;
	v9 =	vadd.f32 v63, v9;
	v18 =	vmul.f32 v61, v61  }
0x334: {  	[tilespmem:v3+s15+$0x14400 ss:$0x1] =	vst.idx.msk $0xffff, v5;
	v44 =	vld [tilespmem:s12+$0xC340];
	v5 =	vadd.f32 $0.0e+00, v45;
	v54 =	vmul.f32 v39, v37;
	v57 =	vmul.f32 v37, v37  }
0x335: {  	v37 =	vld [tilespmem:s12+$0xC730];
	v8 =	vadd.f32 v29, v8;
	v40 =	vmul.f32 v26, v24;
	v11 =	vadd.f32 v53, v11  }
0x336: {  	v45 =	vld [tilespmem:s12+$0xC750];
	v42 =	vmul.f32 v26, v26;
	v6 =	vadd.f32 v56, v6;
	v10 =	vadd.f32 v58, v10  }
0x337: {  	v24 =	vld [tilespmem:s12+$0xC700];
	v12 =	vadd.f32 v16, v12;
	v4 =	vadd.f32 v34, v9;
	v16 =	vmul.f32 v30, v30  }
0x338: {  	v26 =	vld [tilespmem:s12+$0x4710];
	v56 =	vadd.f32 v52, v43;
	v5 =	vadd.f32 v54, v5;
	v63 =	vmul.f32 v50, v46  }
0x339: {  	v53 =	vld [tilespmem:s12+$0x4360];
	v47 =	vadd.f32 $0.0e+00, v40;
	v49 =	vmul.f32 v35, v33;
	v51 =	vmul.f32 v35, v35  }
0x33a: {  	v58 =	vld [tilespmem:s12+$0x4370];
	v19 =	vmul.f32 v28, v28;
	v11 =	vadd.f32 v62, v11;
	v6 =	vadd.f32 v25, v6  }
0x33b: {  	v43 =	vld [tilespmem:s12+$0x4750];
	v10 =	vadd.f32 v27, v10;
	v38 =	vadd.f32 v18, v12;
	v12 =	vmul.f32 v39, v39  }
0x33c: {  	v50 =	vld [tilespmem:s12+$0xC760];
	v25 =	vmul.f32 v46, v46;
	v5 =	vadd.f32 v63, v5;
	v29 =	vmul.f32 v55, v55  }
0x33d: {  	v52 =	vld [tilespmem:s12+$0x4770];
	v7 =	vadd.f32 v49, v47;
	v9 =	vadd.f32 v51, v42;
	v59 =	vmul.f32 v44, v41  }
0x33e: {  	v54 =	vld [tilespmem:s12+$0xC770];
	v61 =	vmul.f32 v44, v44;
	v11 =	vadd.f32 v31, v11;
	v6 =	vadd.f32 v32, v6  }
0x33f: {  	v33 =	vld [tilespmem:s12+$0xC720];
	v10 =	vadd.f32 v36, v10;
	v12 =	vadd.f32 v12, v16;
	v16 =	vmul.f32 v60, v60  }
0x340: {  	v35 =	vld [tilespmem:s12+$0x4730];
	v40 =	vmul.f32 v28, v26;
	v42 =	vmul.f32 v26, v26;
	v7 =	vadd.f32 v59, v7  }
0x341: {  	v62 =	vld [tilespmem:s12+$0x4700];
	v9 =	vadd.f32 v61, v9;
	v27 =	vmul.f32 v55, v53;
	v30 =	vmul.f32 v53, v53  }
0x342: {  	v39 =	vld [tilespmem:s12+$0x4740];
	v32 =	vmul.f32 v60, v58;
	v34 =	vmul.f32 v58, v58;
	v8 =	vadd.f32 v6, v8  }
0x343: {  	v63 =	vld [tilespmem:s12+$0xCB10];
	v58 =	vmul.f32 v45, v43;
	v6 =	vadd.f32 v38, v11;
	v4 =	vadd.f32 v10, v4  }
0x344: {  	v41 =	vld [tilespmem:s12+$0xC740];
	v60 =	vmul.f32 v43, v43;
	v11 =	vadd.f32 v57, v48;
	v10 =	vadd.f32 v15, v56  }
0x345: {  	v31 =	vld [tilespmem:s12+$0x4720];
	v12 =	vadd.f32 v20, v12;
	v38 =	vmul.f32 v24, v24;
	v46 =	vmul.f32 v33, v33  }
0x346: {  	v26 =	vld [tilespmem:s12+$0x4B20];
	v49 =	vmul.f32 v37, v35;
	v51 =	vmul.f32 v35, v35;
	v7 =	vadd.f32 v27, v7  }
0x347: {  	v28 =	vld [tilespmem:s12+$0xCB20];
	v9 =	vadd.f32 v29, v9;
	v36 =	vmul.f32 v24, v62;
	v18 =	vmul.f32 v62, v62  }
0x348: {  	v59 =	vld [tilespmem:s12+$0xCB00];
	v5 =	vadd.f32 v32, v5;
	v56 =	vmul.f32 v39, v39;
	v24 =	vmul.f32 v50, v50  }
0x349: {  	v61 =	vld [tilespmem:s12+$0x4B10];
	v27 =	vmul.f32 v54, v52;
	v29 =	vmul.f32 v52, v52;
	v11 =	vadd.f32 v25, v11  }
0x34a: {  	v48 =	vld [tilespmem:s12+$0x4760];
	v10 =	vadd.f32 v30, v10;
	v12 =	vadd.f32 v16, v12;
	v16 =	vmul.f32 v37, v37  }
0x34b: {  	v57 =	vld [tilespmem:s12+$0x4B00];
	v53 =	vmul.f32 v41, v39;
	v55 =	vmul.f32 v41, v41;
	[tilespmem:v3+s15+$0x10410 ss:$0x1] =	vst.idx.msk $0xffff, v8  }
0x34c: {  	v35 =	vld [tilespmem:s12+$0x4B40];
	v7 =	vadd.f32 v36, v7;
	v9 =	vadd.f32 v38, v9;
	v44 =	vmul.f32 v33, v31  }
0x34d: {  	v32 =	vld [tilespmem:s12+$0xCB30];
	v5 =	vadd.f32 v40, v5;
	v47 =	vmul.f32 v31, v31;
	v40 =	vmul.f32 v28, v26  }
0x34e: {  	v30 =	vld [tilespmem:s12+$0x4B30];
	v43 =	vmul.f32 v26, v26;
	[tilespmem:v3+s15+$0x12410 ss:$0x1] =	vst.idx.msk $0xffff, v6;
	v11 =	vadd.f32 v34, v11  }
0x34f: {  	v37 =	vld [tilespmem:s12+$0xCB40];
	v10 =	vadd.f32 v18, v10;
	v18 =	vmul.f32 v45, v45;
	v33 =	vmul.f32 v59, v59  }
0x350: {  	v39 =	vld [tilespmem:s12+$0x4B50];
	v12 =	vadd.f32 v19, v12;
	v36 =	vmul.f32 v63, v61;
	v38 =	vmul.f32 v61, v61  }
0x351: {  	v41 =	vld [tilespmem:s12+$0xCB50];
	v7 =	vadd.f32 v44, v7;
	v9 =	vadd.f32 v46, v9;
	v62 =	vmul.f32 v50, v48  }
0x352: {  	v26 =	vld [tilespmem:s12+$0x4F30];
	v5 =	vadd.f32 v49, v5;
	v25 =	vmul.f32 v48, v48;
	v31 =	vmul.f32 v59, v57  }
0x353: {  	v34 =	vmul.f32 v57, v57;
	v44 =	vld [tilespmem:s12+$0x4B60];
	v52 =	vmul.f32 v35, v35;
	v11 =	vadd.f32 v42, v11  }
0x354: {  	v46 =	vld [tilespmem:s12+$0xCB60];
	v10 =	vadd.f32 v47, v10;
	v12 =	vadd.f32 v16, v12;
	v16 =	vmul.f32 v54, v54  }
0x355: {  	v48 =	vld [tilespmem:s12+$0x4B70];
	v42 =	vmul.f32 v28, v28;
	v7 =	vadd.f32 v53, v7;
	v9 =	vadd.f32 v55, v9  }
0x356: {  	v50 =	vld [tilespmem:s12+$0xCB70];
	v5 =	vadd.f32 v58, v5;
	v45 =	vmul.f32 v32, v30;
	v47 =	vmul.f32 v30, v30  }
0x357: {  	v57 =	vld [tilespmem:s12+$0x4F10];
	v49 =	vmul.f32 v37, v35;
	v54 =	vmul.f32 v41, v39;
	v11 =	vadd.f32 v51, v11  }
0x358: {  	v59 =	vld [tilespmem:s12+$0xCF10];
	v10 =	vadd.f32 v56, v10;
	v12 =	vadd.f32 v18, v12;
	v18 =	vmul.f32 v63, v63  }
0x359: {  	v28 =	vld [tilespmem:s12+$0xCF30];
	v51 =	vmul.f32 v37, v37;
	v7 =	vadd.f32 v62, v7;
	v9 =	vadd.f32 v24, v9  }
0x35a: {  	v53 =	vld [tilespmem:s12+$0x4F00];
	v56 =	vmul.f32 v39, v39;
	v5 =	vadd.f32 v27, v5;
	v11 =	vadd.f32 v60, v11  }
0x35b: {  	v55 =	vld [tilespmem:s12+$0xCF00];
	v12 =	vadd.f32 v16, v12;
	v16 =	vmul.f32 v32, v32;
	v58 =	vmul.f32 v46, v44  }
0x35c: {  	v35 =	vld [tilespmem:s12+$0x4F50];
	v10 =	vadd.f32 v25, v10;
	v60 =	vmul.f32 v46, v46;
	v61 =	vmul.f32 v44, v44  }
0x35d: {  	v37 =	vld [tilespmem:s12+$0xCF50];
	v63 =	vmul.f32 v50, v48;
	v25 =	vmul.f32 v48, v48;
	v7 =	vadd.f32 v31, v7  }
0x35e: {  	v62 =	vld [tilespmem:s12+$0x4F20];
	v32 =	vmul.f32 v59, v57;
	v9 =	vadd.f32 v33, v9;
	v5 =	vadd.f32 v36, v5  }
0x35f: {  	v24 =	vld [tilespmem:s12+$0xCF20];
	v11 =	vadd.f32 v29, v11;
	v12 =	vadd.f32 v18, v12;
	v18 =	vmul.f32 v41, v41  }
0x360: {  	v44 =	vld [tilespmem:s12+$0x4F70];
	v10 =	vadd.f32 v34, v10;
	v27 =	vmul.f32 v55, v53;
	v29 =	vmul.f32 v55, v55  }
0x361: {  	v46 =	vld [tilespmem:s12+$0xCF70];
	v30 =	vmul.f32 v53, v53;
	v34 =	vmul.f32 v57, v57;
	v7 =	vadd.f32 v40, v7  }
0x362: {  	v31 =	vld [tilespmem:s12+$0x4F40];
	v41 =	vmul.f32 v28, v26;
	v9 =	vadd.f32 v42, v9;
	v5 =	vadd.f32 v45, v5  }
0x363: {  	v33 =	vld [tilespmem:s12+$0xCF40];
	v11 =	vadd.f32 v38, v11;
	v12 =	vadd.f32 v16, v12;
	v16 =	vmul.f32 v50, v50  }
0x364: {  	v10 =	vadd.f32 v43, v10;
	v36 =	vmul.f32 v24, v62;
	v38 =	vmul.f32 v24, v24  }
0x365: {  	v53 =	vld [tilespmem:s12+$0x4390];
	v39 =	vmul.f32 v62, v62;
	v43 =	vmul.f32 v26, v26;
	v7 =	vadd.f32 v49, v7  }
0x366: {  	v40 =	vld [tilespmem:s12+$0x4F60];
	v50 =	vmul.f32 v37, v35;
	v9 =	vadd.f32 v51, v9;
	v5 =	vadd.f32 v54, v5  }
0x367: {  	v42 =	vld [tilespmem:s12+$0xCF60];
	v57 =	vmul.f32 v46, v44;
	v11 =	vadd.f32 v47, v11;
	v10 =	vadd.f32 v52, v10  }
0x368: {  	v12 =	vadd.f32 v18, v12;
	v18 =	vmul.f32 v59, v59;
	v45 =	vmul.f32 v33, v31  }
0x369: {  	v55 =	vld [tilespmem:s12+$0xC390];
	v47 =	vmul.f32 v33, v33;
	v48 =	vmul.f32 v31, v31;
	v7 =	vadd.f32 v58, v7  }
0x36a: {  	v62 =	vld [tilespmem:s12+$0x43B0];
	v52 =	vmul.f32 v35, v35;
	v9 =	vadd.f32 v60, v9;
	v5 =	vadd.f32 v63, v5  }
0x36b: {  	v49 =	vld [tilespmem:s12+$0x4380];
	v33 =	vmul.f32 v53, v53;
	v11 =	vadd.f32 v56, v11;
	v10 =	vadd.f32 v61, v10  }
0x36c: {  	v51 =	vld [tilespmem:s12+$0xC380];
	v12 =	vadd.f32 v16, v12;
	v16 =	vmul.f32 v28, v28;
	v54 =	vmul.f32 v42, v40  }
0x36d: {  	v31 =	vld [tilespmem:s12+$0x43D0];
	v56 =	vmul.f32 v42, v42;
	v59 =	vmul.f32 v40, v40;
	v7 =	vadd.f32 v27, v7  }
0x36e: {  	v35 =	vld [tilespmem:s12+$0xC3D0];
	v61 =	vmul.f32 v44, v44;
	v9 =	vadd.f32 v29, v9;
	v5 =	vadd.f32 v32, v5  }
0x36f: {  	v58 =	vld [tilespmem:s12+$0x43A0];
	v29 =	vmul.f32 v55, v53;
	v42 =	vmul.f32 v62, v62;
	v11 =	vadd.f32 v25, v11  }
0x370: {  	v60 =	vld [tilespmem:s12+$0xC3A0];
	v10 =	vadd.f32 v30, v10;
	v12 =	vadd.f32 v18, v12;
	v18 =	vmul.f32 v37, v37  }
0x371: {  	v63 =	vld [tilespmem:s12+$0xC3B0];
	v24 =	vmul.f32 v51, v49;
	v26 =	vmul.f32 v51, v51;
	v7 =	vadd.f32 v36, v7  }
0x372: {  	v28 =	vld [tilespmem:s12+$0xC3C0];
	v27 =	vmul.f32 v49, v49;
	v9 =	vadd.f32 v38, v9;
	v5 =	vadd.f32 v41, v5  }
0x373: {  	[tilespmem:v3+s15+$0x14410 ss:$0x1] =	vst.idx.msk $0xffff, v4;
	v40 =	vld [tilespmem:s12+$0xC3E0];
	v30 =	vmul.f32 v55, v55;
	v4 =	vadd.f32 $0.0e+00, v29;
	v11 =	vadd.f32 v34, v11  }
0x374: {  	v53 =	vld [tilespmem:s12+$0xC790];
	v20 =	vmul.f32 v35, v35;
	v10 =	vadd.f32 v39, v10;
	v12 =	vadd.f32 v16, v12  }
0x375: {  	v25 =	vld [tilespmem:s12+$0x43C0];
	v16 =	vmul.f32 v46, v46;
	v32 =	vadd.f32 $0.0e+00, v24;
	v34 =	vmul.f32 v60, v58  }
0x376: {  	v49 =	vld [tilespmem:s12+$0xC780];
	v36 =	vmul.f32 v60, v60;
	v37 =	vmul.f32 v58, v58;
	v7 =	vadd.f32 v45, v7  }
0x377: {  	v51 =	vld [tilespmem:s12+$0x4790];
	v39 =	vmul.f32 v63, v62;
	v9 =	vadd.f32 v47, v9;
	v5 =	vadd.f32 v50, v5  }
0x378: {  	v38 =	vld [tilespmem:s12+$0x43E0];
	v14 =	vmul.f32 v63, v63;
	v11 =	vadd.f32 v43, v11;
	v10 =	vadd.f32 v48, v10  }
0x379: {  	v58 =	vld [tilespmem:s12+$0xC7A0];
	v46 =	vmul.f32 v28, v28;
	v12 =	vadd.f32 v18, v12;
	v6 =	vadd.f32 v34, v32  }
0x37a: {  	v60 =	vld [tilespmem:s12+$0x47B0];
	v50 =	vmul.f32 v31, v31;
	v41 =	vadd.f32 v37, v27;
	v4 =	vadd.f32 v39, v4  }
0x37b: {  	v62 =	vld [tilespmem:s12+$0xC7B0];
	v48 =	vmul.f32 v35, v31;
	v18 =	vmul.f32 v53, v53;
	v7 =	vadd.f32 v54, v7  }
0x37c: {  	v45 =	vld [tilespmem:s12+$0xC3F0];
	v9 =	vadd.f32 v56, v9;
	v5 =	vadd.f32 v57, v5;
	v44 =	vmul.f32 v28, v25  }
0x37d: {  	v47 =	vld [tilespmem:s12+$0x4780];
	v54 =	vmul.f32 v40, v40;
	v63 =	vmul.f32 v49, v49;
	v11 =	vadd.f32 v52, v11  }
0x37e: {  	v43 =	vld [tilespmem:s12+$0x43F0];
	v27 =	vmul.f32 v51, v51;
	v10 =	vadd.f32 v59, v10;
	v12 =	vadd.f32 v16, v12  }
0x37f: {  	v35 =	vld [tilespmem:s12+$0xC7E0];
	v16 =	vmul.f32 v25, v25;
	v4 =	vadd.f32 v48, v4;
	v52 =	vmul.f32 v40, v38  }
0x380: {  	v37 =	vld [tilespmem:s12+$0x47F0];
	v55 =	vmul.f32 v38, v38;
	v25 =	vmul.f32 v53, v51;
	v8 =	vadd.f32 v5, v7  }
0x381: {  	v39 =	vld [tilespmem:s12+$0xC7F0];
	v6 =	vadd.f32 v44, v6;
	v31 =	vmul.f32 v58, v58;
	v34 =	vmul.f32 v62, v60  }
0x382: {  	v24 =	vld [tilespmem:s12+$0x47C0];
	v11 =	vadd.f32 v61, v11;
	v7 =	vadd.f32 v12, v9;
	v15 =	vmul.f32 v45, v45  }
0x383: {  	v56 =	vld [tilespmem:s12+$0x47A0];
	v9 =	vadd.f32 v36, v26;
	v61 =	vmul.f32 v49, v47;
	v19 =	vmul.f32 v47, v47  }
0x384: {  	v28 =	vld [tilespmem:s12+$0x47D0];
	v12 =	vadd.f32 v42, v33;
	v36 =	vmul.f32 v60, v60;
	v57 =	vmul.f32 v45, v43  }
0x385: {  	v51 =	vld [tilespmem:s12+$0x4BA0];
	v6 =	vadd.f32 v52, v6;
	v59 =	vmul.f32 v43, v43;
	v49 =	vmul.f32 v35, v35  }
0x386: {  	v44 =	vld [tilespmem:s12+$0xCB80];
	v52 =	vmul.f32 v39, v37;
	v5 =	vadd.f32 v11, v10;
	v11 =	vadd.f32 v14, v30  }
0x387: {  	v26 =	vld [tilespmem:s12+$0xC7C0];
	[tilespmem:v3+s15+$0x10420 ss:$0x1] =	vst.idx.msk $0xffff, v8;
	v9 =	vadd.f32 v46, v9;
	v10 =	vadd.f32 v16, v41  }
0x388: {  	v33 =	vld [tilespmem:s12+$0x47E0];
	v12 =	vadd.f32 v50, v12;
	v29 =	vmul.f32 v58, v56;
	v32 =	vmul.f32 v56, v56  }
0x389: {  	v42 =	vld [tilespmem:s12+$0x4B80];
	v41 =	vmul.f32 v24, v24;
	v45 =	vmul.f32 v28, v28;
	v4 =	vadd.f32 v57, v4  }
0x38a: {  	v53 =	vld [tilespmem:s12+$0xCBA0];
	[tilespmem:v3+s15+$0x12420 ss:$0x1] =	vst.idx.msk $0xffff, v7;
	v6 =	vadd.f32 v61, v6;
	v11 =	vadd.f32 v20, v11  }
0x38b: {  	v60 =	vld [tilespmem:s12+$0x4BC0];
	v9 =	vadd.f32 v54, v9;
	v10 =	vadd.f32 v55, v10;
	v54 =	vmul.f32 v37, v37  }
0x38c: {  	v48 =	vld [tilespmem:s12+$0xCB90];
	v12 =	vadd.f32 v59, v12;
	v58 =	vmul.f32 v44, v44;
	v38 =	vmul.f32 v26, v24  }
0x38d: {  	v30 =	vld [tilespmem:s12+$0xC7D0];
	v4 =	vadd.f32 v25, v4;
	v40 =	vmul.f32 v26, v26;
	v47 =	vmul.f32 v35, v33  }
0x38e: {  	v46 =	vld [tilespmem:s12+$0x4B90];
	v6 =	vadd.f32 v29, v6;
	v50 =	vmul.f32 v33, v33;
	v56 =	vmul.f32 v44, v42  }
0x38f: {  	v57 =	vld [tilespmem:s12+$0xCBB0];
	v59 =	vmul.f32 v42, v42;
	v25 =	vmul.f32 v53, v51;
	v11 =	vadd.f32 v15, v11  }
0x390: {  	v55 =	vld [tilespmem:s12+$0x4BB0];
	v37 =	vmul.f32 v60, v60;
	v9 =	vadd.f32 v63, v9;
	v10 =	vadd.f32 v19, v10  }
0x391: {  	v24 =	vld [tilespmem:s12+$0x4BD0];
	v12 =	vadd.f32 v27, v12;
	v15 =	vmul.f32 v62, v62;
	v27 =	vmul.f32 v53, v53  }
0x392: {  	v26 =	vld [tilespmem:s12+$0xCBD0];
	v4 =	vadd.f32 v34, v4;
	v6 =	vadd.f32 v38, v6;
	v43 =	vmul.f32 v30, v28  }
0x393: {  	v29 =	vld [tilespmem:s12+$0x4BE0];
	v61 =	vmul.f32 v48, v46;
	v63 =	vmul.f32 v46, v46;
	v11 =	vadd.f32 v18, v11  }
0x394: {  	v33 =	vld [tilespmem:s12+$0x4BF0];
	v28 =	vmul.f32 v51, v51;
	v9 =	vadd.f32 v31, v9;
	v10 =	vadd.f32 v32, v10  }
0x395: {  	v62 =	vld [tilespmem:s12+$0xCBC0];
	v12 =	vadd.f32 v36, v12;
	v18 =	vmul.f32 v30, v30;
	v4 =	vadd.f32 v43, v4  }
0x396: {  	v35 =	vld [tilespmem:s12+$0xCBF0];
	v6 =	vadd.f32 v47, v6;
	v30 =	vmul.f32 v57, v55;
	v11 =	vadd.f32 v15, v11  }
0x397: {  	v42 =	vld [tilespmem:s12+$0x4F90];
	v32 =	vmul.f32 v55, v55;
	v9 =	vadd.f32 v40, v9;
	v10 =	vadd.f32 v41, v10  }
0x398: {  	v38 =	vld [tilespmem:s12+$0x4F80];
	v12 =	vadd.f32 v45, v12;
	v15 =	vmul.f32 v39, v39;
	v39 =	vmul.f32 v26, v24  }
0x399: {  	v31 =	vld [tilespmem:s12+$0xCBE0];
	v41 =	vmul.f32 v24, v24;
	v46 =	vmul.f32 v29, v29;
	v4 =	vadd.f32 v52, v4  }
0x39a: {  	v44 =	vld [tilespmem:s12+$0xCF90];
	v6 =	vadd.f32 v56, v6;
	v34 =	vmul.f32 v62, v60;
	v11 =	vadd.f32 v18, v11  }
0x39b: {  	v53 =	vld [tilespmem:s12+$0xCFB0];
	v36 =	vmul.f32 v62, v62;
	v9 =	vadd.f32 v49, v9;
	v10 =	vadd.f32 v50, v10  }
0x39c: {  	v47 =	vld [tilespmem:s12+$0x4FA0];
	v12 =	vadd.f32 v54, v12;
	v18 =	vmul.f32 v48, v48;
	v48 =	vmul.f32 v35, v33  }
0x39d: {  	v40 =	vld [tilespmem:s12+$0xCF80];
	v50 =	vmul.f32 v33, v33;
	v55 =	vmul.f32 v38, v38;
	v4 =	vadd.f32 v61, v4  }
0x39e: {  	v51 =	vld [tilespmem:s12+$0x4FB0];
	v6 =	vadd.f32 v25, v6;
	v43 =	vmul.f32 v31, v29;
	v11 =	vadd.f32 v15, v11  }
0x39f: {  	v56 =	vld [tilespmem:s12+$0x4FC0];
	v45 =	vmul.f32 v31, v31;
	v9 =	vadd.f32 v58, v9;
	v10 =	vadd.f32 v59, v10  }
0x3a0: {  	v60 =	vld [tilespmem:s12+$0x4FD0];
	v12 =	vadd.f32 v63, v12;
	v15 =	vmul.f32 v57, v57;
	v57 =	vmul.f32 v44, v42  }
0x3a1: {  	v49 =	vld [tilespmem:s12+$0xCFA0];
	v59 =	vmul.f32 v42, v42;
	v24 =	vmul.f32 v47, v47;
	v4 =	vadd.f32 v30, v4  }
0x3a2: {  	v62 =	vld [tilespmem:s12+$0xCFD0];
	v6 =	vadd.f32 v34, v6;
	v52 =	vmul.f32 v40, v38;
	v11 =	vadd.f32 v18, v11  }
0x3a3: {  	v29 =	vld [tilespmem:s12+$0x4FF0];
	v54 =	vmul.f32 v40, v40;
	v9 =	vadd.f32 v27, v9;
	v10 =	vadd.f32 v28, v10  }
0x3a4: {  	v31 =	vld [tilespmem:s12+$0xCFF0];
	v12 =	vadd.f32 v32, v12;
	v18 =	vmul.f32 v26, v26;
	v26 =	vmul.f32 v53, v51  }
0x3a5: {  	v58 =	vld [tilespmem:s12+$0xCFC0];
	v28 =	vmul.f32 v51, v51;
	v33 =	vmul.f32 v56, v56;
	v4 =	vadd.f32 v39, v4  }
0x3a6: {  	v25 =	vld [tilespmem:s12+$0x4FE0];
	v6 =	vadd.f32 v43, v6;
	v61 =	vmul.f32 v49, v47;
	v11 =	vadd.f32 v15, v11  }
0x3a7: {  	v34 =	vld [tilespmem:s12+$0x4400];
	v63 =	vmul.f32 v49, v49;
	v9 =	vadd.f32 v36, v9;
	v10 =	vadd.f32 v37, v10  }
0x3a8: {  	v38 =	vld [tilespmem:s12+$0x4410];
	v12 =	vadd.f32 v41, v12;
	v15 =	vmul.f32 v35, v35;
	v35 =	vmul.f32 v62, v60  }
0x3a9: {  	v27 =	vld [tilespmem:s12+$0xCFE0];
	v37 =	vmul.f32 v60, v60;
	v42 =	vmul.f32 v31, v29;
	v4 =	vadd.f32 v48, v4  }
0x3aa: {  	v40 =	vld [tilespmem:s12+$0xC410];
	v6 =	vadd.f32 v52, v6;
	v30 =	vmul.f32 v58, v56;
	v32 =	vmul.f32 v58, v58  }
0x3ab: {  	v43 =	vld [tilespmem:s12+$0x4420];
	v11 =	vadd.f32 v18, v11;
	v9 =	vadd.f32 v45, v9;
	v18 =	vmul.f32 v44, v44  }
0x3ac: {  	v47 =	vld [tilespmem:s12+$0x4430];
	v10 =	vadd.f32 v46, v10;
	v44 =	vmul.f32 v25, v25;
	v46 =	vmul.f32 v29, v29  }
0x3ad: {  	v36 =	vld [tilespmem:s12+$0xC400];
	v12 =	vadd.f32 v50, v12;
	v52 =	vmul.f32 v34, v34;
	v58 =	vmul.f32 v38, v38  }
0x3ae: {  	v60 =	vld [tilespmem:s12+$0xC450];
	v4 =	vadd.f32 v57, v4;
	v6 =	vadd.f32 v61, v6;
	v39 =	vmul.f32 v27, v25  }
0x3af: {  	v48 =	vld [tilespmem:s12+$0xC430];
	v41 =	vmul.f32 v27, v27;
	v11 =	vadd.f32 v15, v11;
	v9 =	vadd.f32 v54, v9  }
0x3b0: {  	v56 =	vld [tilespmem:s12+$0x4450];
	v10 =	vadd.f32 v55, v10;
	v15 =	vmul.f32 v53, v53;
	v54 =	vmul.f32 v40, v38  }
0x3b1: {  	v45 =	vld [tilespmem:s12+$0xC420];
	v12 =	vadd.f32 v59, v12;
	v55 =	vmul.f32 v40, v40;
	v27 =	vmul.f32 v47, v47  }
0x3b2: {  	v50 =	vld [tilespmem:s12+$0x4440];
	v4 =	vadd.f32 v26, v4;
	v6 =	vadd.f32 v30, v6;
	v49 =	vmul.f32 v36, v34  }
0x3b3: {  	v25 =	vld [tilespmem:s12+$0xC460];
	v51 =	vmul.f32 v36, v36;
	v11 =	vadd.f32 v18, v11;
	v9 =	vadd.f32 v63, v9  }
0x3b4: {  	v53 =	vld [tilespmem:s12+$0xC440];
	v20 =	vmul.f32 v60, v60;
	v10 =	vadd.f32 v24, v10;
	v12 =	vadd.f32 v28, v12  }
0x3b5: {  	[tilespmem:v3+s15+$0x14420 ss:$0x1] =	vst.idx.msk $0xffff, v5;
	v38 =	vld [tilespmem:s12+$0xC810];
	v18 =	vmul.f32 v62, v62;
	v5 =	vadd.f32 $0.0e+00, v54;
	v62 =	vmul.f32 v43, v43  }
0x3b6: {  	v30 =	vld [tilespmem:s12+$0xC470];
	v24 =	vmul.f32 v48, v47;
	v14 =	vmul.f32 v48, v48;
	v4 =	vadd.f32 v35, v4  }
0x3b7: {  	v34 =	vld [tilespmem:s12+$0xC800];
	v6 =	vadd.f32 v39, v6;
	v57 =	vadd.f32 $0.0e+00, v49;
	v59 =	vmul.f32 v45, v43  }
0x3b8: {  	v36 =	vld [tilespmem:s12+$0x4810];
	v61 =	vmul.f32 v45, v45;
	v11 =	vadd.f32 v15, v11;
	v9 =	vadd.f32 v32, v9  }
0x3b9: {  	v63 =	vld [tilespmem:s12+$0x4460];
	v35 =	vmul.f32 v56, v56;
	v10 =	vadd.f32 v33, v10;
	v12 =	vadd.f32 v37, v12  }
0x3ba: {  	v28 =	vld [tilespmem:s12+$0x4470];
	v15 =	vmul.f32 v31, v31;
	v26 =	vadd.f32 v62, v52;
	v5 =	vadd.f32 v24, v5  }
0x3bb: {  	v47 =	vld [tilespmem:s12+$0xC830];
	v33 =	vmul.f32 v60, v56;
	v39 =	vmul.f32 v25, v25;
	v4 =	vadd.f32 v42, v4  }
0x3bc: {  	v43 =	vld [tilespmem:s12+$0xC820];
	v7 =	vadd.f32 v59, v57;
	v29 =	vmul.f32 v53, v50;
	v11 =	vadd.f32 v18, v11  }
0x3bd: {  	v45 =	vld [tilespmem:s12+$0x4830];
	v31 =	vmul.f32 v53, v53;
	v9 =	vadd.f32 v41, v9;
	v10 =	vadd.f32 v44, v10  }
0x3be: {  	v32 =	vld [tilespmem:s12+$0x4800];
	v12 =	vadd.f32 v46, v12;
	v16 =	vmul.f32 v30, v30;
	v48 =	vmul.f32 v34, v34  }
0x3bf: {  	v60 =	vld [tilespmem:s12+$0xC860];
	v5 =	vadd.f32 v33, v5;
	v18 =	vmul.f32 v38, v38;
	v52 =	vmul.f32 v36, v36  }
0x3c0: {  	v62 =	vld [tilespmem:s12+$0x4870];
	v8 =	vadd.f32 v4, v6;
	v37 =	vmul.f32 v25, v63;
	v40 =	vmul.f32 v63, v63  }
0x3c1: {  	v24 =	vld [tilespmem:s12+$0xC870];
	v7 =	vadd.f32 v29, v7;
	v42 =	vmul.f32 v30, v28;
	v44 =	vmul.f32 v28, v28  }
0x3c2: {  	v11 =	vadd.f32 v15, v11;
	v4 =	vadd.f32 v12, v10;
	v15 =	vmul.f32 v50, v50  }
0x3c3: {  	v49 =	vld [tilespmem:s12+$0x4840];
	v12 =	vadd.f32 v14, v55;
	v50 =	vmul.f32 v38, v36;
	v56 =	vmul.f32 v43, v43  }
0x3c4: {  	v53 =	vld [tilespmem:s12+$0x4850];
	v59 =	vmul.f32 v47, v45;
	v7 =	vadd.f32 v37, v7;
	v46 =	vmul.f32 v34, v32  }
0x3c5: {  	v41 =	vld [tilespmem:s12+$0x4820];
	v5 =	vadd.f32 v42, v5;
	v19 =	vmul.f32 v32, v32;
	v34 =	vmul.f32 v60, v60  }
0x3c6: {  	v29 =	vld [tilespmem:s12+$0xCC00];
	v37 =	vmul.f32 v24, v62;
	v6 =	vadd.f32 v11, v9;
	v9 =	vadd.f32 v61, v51  }
0x3c7: {  	v55 =	vld [tilespmem:s12+$0xC850];
	[tilespmem:v3+s15+$0x10430 ss:$0x1] =	vst.idx.msk $0xffff, v8;
	v11 =	vadd.f32 v27, v58;
	v10 =	vadd.f32 v15, v26  }
0x3c8: {  	v36 =	vld [tilespmem:s12+$0x4C20];
	v12 =	vadd.f32 v20, v12;
	v61 =	vmul.f32 v45, v45;
	v26 =	vmul.f32 v49, v49  }
0x3c9: {  	v38 =	vld [tilespmem:s12+$0xCC20];
	v30 =	vmul.f32 v53, v53;
	v7 =	vadd.f32 v46, v7;
	v5 =	vadd.f32 v50, v5  }
0x3ca: {  	v33 =	vld [tilespmem:s12+$0xCC10];
	v54 =	vmul.f32 v43, v41;
	v9 =	vadd.f32 v31, v9;
	v11 =	vadd.f32 v35, v11  }
0x3cb: {  	v51 =	vld [tilespmem:s12+$0xC840];
	v57 =	vmul.f32 v41, v41;
	v10 =	vadd.f32 v40, v10;
	v12 =	vadd.f32 v16, v12  }
0x3cc: {  	v58 =	vld [tilespmem:s12+$0x4860];
	v16 =	vmul.f32 v47, v47;
	v43 =	vmul.f32 v29, v29;
	[tilespmem:v3+s15+$0x12430 ss:$0x1] =	vst.idx.msk $0xffff, v6  }
0x3cd: {  	v27 =	vld [tilespmem:s12+$0x4C00];
	v7 =	vadd.f32 v54, v7;
	v5 =	vadd.f32 v59, v5;
	v28 =	vmul.f32 v55, v53  }
0x3ce: {  	v45 =	vld [tilespmem:s12+$0x4C40];
	v50 =	vmul.f32 v38, v36;
	v53 =	vmul.f32 v36, v36;
	v9 =	vadd.f32 v39, v9  }
0x3cf: {  	v42 =	vld [tilespmem:s12+$0xCC30];
	v12 =	vadd.f32 v18, v12;
	v18 =	vmul.f32 v55, v55;
	v39 =	vmul.f32 v62, v62  }
0x3d0: {  	v31 =	vld [tilespmem:s12+$0x4C10];
	v11 =	vadd.f32 v44, v11;
	v63 =	vmul.f32 v51, v49;
	v25 =	vmul.f32 v51, v51  }
0x3d1: {  	v40 =	vld [tilespmem:s12+$0x4C30];
	v10 =	vadd.f32 v19, v10;
	v32 =	vmul.f32 v60, v58;
	v35 =	vmul.f32 v58, v58  }
0x3d2: {  	v47 =	vld [tilespmem:s12+$0xCC40];
	v5 =	vadd.f32 v28, v5;
	v41 =	vmul.f32 v29, v27;
	v44 =	vmul.f32 v27, v27  }
0x3d3: {  	v54 =	vld [tilespmem:s12+$0x4C60];
	v62 =	vmul.f32 v45, v45;
	v9 =	vadd.f32 v48, v9;
	v11 =	vadd.f32 v52, v11  }
0x3d4: {  	v49 =	vld [tilespmem:s12+$0x4C50];
	v10 =	vadd.f32 v57, v10;
	v12 =	vadd.f32 v16, v12;
	v16 =	vmul.f32 v24, v24  }
0x3d5: {  	v51 =	vld [tilespmem:s12+$0xCC50];
	v52 =	vmul.f32 v38, v38;
	v7 =	vadd.f32 v63, v7;
	v46 =	vmul.f32 v33, v31  }
0x3d6: {  	v58 =	vld [tilespmem:s12+$0x4C70];
	v5 =	vadd.f32 v37, v5;
	v48 =	vmul.f32 v31, v31;
	v55 =	vmul.f32 v42, v40  }
0x3d7: {  	v60 =	vld [tilespmem:s12+$0xCC70];
	v57 =	vmul.f32 v40, v40;
	v9 =	vadd.f32 v56, v9;
	v11 =	vadd.f32 v61, v11  }
0x3d8: {  	v27 =	vld [tilespmem:s12+$0x5010];
	v59 =	vmul.f32 v47, v45;
	v10 =	vadd.f32 v26, v10;
	v12 =	vadd.f32 v18, v12  }
0x3d9: {  	v29 =	vld [tilespmem:s12+$0xD010];
	v18 =	vmul.f32 v33, v33;
	v61 =	vmul.f32 v47, v47;
	v7 =	vadd.f32 v32, v7  }
0x3da: {  	v36 =	vld [tilespmem:s12+$0x5030];
	v31 =	vmul.f32 v54, v54;
	v5 =	vadd.f32 v46, v5;
	v9 =	vadd.f32 v25, v9  }
0x3db: {  	v63 =	vld [tilespmem:s12+$0x5000];
	v11 =	vadd.f32 v30, v11;
	v12 =	vadd.f32 v16, v12;
	v16 =	vmul.f32 v42, v42  }
0x3dc: {  	v38 =	vld [tilespmem:s12+$0xD030];
	v10 =	vadd.f32 v35, v10;
	v24 =	vmul.f32 v51, v49;
	v26 =	vmul.f32 v49, v49  }
0x3dd: {  	v56 =	vld [tilespmem:s12+$0xCC60];
	v33 =	vmul.f32 v60, v58;
	v35 =	vmul.f32 v58, v58;
	v7 =	vadd.f32 v41, v7  }
0x3de: {  	v45 =	vld [tilespmem:s12+$0x5050];
	v42 =	vmul.f32 v29, v27;
	v5 =	vadd.f32 v55, v5;
	v9 =	vadd.f32 v34, v9  }
0x3df: {  	v32 =	vld [tilespmem:s12+$0x5020];
	v11 =	vadd.f32 v39, v11;
	v12 =	vadd.f32 v18, v12;
	v18 =	vmul.f32 v51, v51  }
0x3e0: {  	v47 =	vld [tilespmem:s12+$0xD050];
	v10 =	vadd.f32 v44, v10;
	v40 =	vmul.f32 v63, v63;
	v44 =	vmul.f32 v27, v27  }
0x3e1: {  	v25 =	vld [tilespmem:s12+$0xD000];
	v51 =	vmul.f32 v38, v36;
	v7 =	vadd.f32 v50, v7;
	v5 =	vadd.f32 v24, v5  }
0x3e2: {  	v41 =	vld [tilespmem:s12+$0x5040];
	v28 =	vmul.f32 v56, v54;
	v30 =	vmul.f32 v56, v56;
	v9 =	vadd.f32 v43, v9  }
0x3e3: {  	v34 =	vld [tilespmem:s12+$0xD020];
	v11 =	vadd.f32 v48, v11;
	v12 =	vadd.f32 v16, v12;
	v16 =	vmul.f32 v60, v60  }
0x3e4: {  	v50 =	vld [tilespmem:s12+$0x5060];
	v10 =	vadd.f32 v53, v10;
	v49 =	vmul.f32 v32, v32;
	v53 =	vmul.f32 v36, v36  }
0x3e5: {  	v54 =	vld [tilespmem:s12+$0x5070];
	v60 =	vmul.f32 v47, v45;
	v7 =	vadd.f32 v59, v7;
	v5 =	vadd.f32 v33, v5  }
0x3e6: {  	v56 =	vld [tilespmem:s12+$0xD070];
	v37 =	vmul.f32 v25, v63;
	v39 =	vmul.f32 v25, v25;
	v9 =	vadd.f32 v52, v9  }
0x3e7: {  	v43 =	vld [tilespmem:s12+$0xD040];
	v11 =	vadd.f32 v57, v11;
	v12 =	vadd.f32 v18, v12;
	v18 =	vmul.f32 v29, v29  }
0x3e8: {  	v59 =	vld [tilespmem:s12+$0x4480];
	v10 =	vadd.f32 v62, v10;
	v58 =	vmul.f32 v41, v41;
	v62 =	vmul.f32 v45, v45  }
0x3e9: {  	v63 =	vld [tilespmem:s12+$0x4490];
	v7 =	vadd.f32 v28, v7;
	v5 =	vadd.f32 v42, v5;
	v46 =	vmul.f32 v34, v32  }
0x3ea: {  	v25 =	vld [tilespmem:s12+$0xC490];
	v48 =	vmul.f32 v34, v34;
	v9 =	vadd.f32 v61, v9;
	v11 =	vadd.f32 v26, v11  }
0x3eb: {  	v33 =	vld [tilespmem:s12+$0xC4B0];
	v12 =	vadd.f32 v16, v12;
	v16 =	vmul.f32 v38, v38;
	v27 =	vmul.f32 v56, v54  }
0x3ec: {  	v52 =	vld [tilespmem:s12+$0xD060];
	v10 =	vadd.f32 v31, v10;
	v29 =	vmul.f32 v50, v50;
	v31 =	vmul.f32 v54, v54  }
0x3ed: {  	v45 =	vld [tilespmem:s12+$0xC4D0];
	v7 =	vadd.f32 v37, v7;
	v5 =	vadd.f32 v51, v5;
	v55 =	vmul.f32 v43, v41  }
0x3ee: {  	v28 =	vld [tilespmem:s12+$0x44A0];
	v57 =	vmul.f32 v43, v43;
	v9 =	vadd.f32 v30, v9;
	v11 =	vadd.f32 v35, v11  }
0x3ef: {  	v32 =	vld [tilespmem:s12+$0x44B0];
	v12 =	vadd.f32 v18, v12;
	v18 =	vmul.f32 v47, v47;
	v37 =	vmul.f32 v59, v59  }
0x3f0: {  	v61 =	vld [tilespmem:s12+$0xC480];
	v10 =	vadd.f32 v40, v10;
	v40 =	vmul.f32 v25, v25;
	v43 =	vmul.f32 v63, v63  }
0x3f1: {  	v38 =	vld [tilespmem:s12+$0xC4C0];
	v14 =	vmul.f32 v33, v33;
	v7 =	vadd.f32 v46, v7;
	v24 =	vmul.f32 v52, v50  }
0x3f2: {  	v41 =	vld [tilespmem:s12+$0x44D0];
	v5 =	vadd.f32 v60, v5;
	v26 =	vmul.f32 v52, v52;
	v20 =	vmul.f32 v45, v45  }
0x3f3: {  	v30 =	vld [tilespmem:s12+$0xC4A0];
	v9 =	vadd.f32 v39, v9;
	v12 =	vadd.f32 v16, v12;
	v16 =	vmul.f32 v56, v56  }
0x3f4: {  	v35 =	vld [tilespmem:s12+$0x44C0];
	v11 =	vadd.f32 v44, v11;
	v39 =	vmul.f32 v25, v63;
	v47 =	vmul.f32 v28, v28  }
0x3f5: {  	v50 =	vld [tilespmem:s12+$0xC4E0];
	v10 =	vadd.f32 v49, v10;
	v49 =	vmul.f32 v33, v32;
	v52 =	vmul.f32 v32, v32  }
0x3f6: {  	v63 =	vld [tilespmem:s12+$0xC890];
	v7 =	vadd.f32 v55, v7;
	v5 =	vadd.f32 v27, v5;
	v34 =	vmul.f32 v61, v59  }
0x3f7: {  	v32 =	vld [tilespmem:s12+$0xC8B0];
	v36 =	vmul.f32 v61, v61;
	v9 =	vadd.f32 v48, v9;
	v11 =	vadd.f32 v53, v11  }
0x3f8: {  	v55 =	vld [tilespmem:s12+$0xC4F0];
	v56 =	vmul.f32 v38, v38;
	v10 =	vadd.f32 v58, v10;
	v12 =	vadd.f32 v18, v12  }
0x3f9: {  	[tilespmem:v3+s15+$0x14430 ss:$0x1] =	vst.idx.msk $0xffff, v4;
	v59 =	vld [tilespmem:s12+$0xC880];
	v4 =	vadd.f32 $0.0e+00, v39;
	v51 =	vadd.f32 v47, v37;
	v58 =	vmul.f32 v45, v41  }
0x3fa: {  	v61 =	vld [tilespmem:s12+$0x4890];
	v60 =	vmul.f32 v41, v41;
	v7 =	vadd.f32 v24, v7;
	v42 =	vadd.f32 $0.0e+00, v34  }
0x3fb: {  	v48 =	vld [tilespmem:s12+$0x44E0];
	v44 =	vmul.f32 v30, v28;
	v46 =	vmul.f32 v30, v30;
	v9 =	vadd.f32 v57, v9  }
0x3fc: {  	v53 =	vld [tilespmem:s12+$0x44F0];
	v54 =	vmul.f32 v38, v35;
	v11 =	vadd.f32 v62, v11;
	v10 =	vadd.f32 v29, v10  }
0x3fd: {  	v45 =	vld [tilespmem:s12+$0xC8E0];
	v12 =	vadd.f32 v16, v12;
	v4 =	vadd.f32 v49, v4;
	v16 =	vmul.f32 v35, v35  }
0x3fe: {  	v28 =	vld [tilespmem:s12+$0xC8A0];
	v24 =	vmul.f32 v50, v50;
	v8 =	vadd.f32 v5, v7;
	v6 =	vadd.f32 v44, v42  }
0x3ff: {  	v30 =	vld [tilespmem:s12+$0x48B0];
	v18 =	vmul.f32 v63, v63;
	v9 =	vadd.f32 v26, v9;
	v15 =	vmul.f32 v55, v55  }
0x400: {  	v34 =	vld [tilespmem:s12+$0x48C0];
	v11 =	vadd.f32 v31, v11;
	v33 =	vmul.f32 v59, v59;
	v35 =	vmul.f32 v63, v61  }
0x401: {  	v38 =	vld [tilespmem:s12+$0x48D0];
	v4 =	vadd.f32 v58, v4;
	v37 =	vmul.f32 v61, v61;
	v62 =	vmul.f32 v50, v48  }
0x402: {  	v57 =	vld [tilespmem:s12+$0x4880];
	v6 =	vadd.f32 v54, v6;
	v25 =	vmul.f32 v48, v48;
	v27 =	vmul.f32 v55, v53  }
0x403: {  	v47 =	vld [tilespmem:s12+$0x48F0];
	v29 =	vmul.f32 v53, v53;
	v7 =	vadd.f32 v12, v9;
	v5 =	vadd.f32 v11, v10  }
0x404: {  	v49 =	vld [tilespmem:s12+$0xC8F0];
	[tilespmem:v3+s15+$0x10440 ss:$0x1] =	vst.idx.msk $0xffff, v8;
	v9 =	vadd.f32 v46, v36;
	v11 =	vadd.f32 v14, v40  }
0x405: {  	v26 =	vld [tilespmem:s12+$0x48A0];
	v12 =	vadd.f32 v52, v43;
	v41 =	vmul.f32 v28, v28;
	v44 =	vmul.f32 v32, v30  }
0x406: {  	v61 =	vld [tilespmem:s12+$0x4CA0];
	v10 =	vadd.f32 v16, v51;
	v46 =	vmul.f32 v30, v30;
	v51 =	vmul.f32 v34, v34  }
0x407: {  	v63 =	vld [tilespmem:s12+$0xCCA0];
	v55 =	vmul.f32 v38, v38;
	v6 =	vadd.f32 v62, v6;
	v31 =	vmul.f32 v59, v57  }
0x408: {  	v54 =	vld [tilespmem:s12+$0xCC80];
	v4 =	vadd.f32 v27, v4;
	v19 =	vmul.f32 v57, v57;
	v59 =	vmul.f32 v45, v45  }
0x409: {  	v36 =	vld [tilespmem:s12+$0xC8C0];
	v62 =	vmul.f32 v49, v47;
	v9 =	vadd.f32 v56, v9;
	v11 =	vadd.f32 v20, v11  }
0x40a: {  	v40 =	vld [tilespmem:s12+$0xC8D0];
	v12 =	vadd.f32 v60, v12;
	v10 =	vadd.f32 v25, v10;
	[tilespmem:v3+s15+$0x12440 ss:$0x1] =	vst.idx.msk $0xffff, v7  }
0x40b: {  	v43 =	vld [tilespmem:s12+$0x48E0];
	v6 =	vadd.f32 v31, v6;
	v4 =	vadd.f32 v35, v4;
	v39 =	vmul.f32 v28, v26  }
0x40c: {  	v52 =	vld [tilespmem:s12+$0x4C80];
	v42 =	vmul.f32 v26, v26;
	v35 =	vmul.f32 v63, v61;
	v9 =	vadd.f32 v24, v9  }
0x40d: {  	v58 =	vld [tilespmem:s12+$0xCC90];
	v11 =	vadd.f32 v15, v11;
	v15 =	vmul.f32 v32, v32;
	v24 =	vmul.f32 v47, v47  }
0x40e: {  	v30 =	vld [tilespmem:s12+$0x4CC0];
	v12 =	vadd.f32 v29, v12;
	v28 =	vmul.f32 v54, v54;
	v48 =	vmul.f32 v36, v34  }
0x40f: {  	v27 =	vld [tilespmem:s12+$0xCCB0];
	v10 =	vadd.f32 v19, v10;
	v50 =	vmul.f32 v36, v36;
	v53 =	vmul.f32 v40, v38  }
0x410: {  	v56 =	vld [tilespmem:s12+$0x4C90];
	v6 =	vadd.f32 v39, v6;
	v57 =	vmul.f32 v45, v43;
	v60 =	vmul.f32 v43, v43  }
0x411: {  	v25 =	vld [tilespmem:s12+$0x4CB0];
	v4 =	vadd.f32 v44, v4;
	v26 =	vmul.f32 v54, v52;
	v29 =	vmul.f32 v52, v52  }
0x412: {  	v32 =	vld [tilespmem:s12+$0xCCC0];
	v38 =	vmul.f32 v61, v61;
	v9 =	vadd.f32 v33, v9;
	v11 =	vadd.f32 v18, v11  }
0x413: {  	v34 =	vld [tilespmem:s12+$0x4CD0];
	v47 =	vmul.f32 v30, v30;
	v12 =	vadd.f32 v37, v12;
	v10 =	vadd.f32 v42, v10  }
0x414: {  	v36 =	vld [tilespmem:s12+$0xCCD0];
	v18 =	vmul.f32 v40, v40;
	v37 =	vmul.f32 v63, v63;
	v6 =	vadd.f32 v48, v6  }
0x415: {  	v39 =	vld [tilespmem:s12+$0x4CE0];
	v4 =	vadd.f32 v53, v4;
	v31 =	vmul.f32 v58, v56;
	v33 =	vmul.f32 v56, v56  }
0x416: {  	v43 =	vld [tilespmem:s12+$0x4CF0];
	v40 =	vmul.f32 v27, v25;
	v9 =	vadd.f32 v41, v9;
	v11 =	vadd.f32 v15, v11  }
0x417: {  	v45 =	vld [tilespmem:s12+$0xCCF0];
	v42 =	vmul.f32 v25, v25;
	v12 =	vadd.f32 v46, v12;
	v10 =	vadd.f32 v51, v10  }
0x418: {  	v52 =	vld [tilespmem:s12+$0x5090];
	v15 =	vmul.f32 v49, v49;
	v6 =	vadd.f32 v57, v6;
	v4 =	vadd.f32 v62, v4  }
0x419: {  	v54 =	vld [tilespmem:s12+$0xD090];
	v44 =	vmul.f32 v32, v30;
	v46 =	vmul.f32 v32, v32;
	v9 =	vadd.f32 v50, v9  }
0x41a: {  	v48 =	vld [tilespmem:s12+$0x5080];
	v11 =	vadd.f32 v18, v11;
	v12 =	vadd.f32 v55, v12;
	v18 =	vmul.f32 v58, v58  }
0x41b: {  	v61 =	vld [tilespmem:s12+$0x50B0];
	v10 =	vadd.f32 v60, v10;
	v49 =	vmul.f32 v36, v34;
	v51 =	vmul.f32 v34, v34  }
0x41c: {  	v41 =	vld [tilespmem:s12+$0xCCE0];
	v56 =	vmul.f32 v39, v39;
	v58 =	vmul.f32 v45, v43;
	v6 =	vadd.f32 v26, v6  }
0x41d: {  	v63 =	vld [tilespmem:s12+$0xD0B0];
	v60 =	vmul.f32 v43, v43;
	v4 =	vadd.f32 v31, v4;
	v9 =	vadd.f32 v59, v9  }
0x41e: {  	v57 =	vld [tilespmem:s12+$0x50A0];
	v11 =	vadd.f32 v15, v11;
	v12 =	vadd.f32 v24, v12;
	v15 =	vmul.f32 v27, v27  }
0x41f: {  	v30 =	vld [tilespmem:s12+$0x50D0];
	v10 =	vadd.f32 v29, v10;
	v25 =	vmul.f32 v48, v48;
	v27 =	vmul.f32 v54, v52  }
0x420: {  	v50 =	vld [tilespmem:s12+$0xD080];
	v29 =	vmul.f32 v52, v52;
	v6 =	vadd.f32 v35, v6;
	v4 =	vadd.f32 v40, v4  }
0x421: {  	v32 =	vld [tilespmem:s12+$0xD0D0];
	v53 =	vmul.f32 v41, v39;
	v55 =	vmul.f32 v41, v41;
	v9 =	vadd.f32 v28, v9  }
0x422: {  	v26 =	vld [tilespmem:s12+$0x50C0];
	v11 =	vadd.f32 v18, v11;
	v12 =	vadd.f32 v33, v12;
	v18 =	vmul.f32 v36, v36  }
0x423: {  	v59 =	vld [tilespmem:s12+$0xD0A0];
	v10 =	vadd.f32 v38, v10;
	v34 =	vmul.f32 v57, v57;
	v36 =	vmul.f32 v63, v61  }
0x424: {  	v35 =	vld [tilespmem:s12+$0x50E0];
	v38 =	vmul.f32 v61, v61;
	v6 =	vadd.f32 v44, v6;
	v4 =	vadd.f32 v49, v4  }
0x425: {  	v39 =	vld [tilespmem:s12+$0x50F0];
	v62 =	vmul.f32 v50, v48;
	v24 =	vmul.f32 v50, v50;
	v9 =	vadd.f32 v37, v9  }
0x426: {  	v41 =	vld [tilespmem:s12+$0xD0F0];
	v11 =	vadd.f32 v15, v11;
	v12 =	vadd.f32 v42, v12;
	v15 =	vmul.f32 v45, v45  }
0x427: {  	v28 =	vld [tilespmem:s12+$0xD0C0];
	v10 =	vadd.f32 v47, v10;
	v43 =	vmul.f32 v26, v26;
	v45 =	vmul.f32 v32, v30  }
0x428: {  	v44 =	vld [tilespmem:s12+$0x4500];
	v47 =	vmul.f32 v30, v30;
	v6 =	vadd.f32 v53, v6;
	v4 =	vadd.f32 v58, v4  }
0x429: {  	v48 =	vld [tilespmem:s12+$0x4510];
	v31 =	vmul.f32 v59, v57;
	v33 =	vmul.f32 v59, v59;
	v9 =	vadd.f32 v46, v9  }
0x42a: {  	v50 =	vld [tilespmem:s12+$0xC510];
	v11 =	vadd.f32 v18, v11;
	v12 =	vadd.f32 v51, v12;
	v18 =	vmul.f32 v54, v54  }
0x42b: {  	v37 =	vld [tilespmem:s12+$0xD0E0];
	v10 =	vadd.f32 v56, v10;
	v52 =	vmul.f32 v41, v39;
	v54 =	vmul.f32 v35, v35  }
0x42c: {  	v30 =	vld [tilespmem:s12+$0xC550];
	v56 =	vmul.f32 v39, v39;
	v6 =	vadd.f32 v62, v6;
	v4 =	vadd.f32 v27, v4  }
0x42d: {  	v53 =	vld [tilespmem:s12+$0x4520];
	v40 =	vmul.f32 v28, v26;
	v42 =	vmul.f32 v28, v28;
	v9 =	vadd.f32 v55, v9  }
0x42e: {  	v57 =	vld [tilespmem:s12+$0x4530];
	v11 =	vadd.f32 v15, v11;
	v12 =	vadd.f32 v60, v12;
	v15 =	vmul.f32 v63, v63  }
0x42f: {  	v58 =	vld [tilespmem:s12+$0xC530];
	v10 =	vadd.f32 v25, v10;
	v62 =	vmul.f32 v44, v44;
	v25 =	vmul.f32 v50, v50  }
0x430: {  	v46 =	vld [tilespmem:s12+$0xC500];
	v28 =	vmul.f32 v48, v48;
	v6 =	vadd.f32 v31, v6;
	v49 =	vmul.f32 v37, v35  }
0x431: {  	v26 =	vld [tilespmem:s12+$0x4550];
	v4 =	vadd.f32 v36, v4;
	v51 =	vmul.f32 v37, v37;
	v20 =	vmul.f32 v30, v30  }
0x432: {  	v55 =	vld [tilespmem:s12+$0xC520];
	v9 =	vadd.f32 v24, v9;
	v11 =	vadd.f32 v18, v11;
	v18 =	vmul.f32 v32, v32  }
0x433: {  	v60 =	vld [tilespmem:s12+$0x4540];
	v12 =	vadd.f32 v29, v12;
	v24 =	vmul.f32 v50, v48;
	v32 =	vmul.f32 v53, v53  }
0x434: {  	v63 =	vld [tilespmem:s12+$0xC540];
	v10 =	vadd.f32 v34, v10;
	v34 =	vmul.f32 v58, v57;
	v14 =	vmul.f32 v58, v58  }
0x435: {  	v35 =	vld [tilespmem:s12+$0xC560];
	v37 =	vmul.f32 v57, v57;
	v6 =	vadd.f32 v40, v6;
	v4 =	vadd.f32 v45, v4  }
0x436: {  	v48 =	vld [tilespmem:s12+$0xC910];
	v59 =	vmul.f32 v46, v44;
	v9 =	vadd.f32 v33, v9;
	v11 =	vadd.f32 v15, v11  }
0x437: {  	v57 =	vld [tilespmem:s12+$0xC930];
	v61 =	vmul.f32 v46, v46;
	v12 =	vadd.f32 v38, v12;
	v10 =	vadd.f32 v43, v10  }
0x438: {  	[tilespmem:v3+s15+$0x14440 ss:$0x1] =	vst.idx.msk $0xffff, v5;
	v40 =	vld [tilespmem:s12+$0xC570];
	v15 =	vmul.f32 v41, v41;
	v5 =	vadd.f32 $0.0e+00, v24;
	v36 =	vadd.f32 v32, v62  }
0x439: {  	v44 =	vld [tilespmem:s12+$0xC900];
	v43 =	vmul.f32 v30, v26;
	v45 =	vmul.f32 v26, v26;
	v6 =	vadd.f32 v49, v6  }
0x43a: {  	v46 =	vld [tilespmem:s12+$0x4910];
	v4 =	vadd.f32 v52, v4;
	v27 =	vadd.f32 $0.0e+00, v59;
	v29 =	vmul.f32 v55, v53  }
0x43b: {  	v33 =	vld [tilespmem:s12+$0x4560];
	v31 =	vmul.f32 v55, v55;
	v39 =	vmul.f32 v63, v60;
	v9 =	vadd.f32 v42, v9  }
0x43c: {  	v38 =	vld [tilespmem:s12+$0x4570];
	v41 =	vmul.f32 v63, v63;
	v11 =	vadd.f32 v18, v11;
	v12 =	vadd.f32 v47, v12  }
0x43d: {  	v30 =	vld [tilespmem:s12+$0xC960];
	v10 =	vadd.f32 v54, v10;
	v5 =	vadd.f32 v34, v5;
	v49 =	vmul.f32 v35, v35  }
0x43e: {  	v32 =	vld [tilespmem:s12+$0x4970];
	v8 =	vadd.f32 v4, v6;
	v7 =	vadd.f32 v29, v27;
	v18 =	vmul.f32 v48, v48  }
0x43f: {  	v53 =	vld [tilespmem:s12+$0xC920];
	v9 =	vadd.f32 v51, v9;
	v11 =	vadd.f32 v15, v11;
	v15 =	vmul.f32 v60, v60  }
0x440: {  	v55 =	vld [tilespmem:s12+$0x4930];
	v12 =	vadd.f32 v56, v12;
	v16 =	vmul.f32 v40, v40;
	v58 =	vmul.f32 v44, v44  }
0x441: {  	v59 =	vld [tilespmem:s12+$0x4940];
	v5 =	vadd.f32 v43, v5;
	v60 =	vmul.f32 v48, v46;
	v62 =	vmul.f32 v46, v46  }
0x442: {  	v63 =	vld [tilespmem:s12+$0x4950];
	v7 =	vadd.f32 v39, v7;
	v47 =	vmul.f32 v35, v33;
	v50 =	vmul.f32 v33, v33  }
0x443: {  	v42 =	vld [tilespmem:s12+$0x4900];
	v52 =	vmul.f32 v40, v38;
	v54 =	vmul.f32 v38, v38;
	v6 =	vadd.f32 v11, v9  }
0x444: {  	v34 =	vld [tilespmem:s12+$0xC970];
	[tilespmem:v3+s15+$0x10450 ss:$0x1] =	vst.idx.msk $0xffff, v8;
	v4 =	vadd.f32 v12, v10;
	v9 =	vadd.f32 v31, v61  }
0x445: {  	v51 =	vld [tilespmem:s12+$0x4920];
	v12 =	vadd.f32 v14, v25;
	v11 =	vadd.f32 v37, v28;
	v26 =	vmul.f32 v53, v53  }
0x446: {  	v46 =	vld [tilespmem:s12+$0x4D20];
	v10 =	vadd.f32 v15, v36;
	v29 =	vmul.f32 v57, v55;
	v31 =	vmul.f32 v55, v55  }
0x447: {  	v48 =	vld [tilespmem:s12+$0xCD20];
	v36 =	vmul.f32 v59, v59;
	v40 =	vmul.f32 v63, v63;
	v7 =	vadd.f32 v47, v7  }
0x448: {  	v39 =	vld [tilespmem:s12+$0xCD00];
	v5 =	vadd.f32 v52, v5;
	v56 =	vmul.f32 v44, v42;
	v19 =	vmul.f32 v42, v42  }
0x449: {  	v61 =	vld [tilespmem:s12+$0xC940];
	v44 =	vmul.f32 v30, v30;
	v9 =	vadd.f32 v41, v9;
	v12 =	vadd.f32 v20, v12  }
0x44a: {  	v25 =	vld [tilespmem:s12+$0xC950];
	v47 =	vmul.f32 v34, v32;
	v11 =	vadd.f32 v45, v11;
	v10 =	vadd.f32 v50, v10  }
0x44b: {  	v28 =	vld [tilespmem:s12+$0x4960];
	[tilespmem:v3+s15+$0x12450 ss:$0x1] =	vst.idx.msk $0xffff, v6;
	v7 =	vadd.f32 v56, v7;
	v24 =	vmul.f32 v53, v51  }
0x44c: {  	v37 =	vld [tilespmem:s12+$0x4D00];
	v5 =	vadd.f32 v60, v5;
	v27 =	vmul.f32 v51, v51;
	v60 =	vmul.f32 v48, v46  }
0x44d: {  	v43 =	vld [tilespmem:s12+$0xCD10];
	v9 =	vadd.f32 v49, v9;
	v12 =	vadd.f32 v16, v12;
	v16 =	vmul.f32 v57, v57  }
0x44e: {  	v55 =	vld [tilespmem:s12+$0x4D40];
	v11 =	vadd.f32 v54, v11;
	v49 =	vmul.f32 v32, v32;
	v53 =	vmul.f32 v39, v39  }
0x44f: {  	v52 =	vld [tilespmem:s12+$0xCD30];
	v10 =	vadd.f32 v19, v10;
	v33 =	vmul.f32 v61, v59;
	v35 =	vmul.f32 v61, v61  }
0x450: {  	v41 =	vld [tilespmem:s12+$0x4D10];
	v7 =	vadd.f32 v24, v7;
	v38 =	vmul.f32 v25, v63;
	v42 =	vmul.f32 v30, v28  }
0x451: {  	v50 =	vld [tilespmem:s12+$0x4D30];
	v5 =	vadd.f32 v29, v5;
	v45 =	vmul.f32 v28, v28;
	v51 =	vmul.f32 v39, v37  }
0x452: {  	v57 =	vld [tilespmem:s12+$0xCD40];
	v54 =	vmul.f32 v37, v37;
	v63 =	vmul.f32 v46, v46;
	v9 =	vadd.f32 v58, v9  }
0x453: {  	v59 =	vld [tilespmem:s12+$0x4D50];
	v32 =	vmul.f32 v55, v55;
	v12 =	vadd.f32 v18, v12;
	v11 =	vadd.f32 v62, v11  }
0x454: {  	v61 =	vld [tilespmem:s12+$0xCD50];
	v10 =	vadd.f32 v27, v10;
	v18 =	vmul.f32 v25, v25;
	v62 =	vmul.f32 v48, v48  }
0x455: {  	v24 =	vld [tilespmem:s12+$0x4D60];
	v7 =	vadd.f32 v33, v7;
	v5 =	vadd.f32 v38, v5;
	v56 =	vmul.f32 v43, v41  }
0x456: {  	v28 =	vld [tilespmem:s12+$0x4D70];
	v58 =	vmul.f32 v41, v41;
	v25 =	vmul.f32 v52, v50;
	v9 =	vadd.f32 v26, v9  }
0x457: {  	v30 =	vld [tilespmem:s12+$0xCD70];
	v27 =	vmul.f32 v50, v50;
	v12 =	vadd.f32 v16, v12;
	v11 =	vadd.f32 v31, v11  }
0x458: {  	v37 =	vld [tilespmem:s12+$0x5110];
	v10 =	vadd.f32 v36, v10;
	v16 =	vmul.f32 v34, v34;
	v7 =	vadd.f32 v42, v7  }
0x459: {  	v39 =	vld [tilespmem:s12+$0xD110];
	v5 =	vadd.f32 v47, v5;
	v29 =	vmul.f32 v57, v55;
	v9 =	vadd.f32 v35, v9  }
0x45a: {  	v33 =	vld [tilespmem:s12+$0x5100];
	v31 =	vmul.f32 v57, v57;
	v12 =	vadd.f32 v18, v12;
	v11 =	vadd.f32 v40, v11  }
0x45b: {  	v46 =	vld [tilespmem:s12+$0x5130];
	v10 =	vadd.f32 v45, v10;
	v18 =	vmul.f32 v43, v43;
	v34 =	vmul.f32 v61, v59  }
0x45c: {  	v26 =	vld [tilespmem:s12+$0xCD60];
	v36 =	vmul.f32 v59, v59;
	v41 =	vmul.f32 v24, v24;
	v7 =	vadd.f32 v51, v7  }
0x45d: {  	v48 =	vld [tilespmem:s12+$0xD130];
	v43 =	vmul.f32 v30, v28;
	v5 =	vadd.f32 v56, v5;
	v9 =	vadd.f32 v44, v9  }
0x45e: {  	v42 =	vld [tilespmem:s12+$0x5120];
	v45 =	vmul.f32 v28, v28;
	v12 =	vadd.f32 v16, v12;
	v11 =	vadd.f32 v49, v11  }
0x45f: {  	v55 =	vld [tilespmem:s12+$0x5150];
	v10 =	vadd.f32 v54, v10;
	v16 =	vmul.f32 v52, v52;
	v50 =	vmul.f32 v33, v33  }
0x460: {  	v35 =	vld [tilespmem:s12+$0xD100];
	v52 =	vmul.f32 v39, v37;
	v54 =	vmul.f32 v37, v37;
	v7 =	vadd.f32 v60, v7  }
0x461: {  	v57 =	vld [tilespmem:s12+$0xD150];
	v5 =	vadd.f32 v25, v5;
	v38 =	vmul.f32 v26, v24;
	v9 =	vadd.f32 v53, v9  }
0x462: {  	v51 =	vld [tilespmem:s12+$0x5140];
	v40 =	vmul.f32 v26, v26;
	v12 =	vadd.f32 v18, v12;
	v11 =	vadd.f32 v58, v11  }
0x463: {  	v44 =	vld [tilespmem:s12+$0xD120];
	v10 =	vadd.f32 v63, v10;
	v18 =	vmul.f32 v61, v61;
	v59 =	vmul.f32 v42, v42  }
0x464: {  	v60 =	vld [tilespmem:s12+$0x5160];
	v61 =	vmul.f32 v48, v46;
	v63 =	vmul.f32 v46, v46;
	v7 =	vadd.f32 v29, v7  }
0x465: {  	v24 =	vld [tilespmem:s12+$0x5170];
	v5 =	vadd.f32 v34, v5;
	v47 =	vmul.f32 v35, v33;
	v9 =	vadd.f32 v62, v9  }
0x466: {  	v26 =	vld [tilespmem:s12+$0xD170];
	v49 =	vmul.f32 v35, v35;
	v12 =	vadd.f32 v16, v12;
	v11 =	vadd.f32 v27, v11  }
0x467: {  	v53 =	vld [tilespmem:s12+$0xD140];
	v10 =	vadd.f32 v32, v10;
	v16 =	vmul.f32 v30, v30;
	v28 =	vmul.f32 v51, v51  }
0x468: {  	v29 =	vld [tilespmem:s12+$0x4580];
	v30 =	vmul.f32 v57, v55;
	v32 =	vmul.f32 v55, v55;
	v7 =	vadd.f32 v38, v7  }
0x469: {  	v33 =	vld [tilespmem:s12+$0x4590];
	v5 =	vadd.f32 v43, v5;
	v56 =	vmul.f32 v44, v42;
	v9 =	vadd.f32 v31, v9  }
0x46a: {  	v35 =	vld [tilespmem:s12+$0xC590];
	v58 =	vmul.f32 v44, v44;
	v12 =	vadd.f32 v18, v12;
	v11 =	vadd.f32 v36, v11  }
0x46b: {  	v62 =	vld [tilespmem:s12+$0xD160];
	v10 =	vadd.f32 v41, v10;
	v18 =	vmul.f32 v39, v39;
	v37 =	vmul.f32 v26, v24  }
0x46c: {  	v38 =	vld [tilespmem:s12+$0x45A0];
	v39 =	vmul.f32 v60, v60;
	v41 =	vmul.f32 v24, v24;
	v7 =	vadd.f32 v47, v7  }
0x46d: {  	v42 =	vld [tilespmem:s12+$0x45B0];
	v5 =	vadd.f32 v52, v5;
	v25 =	vmul.f32 v53, v51;
	v9 =	vadd.f32 v40, v9  }
0x46e: {  	v31 =	vld [tilespmem:s12+$0xC580];
	v27 =	vmul.f32 v53, v53;
	v12 =	vadd.f32 v16, v12;
	v11 =	vadd.f32 v45, v11  }
0x46f: {  	v24 =	vld [tilespmem:s12+$0xC5F0];
	v10 =	vadd.f32 v50, v10;
	v16 =	vmul.f32 v48, v48;
	v51 =	vmul.f32 v35, v33  }
0x470: {  	v47 =	vld [tilespmem:s12+$0x45C0];
	v7 =	vadd.f32 v56, v7;
	v5 =	vadd.f32 v61, v5;
	v34 =	vmul.f32 v62, v60  }
0x471: {  	v52 =	vld [tilespmem:s12+$0x45D0];
	v36 =	vmul.f32 v62, v62;
	v9 =	vadd.f32 v49, v9;
	v12 =	vadd.f32 v18, v12  }
0x472: {  	v40 =	vld [tilespmem:s12+$0xC5A0];
	v11 =	vadd.f32 v54, v11;
	v10 =	vadd.f32 v59, v10;
	v18 =	vmul.f32 v57, v57  }
0x473: {  	[tilespmem:v3+s15+$0x14450 ss:$0x1] =	vst.idx.msk $0xffff, v4;
	v45 =	vld [tilespmem:s12+$0xC5B0];
	v49 =	vmul.f32 v29, v29;
	v54 =	vmul.f32 v33, v33;
	v4 =	vadd.f32 $0.0e+00, v51  }
0x474: {  	v50 =	vld [tilespmem:s12+$0xC5C0];
	v62 =	vmul.f32 v42, v42;
	v7 =	vadd.f32 v25, v7;
	v5 =	vadd.f32 v30, v5  }
0x475: {  	v56 =	vld [tilespmem:s12+$0xC5D0];
	v46 =	vmul.f32 v31, v29;
	v48 =	vmul.f32 v31, v31;
	v9 =	vadd.f32 v58, v9  }
0x476: {  	v61 =	vld [tilespmem:s12+$0xC5E0];
	v12 =	vadd.f32 v16, v12;
	v11 =	vadd.f32 v63, v11;
	v16 =	vmul.f32 v26, v26  }
0x477: {  	v59 =	vld [tilespmem:s12+$0x45E0];
	v10 =	vadd.f32 v28, v10;
	v58 =	vmul.f32 v38, v38;
	v14 =	vmul.f32 v47, v47  }
0x478: {  	v30 =	vld [tilespmem:s12+$0x4990];
	v29 =	vmul.f32 v52, v52;
	v7 =	vadd.f32 v34, v7;
	v5 =	vadd.f32 v37, v5  }
0x479: {  	v63 =	vld [tilespmem:s12+$0x45F0];
	v53 =	vadd.f32 $0.0e+00, v46;
	v55 =	vmul.f32 v40, v38;
	v57 =	vmul.f32 v40, v40  }
0x47a: {  	v26 =	vld [tilespmem:s12+$0x4980];
	v60 =	vmul.f32 v45, v42;
	v21 =	vmul.f32 v50, v47;
	v9 =	vadd.f32 v27, v9  }
0x47b: {  	v28 =	vld [tilespmem:s12+$0xC980];
	v25 =	vmul.f32 v50, v50;
	v12 =	vadd.f32 v18, v12;
	v11 =	vadd.f32 v32, v11  }
0x47c: {  	v37 =	vld [tilespmem:s12+$0xC9A0];
	v43 =	vadd.f32 v39, v10;
	v18 =	vmul.f32 v35, v35;
	v10 =	vadd.f32 v58, v49  }
0x47d: {  	v47 =	vld [tilespmem:s12+$0x49D0];
	v27 =	vmul.f32 v56, v52;
	v20 =	vmul.f32 v56, v56;
	v5 =	vadd.f32 v5, v7  }
0x47e: {  	v32 =	vld [tilespmem:s12+$0xC990];
	v33 =	vmul.f32 v61, v61;
	v6 =	vadd.f32 v55, v53;
	v4 =	vadd.f32 v60, v4  }
0x47f: {  	v35 =	vld [tilespmem:s12+$0x49A0];
	v31 =	vmul.f32 v61, v59;
	v34 =	vmul.f32 v59, v59;
	v9 =	vadd.f32 v36, v9  }
0x480: {  	v39 =	vld [tilespmem:s12+$0x49B0];
	v44 =	vadd.f32 v16, v12;
	v11 =	vadd.f32 v41, v11;
	v12 =	vmul.f32 v45, v45  }
0x481: {  	v49 =	vld [tilespmem:s12+$0xC9D0];
	v10 =	vadd.f32 v14, v10;
	v46 =	vmul.f32 v30, v30;
	v36 =	vmul.f32 v24, v63  }
0x482: {  	v52 =	vld [tilespmem:s12+$0x49E0];
	v6 =	vadd.f32 v21, v6;
	v38 =	vmul.f32 v63, v63;
	v40 =	vmul.f32 v28, v26  }
0x483: {  	v56 =	vld [tilespmem:s12+$0x49F0];
	v4 =	vadd.f32 v27, v4;
	v42 =	vmul.f32 v28, v28;
	v16 =	vmul.f32 v26, v26  }
0x484: {  	v58 =	vld [tilespmem:s12+$0xC9F0];
	[tilespmem:v3+s15+$0x10460 ss:$0x1] =	vst.idx.msk $0xffff, v5;
	v7 =	vadd.f32 v44, v9;
	v8 =	vadd.f32 v11, v43  }
0x485: {  	v61 =	vld [tilespmem:s12+$0x4D80];
	v9 =	vadd.f32 v57, v48;
	v12 =	vadd.f32 v12, v18;
	v18 =	vmul.f32 v24, v24  }
0x486: {  	v41 =	vld [tilespmem:s12+$0xC9B0];
	v11 =	vadd.f32 v62, v54;
	v50 =	vmul.f32 v37, v37;
	v24 =	vmul.f32 v47, v47  }
0x487: {  	v45 =	vld [tilespmem:s12+$0xC9C0];
	v10 =	vadd.f32 v34, v10;
	v44 =	vmul.f32 v32, v30;
	v19 =	vmul.f32 v32, v32  }
0x488: {  	v63 =	vld [tilespmem:s12+$0xCD80];
	v6 =	vadd.f32 v31, v6;
	v48 =	vmul.f32 v37, v35;
	v51 =	vmul.f32 v35, v35  }
0x489: {  	v27 =	vld [tilespmem:s12+$0xCD90];
	v4 =	vadd.f32 v36, v4;
	v55 =	vmul.f32 v39, v39;
	v62 =	vmul.f32 v49, v47  }
0x48a: {  	v43 =	vld [tilespmem:s12+$0x49C0];
	v31 =	vmul.f32 v58, v56;
	v9 =	vadd.f32 v25, v9;
	v12 =	vadd.f32 v20, v12  }
0x48b: {  	v54 =	vld [tilespmem:s12+$0xC9E0];
	v11 =	vadd.f32 v29, v11;
	v10 =	vadd.f32 v16, v10;
	v16 =	vmul.f32 v49, v49  }
0x48c: {  	v34 =	vld [tilespmem:s12+$0x4DB0];
	v29 =	vmul.f32 v52, v52;
	v6 =	vadd.f32 v40, v6;
	v4 =	vadd.f32 v44, v4  }
0x48d: {  	v30 =	vld [tilespmem:s12+$0x4DA0];
	v53 =	vmul.f32 v41, v39;
	v59 =	vmul.f32 v45, v45;
	v9 =	vadd.f32 v33, v9  }
0x48e: {  	v32 =	vld [tilespmem:s12+$0xCDA0];
	v12 =	vadd.f32 v18, v12;
	v18 =	vmul.f32 v41, v41;
	v33 =	vmul.f32 v56, v56  }
0x48f: {  	v36 =	vld [tilespmem:s12+$0xCDB0];
	v11 =	vadd.f32 v38, v11;
	v35 =	vmul.f32 v63, v61;
	v37 =	vmul.f32 v63, v63  }
0x490: {  	v25 =	vld [tilespmem:s12+$0x4D90];
	v10 =	vadd.f32 v51, v10;
	v38 =	vmul.f32 v61, v61;
	v57 =	vmul.f32 v45, v43  }
0x491: {  	v39 =	vld [tilespmem:s12+$0x4DC0];
	v6 =	vadd.f32 v48, v6;
	v60 =	vmul.f32 v43, v43;
	v26 =	vmul.f32 v54, v52  }
0x492: {  	v41 =	vld [tilespmem:s12+$0xCDC0];
	v4 =	vadd.f32 v53, v4;
	v28 =	vmul.f32 v54, v54;
	v51 =	vmul.f32 v34, v34  }
0x493: {  	v43 =	vld [tilespmem:s12+$0x4DD0];
	v9 =	vadd.f32 v42, v9;
	v12 =	vadd.f32 v19, v12;
	v44 =	vmul.f32 v32, v30  }
0x494: {  	v45 =	vld [tilespmem:s12+$0xCDD0];
	v11 =	vadd.f32 v46, v11;
	v46 =	vmul.f32 v32, v32;
	v47 =	vmul.f32 v30, v30  }
0x495: {  	v48 =	vld [tilespmem:s12+$0x4DE0];
	v49 =	vmul.f32 v36, v34;
	v6 =	vadd.f32 v57, v6;
	v10 =	vadd.f32 v60, v10  }
0x496: {  	v52 =	vld [tilespmem:s12+$0x4DF0];
	v4 =	vadd.f32 v62, v4;
	v40 =	vmul.f32 v27, v25;
	v9 =	vadd.f32 v50, v9  }
0x497: {  	v54 =	vld [tilespmem:s12+$0xCDF0];
	v42 =	vmul.f32 v25, v25;
	v12 =	vadd.f32 v18, v12;
	v11 =	vadd.f32 v55, v11  }
0x498: {  	v61 =	vld [tilespmem:s12+$0x5190];
	v18 =	vmul.f32 v58, v58;
	v56 =	vmul.f32 v39, v39;
	v6 =	vadd.f32 v26, v6  }
0x499: {  	v63 =	vld [tilespmem:s12+$0xD190];
	v10 =	vadd.f32 v29, v10;
	v4 =	vadd.f32 v31, v4;
	v53 =	vmul.f32 v41, v39  }
0x49a: {  	v30 =	vld [tilespmem:s12+$0x51B0];
	v55 =	vmul.f32 v41, v41;
	v12 =	vadd.f32 v16, v12;
	v16 =	vmul.f32 v27, v27  }
0x49b: {  	v57 =	vld [tilespmem:s12+$0x5180];
	v9 =	vadd.f32 v59, v9;
	v58 =	vmul.f32 v45, v43;
	v60 =	vmul.f32 v43, v43  }
0x49c: {  	v50 =	vld [tilespmem:s12+$0xCDE0];
	v11 =	vadd.f32 v24, v11;
	v25 =	vmul.f32 v48, v48;
	v27 =	vmul.f32 v54, v52  }
0x49d: {  	v32 =	vld [tilespmem:s12+$0xD1B0];
	v29 =	vmul.f32 v52, v52;
	v6 =	vadd.f32 v35, v6;
	v10 =	vadd.f32 v38, v10  }
0x49e: {  	v26 =	vld [tilespmem:s12+$0x51A0];
	v4 =	vadd.f32 v40, v4;
	v38 =	vmul.f32 v61, v61;
	v9 =	vadd.f32 v28, v9  }
0x49f: {  	v39 =	vld [tilespmem:s12+$0x51D0];
	v12 =	vadd.f32 v18, v12;
	v11 =	vadd.f32 v33, v11;
	v18 =	vmul.f32 v36, v36  }
0x4a0: {  	v59 =	vld [tilespmem:s12+$0xD180];
	v34 =	vmul.f32 v57, v57;
	v36 =	vmul.f32 v63, v61;
	v6 =	vadd.f32 v44, v6  }
0x4a1: {  	v41 =	vld [tilespmem:s12+$0xD1D0];
	v10 =	vadd.f32 v47, v10;
	v4 =	vadd.f32 v49, v4;
	v62 =	vmul.f32 v50, v48  }
0x4a2: {  	v24 =	vmul.f32 v50, v50;
	v47 =	vmul.f32 v30, v30;
	v9 =	vadd.f32 v37, v9  }
0x4a3: {  	v35 =	vld [tilespmem:s12+$0x51C0];
	v12 =	vadd.f32 v16, v12;
	v11 =	vadd.f32 v42, v11;
	v16 =	vmul.f32 v45, v45  }
0x4a4: {  	v43 =	vmul.f32 v26, v26;
	v45 =	vmul.f32 v32, v30;
	v6 =	vadd.f32 v53, v6  }
0x4a5: {  	v28 =	vld [tilespmem:s12+$0xD1A0];
	v10 =	vadd.f32 v56, v10;
	v4 =	vadd.f32 v58, v4;
	v31 =	vmul.f32 v59, v57  }
0x4a6: {  	v33 =	vmul.f32 v59, v59;
	v53 =	vmul.f32 v41, v39;
	v9 =	vadd.f32 v46, v9  }
0x4a7: {  	v48 =	vld [tilespmem:s12+$0x51F0];
	v12 =	vadd.f32 v18, v12;
	v11 =	vadd.f32 v51, v11;
	v18 =	vmul.f32 v54, v54  }
0x4a8: {  	v50 =	vld [tilespmem:s12+$0xD1F0];
	v52 =	vmul.f32 v35, v35;
	v6 =	vadd.f32 v62, v6;
	v10 =	vadd.f32 v25, v10  }
0x4a9: {  	v44 =	vld [tilespmem:s12+$0x51E0];
	v54 =	vmul.f32 v39, v39;
	v4 =	vadd.f32 v27, v4;
	v9 =	vadd.f32 v55, v9  }
0x4aa: {  	v37 =	vld [tilespmem:s12+$0xD1C0];
	v40 =	vmul.f32 v28, v26;
	v12 =	vadd.f32 v16, v12;
	v11 =	vadd.f32 v60, v11  }
0x4ab: {  	v42 =	vmul.f32 v28, v28;
	v6 =	vadd.f32 v31, v6;
	v10 =	vadd.f32 v34, v10  }
0x4ac: {  	v16 =	vmul.f32 v63, v63;
	v4 =	vadd.f32 v36, v4;
	v9 =	vadd.f32 v24, v9  }
0x4ad: {  	v46 =	vld [tilespmem:s12+$0xD1E0];
	v57 =	vmul.f32 v50, v48;
	v12 =	vadd.f32 v18, v12;
	v11 =	vadd.f32 v29, v11  }
0x4ae: {  	v58 =	vmul.f32 v44, v44;
	v6 =	vadd.f32 v40, v6;
	v10 =	vadd.f32 v43, v10  }
0x4af: {  	v49 =	vmul.f32 v37, v35;
	v4 =	vadd.f32 v45, v4;
	v9 =	vadd.f32 v33, v9  }
0x4b0: {  	v51 =	vmul.f32 v37, v37;
	v12 =	vadd.f32 v16, v12;
	v11 =	vadd.f32 v38, v11  }
0x4b1: {  	v18 =	vmul.f32 v32, v32;
	v6 =	vadd.f32 v49, v6;
	v10 =	vadd.f32 v52, v10  }
0x4b2: {  	v55 =	vmul.f32 v46, v44;
	v4 =	vadd.f32 v53, v4;
	v9 =	vadd.f32 v42, v9  }
0x4b3: {  	v16 =	vmul.f32 v41, v41;
	v12 =	vadd.f32 v18, v12;
	v11 =	vadd.f32 v47, v11  }
0x4b4: {  	v59 =	vmul.f32 v50, v50;
	v6 =	vadd.f32 v55, v6;
	v4 =	vadd.f32 v57, v4  }
0x4b5: {  	v56 =	vmul.f32 v46, v46;
	v9 =	vadd.f32 v51, v9;
	v12 =	vadd.f32 v16, v12  }
0x4b6: {  	v60 =	vmul.f32 v48, v48;
	v5 =	vadd.f32 v58, v10;
	v11 =	vadd.f32 v54, v11  }
0x4b7: {  	p0 =	slt.u32 s14, $0x18;
	v9 =	vadd.f32 v56, v9;
	v61 =	vadd.f32 v59, v12  }
.Ltmp1:
0x4b8: {  	[tilespmem:v3+s15+$0x12460 ss:$0x1] =	vst.idx.msk $0xffff, v7;
	v4 =	vadd.f32 v4, v6;
	v62 =	vadd.f32 v60, v11;
	(pc) =	sbr.rel @p0 .LBB2_5-.Ltmp1, $4  }
0x4b9: {  	[tilespmem:v3+s15+$0x14460 ss:$0x1] =	vst.idx.msk $0xffff, v8;
	v63 =	vadd.f32 v61, v9  }
0x4ba: {  	[tilespmem:v3+s15+$0x10470 ss:$0x1] =	vst.idx.msk $0xffff, v4;
	v4 =	vadd.f32 v62, v5  }
0x4bb: {  	s12 =	sadd.s32 $0x8, s14;
	[tilespmem:v3+s15+$0x12470 ss:$0x1] =	vst.idx.msk $0xffff, v63  }
0x4bc: {  	s14 =	smov.u32 s12;
	[tilespmem:v3+s15+$0x14470 ss:$0x1] =	vst.idx.msk $0xffff, v4  }
0x4bd: {  	s7 =	smin.u32 s7, $0xC  }
0x4be: {  	s7 =	sshll.u32 s7, $0x5  }
0x4bf: {  	s12 =	sadd.s32 $0x60, s7  }
0x4c0: {  	s12 =	sadd.s32 s5, s12  }
0x4c1: {  	s12 =	sshll.u32 s12, $0x6  }
0x4c2: {  	s12 =	sadd.s32 s1, s12  }
0x4c3: {  	[tilespmem:s24], [sflag:$0x2] =	stream.linear.gather [hbm4b:s12+s4], $0x4000, $0x38;
	[tilespmem:$0x16200] =	vst v63  }
0x4c4: {  	v3 =	vld [tilespmem:s7+$0x60];
	_ =	sdelay $0x4  }
0x4c5: {  	v4 =	vshll.u32 v3, $0x2  }
0x4c6: {  	v3 =	vand.u32 $0x7, v3;
	v4 =	vand.u32 $0xFFFFFFE0, v4  }
0x4c7: {  	v3 =	vor.u32 v3, v4  }
0x4c8: {  	v4 =	vperm.xlane v3, v0;
	_ =	sdelay $0x1  }
0x4c9: {  	v4 =	vadd.s32 v1, v4;
	_ =	sdelay $0x1  }
0x4ca: {  	v3 =	vperm.xlane v3, v2;
	_ =	sdelay $0x1  }
0x4cb: {  	v3 =	vadd.s32 v1, v3  }
0x4cc: {  	[tilespmem:s25], [sflag:$0x4] =	stream.indirect_vreg.gather [hbm4b:s3+s4], $0x80, v4, vm0, $0xb8;
	[tilespmem:$0x16200] =	vst v63  }
0x4cd: {  	_ = 	snop  }
0x4ce: {  	[tilespmem:s26], [sflag:$0x4] =	stream.indirect_vreg.gather [hbm4b:s8+s4], $0x80, v4, vm0, $0xb8;
	[tilespmem:$0x16200] =	vst v63  }
0x4cf: {  	_ = 	snop  }
0x4d0: {  	[tilespmem:s28], [sflag:$0x4] =	stream.indirect_vreg.gather [hbm4b:s3+s4], $0x80, v3, vm0, $0xb8;
	[tilespmem:$0x16200] =	vst v63  }
0x4d1: {  	_ = 	snop  }
0x4d2: {  	[tilespmem:s29], [sflag:$0x4] =	stream.indirect_vreg.gather [hbm4b:s8+s4], $0x80, v3, vm0, $0xb8;
	[tilespmem:$0x16200] =	vst v63  }
0x4d3: {  	v3 =	vld [tilespmem:s7+$0x70];
	_ =	sdelay $0x4  }
0x4d4: {  	v63 =	vshll.u32 v3, $0x2  }
0x4d5: {  	v3 =	vand.u32 $0x7, v3;
	v4 =	vand.u32 $0xFFFFFFE0, v63  }
0x4d6: {  	v3 =	vor.u32 v3, v4  }
0x4d7: {  	v4 =	vperm.xlane v3, v0;
	_ =	sdelay $0x1  }
0x4d8: {  	v4 =	vadd.s32 v1, v4;
	_ =	sdelay $0x2  }
0x4d9: {  	v3 =	vperm.xlane v3, v2  }
0x4da: {  	s13 =	sadd.s32 $0x1, s13  }
0x4db: {  	v3 =	vadd.s32 v1, v3;
	[tilespmem:s30], [sflag:$0x4] =	stream.indirect_vreg.gather [hbm4b:s3+s4], $0x80, v4, vm0, $0xb8;
	[tilespmem:$0x16200] =	vst v63  }
0x4dc: {  	p0 =	sne.s32 s13, $0x8  }
0x4dd: {  	[tilespmem:s31], [sflag:$0x4] =	stream.indirect_vreg.gather [hbm4b:s8+s4], $0x80, v4, vm0, $0xb8;
	[tilespmem:$0x16200] =	vst v63  }
.Ltmp2:
0x4de: {  	_ = 	snop;
	(pc) =	sbr.rel @p0 .LBB2_2-.Ltmp2, $4  }
0x4df: {  	_ = 	snop  }
0x4e0: {  	[tilespmem:s2], [sflag:$0x4] =	stream.indirect_vreg.gather [hbm4b:s3+s4], $0x80, v3, vm0, $0xb8;
	[tilespmem:$0x16200] =	vst v63  }
0x4e1: {  	_ = 	snop  }
0x4e2: {  	[tilespmem:s0], [sflag:$0x4] =	stream.indirect_vreg.gather [hbm4b:s8+s4], $0x80, v3, vm0, $0xb8;
	[tilespmem:$0x16200] =	vst v63  }
0x4e3: {  	_ =	swait.ge [sflag:s6], $0x4000  }
0x4e4: {  	[sflag:s6] =	ssyncset.done $0x0  }
0x4e5: {  	[sflag:s6] =	ssyncadd.s32 $0xFFFFC000  }
0x4e6: {  	_ =	swait.ge [sflag:s9], $0x4000  }
0x4e7: {  	[sflag:s9] =	ssyncset.done $0x0  }
0x4e8: {  	[sflag:s9] =	ssyncadd.s32 $0xFFFFC000  }
0x4e9: {  	_ =	swait.ge [sflag:s10], $0x4000  }
0x4ea: {  	[sflag:s10] =	ssyncset.done $0x0  }
0x4eb: {  	[sflag:s10] =	ssyncadd.s32 $0xFFFFC000  }
0x4ec: {  	_ =	swait.ge [sflag:s11], $0x4000  }
0x4ed: {  	[sflag:s11] =	ssyncset.done $0x0  }
0x4ee: {  	s12 =	simm.s32 $0x10200;
	s7 =	rddreg [dreg:$0x8];
	[sflag:s11] =	ssyncadd.s32 $0xFFFFC000  }
0x4ef: {  	[hbm4b:s7+s4] =	stream.linear.scatter [tilespmem:s12], [sflag:$0x5], $0x2000, $0x38;
	[tilespmem:$0x16200] =	vst v63  }
0x4f0: {  	s12 =	simm.s32 $0x5  }
0x4f1: {  	_ =	swait.ge [sflag:s12], $0x2000  }
0x4f2: {  	[sflag:s12] =	ssyncset.done $0x0  }
0x4f3: {  	s13 =	simm.s32 $0x12200;
	s15 =	rddreg [dreg:$0x9];
	[sflag:s12] =	ssyncadd.s32 $0xFFFFE000  }
0x4f4: {  	[hbm4b:s15+s4] =	stream.linear.scatter [tilespmem:s13], [sflag:$0x5], $0x2000, $0x38;
	[tilespmem:$0x16200] =	vst v63  }
0x4f5: {  	_ =	swait.ge [sflag:s12], $0x2000  }
0x4f6: {  	[sflag:s12] =	ssyncset.done $0x0  }
0x4f7: {  	s15 =	simm.s32 $0x14200;
	s14 =	rddreg [dreg:$0xa];
	[sflag:s12] =	ssyncadd.s32 $0xFFFFE000  }
0x4f8: {  	[hbm4b:s14+s4] =	stream.linear.scatter [tilespmem:s15], [sflag:$0x5], $0x2000, $0x38;
	[tilespmem:$0x16200] =	vst v63  }
0x4f9: {  	_ =	swait.ge [sflag:s12], $0x2000  }
0x4fa: {  	s14 =	rddreg [dreg:$0xc]  }
0x4fb: {  	s15 =	rddreg [dreg:$0xb];
	s13 =	sadd.s32 $0x1, s14  }
0x4fc: {  	p0 =	sne.s32 s13, s15  }
.Ltmp3:
0x4fd: {  	_ = 	snop;
	(pc) =	sbr.rel @p0 .LBB2_1-.Ltmp3, $3  }
0x4fe: {  	_ =	sdelay $0x1  }
0x4ff: {  	[sflag:s12] =	ssyncset.done $0x0  }
0x500: {  	[sflag:s12] =	ssyncadd.s32 $0xFFFFE000  }
0x501: {  	_ =	sfence.sel $0x180000  }
0x502: {  	[bflag:$0x0] =	sbarrier.arrive $0xFFFF  }
0x503: {  	_ =	strace $0x90000047  }
0x504: {  	s0 =	stileid.u32;
	[bflag:$0x2] =	sbarrier.arrive $0xFFFF  }
0x505: {  	p0 =	sne.s32 s0, $0x0;
	s0 =	rddreg [dreg:$0x4]  }
0x506: {  	s0 =	sadd.s32 @!p0 $0x100000, s0  }
0x507: {  	[sflag:s0] =	ssyncadd.tile.s32 @!p0 $0x1;
	_ =	shalt  }
.Lfunc_end2:
_tile_overlayer_lowered:
.L_overlay_start_2:
0x508: {  	(tag) =	ssettag $0x2  }
0x509: {  	s0 =	rddreg [dreg:$0x0];
	s2 =	stileid.u32  }
0x50a: {  	s1 =	rddreg [dreg:$0x1];
	p0 =	sne.s32 s2, $0x0  }
0x50b: {  	s3 =	rddreg [dreg:$0x2];
	[bflag:$0x3] =	sbarrier.arrive $0xFFFF;
	s2 =	simm.s32 @!p0 $0x1C05  }
0x50c: {  	[timem:s3], [sflag:s2] =	dma.local @!p0 [hbm:s0], s1  }
0x50d: {  	s0 =	simm.s32 @!p0 $0x5  }
0x50e: {  	_ =	swait.ge @!p0 [sflag:s0], s1  }
0x50f: {  	s1 =	ssub.s32 @!p0 $0x0, s1;
	[sflag:s0] =	ssyncset.done @!p0 $0x0  }
0x510: {  	[sflag:s0] =	ssyncadd.s32 @!p0 s1  }
0x511: {  	[bflag:$0x3] =	sbarrier.arrive $0xFFFF  }
0x512: {  	_ =	shalt  }

</sc_bundles>
